<compile_context>
chip_gen: v7x
topology: tpu7x:2x2x1
jax: 0.10.2.dev20260603
libtpu: 0.0.44.dev20260713+nightly
codegen_flags: <defaults>
</compile_context>

<pallas_src>
import functools

import jax
import jax.numpy as jnp
from jax import lax
from jax.experimental import pallas as pl
from jax.experimental.pallas import tpu as pltpu
from jax.experimental.pallas import tpu_sc as plsc

H = 128
BOND = 64
N_NODES = 10000
E = 320000
L = 16
HA = H + L

NC = 2
NS = 16
E_PER_SC = E // NC
E_PER_TILE = E_PER_SC // NS
B = 80
NBLK = E_PER_TILE // B
RPT = N_NODES // NS

_mesh = plsc.VectorSubcoreMesh(core_axis_name="c", subcore_axis_name="s")


@functools.partial(
    pl.kernel,
    out_type=(jax.ShapeDtypeStruct((NC, N_NODES, H), jnp.float32),
              jax.ShapeDtypeStruct((NC, N_NODES, L), jnp.float32)),
    mesh=_mesh,
    compiler_params=pltpu.CompilerParams(use_tc_tiling_on_sc=False,
                                         needs_layout_passes=False),
    scratch_types=[
        pltpu.VMEM((2, 2, B), jnp.int32),
        pltpu.VMEM((2, B, H), jnp.float32),
        pltpu.VMEM((2, B), jnp.float32),
        pltpu.VMEM((B, H), jnp.float32),
        pltpu.VMEM((B, L), jnp.float32),
        pltpu.VMEM((2, B), jnp.int32),
        pltpu.VMEM_SHARED((N_NODES, H), jnp.float32),
        pltpu.VMEM_SHARED((N_NODES, L), jnp.float32),
        pltpu.SemaphoreType.DMA,
        pltpu.SemaphoreType.DMA,
        pltpu.SemaphoreType.DMA,
        pltpu.SemaphoreType.DMA,
        pltpu.SemaphoreType.DMA,
        pltpu.SemaphoreType.DMA,
        pltpu.SemaphoreType.DMA,
    ],
)
def _sc_edges(pa, pb, bw_mat, gate, eidx, out1, out2,
              idxrc, wbuf, gbuf, ubuf, gubuf, sidx, S1, S2,
              semi0, semi1, semw0, semw1, semg0, semg1, sems):
    cid = lax.axis_index("c")
    sid = lax.axis_index("s")
    semi = (semi0, semi1)
    semw = (semw0, semw1)
    semg = (semg0, semg1)

    zv = jnp.zeros((L,), jnp.float32)

    def _zrow(i, carry):
        for j in range(H // L):
            ubuf[i, pl.ds(j * L, L)] = zv
        gubuf[i, pl.ds(0, L)] = zv
        return carry

    lax.fori_loop(0, B, _zrow, 0)
    nfull = RPT // B
    tail = RPT - nfull * B
    for j in range(nfull):
        pltpu.sync_copy(ubuf, S1.at[pl.ds(sid * RPT + j * B, B)])
        pltpu.sync_copy(gubuf, S2.at[pl.ds(sid * RPT + j * B, B)])
    pltpu.sync_copy(ubuf.at[pl.ds(0, tail)],
                    S1.at[pl.ds(sid * RPT + nfull * B, tail)])
    pltpu.sync_copy(gubuf.at[pl.ds(0, tail)],
                    S2.at[pl.ds(sid * RPT + nfull * B, tail)])
    plsc.subcore_barrier()

    ebase = (cid * NS + sid) * E_PER_TILE

    def _issue_idx(blk, b):
        off = ebase + blk * B
        pltpu.async_copy(eidx.at[:, pl.ds(off, B)], idxrc.at[b], semi[b])

    def _wait_idx(b):
        pltpu.make_async_copy(eidx.at[:, pl.ds(0, B)], idxrc.at[b],
                              semi[b]).wait()

    def _issue_w(blk, b):
        off = ebase + blk * B
        pltpu.async_copy(bw_mat.at[pl.ds(off, B)], wbuf.at[b], semw[b])
        pltpu.async_copy(gate.at[pl.ds(off, B)], gbuf.at[b], semw[b])

    def _wait_w(b):
        pltpu.make_async_copy(bw_mat.at[pl.ds(0, B)], wbuf.at[b],
                              semw[b]).wait()
        pltpu.make_async_copy(gate.at[pl.ds(0, B)], gbuf.at[b], semw[b]).wait()

    def _issue_adds(b):
        pltpu.async_copy(pa.at[idxrc.at[b, 0]], wbuf.at[b], semg[b], add=True)
        pltpu.async_copy(pb.at[idxrc.at[b, 1]], wbuf.at[b], semg[b], add=True)

    def _wait_adds(b):
        pltpu.make_async_copy(pa.at[idxrc.at[b, 0]], wbuf.at[b],
                              semg[b]).wait()
        pltpu.make_async_copy(pb.at[idxrc.at[b, 1]], wbuf.at[b],
                              semg[b]).wait()

    def _issue_scat(b):
        pltpu.async_copy(ubuf, S1.at[sidx.at[b]], sems, add=True)
        pltpu.async_copy(gubuf, S2.at[sidx.at[b]], sems, add=True)

    def _wait_scat(b):
        pltpu.make_async_copy(ubuf, S1.at[sidx.at[b]], sems).wait()
        pltpu.make_async_copy(gubuf, S2.at[sidx.at[b]], sems).wait()

    def _snap_idx(b):
        for o in range(0, B - L + 1, L):
            sidx[b, pl.ds(o, L)] = idxrc[b, 0, pl.ds(o, L)]
        if B % L:
            sidx[b, pl.ds(B - L, L)] = idxrc[b, 0, pl.ds(B - L, L)]

    def _compute(b):
        def _edge(e, c2):
            gv = plsc.load_gather(gbuf.at[b],
                                  [lax.broadcast_in_dim(e, (L,), ())])
            for j in range(H // L):
                x = wbuf[b, e, pl.ds(j * L, L)]
                ubuf[e, pl.ds(j * L, L)] = jnp.maximum(x, 0.0) * gv
            gubuf[e, pl.ds(0, L)] = gv
            return c2

        lax.fori_loop(0, B, _edge, 0)

    def _half(j, b, wait_scat_prev, prefetch, adds_next):
        _wait_adds(b)
        _snap_idx(b)
        if prefetch:
            _issue_idx(j + 2, b)
        if adds_next:
            _wait_w(1 - b)
            _issue_adds(1 - b)
        if wait_scat_prev:
            _wait_scat(b)
        _compute(b)
        if prefetch:
            _wait_idx(b)
            _issue_w(j + 2, b)
        _issue_scat(b)

    _issue_idx(0, 0)
    _issue_idx(1, 1)
    _issue_w(0, 0)
    _issue_w(1, 1)
    _wait_idx(0)
    _wait_idx(1)
    _wait_w(0)
    _issue_adds(0)

    _half(0, 0, False, True, True)
    _half(1, 1, True, True, True)

    def _pair(k, carry):
        j = 2 * k
        _half(j, 0, True, True, True)
        _half(j + 1, 1, True, True, True)
        return carry

    lax.fori_loop(1, (NBLK - 3) // 2, _pair, 0)

    _half(NBLK - 3, 0, True, True, True)
    _half(NBLK - 2, 1, True, False, True)
    _half(NBLK - 1, 0, True, False, False)
    _wait_scat(0)

    plsc.subcore_barrier()
    pltpu.sync_copy(S1.at[pl.ds(sid * RPT, RPT)],
                    out1.at[cid, pl.ds(sid * RPT, RPT)])
    pltpu.sync_copy(S2.at[pl.ds(sid * RPT, RPT)],
                    out2.at[cid, pl.ds(sid * RPT, RPT)])


NB = 1000
EB = 3200


def _node_proj_body(h_ref, wa_ref, wb_ref, oa_ref, ob_ref):
    hh = h_ref[...]
    oa_ref[...] = jnp.dot(hh, wa_ref[...], preferred_element_type=jnp.float32)
    ob_ref[...] = jnp.dot(hh, wb_ref[...], preferred_element_type=jnp.float32)


def _node_proj(h, W1a, W1b):
    return pl.pallas_call(
        _node_proj_body,
        grid=(N_NODES // NB,),
        in_specs=[pl.BlockSpec((NB, H), lambda i: (i, 0)),
                  pl.BlockSpec((H, H), lambda i: (0, 0)),
                  pl.BlockSpec((H, H), lambda i: (0, 0))],
        out_specs=[pl.BlockSpec((NB, H), lambda i: (i, 0)),
                   pl.BlockSpec((NB, H), lambda i: (i, 0))],
        out_shape=[jax.ShapeDtypeStruct((N_NODES, H), jnp.float32),
                   jax.ShapeDtypeStruct((N_NODES, H), jnp.float32)],
    )(h, W1a, W1b)


def _edge_proj_body(bond_ref, w1c_ref, b1_ref, wa_ref, ba_ref, ow_ref, og_ref):
    bond = bond_ref[...]
    ow_ref[...] = (jnp.dot(bond, w1c_ref[...],
                           preferred_element_type=jnp.float32) + b1_ref[...])
    z = lax.dot_general(wa_ref[...], bond, (((1,), (1,)), ((), ())),
                        preferred_element_type=jnp.float32) + ba_ref[...]
    og_ref[...] = jax.nn.sigmoid(z)


def _edge_proj(bond_emb, W1c, b1, Wa, ba):
    bondw, gate_row = pl.pallas_call(
        _edge_proj_body,
        grid=(E // EB,),
        in_specs=[pl.BlockSpec((EB, BOND), lambda i: (i, 0)),
                  pl.BlockSpec((BOND, H), lambda i: (0, 0)),
                  pl.BlockSpec((1, H), lambda i: (0, 0)),
                  pl.BlockSpec((1, BOND), lambda i: (0, 0)),
                  pl.BlockSpec((1, 1), lambda i: (0, 0))],
        out_specs=[pl.BlockSpec((EB, H), lambda i: (i, 0)),
                   pl.BlockSpec((1, EB), lambda i: (0, i))],
        out_shape=[jax.ShapeDtypeStruct((E, H), jnp.float32),
                   jax.ShapeDtypeStruct((1, E), jnp.float32)],
    )(bond_emb, W1c, b1.reshape(1, H), Wa.reshape(1, BOND),
      ba.reshape(1, 1))
    return bondw, gate_row


def _epilogue_body(h_ref, s1_ref, s2_ref, w2_ref, b2_ref, o_ref):
    t = s1_ref[0] + s1_ref[1]
    cnt = (s2_ref[0] + s2_ref[1])[:, :1]
    o_ref[...] = (h_ref[...]
                  + jnp.dot(t, w2_ref[...], preferred_element_type=jnp.float32)
                  + cnt * b2_ref[...])


def _epilogue(h, s1_parts, s2_parts, W2, b2):
    return pl.pallas_call(
        _epilogue_body,
        grid=(N_NODES // NB,),
        in_specs=[pl.BlockSpec((NB, H), lambda i: (i, 0)),
                  pl.BlockSpec((NC, NB, H), lambda i: (0, i, 0)),
                  pl.BlockSpec((NC, NB, L), lambda i: (0, i, 0)),
                  pl.BlockSpec((H, H), lambda i: (0, 0)),
                  pl.BlockSpec((1, H), lambda i: (0, 0))],
        out_specs=pl.BlockSpec((NB, H), lambda i: (i, 0)),
        out_shape=jax.ShapeDtypeStruct((N_NODES, H), jnp.float32),
    )(h, s1_parts, s2_parts, W2, b2.reshape(1, H))


def kernel(h, edge_index, bond_emb, W1, b1, W2, b2, Wa, ba):
    eidx = edge_index.astype(jnp.int32)
    W1a = W1[:H]
    W1b = W1[H:2 * H]
    W1c = W1[2 * H:]
    pa, pb = _node_proj(h, W1a, W1b)
    bondw, gate_row = _edge_proj(bond_emb, W1c, b1, Wa, ba)
    gate = gate_row.reshape(E)
    s1_parts, s2_parts = _sc_edges(pa, pb, bondw, gate, eidx)
    return _epilogue(h, s1_parts, s2_parts, W2, b2)

# --- scband reference (transcript-rebuilt; emitter-appended) ---
"""Pipeline reference for scband-chemical-graph-conv-35914516529888 (READ-ONLY COPY).

The authoritative reference and input builder live on the scoring server;
editing this copy changes nothing except your own understanding.
"""

import jax, jax.numpy as jnp
import numpy as np

HIDDEN = 128
BOND = 64
N_NODES = 10000
N_EDGES = 320000


def setup_inputs(seed: int = 0) -> dict:
    key = jax.random.key(seed)
    ks = jax.random.split(key, 10)
    h = jax.random.normal(ks[0], (N_NODES, HIDDEN), dtype=jnp.float32)
    edge_index = jax.random.randint(ks[1], (2, N_EDGES), 0, N_NODES, dtype=jnp.int64 if jax.config.jax_enable_x64 else jnp.int32)
    bond_emb = jax.random.normal(ks[2], (N_EDGES, BOND), dtype=jnp.float32)
    in_dim = HIDDEN * 2 + BOND
    W1 = jax.random.normal(ks[3], (in_dim, HIDDEN), dtype=jnp.float32) * (1.0 / np.sqrt(in_dim))
    b1 = jnp.zeros((HIDDEN,), dtype=jnp.float32)
    W2 = jax.random.normal(ks[4], (HIDDEN, HIDDEN), dtype=jnp.float32) * (1.0 / np.sqrt(HIDDEN))
    b2 = jnp.zeros((HIDDEN,), dtype=jnp.float32)
    Wa = jax.random.normal(ks[5], (BOND, 1), dtype=jnp.float32) * (1.0 / np.sqrt(BOND))
    ba = jnp.zeros((1,), dtype=jnp.float32)
    return {"h": h, "edge_index": edge_index, "bond_emb": bond_emb,
            "W1": W1, "b1": b1, "W2": W2, "b2": b2, "Wa": Wa, "ba": ba}


def reference(h, edge_index, bond_emb, W1, b1, W2, b2, Wa, ba):
    row = edge_index[0]
    col = edge_index[1]
    # bond attention weights
    bond_weights = jax.nn.sigmoid(bond_emb @ Wa + ba)  # [E, 1]
    # gather endpoint features and concatenate with bond embeddings
    messages = jnp.concatenate([h[row], h[col], bond_emb], axis=-1)  # [E, 2H+64]
    messages = jax.nn.relu(messages @ W1 + b1) @ W2 + b2  # [E, H]
    messages = messages * bond_weights
    # scatter-add messages back to source nodes (index_add_ on row)
    h_new = jnp.zeros_like(h).at[row].add(messages)
    return h + h_new

if __name__ == "__main__":
    import jax
    _d = setup_inputs()
    print(jax.jit(kernel)(*tuple(_d.values())))

</pallas_src>

<mosaic_0001>
#map = affine_map<(d0, d1) -> (0, 0)>
#map1 = affine_map<(d0, d1) -> (0)>
#map2 = affine_map<(d0, d1) -> (0, 0, 0)>
module attributes {stable_mosaic.version = 14 : i64} {
  func.func @_sc_edges(%arg0: i32, %arg1: i32, %arg2: memref<10000x128xf32, #tpu.memory_space<hbm>>, %arg3: memref<10000x128xf32, #tpu.memory_space<hbm>>, %arg4: memref<320000x128xf32, #tpu.memory_space<hbm>>, %arg5: memref<320000xf32, #tpu.memory_space<hbm>>, %arg6: memref<2x320000xi32, #tpu.memory_space<hbm>>, %arg7: memref<2x10000x128xf32, #tpu.memory_space<hbm>>, %arg8: memref<2x10000x16xf32, #tpu.memory_space<hbm>>, %arg9: memref<2x2x80xi32, #tpu.memory_space<vmem>>, %arg10: memref<2x80x128xf32, #tpu.memory_space<vmem>>, %arg11: memref<2x80xf32, #tpu.memory_space<vmem>>, %arg12: memref<80x128xf32, #tpu.memory_space<vmem>>, %arg13: memref<80x16xf32, #tpu.memory_space<vmem>>, %arg14: memref<2x80xi32, #tpu.memory_space<vmem>>, %arg15: memref<10000x128xf32, #tpu.memory_space<vmem_shared>>, %arg16: memref<10000x16xf32, #tpu.memory_space<vmem_shared>>, %arg17: memref<!tpu.dma_semaphore, #tpu.memory_space<semaphore_mem>>, %arg18: memref<!tpu.dma_semaphore, #tpu.memory_space<semaphore_mem>>, %arg19: memref<!tpu.dma_semaphore, #tpu.memory_space<semaphore_mem>>, %arg20: memref<!tpu.dma_semaphore, #tpu.memory_space<semaphore_mem>>, %arg21: memref<!tpu.dma_semaphore, #tpu.memory_space<semaphore_mem>>, %arg22: memref<!tpu.dma_semaphore, #tpu.memory_space<semaphore_mem>>, %arg23: memref<!tpu.dma_semaphore, #tpu.memory_space<semaphore_mem>>) attributes {dimension_semantics = [#tpu.dimension_semantics<core_parallel>, #tpu.dimension_semantics<subcore_parallel>], iteration_bounds = array<i64: 2, 16>, scalar_prefetch = 0 : i64, scratch_operands = 15 : i64, tpu.core_type = #tpu.core_type<sc_vector_subcore>, window_params = [{transform_indices = #map}, {transform_indices = #map}, {transform_indices = #map}, {transform_indices = #map1}, {transform_indices = #map}, {transform_indices = #map2}, {transform_indices = #map2}]} {
    %broadcast_in_dim3A = arith.constant 0.000000e+00 : f32
    %broadcast_in_dim3A_0 = vector.broadcast %broadcast_in_dim3A : f32 to vector<16xf32>
    %scan3A = arith.constant 0 : i32
    %scan3A_1 = arith.constant 0 : i32
    %scan3A_2 = arith.constant 80 : i32
    %scan3A_3 = arith.addi %scan3A_1, %scan3A_2 : i32
    %scan3A_4 = arith.constant 1 : i32
    scf.for %scan3A_1164 = %scan3A_1 to %scan3A_3 step %scan3A_4  : i32 {
      %swap3A_1165 = arith.index_cast %scan3A_1164 : i32 to index
      %swap3A_1166 = arith.constant 0 : index
      %swap3A_1167 = tpu.vector_load %arg12[%swap3A_1165, %swap3A_1166] {strides = array<i32>} : memref<80x128xf32, #tpu.memory_space<vmem>>, vector<16xf32>,
      tpu.vector_store %arg12[%swap3A_1165, %swap3A_1166], %broadcast_in_dim3A_0 {strides = array<i32>} : memref<80x128xf32, #tpu.memory_space<vmem>>, vector<16xf32>,
      %swap3A_1168 = arith.index_cast %scan3A_1164 : i32 to index
      %swap3A_1169 = arith.constant 16 : index
      %swap3A_1170 = tpu.vector_load %arg12[%swap3A_1168, %swap3A_1169] {strides = array<i32>} : memref<80x128xf32, #tpu.memory_space<vmem>>, vector<16xf32>,
      tpu.vector_store %arg12[%swap3A_1168, %swap3A_1169], %broadcast_in_dim3A_0 {strides = array<i32>} : memref<80x128xf32, #tpu.memory_space<vmem>>, vector<16xf32>,
      %swap3A_1171 = arith.index_cast %scan3A_1164 : i32 to index
      %swap3A_1172 = arith.constant 32 : index
      %swap3A_1173 = tpu.vector_load %arg12[%swap3A_1171, %swap3A_1172] {strides = array<i32>} : memref<80x128xf32, #tpu.memory_space<vmem>>, vector<16xf32>,
      tpu.vector_store %arg12[%swap3A_1171, %swap3A_1172], %broadcast_in_dim3A_0 {strides = array<i32>} : memref<80x128xf32, #tpu.memory_space<vmem>>, vector<16xf32>,
      %swap3A_1174 = arith.index_cast %scan3A_1164 : i32 to index
      %swap3A_1175 = arith.constant 48 : index
      %swap3A_1176 = tpu.vector_load %arg12[%swap3A_1174, %swap3A_1175] {strides = array<i32>} : memref<80x128xf32, #tpu.memory_space<vmem>>, vector<16xf32>,
      tpu.vector_store %arg12[%swap3A_1174, %swap3A_1175], %broadcast_in_dim3A_0 {strides = array<i32>} : memref<80x128xf32, #tpu.memory_space<vmem>>, vector<16xf32>,
      %swap3A_1177 = arith.index_cast %scan3A_1164 : i32 to index
      %swap3A_1178 = arith.constant 64 : index
      %swap3A_1179 = tpu.vector_load %arg12[%swap3A_1177, %swap3A_1178] {strides = array<i32>} : memref<80x128xf32, #tpu.memory_space<vmem>>, vector<16xf32>,
      tpu.vector_store %arg12[%swap3A_1177, %swap3A_1178], %broadcast_in_dim3A_0 {strides = array<i32>} : memref<80x128xf32, #tpu.memory_space<vmem>>, vector<16xf32>,
      %swap3A_1180 = arith.index_cast %scan3A_1164 : i32 to index
      %swap3A_1181 = arith.constant 80 : index
      %swap3A_1182 = tpu.vector_load %arg12[%swap3A_1180, %swap3A_1181] {strides = array<i32>} : memref<80x128xf32, #tpu.memory_space<vmem>>, vector<16xf32>,
      tpu.vector_store %arg12[%swap3A_1180, %swap3A_1181], %broadcast_in_dim3A_0 {strides = array<i32>} : memref<80x128xf32, #tpu.memory_space<vmem>>, vector<16xf32>,
      %swap3A_1183 = arith.index_cast %scan3A_1164 : i32 to index
      %swap3A_1184 = arith.constant 96 : index
      %swap3A_1185 = tpu.vector_load %arg12[%swap3A_1183, %swap3A_1184] {strides = array<i32>} : memref<80x128xf32, #tpu.memory_space<vmem>>, vector<16xf32>,
      tpu.vector_store %arg12[%swap3A_1183, %swap3A_1184], %broadcast_in_dim3A_0 {strides = array<i32>} : memref<80x128xf32, #tpu.memory_space<vmem>>, vector<16xf32>,
      %swap3A_1186 = arith.index_cast %scan3A_1164 : i32 to index
      %swap3A_1187 = arith.constant 112 : index
      %swap3A_1188 = tpu.vector_load %arg12[%swap3A_1186, %swap3A_1187] {strides = array<i32>} : memref<80x128xf32, #tpu.memory_space<vmem>>, vector<16xf32>,
      tpu.vector_store %arg12[%swap3A_1186, %swap3A_1187], %broadcast_in_dim3A_0 {strides = array<i32>} : memref<80x128xf32, #tpu.memory_space<vmem>>, vector<16xf32>,
      %swap3A_1189 = arith.index_cast %scan3A_1164 : i32 to index
      %swap3A_1190 = arith.constant 0 : index
      %swap3A_1191 = tpu.vector_load %arg13[%swap3A_1189, %swap3A_1190] {strides = array<i32>} : memref<80x16xf32, #tpu.memory_space<vmem>>, vector<16xf32>,
      tpu.vector_store %arg13[%swap3A_1189, %swap3A_1190], %broadcast_in_dim3A_0 {strides = array<i32>} : memref<80x16xf32, #tpu.memory_space<vmem>>, vector<16xf32>,
    }
    %scan3A_5 = arith.constant 80 : i32
    %mul3A = arith.constant 625 : i32
    %mul3A_6 = arith.muli %arg1, %mul3A : i32
    %add3A = arith.constant 0 : i32
    %add3A_7 = arith.addi %mul3A_6, %add3A : i32
    "tpu.region"() ({
      %run_scoped3A = tpu.sem_alloc : memref<!tpu.dma_semaphore, #tpu.memory_space<semaphore_mem>>
      %dma_start3A_1164 = arith.constant 0 : i32
      %dma_start3A_1165 = tpu.memref_slice %arg15[%add3A_7, %dma_start3A_1164] : memref<10000x128xf32, #tpu.memory_space<vmem_shared>> -> memref<80x128xf32, #tpu.memory_space<vmem_shared>>
      %dma_start3A_1166 = arith.constant 0 : i32
      %dma_start3A_1167 = tpu.memref_slice %arg15[%add3A_7, %dma_start3A_1166] : memref<10000x128xf32, #tpu.memory_space<vmem_shared>> -> memref<80x128xf32, #tpu.memory_space<vmem_shared>>
      tpu.enqueue_dma source(%arg12 : memref<80x128xf32, #tpu.memory_space<vmem>>) target(%dma_start3A_1167 : memref<80x128xf32, #tpu.memory_space<vmem_shared>>) target_semaphore(%run_scoped3A : memref<!tpu.dma_semaphore, #tpu.memory_space<semaphore_mem>>)
      %dma_wait3A_1168 = arith.constant 0 : i32
      %dma_wait3A_1169 = tpu.memref_slice %arg15[%add3A_7, %dma_wait3A_1168] : memref<10000x128xf32, #tpu.memory_space<vmem_shared>> -> memref<80x128xf32, #tpu.memory_space<vmem_shared>>
      %dma_wait3A_1170 = arith.constant 0 : i32
      %dma_wait3A_1171 = tpu.memref_slice %arg15[%add3A_7, %dma_wait3A_1170] : memref<10000x128xf32, #tpu.memory_space<vmem_shared>> -> memref<80x128xf32, #tpu.memory_space<vmem_shared>>
      tpu.wait_dma2 semaphore(%run_scoped3A : memref<!tpu.dma_semaphore, #tpu.memory_space<semaphore_mem>>) src(%arg12 : memref<80x128xf32, #tpu.memory_space<vmem>>) dst(%dma_wait3A_1171 : memref<80x128xf32, #tpu.memory_space<vmem_shared>>)
      tpu.yield
    }) : () -> ()
    %mul3A_8 = arith.constant 625 : i32
    %mul3A_9 = arith.muli %arg1, %mul3A_8 : i32
    %add3A_10 = arith.constant 0 : i32
    %add3A_11 = arith.addi %mul3A_9, %add3A_10 : i32
    "tpu.region"() ({
      %run_scoped3A = tpu.sem_alloc : memref<!tpu.dma_semaphore, #tpu.memory_space<semaphore_mem>>
      %dma_start3A_1164 = arith.constant 0 : i32
      %dma_start3A_1165 = tpu.memref_slice %arg16[%add3A_11, %dma_start3A_1164] : memref<10000x16xf32, #tpu.memory_space<vmem_shared>> -> memref<80x16xf32, #tpu.memory_space<vmem_shared>>
      %dma_start3A_1166 = arith.constant 0 : i32
      %dma_start3A_1167 = tpu.memref_slice %arg16[%add3A_11, %dma_start3A_1166] : memref<10000x16xf32, #tpu.memory_space<vmem_shared>> -> memref<80x16xf32, #tpu.memory_space<vmem_shared>>
      tpu.enqueue_dma source(%arg13 : memref<80x16xf32, #tpu.memory_space<vmem>>) target(%dma_start3A_1167 : memref<80x16xf32, #tpu.memory_space<vmem_shared>>) target_semaphore(%run_scoped3A : memref<!tpu.dma_semaphore, #tpu.memory_space<semaphore_mem>>)
      %dma_wait3A_1168 = arith.constant 0 : i32
      %dma_wait3A_1169 = tpu.memref_slice %arg16[%add3A_11, %dma_wait3A_1168] : memref<10000x16xf32, #tpu.memory_space<vmem_shared>> -> memref<80x16xf32, #tpu.memory_space<vmem_shared>>
      %dma_wait3A_1170 = arith.constant 0 : i32
      %dma_wait3A_1171 = tpu.memref_slice %arg16[%add3A_11, %dma_wait3A_1170] : memref<10000x16xf32, #tpu.memory_space<vmem_shared>> -> memref<80x16xf32, #tpu.memory_space<vmem_shared>>
      tpu.wait_dma2 semaphore(%run_scoped3A : memref<!tpu.dma_semaphore, #tpu.memory_space<semaphore_mem>>) src(%arg13 : memref<80x16xf32, #tpu.memory_space<vmem>>) dst(%dma_wait3A_1171 : memref<80x16xf32, #tpu.memory_space<vmem_shared>>)
      tpu.yield
    }) : () -> ()
    %mul3A_12 = arith.constant 625 : i32
    %mul3A_13 = arith.muli %arg1, %mul3A_12 : i32
    %add3A_14 = arith.constant 80 : i32
    %add3A_15 = arith.addi %mul3A_13, %add3A_14 : i32
    "tpu.region"() ({
      %run_scoped3A = tpu.sem_alloc : memref<!tpu.dma_semaphore, #tpu.memory_space<semaphore_mem>>
      %dma_start3A_1164 = arith.constant 0 : i32
      %dma_start3A_1165 = tpu.memref_slice %arg15[%add3A_15, %dma_start3A_1164] : memref<10000x128xf32, #tpu.memory_space<vmem_shared>> -> memref<80x128xf32, #tpu.memory_space<vmem_shared>>
      %dma_start3A_1166 = arith.constant 0 : i32
      %dma_start3A_1167 = tpu.memref_slice %arg15[%add3A_15, %dma_start3A_1166] : memref<10000x128xf32, #tpu.memory_space<vmem_shared>> -> memref<80x128xf32, #tpu.memory_space<vmem_shared>>
      tpu.enqueue_dma source(%arg12 : memref<80x128xf32, #tpu.memory_space<vmem>>) target(%dma_start3A_1167 : memref<80x128xf32, #tpu.memory_space<vmem_shared>>) target_semaphore(%run_scoped3A : memref<!tpu.dma_semaphore, #tpu.memory_space<semaphore_mem>>)
      %dma_wait3A_1168 = arith.constant 0 : i32
      %dma_wait3A_1169 = tpu.memref_slice %arg15[%add3A_15, %dma_wait3A_1168] : memref<10000x128xf32, #tpu.memory_space<vmem_shared>> -> memref<80x128xf32, #tpu.memory_space<vmem_shared>>
      %dma_wait3A_1170 = arith.constant 0 : i32
      %dma_wait3A_1171 = tpu.memref_slice %arg15[%add3A_15, %dma_wait3A_1170] : memref<10000x128xf32, #tpu.memory_space<vmem_shared>> -> memref<80x128xf32, #tpu.memory_space<vmem_shared>>
      tpu.wait_dma2 semaphore(%run_scoped3A : memref<!tpu.dma_semaphore, #tpu.memory_space<semaphore_mem>>) src(%arg12 : memref<80x128xf32, #tpu.memory_space<vmem>>) dst(%dma_wait3A_1171 : memref<80x128xf32, #tpu.memory_space<vmem_shared>>)
      tpu.yield
    }) : () -> ()
    %mul3A_16 = arith.constant 625 : i32
    %mul3A_17 = arith.muli %arg1, %mul3A_16 : i32
    %add3A_18 = arith.constant 80 : i32
    %add3A_19 = arith.addi %mul3A_17, %add3A_18 : i32
    "tpu.region"() ({
      %run_scoped3A = tpu.sem_alloc : memref<!tpu.dma_semaphore, #tpu.memory_space<semaphore_mem>>
      %dma_start3A_1164 = arith.constant 0 : i32
      %dma_start3A_1165 = tpu.memref_slice %arg16[%add3A_19, %dma_start3A_1164] : memref<10000x16xf32, #tpu.memory_space<vmem_shared>> -> memref<80x16xf32, #tpu.memory_space<vmem_shared>>
      %dma_start3A_1166 = arith.constant 0 : i32
      %dma_start3A_1167 = tpu.memref_slice %arg16[%add3A_19, %dma_start3A_1166] : memref<10000x16xf32, #tpu.memory_space<vmem_shared>> -> memref<80x16xf32, #tpu.memory_space<vmem_shared>>
      tpu.enqueue_dma source(%arg13 : memref<80x16xf32, #tpu.memory_space<vmem>>) target(%dma_start3A_1167 : memref<80x16xf32, #tpu.memory_space<vmem_shared>>) target_semaphore(%run_scoped3A : memref<!tpu.dma_semaphore, #tpu.memory_space<semaphore_mem>>)
      %dma_wait3A_1168 = arith.constant 0 : i32
      %dma_wait3A_1169 = tpu.memref_slice %arg16[%add3A_19, %dma_wait3A_1168] : memref<10000x16xf32, #tpu.memory_space<vmem_shared>> -> memref<80x16xf32, #tpu.memory_space<vmem_shared>>
      %dma_wait3A_1170 = arith.constant 0 : i32
      %dma_wait3A_1171 = tpu.memref_slice %arg16[%add3A_19, %dma_wait3A_1170] : memref<10000x16xf32, #tpu.memory_space<vmem_shared>> -> memref<80x16xf32, #tpu.memory_space<vmem_shared>>
      tpu.wait_dma2 semaphore(%run_scoped3A : memref<!tpu.dma_semaphore, #tpu.memory_space<semaphore_mem>>) src(%arg13 : memref<80x16xf32, #tpu.memory_space<vmem>>) dst(%dma_wait3A_1171 : memref<80x16xf32, #tpu.memory_space<vmem_shared>>)
      tpu.yield
    }) : () -> ()
    %mul3A_20 = arith.constant 625 : i32
    %mul3A_21 = arith.muli %arg1, %mul3A_20 : i32
    %add3A_22 = arith.constant 160 : i32
    %add3A_23 = arith.addi %mul3A_21, %add3A_22 : i32
    "tpu.region"() ({
      %run_scoped3A = tpu.sem_alloc : memref<!tpu.dma_semaphore, #tpu.memory_space<semaphore_mem>>
      %dma_start3A_1164 = arith.constant 0 : i32
      %dma_start3A_1165 = tpu.memref_slice %arg15[%add3A_23, %dma_start3A_1164] : memref<10000x128xf32, #tpu.memory_space<vmem_shared>> -> memref<80x128xf32, #tpu.memory_space<vmem_shared>>
      %dma_start3A_1166 = arith.constant 0 : i32
      %dma_start3A_1167 = tpu.memref_slice %arg15[%add3A_23, %dma_start3A_1166] : memref<10000x128xf32, #tpu.memory_space<vmem_shared>> -> memref<80x128xf32, #tpu.memory_space<vmem_shared>>
      tpu.enqueue_dma source(%arg12 : memref<80x128xf32, #tpu.memory_space<vmem>>) target(%dma_start3A_1167 : memref<80x128xf32, #tpu.memory_space<vmem_shared>>) target_semaphore(%run_scoped3A : memref<!tpu.dma_semaphore, #tpu.memory_space<semaphore_mem>>)
      %dma_wait3A_1168 = arith.constant 0 : i32
      %dma_wait3A_1169 = tpu.memref_slice %arg15[%add3A_23, %dma_wait3A_1168] : memref<10000x128xf32, #tpu.memory_space<vmem_shared>> -> memref<80x128xf32, #tpu.memory_space<vmem_shared>>
      %dma_wait3A_1170 = arith.constant 0 : i32
      %dma_wait3A_1171 = tpu.memref_slice %arg15[%add3A_23, %dma_wait3A_1170] : memref<10000x128xf32, #tpu.memory_space<vmem_shared>> -> memref<80x128xf32, #tpu.memory_space<vmem_shared>>
      tpu.wait_dma2 semaphore(%run_scoped3A : memref<!tpu.dma_semaphore, #tpu.memory_space<semaphore_mem>>) src(%arg12 : memref<80x128xf32, #tpu.memory_space<vmem>>) dst(%dma_wait3A_1171 : memref<80x128xf32, #tpu.memory_space<vmem_shared>>)
      tpu.yield
    }) : () -> ()
    %mul3A_24 = arith.constant 625 : i32
    %mul3A_25 = arith.muli %arg1, %mul3A_24 : i32
    %add3A_26 = arith.constant 160 : i32
    %add3A_27 = arith.addi %mul3A_25, %add3A_26 : i32
    "tpu.region"() ({
      %run_scoped3A = tpu.sem_alloc : memref<!tpu.dma_semaphore, #tpu.memory_space<semaphore_mem>>
      %dma_start3A_1164 = arith.constant 0 : i32
      %dma_start3A_1165 = tpu.memref_slice %arg16[%add3A_27, %dma_start3A_1164] : memref<10000x16xf32, #tpu.memory_space<vmem_shared>> -> memref<80x16xf32, #tpu.memory_space<vmem_shared>>
      %dma_start3A_1166 = arith.constant 0 : i32
      %dma_start3A_1167 = tpu.memref_slice %arg16[%add3A_27, %dma_start3A_1166] : memref<10000x16xf32, #tpu.memory_space<vmem_shared>> -> memref<80x16xf32, #tpu.memory_space<vmem_shared>>
      tpu.enqueue_dma source(%arg13 : memref<80x16xf32, #tpu.memory_space<vmem>>) target(%dma_start3A_1167 : memref<80x16xf32, #tpu.memory_space<vmem_shared>>) target_semaphore(%run_scoped3A : memref<!tpu.dma_semaphore, #tpu.memory_space<semaphore_mem>>)
      %dma_wait3A_1168 = arith.constant 0 : i32
      %dma_wait3A_1169 = tpu.memref_slice %arg16[%add3A_27, %dma_wait3A_1168] : memref<10000x16xf32, #tpu.memory_space<vmem_shared>> -> memref<80x16xf32, #tpu.memory_space<vmem_shared>>
      %dma_wait3A_1170 = arith.constant 0 : i32
      %dma_wait3A_1171 = tpu.memref_slice %arg16[%add3A_27, %dma_wait3A_1170] : memref<10000x16xf32, #tpu.memory_space<vmem_shared>> -> memref<80x16xf32, #tpu.memory_space<vmem_shared>>
      tpu.wait_dma2 semaphore(%run_scoped3A : memref<!tpu.dma_semaphore, #tpu.memory_space<semaphore_mem>>) src(%arg13 : memref<80x16xf32, #tpu.memory_space<vmem>>) dst(%dma_wait3A_1171 : memref<80x16xf32, #tpu.memory_space<vmem_shared>>)
      tpu.yield
    }) : () -> ()
    %mul3A_28 = arith.constant 625 : i32
    %mul3A_29 = arith.muli %arg1, %mul3A_28 : i32
    %add3A_30 = arith.constant 240 : i32
    %add3A_31 = arith.addi %mul3A_29, %add3A_30 : i32
    "tpu.region"() ({
      %run_scoped3A = tpu.sem_alloc : memref<!tpu.dma_semaphore, #tpu.memory_space<semaphore_mem>>
      %dma_start3A_1164 = arith.constant 0 : i32
      %dma_start3A_1165 = tpu.memref_slice %arg15[%add3A_31, %dma_start3A_1164] : memref<10000x128xf32, #tpu.memory_space<vmem_shared>> -> memref<80x128xf32, #tpu.memory_space<vmem_shared>>
      %dma_start3A_1166 = arith.constant 0 : i32
      %dma_start3A_1167 = tpu.memref_slice %arg15[%add3A_31, %dma_start3A_1166] : memref<10000x128xf32, #tpu.memory_space<vmem_shared>> -> memref<80x128xf32, #tpu.memory_space<vmem_shared>>
      tpu.enqueue_dma source(%arg12 : memref<80x128xf32, #tpu.memory_space<vmem>>) target(%dma_start3A_1167 : memref<80x128xf32, #tpu.memory_space<vmem_shared>>) target_semaphore(%run_scoped3A : memref<!tpu.dma_semaphore, #tpu.memory_space<semaphore_mem>>)
      %dma_wait3A_1168 = arith.constant 0 : i32
      %dma_wait3A_1169 = tpu.memref_slice %arg15[%add3A_31, %dma_wait3A_1168] : memref<10000x128xf32, #tpu.memory_space<vmem_shared>> -> memref<80x128xf32, #tpu.memory_space<vmem_shared>>
      %dma_wait3A_1170 = arith.constant 0 : i32
      %dma_wait3A_1171 = tpu.memref_slice %arg15[%add3A_31, %dma_wait3A_1170] : memref<10000x128xf32, #tpu.memory_space<vmem_shared>> -> memref<80x128xf32, #tpu.memory_space<vmem_shared>>
      tpu.wait_dma2 semaphore(%run_scoped3A : memref<!tpu.dma_semaphore, #tpu.memory_space<semaphore_mem>>) src(%arg12 : memref<80x128xf32, #tpu.memory_space<vmem>>) dst(%dma_wait3A_1171 : memref<80x128xf32, #tpu.memory_space<vmem_shared>>)
      tpu.yield
    }) : () -> ()
    %mul3A_32 = arith.constant 625 : i32
    %mul3A_33 = arith.muli %arg1, %mul3A_32 : i32
    %add3A_34 = arith.constant 240 : i32
    %add3A_35 = arith.addi %mul3A_33, %add3A_34 : i32
    "tpu.region"() ({
      %run_scoped3A = tpu.sem_alloc : memref<!tpu.dma_semaphore, #tpu.memory_space<semaphore_mem>>
      %dma_start3A_1164 = arith.constant 0 : i32
      %dma_start3A_1165 = tpu.memref_slice %arg16[%add3A_35, %dma_start3A_1164] : memref<10000x16xf32, #tpu.memory_space<vmem_shared>> -> memref<80x16xf32, #tpu.memory_space<vmem_shared>>
      %dma_start3A_1166 = arith.constant 0 : i32
      %dma_start3A_1167 = tpu.memref_slice %arg16[%add3A_35, %dma_start3A_1166] : memref<10000x16xf32, #tpu.memory_space<vmem_shared>> -> memref<80x16xf32, #tpu.memory_space<vmem_shared>>
      tpu.enqueue_dma source(%arg13 : memref<80x16xf32, #tpu.memory_space<vmem>>) target(%dma_start3A_1167 : memref<80x16xf32, #tpu.memory_space<vmem_shared>>) target_semaphore(%run_scoped3A : memref<!tpu.dma_semaphore, #tpu.memory_space<semaphore_mem>>)
      %dma_wait3A_1168 = arith.constant 0 : i32
      %dma_wait3A_1169 = tpu.memref_slice %arg16[%add3A_35, %dma_wait3A_1168] : memref<10000x16xf32, #tpu.memory_space<vmem_shared>> -> memref<80x16xf32, #tpu.memory_space<vmem_shared>>
      %dma_wait3A_1170 = arith.constant 0 : i32
      %dma_wait3A_1171 = tpu.memref_slice %arg16[%add3A_35, %dma_wait3A_1170] : memref<10000x16xf32, #tpu.memory_space<vmem_shared>> -> memref<80x16xf32, #tpu.memory_space<vmem_shared>>
      tpu.wait_dma2 semaphore(%run_scoped3A : memref<!tpu.dma_semaphore, #tpu.memory_space<semaphore_mem>>) src(%arg13 : memref<80x16xf32, #tpu.memory_space<vmem>>) dst(%dma_wait3A_1171 : memref<80x16xf32, #tpu.memory_space<vmem_shared>>)
      tpu.yield
    }) : () -> ()
    %mul3A_36 = arith.constant 625 : i32
    %mul3A_37 = arith.muli %arg1, %mul3A_36 : i32
    %add3A_38 = arith.constant 320 : i32
    %add3A_39 = arith.addi %mul3A_37, %add3A_38 : i32
    "tpu.region"() ({
      %run_scoped3A = tpu.sem_alloc : memref<!tpu.dma_semaphore, #tpu.memory_space<semaphore_mem>>
      %dma_start3A_1164 = arith.constant 0 : i32
      %dma_start3A_1165 = tpu.memref_slice %arg15[%add3A_39, %dma_start3A_1164] : memref<10000x128xf32, #tpu.memory_space<vmem_shared>> -> memref<80x128xf32, #tpu.memory_space<vmem_shared>>
      %dma_start3A_1166 = arith.constant 0 : i32
      %dma_start3A_1167 = tpu.memref_slice %arg15[%add3A_39, %dma_start3A_1166] : memref<10000x128xf32, #tpu.memory_space<vmem_shared>> -> memref<80x128xf32, #tpu.memory_space<vmem_shared>>
      tpu.enqueue_dma source(%arg12 : memref<80x128xf32, #tpu.memory_space<vmem>>) target(%dma_start3A_1167 : memref<80x128xf32, #tpu.memory_space<vmem_shared>>) target_semaphore(%run_scoped3A : memref<!tpu.dma_semaphore, #tpu.memory_space<semaphore_mem>>)
      %dma_wait3A_1168 = arith.constant 0 : i32
      %dma_wait3A_1169 = tpu.memref_slice %arg15[%add3A_39, %dma_wait3A_1168] : memref<10000x128xf32, #tpu.memory_space<vmem_shared>> -> memref<80x128xf32, #tpu.memory_space<vmem_shared>>
      %dma_wait3A_1170 = arith.constant 0 : i32
      %dma_wait3A_1171 = tpu.memref_slice %arg15[%add3A_39, %dma_wait3A_1170] : memref<10000x128xf32, #tpu.memory_space<vmem_shared>> -> memref<80x128xf32, #tpu.memory_space<vmem_shared>>
      tpu.wait_dma2 semaphore(%run_scoped3A : memref<!tpu.dma_semaphore, #tpu.memory_space<semaphore_mem>>) src(%arg12 : memref<80x128xf32, #tpu.memory_space<vmem>>) dst(%dma_wait3A_1171 : memref<80x128xf32, #tpu.memory_space<vmem_shared>>)
      tpu.yield
    }) : () -> ()
    %mul3A_40 = arith.constant 625 : i32
    %mul3A_41 = arith.muli %arg1, %mul3A_40 : i32
    %add3A_42 = arith.constant 320 : i32
    %add3A_43 = arith.addi %mul3A_41, %add3A_42 : i32
    "tpu.region"() ({
      %run_scoped3A = tpu.sem_alloc : memref<!tpu.dma_semaphore, #tpu.memory_space<semaphore_mem>>
      %dma_start3A_1164 = arith.constant 0 : i32
      %dma_start3A_1165 = tpu.memref_slice %arg16[%add3A_43, %dma_start3A_1164] : memref<10000x16xf32, #tpu.memory_space<vmem_shared>> -> memref<80x16xf32, #tpu.memory_space<vmem_shared>>
      %dma_start3A_1166 = arith.constant 0 : i32
      %dma_start3A_1167 = tpu.memref_slice %arg16[%add3A_43, %dma_start3A_1166] : memref<10000x16xf32, #tpu.memory_space<vmem_shared>> -> memref<80x16xf32, #tpu.memory_space<vmem_shared>>
      tpu.enqueue_dma source(%arg13 : memref<80x16xf32, #tpu.memory_space<vmem>>) target(%dma_start3A_1167 : memref<80x16xf32, #tpu.memory_space<vmem_shared>>) target_semaphore(%run_scoped3A : memref<!tpu.dma_semaphore, #tpu.memory_space<semaphore_mem>>)
      %dma_wait3A_1168 = arith.constant 0 : i32
      %dma_wait3A_1169 = tpu.memref_slice %arg16[%add3A_43, %dma_wait3A_1168] : memref<10000x16xf32, #tpu.memory_space<vmem_shared>> -> memref<80x16xf32, #tpu.memory_space<vmem_shared>>
      %dma_wait3A_1170 = arith.constant 0 : i32
      %dma_wait3A_1171 = tpu.memref_slice %arg16[%add3A_43, %dma_wait3A_1170] : memref<10000x16xf32, #tpu.memory_space<vmem_shared>> -> memref<80x16xf32, #tpu.memory_space<vmem_shared>>
      tpu.wait_dma2 semaphore(%run_scoped3A : memref<!tpu.dma_semaphore, #tpu.memory_space<semaphore_mem>>) src(%arg13 : memref<80x16xf32, #tpu.memory_space<vmem>>) dst(%dma_wait3A_1171 : memref<80x16xf32, #tpu.memory_space<vmem_shared>>)
      tpu.yield
    }) : () -> ()
    %mul3A_44 = arith.constant 625 : i32
    %mul3A_45 = arith.muli %arg1, %mul3A_44 : i32
    %add3A_46 = arith.constant 400 : i32
    %add3A_47 = arith.addi %mul3A_45, %add3A_46 : i32
    "tpu.region"() ({
      %run_scoped3A = tpu.sem_alloc : memref<!tpu.dma_semaphore, #tpu.memory_space<semaphore_mem>>
      %dma_start3A_1164 = arith.constant 0 : i32
      %dma_start3A_1165 = tpu.memref_slice %arg15[%add3A_47, %dma_start3A_1164] : memref<10000x128xf32, #tpu.memory_space<vmem_shared>> -> memref<80x128xf32, #tpu.memory_space<vmem_shared>>
      %dma_start3A_1166 = arith.constant 0 : i32
      %dma_start3A_1167 = tpu.memref_slice %arg15[%add3A_47, %dma_start3A_1166] : memref<10000x128xf32, #tpu.memory_space<vmem_shared>> -> memref<80x128xf32, #tpu.memory_space<vmem_shared>>
      tpu.enqueue_dma source(%arg12 : memref<80x128xf32, #tpu.memory_space<vmem>>) target(%dma_start3A_1167 : memref<80x128xf32, #tpu.memory_space<vmem_shared>>) target_semaphore(%run_scoped3A : memref<!tpu.dma_semaphore, #tpu.memory_space<semaphore_mem>>)
      %dma_wait3A_1168 = arith.constant 0 : i32
      %dma_wait3A_1169 = tpu.memref_slice %arg15[%add3A_47, %dma_wait3A_1168] : memref<10000x128xf32, #tpu.memory_space<vmem_shared>> -> memref<80x128xf32, #tpu.memory_space<vmem_shared>>
      %dma_wait3A_1170 = arith.constant 0 : i32
      %dma_wait3A_1171 = tpu.memref_slice %arg15[%add3A_47, %dma_wait3A_1170] : memref<10000x128xf32, #tpu.memory_space<vmem_shared>> -> memref<80x128xf32, #tpu.memory_space<vmem_shared>>
      tpu.wait_dma2 semaphore(%run_scoped3A : memref<!tpu.dma_semaphore, #tpu.memory_space<semaphore_mem>>) src(%arg12 : memref<80x128xf32, #tpu.memory_space<vmem>>) dst(%dma_wait3A_1171 : memref<80x128xf32, #tpu.memory_space<vmem_shared>>)
      tpu.yield
    }) : () -> ()
    %mul3A_48 = arith.constant 625 : i32
    %mul3A_49 = arith.muli %arg1, %mul3A_48 : i32
    %add3A_50 = arith.constant 400 : i32
    %add3A_51 = arith.addi %mul3A_49, %add3A_50 : i32
    "tpu.region"() ({
      %run_scoped3A = tpu.sem_alloc : memref<!tpu.dma_semaphore, #tpu.memory_space<semaphore_mem>>
      %dma_start3A_1164 = arith.constant 0 : i32
      %dma_start3A_1165 = tpu.memref_slice %arg16[%add3A_51, %dma_start3A_1164] : memref<10000x16xf32, #tpu.memory_space<vmem_shared>> -> memref<80x16xf32, #tpu.memory_space<vmem_shared>>
      %dma_start3A_1166 = arith.constant 0 : i32
      %dma_start3A_1167 = tpu.memref_slice %arg16[%add3A_51, %dma_start3A_1166] : memref<10000x16xf32, #tpu.memory_space<vmem_shared>> -> memref<80x16xf32, #tpu.memory_space<vmem_shared>>
      tpu.enqueue_dma source(%arg13 : memref<80x16xf32, #tpu.memory_space<vmem>>) target(%dma_start3A_1167 : memref<80x16xf32, #tpu.memory_space<vmem_shared>>) target_semaphore(%run_scoped3A : memref<!tpu.dma_semaphore, #tpu.memory_space<semaphore_mem>>)
      %dma_wait3A_1168 = arith.constant 0 : i32
      %dma_wait3A_1169 = tpu.memref_slice %arg16[%add3A_51, %dma_wait3A_1168] : memref<10000x16xf32, #tpu.memory_space<vmem_shared>> -> memref<80x16xf32, #tpu.memory_space<vmem_shared>>
      %dma_wait3A_1170 = arith.constant 0 : i32
      %dma_wait3A_1171 = tpu.memref_slice %arg16[%add3A_51, %dma_wait3A_1170] : memref<10000x16xf32, #tpu.memory_space<vmem_shared>> -> memref<80x16xf32, #tpu.memory_space<vmem_shared>>
      tpu.wait_dma2 semaphore(%run_scoped3A : memref<!tpu.dma_semaphore, #tpu.memory_space<semaphore_mem>>) src(%arg13 : memref<80x16xf32, #tpu.memory_space<vmem>>) dst(%dma_wait3A_1171 : memref<80x16xf32, #tpu.memory_space<vmem_shared>>)
      tpu.yield
    }) : () -> ()
    %mul3A_52 = arith.constant 625 : i32
    %mul3A_53 = arith.muli %arg1, %mul3A_52 : i32
    %add3A_54 = arith.constant 480 : i32
    %add3A_55 = arith.addi %mul3A_53, %add3A_54 : i32
    "tpu.region"() ({
      %run_scoped3A = tpu.sem_alloc : memref<!tpu.dma_semaphore, #tpu.memory_space<semaphore_mem>>
      %dma_start3A_1164 = arith.constant 0 : i32
      %dma_start3A_1165 = tpu.memref_slice %arg15[%add3A_55, %dma_start3A_1164] : memref<10000x128xf32, #tpu.memory_space<vmem_shared>> -> memref<80x128xf32, #tpu.memory_space<vmem_shared>>
      %dma_start3A_1166 = arith.constant 0 : i32
      %dma_start3A_1167 = tpu.memref_slice %arg15[%add3A_55, %dma_start3A_1166] : memref<10000x128xf32, #tpu.memory_space<vmem_shared>> -> memref<80x128xf32, #tpu.memory_space<vmem_shared>>
      tpu.enqueue_dma source(%arg12 : memref<80x128xf32, #tpu.memory_space<vmem>>) target(%dma_start3A_1167 : memref<80x128xf32, #tpu.memory_space<vmem_shared>>) target_semaphore(%run_scoped3A : memref<!tpu.dma_semaphore, #tpu.memory_space<semaphore_mem>>)
      %dma_wait3A_1168 = arith.constant 0 : i32
      %dma_wait3A_1169 = tpu.memref_slice %arg15[%add3A_55, %dma_wait3A_1168] : memref<10000x128xf32, #tpu.memory_space<vmem_shared>> -> memref<80x128xf32, #tpu.memory_space<vmem_shared>>
      %dma_wait3A_1170 = arith.constant 0 : i32
      %dma_wait3A_1171 = tpu.memref_slice %arg15[%add3A_55, %dma_wait3A_1170] : memref<10000x128xf32, #tpu.memory_space<vmem_shared>> -> memref<80x128xf32, #tpu.memory_space<vmem_shared>>
      tpu.wait_dma2 semaphore(%run_scoped3A : memref<!tpu.dma_semaphore, #tpu.memory_space<semaphore_mem>>) src(%arg12 : memref<80x128xf32, #tpu.memory_space<vmem>>) dst(%dma_wait3A_1171 : memref<80x128xf32, #tpu.memory_space<vmem_shared>>)
      tpu.yield
    }) : () -> ()
    %mul3A_56 = arith.constant 625 : i32
    %mul3A_57 = arith.muli %arg1, %mul3A_56 : i32
    %add3A_58 = arith.constant 480 : i32
    %add3A_59 = arith.addi %mul3A_57, %add3A_58 : i32
    "tpu.region"() ({
      %run_scoped3A = tpu.sem_alloc : memref<!tpu.dma_semaphore, #tpu.memory_space<semaphore_mem>>
      %dma_start3A_1164 = arith.constant 0 : i32
      %dma_start3A_1165 = tpu.memref_slice %arg16[%add3A_59, %dma_start3A_1164] : memref<10000x16xf32, #tpu.memory_space<vmem_shared>> -> memref<80x16xf32, #tpu.memory_space<vmem_shared>>
      %dma_start3A_1166 = arith.constant 0 : i32
      %dma_start3A_1167 = tpu.memref_slice %arg16[%add3A_59, %dma_start3A_1166] : memref<10000x16xf32, #tpu.memory_space<vmem_shared>> -> memref<80x16xf32, #tpu.memory_space<vmem_shared>>
      tpu.enqueue_dma source(%arg13 : memref<80x16xf32, #tpu.memory_space<vmem>>) target(%dma_start3A_1167 : memref<80x16xf32, #tpu.memory_space<vmem_shared>>) target_semaphore(%run_scoped3A : memref<!tpu.dma_semaphore, #tpu.memory_space<semaphore_mem>>)
      %dma_wait3A_1168 = arith.constant 0 : i32
      %dma_wait3A_1169 = tpu.memref_slice %arg16[%add3A_59, %dma_wait3A_1168] : memref<10000x16xf32, #tpu.memory_space<vmem_shared>> -> memref<80x16xf32, #tpu.memory_space<vmem_shared>>
      %dma_wait3A_1170 = arith.constant 0 : i32
      %dma_wait3A_1171 = tpu.memref_slice %arg16[%add3A_59, %dma_wait3A_1170] : memref<10000x16xf32, #tpu.memory_space<vmem_shared>> -> memref<80x16xf32, #tpu.memory_space<vmem_shared>>
      tpu.wait_dma2 semaphore(%run_scoped3A : memref<!tpu.dma_semaphore, #tpu.memory_space<semaphore_mem>>) src(%arg13 : memref<80x16xf32, #tpu.memory_space<vmem>>) dst(%dma_wait3A_1171 : memref<80x16xf32, #tpu.memory_space<vmem_shared>>)
      tpu.yield
    }) : () -> ()
    %mul3A_60 = arith.constant 625 : i32
    %mul3A_61 = arith.muli %arg1, %mul3A_60 : i32
    %add3A_62 = arith.constant 560 : i32
    %add3A_63 = arith.addi %mul3A_61, %add3A_62 : i32
    "tpu.region"() ({
      %run_scoped3A = tpu.sem_alloc : memref<!tpu.dma_semaphore, #tpu.memory_space<semaphore_mem>>
      %dma_start3A_1164 = arith.constant 0 : i32
      %dma_start3A_1165 = arith.constant 0 : i32
      %dma_start3A_1166 = tpu.memref_slice %arg12[%dma_start3A_1164, %dma_start3A_1165] : memref<80x128xf32, #tpu.memory_space<vmem>> -> memref<65x128xf32, #tpu.memory_space<vmem>>
      %dma_start3A_1167 = arith.constant 0 : i32
      %dma_start3A_1168 = tpu.memref_slice %arg15[%add3A_63, %dma_start3A_1167] : memref<10000x128xf32, #tpu.memory_space<vmem_shared>> -> memref<65x128xf32, #tpu.memory_space<vmem_shared>>
      %dma_start3A_1169 = arith.constant 0 : i32
      %dma_start3A_1170 = tpu.memref_slice %arg15[%add3A_63, %dma_start3A_1169] : memref<10000x128xf32, #tpu.memory_space<vmem_shared>> -> memref<65x128xf32, #tpu.memory_space<vmem_shared>>
      %dma_start3A_1171 = arith.constant 0 : i32
      %dma_start3A_1172 = arith.constant 0 : i32
      %dma_start3A_1173 = tpu.memref_slice %arg12[%dma_start3A_1171, %dma_start3A_1172] : memref<80x128xf32, #tpu.memory_space<vmem>> -> memref<65x128xf32, #tpu.memory_space<vmem>>
      tpu.enqueue_dma source(%dma_start3A_1173 : memref<65x128xf32, #tpu.memory_space<vmem>>) target(%dma_start3A_1170 : memref<65x128xf32, #tpu.memory_space<vmem_shared>>) target_semaphore(%run_scoped3A : memref<!tpu.dma_semaphore, #tpu.memory_space<semaphore_mem>>)
      %dma_wait3A_1174 = arith.constant 0 : i32
      %dma_wait3A_1175 = arith.constant 0 : i32
      %dma_wait3A_1176 = tpu.memref_slice %arg12[%dma_wait3A_1174, %dma_wait3A_1175] : memref<80x128xf32, #tpu.memory_space<vmem>> -> memref<65x128xf32, #tpu.memory_space<vmem>>
      %dma_wait3A_1177 = arith.constant 0 : i32
      %dma_wait3A_1178 = tpu.memref_slice %arg15[%add3A_63, %dma_wait3A_1177] : memref<10000x128xf32, #tpu.memory_space<vmem_shared>> -> memref<65x128xf32, #tpu.memory_space<vmem_shared>>
      %dma_wait3A_1179 = arith.constant 0 : i32
      %dma_wait3A_1180 = tpu.memref_slice %arg15[%add3A_63, %dma_wait3A_1179] : memref<10000x128xf32, #tpu.memory_space<vmem_shared>> -> memref<65x128xf32, #tpu.memory_space<vmem_shared>>
      %dma_wait3A_1181 = arith.constant 0 : i32
      %dma_wait3A_1182 = arith.constant 0 : i32
      %dma_wait3A_1183 = tpu.memref_slice %arg12[%dma_wait3A_1181, %dma_wait3A_1182] : memref<80x128xf32, #tpu.memory_space<vmem>> -> memref<65x128xf32, #tpu.memory_space<vmem>>
      tpu.wait_dma2 semaphore(%run_scoped3A : memref<!tpu.dma_semaphore, #tpu.memory_space<semaphore_mem>>) src(%dma_wait3A_1183 : memref<65x128xf32, #tpu.memory_space<vmem>>) dst(%dma_wait3A_1180 : memref<65x128xf32, #tpu.memory_space<vmem_shared>>)
      tpu.yield
    }) : () -> ()
    %mul3A_64 = arith.constant 625 : i32
    %mul3A_65 = arith.muli %arg1, %mul3A_64 : i32
    %add3A_66 = arith.constant 560 : i32
    %add3A_67 = arith.addi %mul3A_65, %add3A_66 : i32
    "tpu.region"() ({
      %run_scoped3A = tpu.sem_alloc : memref<!tpu.dma_semaphore, #tpu.memory_space<semaphore_mem>>
      %dma_start3A_1164 = arith.constant 0 : i32
      %dma_start3A_1165 = arith.constant 0 : i32
      %dma_start3A_1166 = tpu.memref_slice %arg13[%dma_start3A_1164, %dma_start3A_1165] : memref<80x16xf32, #tpu.memory_space<vmem>> -> memref<65x16xf32, #tpu.memory_space<vmem>>
      %dma_start3A_1167 = arith.constant 0 : i32
      %dma_start3A_1168 = tpu.memref_slice %arg16[%add3A_67, %dma_start3A_1167] : memref<10000x16xf32, #tpu.memory_space<vmem_shared>> -> memref<65x16xf32, #tpu.memory_space<vmem_shared>>
      %dma_start3A_1169 = arith.constant 0 : i32
      %dma_start3A_1170 = tpu.memref_slice %arg16[%add3A_67, %dma_start3A_1169] : memref<10000x16xf32, #tpu.memory_space<vmem_shared>> -> memref<65x16xf32, #tpu.memory_space<vmem_shared>>
      %dma_start3A_1171 = arith.constant 0 : i32
      %dma_start3A_1172 = arith.constant 0 : i32
      %dma_start3A_1173 = tpu.memref_slice %arg13[%dma_start3A_1171, %dma_start3A_1172] : memref<80x16xf32, #tpu.memory_space<vmem>> -> memref<65x16xf32, #tpu.memory_space<vmem>>
      tpu.enqueue_dma source(%dma_start3A_1173 : memref<65x16xf32, #tpu.memory_space<vmem>>) target(%dma_start3A_1170 : memref<65x16xf32, #tpu.memory_space<vmem_shared>>) target_semaphore(%run_scoped3A : memref<!tpu.dma_semaphore, #tpu.memory_space<semaphore_mem>>)
      %dma_wait3A_1174 = arith.constant 0 : i32
      %dma_wait3A_1175 = arith.constant 0 : i32
      %dma_wait3A_1176 = tpu.memref_slice %arg13[%dma_wait3A_1174, %dma_wait3A_1175] : memref<80x16xf32, #tpu.memory_space<vmem>> -> memref<65x16xf32, #tpu.memory_space<vmem>>
      %dma_wait3A_1177 = arith.constant 0 : i32
      %dma_wait3A_1178 = tpu.memref_slice %arg16[%add3A_67, %dma_wait3A_1177] : memref<10000x16xf32, #tpu.memory_space<vmem_shared>> -> memref<65x16xf32, #tpu.memory_space<vmem_shared>>
      %dma_wait3A_1179 = arith.constant 0 : i32
      %dma_wait3A_1180 = tpu.memref_slice %arg16[%add3A_67, %dma_wait3A_1179] : memref<10000x16xf32, #tpu.memory_space<vmem_shared>> -> memref<65x16xf32, #tpu.memory_space<vmem_shared>>
      %dma_wait3A_1181 = arith.constant 0 : i32
      %dma_wait3A_1182 = arith.constant 0 : i32
      %dma_wait3A_1183 = tpu.memref_slice %arg13[%dma_wait3A_1181, %dma_wait3A_1182] : memref<80x16xf32, #tpu.memory_space<vmem>> -> memref<65x16xf32, #tpu.memory_space<vmem>>
      tpu.wait_dma2 semaphore(%run_scoped3A : memref<!tpu.dma_semaphore, #tpu.memory_space<semaphore_mem>>) src(%dma_wait3A_1183 : memref<65x16xf32, #tpu.memory_space<vmem>>) dst(%dma_wait3A_1180 : memref<65x16xf32, #tpu.memory_space<vmem_shared>>)
      tpu.yield
    }) : () -> ()
    %barrier3A = arith.constant 0 : index
    tpu.barrier barrier_id(%barrier3A)
    %mul3A_68 = arith.constant 16 : i32
    %mul3A_69 = arith.muli %arg0, %mul3A_68 : i32
    %add3A_70 = arith.addi %mul3A_69, %arg1 : i32
    %mul3A_71 = arith.constant 10000 : i32
    %mul3A_72 = arith.muli %add3A_70, %mul3A_71 : i32
    %add3A_73 = arith.constant 0 : i32
    %add3A_74 = arith.addi %mul3A_72, %add3A_73 : i32
    %dma_start3A = arith.constant 0 : i32
    %dma_start3A_75 = arith.constant 0 : i32
    %dma_start3A_76 = arith.constant 0 : i32
    %dma_start3A_77 = tpu.memref_slice %arg9[%dma_start3A, %dma_start3A_75, %dma_start3A_76] : memref<2x2x80xi32, #tpu.memory_space<vmem>> -> memref<1x2x80xi32, #tpu.memory_space<vmem>>
    %dma_start3A_78 = tpu.memref_squeeze %dma_start3A_77 : memref<1x2x80xi32, #tpu.memory_space<vmem>> -> memref<2x80xi32, #tpu.memory_space<vmem>>
    %dma_start3A_79 = arith.constant 0 : i32
    %dma_start3A_80 = tpu.memref_slice %arg6[%dma_start3A_79, %add3A_74] : memref<2x320000xi32, #tpu.memory_space<hbm>> -> memref<2x80xi32, #tpu.memory_space<hbm>>
    %dma_start3A_81 = arith.constant 0 : i32
    %dma_start3A_82 = arith.constant 0 : i32
    %dma_start3A_83 = tpu.memref_slice %arg9[%dma_start3A, %dma_start3A_81, %dma_start3A_82] : memref<2x2x80xi32, #tpu.memory_space<vmem>> -> memref<1x2x80xi32, #tpu.memory_space<vmem>>
    %dma_start3A_84 = tpu.memref_squeeze %dma_start3A_83 : memref<1x2x80xi32, #tpu.memory_space<vmem>> -> memref<2x80xi32, #tpu.memory_space<vmem>>
    %dma_start3A_85 = arith.constant 0 : i32
    %dma_start3A_86 = tpu.memref_slice %arg6[%dma_start3A_85, %add3A_74] : memref<2x320000xi32, #tpu.memory_space<hbm>> -> memref<2x80xi32, #tpu.memory_space<hbm>>
    tpu.enqueue_dma source(%dma_start3A_86 : memref<2x80xi32, #tpu.memory_space<hbm>>) target(%dma_start3A_84 : memref<2x80xi32, #tpu.memory_space<vmem>>) target_semaphore(%arg17 : memref<!tpu.dma_semaphore, #tpu.memory_space<semaphore_mem>>)
    %add3A_87 = arith.constant 80 : i32
    %add3A_88 = arith.addi %mul3A_72, %add3A_87 : i32
    %dma_start3A_89 = arith.constant 1 : i32
    %dma_start3A_90 = arith.constant 0 : i32
    %dma_start3A_91 = arith.constant 0 : i32
    %dma_start3A_92 = tpu.memref_slice %arg9[%dma_start3A_89, %dma_start3A_90, %dma_start3A_91] : memref<2x2x80xi32, #tpu.memory_space<vmem>> -> memref<1x2x80xi32, #tpu.memory_space<vmem>>
    %dma_start3A_93 = tpu.memref_squeeze %dma_start3A_92 : memref<1x2x80xi32, #tpu.memory_space<vmem>> -> memref<2x80xi32, #tpu.memory_space<vmem>>
    %dma_start3A_94 = arith.constant 0 : i32
    %dma_start3A_95 = tpu.memref_slice %arg6[%dma_start3A_94, %add3A_88] : memref<2x320000xi32, #tpu.memory_space<hbm>> -> memref<2x80xi32, #tpu.memory_space<hbm>>
    %dma_start3A_96 = arith.constant 0 : i32
    %dma_start3A_97 = arith.constant 0 : i32
    %dma_start3A_98 = tpu.memref_slice %arg9[%dma_start3A_89, %dma_start3A_96, %dma_start3A_97] : memref<2x2x80xi32, #tpu.memory_space<vmem>> -> memref<1x2x80xi32, #tpu.memory_space<vmem>>
    %dma_start3A_99 = tpu.memref_squeeze %dma_start3A_98 : memref<1x2x80xi32, #tpu.memory_space<vmem>> -> memref<2x80xi32, #tpu.memory_space<vmem>>
    %dma_start3A_100 = arith.constant 0 : i32
    %dma_start3A_101 = tpu.memref_slice %arg6[%dma_start3A_100, %add3A_88] : memref<2x320000xi32, #tpu.memory_space<hbm>> -> memref<2x80xi32, #tpu.memory_space<hbm>>
    tpu.enqueue_dma source(%dma_start3A_101 : memref<2x80xi32, #tpu.memory_space<hbm>>) target(%dma_start3A_99 : memref<2x80xi32, #tpu.memory_space<vmem>>) target_semaphore(%arg18 : memref<!tpu.dma_semaphore, #tpu.memory_space<semaphore_mem>>)
    %add3A_102 = arith.constant 0 : i32
    %add3A_103 = arith.addi %mul3A_72, %add3A_102 : i32
    %dma_start3A_104 = arith.constant 0 : i32
    %dma_start3A_105 = arith.constant 0 : i32
    %dma_start3A_106 = arith.constant 0 : i32
    %dma_start3A_107 = tpu.memref_slice %arg10[%dma_start3A_104, %dma_start3A_105, %dma_start3A_106] : memref<2x80x128xf32, #tpu.memory_space<vmem>> -> memref<1x80x128xf32, #tpu.memory_space<vmem>>
    %dma_start3A_108 = tpu.memref_squeeze %dma_start3A_107 : memref<1x80x128xf32, #tpu.memory_space<vmem>> -> memref<80x128xf32, #tpu.memory_space<vmem>>
    %dma_start3A_109 = arith.constant 0 : i32
    %dma_start3A_110 = tpu.memref_slice %arg4[%add3A_103, %dma_start3A_109] : memref<320000x128xf32, #tpu.memory_space<hbm>> -> memref<80x128xf32, #tpu.memory_space<hbm>>
    %dma_start3A_111 = arith.constant 0 : i32
    %dma_start3A_112 = arith.constant 0 : i32
    %dma_start3A_113 = tpu.memref_slice %arg10[%dma_start3A_104, %dma_start3A_111, %dma_start3A_112] : memref<2x80x128xf32, #tpu.memory_space<vmem>> -> memref<1x80x128xf32, #tpu.memory_space<vmem>>
    %dma_start3A_114 = tpu.memref_squeeze %dma_start3A_113 : memref<1x80x128xf32, #tpu.memory_space<vmem>> -> memref<80x128xf32, #tpu.memory_space<vmem>>
    %dma_start3A_115 = arith.constant 0 : i32
    %dma_start3A_116 = tpu.memref_slice %arg4[%add3A_103, %dma_start3A_115] : memref<320000x128xf32, #tpu.memory_space<hbm>> -> memref<80x128xf32, #tpu.memory_space<hbm>>
    tpu.enqueue_dma source(%dma_start3A_116 : memref<80x128xf32, #tpu.memory_space<hbm>>) target(%dma_start3A_114 : memref<80x128xf32, #tpu.memory_space<vmem>>) target_semaphore(%arg19 : memref<!tpu.dma_semaphore, #tpu.memory_space<semaphore_mem>>)
    %dma_start3A_117 = arith.constant 0 : i32
    %dma_start3A_118 = arith.constant 0 : i32
    %dma_start3A_119 = tpu.memref_slice %arg11[%dma_start3A_117, %dma_start3A_118] : memref<2x80xf32, #tpu.memory_space<vmem>> -> memref<1x80xf32, #tpu.memory_space<vmem>>
    %dma_start3A_120 = tpu.memref_squeeze %dma_start3A_119 : memref<1x80xf32, #tpu.memory_space<vmem>> -> memref<80xf32, #tpu.memory_space<vmem>>
    %dma_start3A_121 = tpu.memref_slice %arg5[%add3A_103] : memref<320000xf32, #tpu.memory_space<hbm>> -> memref<80xf32, #tpu.memory_space<hbm>>
    %dma_start3A_122 = arith.constant 0 : i32
    %dma_start3A_123 = tpu.memref_slice %arg11[%dma_start3A_117, %dma_start3A_122] : memref<2x80xf32, #tpu.memory_space<vmem>> -> memref<1x80xf32, #tpu.memory_space<vmem>>
    %dma_start3A_124 = tpu.memref_squeeze %dma_start3A_123 : memref<1x80xf32, #tpu.memory_space<vmem>> -> memref<80xf32, #tpu.memory_space<vmem>>
    %dma_start3A_125 = tpu.memref_slice %arg5[%add3A_103] : memref<320000xf32, #tpu.memory_space<hbm>> -> memref<80xf32, #tpu.memory_space<hbm>>
    tpu.enqueue_dma source(%dma_start3A_125 : memref<80xf32, #tpu.memory_space<hbm>>) target(%dma_start3A_124 : memref<80xf32, #tpu.memory_space<vmem>>) target_semaphore(%arg19 : memref<!tpu.dma_semaphore, #tpu.memory_space<semaphore_mem>>)
    %add3A_126 = arith.constant 80 : i32
    %add3A_127 = arith.addi %mul3A_72, %add3A_126 : i32
    %dma_start3A_128 = arith.constant 1 : i32
    %dma_start3A_129 = arith.constant 0 : i32
    %dma_start3A_130 = arith.constant 0 : i32
    %dma_start3A_131 = tpu.memref_slice %arg10[%dma_start3A_128, %dma_start3A_129, %dma_start3A_130] : memref<2x80x128xf32, #tpu.memory_space<vmem>> -> memref<1x80x128xf32, #tpu.memory_space<vmem>>
    %dma_start3A_132 = tpu.memref_squeeze %dma_start3A_131 : memref<1x80x128xf32, #tpu.memory_space<vmem>> -> memref<80x128xf32, #tpu.memory_space<vmem>>
    %dma_start3A_133 = arith.constant 0 : i32
    %dma_start3A_134 = tpu.memref_slice %arg4[%add3A_127, %dma_start3A_133] : memref<320000x128xf32, #tpu.memory_space<hbm>> -> memref<80x128xf32, #tpu.memory_space<hbm>>
    %dma_start3A_135 = arith.constant 0 : i32
    %dma_start3A_136 = arith.constant 0 : i32
    %dma_start3A_137 = tpu.memref_slice %arg10[%dma_start3A_128, %dma_start3A_135, %dma_start3A_136] : memref<2x80x128xf32, #tpu.memory_space<vmem>> -> memref<1x80x128xf32, #tpu.memory_space<vmem>>
    %dma_start3A_138 = tpu.memref_squeeze %dma_start3A_137 : memref<1x80x128xf32, #tpu.memory_space<vmem>> -> memref<80x128xf32, #tpu.memory_space<vmem>>
    %dma_start3A_139 = arith.constant 0 : i32
    %dma_start3A_140 = tpu.memref_slice %arg4[%add3A_127, %dma_start3A_139] : memref<320000x128xf32, #tpu.memory_space<hbm>> -> memref<80x128xf32, #tpu.memory_space<hbm>>
    tpu.enqueue_dma source(%dma_start3A_140 : memref<80x128xf32, #tpu.memory_space<hbm>>) target(%dma_start3A_138 : memref<80x128xf32, #tpu.memory_space<vmem>>) target_semaphore(%arg20 : memref<!tpu.dma_semaphore, #tpu.memory_space<semaphore_mem>>)
    %dma_start3A_141 = arith.constant 1 : i32
    %dma_start3A_142 = arith.constant 0 : i32
    %dma_start3A_143 = tpu.memref_slice %arg11[%dma_start3A_141, %dma_start3A_142] : memref<2x80xf32, #tpu.memory_space<vmem>> -> memref<1x80xf32, #tpu.memory_space<vmem>>
    %dma_start3A_144 = tpu.memref_squeeze %dma_start3A_143 : memref<1x80xf32, #tpu.memory_space<vmem>> -> memref<80xf32, #tpu.memory_space<vmem>>
    %dma_start3A_145 = tpu.memref_slice %arg5[%add3A_127] : memref<320000xf32, #tpu.memory_space<hbm>> -> memref<80xf32, #tpu.memory_space<hbm>>
    %dma_start3A_146 = arith.constant 0 : i32
    %dma_start3A_147 = tpu.memref_slice %arg11[%dma_start3A_141, %dma_start3A_146] : memref<2x80xf32, #tpu.memory_space<vmem>> -> memref<1x80xf32, #tpu.memory_space<vmem>>
    %dma_start3A_148 = tpu.memref_squeeze %dma_start3A_147 : memref<1x80xf32, #tpu.memory_space<vmem>> -> memref<80xf32, #tpu.memory_space<vmem>>
    %dma_start3A_149 = tpu.memref_slice %arg5[%add3A_127] : memref<320000xf32, #tpu.memory_space<hbm>> -> memref<80xf32, #tpu.memory_space<hbm>>
    tpu.enqueue_dma source(%dma_start3A_149 : memref<80xf32, #tpu.memory_space<hbm>>) target(%dma_start3A_148 : memref<80xf32, #tpu.memory_space<vmem>>) target_semaphore(%arg20 : memref<!tpu.dma_semaphore, #tpu.memory_space<semaphore_mem>>)
    %dma_wait3A = arith.constant 0 : i32
    %dma_wait3A_150 = arith.constant 0 : i32
    %dma_wait3A_151 = arith.constant 0 : i32
    %dma_wait3A_152 = tpu.memref_slice %arg9[%dma_wait3A, %dma_wait3A_150, %dma_wait3A_151] : memref<2x2x80xi32, #tpu.memory_space<vmem>> -> memref<1x2x80xi32, #tpu.memory_space<vmem>>
    %dma_wait3A_153 = tpu.memref_squeeze %dma_wait3A_152 : memref<1x2x80xi32, #tpu.memory_space<vmem>> -> memref<2x80xi32, #tpu.memory_space<vmem>>
    %dma_wait3A_154 = arith.constant 0 : i32
    %dma_wait3A_155 = arith.constant 0 : i32
    %dma_wait3A_156 = tpu.memref_slice %arg6[%dma_wait3A_154, %dma_wait3A_155] : memref<2x320000xi32, #tpu.memory_space<hbm>> -> memref<2x80xi32, #tpu.memory_space<hbm>>
    %dma_wait3A_157 = arith.constant 0 : i32
    %dma_wait3A_158 = arith.constant 0 : i32
    %dma_wait3A_159 = tpu.memref_slice %arg9[%dma_wait3A, %dma_wait3A_157, %dma_wait3A_158] : memref<2x2x80xi32, #tpu.memory_space<vmem>> -> memref<1x2x80xi32, #tpu.memory_space<vmem>>
    %dma_wait3A_160 = tpu.memref_squeeze %dma_wait3A_159 : memref<1x2x80xi32, #tpu.memory_space<vmem>> -> memref<2x80xi32, #tpu.memory_space<vmem>>
    %dma_wait3A_161 = arith.constant 0 : i32
    %dma_wait3A_162 = arith.constant 0 : i32
    %dma_wait3A_163 = tpu.memref_slice %arg6[%dma_wait3A_161, %dma_wait3A_162] : memref<2x320000xi32, #tpu.memory_space<hbm>> -> memref<2x80xi32, #tpu.memory_space<hbm>>
    tpu.wait_dma2 semaphore(%arg17 : memref<!tpu.dma_semaphore, #tpu.memory_space<semaphore_mem>>) src(%dma_wait3A_163 : memref<2x80xi32, #tpu.memory_space<hbm>>) dst(%dma_wait3A_160 : memref<2x80xi32, #tpu.memory_space<vmem>>)
    %dma_wait3A_164 = arith.constant 1 : i32
    %dma_wait3A_165 = arith.constant 0 : i32
    %dma_wait3A_166 = arith.constant 0 : i32
    %dma_wait3A_167 = tpu.memref_slice %arg9[%dma_wait3A_164, %dma_wait3A_165, %dma_wait3A_166] : memref<2x2x80xi32, #tpu.memory_space<vmem>> -> memref<1x2x80xi32, #tpu.memory_space<vmem>>
    %dma_wait3A_168 = tpu.memref_squeeze %dma_wait3A_167 : memref<1x2x80xi32, #tpu.memory_space<vmem>> -> memref<2x80xi32, #tpu.memory_space<vmem>>
    %dma_wait3A_169 = arith.constant 0 : i32
    %dma_wait3A_170 = arith.constant 0 : i32
    %dma_wait3A_171 = tpu.memref_slice %arg6[%dma_wait3A_169, %dma_wait3A_170] : memref<2x320000xi32, #tpu.memory_space<hbm>> -> memref<2x80xi32, #tpu.memory_space<hbm>>
    %dma_wait3A_172 = arith.constant 0 : i32
    %dma_wait3A_173 = arith.constant 0 : i32
    %dma_wait3A_174 = tpu.memref_slice %arg9[%dma_wait3A_164, %dma_wait3A_172, %dma_wait3A_173] : memref<2x2x80xi32, #tpu.memory_space<vmem>> -> memref<1x2x80xi32, #tpu.memory_space<vmem>>
    %dma_wait3A_175 = tpu.memref_squeeze %dma_wait3A_174 : memref<1x2x80xi32, #tpu.memory_space<vmem>> -> memref<2x80xi32, #tpu.memory_space<vmem>>
    %dma_wait3A_176 = arith.constant 0 : i32
    %dma_wait3A_177 = arith.constant 0 : i32
    %dma_wait3A_178 = tpu.memref_slice %arg6[%dma_wait3A_176, %dma_wait3A_177] : memref<2x320000xi32, #tpu.memory_space<hbm>> -> memref<2x80xi32, #tpu.memory_space<hbm>>
    tpu.wait_dma2 semaphore(%arg18 : memref<!tpu.dma_semaphore, #tpu.memory_space<semaphore_mem>>) src(%dma_wait3A_178 : memref<2x80xi32, #tpu.memory_space<hbm>>) dst(%dma_wait3A_175 : memref<2x80xi32, #tpu.memory_space<vmem>>)
    %dma_wait3A_179 = arith.constant 0 : i32
    %dma_wait3A_180 = arith.constant 0 : i32
    %dma_wait3A_181 = arith.constant 0 : i32
    %dma_wait3A_182 = tpu.memref_slice %arg10[%dma_wait3A_179, %dma_wait3A_180, %dma_wait3A_181] : memref<2x80x128xf32, #tpu.memory_space<vmem>> -> memref<1x80x128xf32, #tpu.memory_space<vmem>>
    %dma_wait3A_183 = tpu.memref_squeeze %dma_wait3A_182 : memref<1x80x128xf32, #tpu.memory_space<vmem>> -> memref<80x128xf32, #tpu.memory_space<vmem>>
    %dma_wait3A_184 = arith.constant 0 : i32
    %dma_wait3A_185 = arith.constant 0 : i32
    %dma_wait3A_186 = tpu.memref_slice %arg4[%dma_wait3A_184, %dma_wait3A_185] : memref<320000x128xf32, #tpu.memory_space<hbm>> -> memref<80x128xf32, #tpu.memory_space<hbm>>
    %dma_wait3A_187 = arith.constant 0 : i32
    %dma_wait3A_188 = arith.constant 0 : i32
    %dma_wait3A_189 = tpu.memref_slice %arg10[%dma_wait3A_179, %dma_wait3A_187, %dma_wait3A_188] : memref<2x80x128xf32, #tpu.memory_space<vmem>> -> memref<1x80x128xf32, #tpu.memory_space<vmem>>
    %dma_wait3A_190 = tpu.memref_squeeze %dma_wait3A_189 : memref<1x80x128xf32, #tpu.memory_space<vmem>> -> memref<80x128xf32, #tpu.memory_space<vmem>>
    %dma_wait3A_191 = arith.constant 0 : i32
    %dma_wait3A_192 = arith.constant 0 : i32
    %dma_wait3A_193 = tpu.memref_slice %arg4[%dma_wait3A_191, %dma_wait3A_192] : memref<320000x128xf32, #tpu.memory_space<hbm>> -> memref<80x128xf32, #tpu.memory_space<hbm>>
    tpu.wait_dma2 semaphore(%arg19 : memref<!tpu.dma_semaphore, #tpu.memory_space<semaphore_mem>>) src(%dma_wait3A_193 : memref<80x128xf32, #tpu.memory_space<hbm>>) dst(%dma_wait3A_190 : memref<80x128xf32, #tpu.memory_space<vmem>>)
    %dma_wait3A_194 = arith.constant 0 : i32
    %dma_wait3A_195 = arith.constant 0 : i32
    %dma_wait3A_196 = tpu.memref_slice %arg11[%dma_wait3A_194, %dma_wait3A_195] : memref<2x80xf32, #tpu.memory_space<vmem>> -> memref<1x80xf32, #tpu.memory_space<vmem>>
    %dma_wait3A_197 = tpu.memref_squeeze %dma_wait3A_196 : memref<1x80xf32, #tpu.memory_space<vmem>> -> memref<80xf32, #tpu.memory_space<vmem>>
    %dma_wait3A_198 = arith.constant 0 : i32
    %dma_wait3A_199 = tpu.memref_slice %arg5[%dma_wait3A_198] : memref<320000xf32, #tpu.memory_space<hbm>> -> memref<80xf32, #tpu.memory_space<hbm>>
    %dma_wait3A_200 = arith.constant 0 : i32
    %dma_wait3A_201 = tpu.memref_slice %arg11[%dma_wait3A_194, %dma_wait3A_200] : memref<2x80xf32, #tpu.memory_space<vmem>> -> memref<1x80xf32, #tpu.memory_space<vmem>>
    %dma_wait3A_202 = tpu.memref_squeeze %dma_wait3A_201 : memref<1x80xf32, #tpu.memory_space<vmem>> -> memref<80xf32, #tpu.memory_space<vmem>>
    %dma_wait3A_203 = arith.constant 0 : i32
    %dma_wait3A_204 = tpu.memref_slice %arg5[%dma_wait3A_203] : memref<320000xf32, #tpu.memory_space<hbm>> -> memref<80xf32, #tpu.memory_space<hbm>>
    tpu.wait_dma2 semaphore(%arg19 : memref<!tpu.dma_semaphore, #tpu.memory_space<semaphore_mem>>) src(%dma_wait3A_204 : memref<80xf32, #tpu.memory_space<hbm>>) dst(%dma_wait3A_202 : memref<80xf32, #tpu.memory_space<vmem>>)
    %dma_start3A_205 = arith.constant 0 : i32
    %dma_start3A_206 = arith.constant 0 : i32
    %dma_start3A_207 = arith.constant 0 : i32
    %dma_start3A_208 = arith.constant 0 : i32
    %dma_start3A_209 = arith.constant 0 : i32
    %dma_start3A_210 = tpu.memref_slice %arg10[%dma_start3A_207, %dma_start3A_208, %dma_start3A_209] : memref<2x80x128xf32, #tpu.memory_space<vmem>> -> memref<1x80x128xf32, #tpu.memory_space<vmem>>
    %dma_start3A_211 = tpu.memref_squeeze %dma_start3A_210 : memref<1x80x128xf32, #tpu.memory_space<vmem>> -> memref<80x128xf32, #tpu.memory_space<vmem>>
    %dma_start3A_212 = arith.constant 0 : i32
    %dma_start3A_213 = tpu.memref_slice %arg9[%dma_start3A_205, %dma_start3A_206, %dma_start3A_212] : memref<2x2x80xi32, #tpu.memory_space<vmem>> -> memref<1x1x80xi32, #tpu.memory_space<vmem>>
    %dma_start3A_214 = tpu.memref_squeeze %dma_start3A_213 : memref<1x1x80xi32, #tpu.memory_space<vmem>> -> memref<80xi32, #tpu.memory_space<vmem>>
    %dma_start3A_215 = arith.constant 0 : i32
    %dma_start3A_216 = arith.constant 0 : i32
    %dma_start3A_217 = tpu.memref_slice %arg2[%dma_start3A_215, %dma_start3A_216] : memref<10000x128xf32, #tpu.memory_space<hbm>> -> memref<10000x128xf32, #tpu.memory_space<hbm>>
    tpu.enqueue_indirect_dma source(%dma_start3A_217 : memref<10000x128xf32, #tpu.memory_space<hbm>>) target(%dma_start3A_211 : memref<80x128xf32, #tpu.memory_space<vmem>>) offsets(%dma_start3A_214 : memref<80xi32, #tpu.memory_space<vmem>>) semaphore(%arg21 : memref<!tpu.dma_semaphore, #tpu.memory_space<semaphore_mem>>) {add = true}
    %dma_start3A_218 = arith.constant 0 : i32
    %dma_start3A_219 = arith.constant 1 : i32
    %dma_start3A_220 = arith.constant 0 : i32
    %dma_start3A_221 = arith.constant 0 : i32
    %dma_start3A_222 = arith.constant 0 : i32
    %dma_start3A_223 = tpu.memref_slice %arg10[%dma_start3A_220, %dma_start3A_221, %dma_start3A_222] : memref<2x80x128xf32, #tpu.memory_space<vmem>> -> memref<1x80x128xf32, #tpu.memory_space<vmem>>
    %dma_start3A_224 = tpu.memref_squeeze %dma_start3A_223 : memref<1x80x128xf32, #tpu.memory_space<vmem>> -> memref<80x128xf32, #tpu.memory_space<vmem>>
    %dma_start3A_225 = arith.constant 0 : i32
    %dma_start3A_226 = tpu.memref_slice %arg9[%dma_start3A_218, %dma_start3A_219, %dma_start3A_225] : memref<2x2x80xi32, #tpu.memory_space<vmem>> -> memref<1x1x80xi32, #tpu.memory_space<vmem>>
    %dma_start3A_227 = tpu.memref_squeeze %dma_start3A_226 : memref<1x1x80xi32, #tpu.memory_space<vmem>> -> memref<80xi32, #tpu.memory_space<vmem>>
    %dma_start3A_228 = arith.constant 0 : i32
    %dma_start3A_229 = arith.constant 0 : i32
    %dma_start3A_230 = tpu.memref_slice %arg3[%dma_start3A_228, %dma_start3A_229] : memref<10000x128xf32, #tpu.memory_space<hbm>> -> memref<10000x128xf32, #tpu.memory_space<hbm>>
    tpu.enqueue_indirect_dma source(%dma_start3A_230 : memref<10000x128xf32, #tpu.memory_space<hbm>>) target(%dma_start3A_224 : memref<80x128xf32, #tpu.memory_space<vmem>>) offsets(%dma_start3A_227 : memref<80xi32, #tpu.memory_space<vmem>>) semaphore(%arg21 : memref<!tpu.dma_semaphore, #tpu.memory_space<semaphore_mem>>) {add = true}
    %dma_wait3A_231 = arith.constant 0 : i32
    %dma_wait3A_232 = arith.constant 0 : i32
    %dma_wait3A_233 = arith.constant 0 : i32
    %dma_wait3A_234 = arith.constant 0 : i32
    %dma_wait3A_235 = arith.constant 0 : i32
    %dma_wait3A_236 = tpu.memref_slice %arg10[%dma_wait3A_233, %dma_wait3A_234, %dma_wait3A_235] : memref<2x80x128xf32, #tpu.memory_space<vmem>> -> memref<1x80x128xf32, #tpu.memory_space<vmem>>
    %dma_wait3A_237 = tpu.memref_squeeze %dma_wait3A_236 : memref<1x80x128xf32, #tpu.memory_space<vmem>> -> memref<80x128xf32, #tpu.memory_space<vmem>>
    %dma_wait3A_238 = arith.constant 0 : i32
    %dma_wait3A_239 = tpu.memref_slice %arg9[%dma_wait3A_231, %dma_wait3A_232, %dma_wait3A_238] : memref<2x2x80xi32, #tpu.memory_space<vmem>> -> memref<1x1x80xi32, #tpu.memory_space<vmem>>
    %dma_wait3A_240 = tpu.memref_squeeze %dma_wait3A_239 : memref<1x1x80xi32, #tpu.memory_space<vmem>> -> memref<80xi32, #tpu.memory_space<vmem>>
    %dma_wait3A_241 = arith.constant 0 : i32
    %dma_wait3A_242 = arith.constant 0 : i32
    %dma_wait3A_243 = tpu.memref_slice %arg2[%dma_wait3A_241, %dma_wait3A_242] : memref<10000x128xf32, #tpu.memory_space<hbm>> -> memref<10000x128xf32, #tpu.memory_space<hbm>>
    tpu.wait_indirect_dma semaphore(%arg21 : memref<!tpu.dma_semaphore, #tpu.memory_space<semaphore_mem>>) src(%dma_wait3A_243 : memref<10000x128xf32, #tpu.memory_space<hbm>>) dst(%dma_wait3A_237 : memref<80x128xf32, #tpu.memory_space<vmem>>)
    %dma_wait3A_244 = arith.constant 0 : i32
    %dma_wait3A_245 = arith.constant 1 : i32
    %dma_wait3A_246 = arith.constant 0 : i32
    %dma_wait3A_247 = arith.constant 0 : i32
    %dma_wait3A_248 = arith.constant 0 : i32
    %dma_wait3A_249 = tpu.memref_slice %arg10[%dma_wait3A_246, %dma_wait3A_247, %dma_wait3A_248] : memref<2x80x128xf32, #tpu.memory_space<vmem>> -> memref<1x80x128xf32, #tpu.memory_space<vmem>>
    %dma_wait3A_250 = tpu.memref_squeeze %dma_wait3A_249 : memref<1x80x128xf32, #tpu.memory_space<vmem>> -> memref<80x128xf32, #tpu.memory_space<vmem>>
    %dma_wait3A_251 = arith.constant 0 : i32
    %dma_wait3A_252 = tpu.memref_slice %arg9[%dma_wait3A_244, %dma_wait3A_245, %dma_wait3A_251] : memref<2x2x80xi32, #tpu.memory_space<vmem>> -> memref<1x1x80xi32, #tpu.memory_space<vmem>>
    %dma_wait3A_253 = tpu.memref_squeeze %dma_wait3A_252 : memref<1x1x80xi32, #tpu.memory_space<vmem>> -> memref<80xi32, #tpu.memory_space<vmem>>
    %dma_wait3A_254 = arith.constant 0 : i32
    %dma_wait3A_255 = arith.constant 0 : i32
    %dma_wait3A_256 = tpu.memref_slice %arg3[%dma_wait3A_254, %dma_wait3A_255] : memref<10000x128xf32, #tpu.memory_space<hbm>> -> memref<10000x128xf32, #tpu.memory_space<hbm>>
    tpu.wait_indirect_dma semaphore(%arg21 : memref<!tpu.dma_semaphore, #tpu.memory_space<semaphore_mem>>) src(%dma_wait3A_256 : memref<10000x128xf32, #tpu.memory_space<hbm>>) dst(%dma_wait3A_250 : memref<80x128xf32, #tpu.memory_space<vmem>>)
    %get3A = arith.constant 0 : i32
    %get3A_257 = arith.constant 0 : i32
    %get3A_258 = arith.index_cast %get3A : i32 to index
    %get3A_259 = arith.index_cast %get3A_257 : i32 to index
    %get3A_260 = arith.constant 0 : index
    %get3A_261 = tpu.vector_load %arg9[%get3A_258, %get3A_259, %get3A_260] {strides = array<i32>} : memref<2x2x80xi32, #tpu.memory_space<vmem>>, vector<16xi32>,
    %swap3A = arith.constant 0 : i32
    %swap3A_262 = arith.index_cast %swap3A : i32 to index
    %swap3A_263 = arith.constant 0 : index
    %swap3A_264 = tpu.vector_load %arg14[%swap3A_262, %swap3A_263] {strides = array<i32>} : memref<2x80xi32, #tpu.memory_space<vmem>>, vector<16xi32>,
    tpu.vector_store %arg14[%swap3A_262, %swap3A_263], %get3A_261 {strides = array<i32>} : memref<2x80xi32, #tpu.memory_space<vmem>>, vector<16xi32>,
    %get3A_265 = arith.constant 0 : i32
    %get3A_266 = arith.constant 0 : i32
    %get3A_267 = arith.index_cast %get3A_265 : i32 to index
    %get3A_268 = arith.index_cast %get3A_266 : i32 to index
    %get3A_269 = arith.constant 16 : index
    %get3A_270 = tpu.vector_load %arg9[%get3A_267, %get3A_268, %get3A_269] {strides = array<i32>} : memref<2x2x80xi32, #tpu.memory_space<vmem>>, vector<16xi32>,
    %swap3A_271 = arith.constant 0 : i32
    %swap3A_272 = arith.index_cast %swap3A_271 : i32 to index
    %swap3A_273 = arith.constant 16 : index
    %swap3A_274 = tpu.vector_load %arg14[%swap3A_272, %swap3A_273] {strides = array<i32>} : memref<2x80xi32, #tpu.memory_space<vmem>>, vector<16xi32>,
    tpu.vector_store %arg14[%swap3A_272, %swap3A_273], %get3A_270 {strides = array<i32>} : memref<2x80xi32, #tpu.memory_space<vmem>>, vector<16xi32>,
    %get3A_275 = arith.constant 0 : i32
    %get3A_276 = arith.constant 0 : i32
    %get3A_277 = arith.index_cast %get3A_275 : i32 to index
    %get3A_278 = arith.index_cast %get3A_276 : i32 to index
    %get3A_279 = arith.constant 32 : index
    %get3A_280 = tpu.vector_load %arg9[%get3A_277, %get3A_278, %get3A_279] {strides = array<i32>} : memref<2x2x80xi32, #tpu.memory_space<vmem>>, vector<16xi32>,
    %swap3A_281 = arith.constant 0 : i32
    %swap3A_282 = arith.index_cast %swap3A_281 : i32 to index
    %swap3A_283 = arith.constant 32 : index
    %swap3A_284 = tpu.vector_load %arg14[%swap3A_282, %swap3A_283] {strides = array<i32>} : memref<2x80xi32, #tpu.memory_space<vmem>>, vector<16xi32>,
    tpu.vector_store %arg14[%swap3A_282, %swap3A_283], %get3A_280 {strides = array<i32>} : memref<2x80xi32, #tpu.memory_space<vmem>>, vector<16xi32>,
    %get3A_285 = arith.constant 0 : i32
    %get3A_286 = arith.constant 0 : i32
    %get3A_287 = arith.index_cast %get3A_285 : i32 to index
    %get3A_288 = arith.index_cast %get3A_286 : i32 to index
    %get3A_289 = arith.constant 48 : index
    %get3A_290 = tpu.vector_load %arg9[%get3A_287, %get3A_288, %get3A_289] {strides = array<i32>} : memref<2x2x80xi32, #tpu.memory_space<vmem>>, vector<16xi32>,
    %swap3A_291 = arith.constant 0 : i32
    %swap3A_292 = arith.index_cast %swap3A_291 : i32 to index
    %swap3A_293 = arith.constant 48 : index
    %swap3A_294 = tpu.vector_load %arg14[%swap3A_292, %swap3A_293] {strides = array<i32>} : memref<2x80xi32, #tpu.memory_space<vmem>>, vector<16xi32>,
    tpu.vector_store %arg14[%swap3A_292, %swap3A_293], %get3A_290 {strides = array<i32>} : memref<2x80xi32, #tpu.memory_space<vmem>>, vector<16xi32>,
    %get3A_295 = arith.constant 0 : i32
    %get3A_296 = arith.constant 0 : i32
    %get3A_297 = arith.index_cast %get3A_295 : i32 to index
    %get3A_298 = arith.index_cast %get3A_296 : i32 to index
    %get3A_299 = arith.constant 64 : index
    %get3A_300 = tpu.vector_load %arg9[%get3A_297, %get3A_298, %get3A_299] {strides = array<i32>} : memref<2x2x80xi32, #tpu.memory_space<vmem>>, vector<16xi32>,
    %swap3A_301 = arith.constant 0 : i32
    %swap3A_302 = arith.index_cast %swap3A_301 : i32 to index
    %swap3A_303 = arith.constant 64 : index
    %swap3A_304 = tpu.vector_load %arg14[%swap3A_302, %swap3A_303] {strides = array<i32>} : memref<2x80xi32, #tpu.memory_space<vmem>>, vector<16xi32>,
    tpu.vector_store %arg14[%swap3A_302, %swap3A_303], %get3A_300 {strides = array<i32>} : memref<2x80xi32, #tpu.memory_space<vmem>>, vector<16xi32>,
    %add3A_305 = arith.constant 160 : i32
    %add3A_306 = arith.addi %mul3A_72, %add3A_305 : i32
    %dma_start3A_307 = arith.constant 0 : i32
    %dma_start3A_308 = arith.constant 0 : i32
    %dma_start3A_309 = arith.constant 0 : i32
    %dma_start3A_310 = tpu.memref_slice %arg9[%dma_start3A_307, %dma_start3A_308, %dma_start3A_309] : memref<2x2x80xi32, #tpu.memory_space<vmem>> -> memref<1x2x80xi32, #tpu.memory_space<vmem>>
    %dma_start3A_311 = tpu.memref_squeeze %dma_start3A_310 : memref<1x2x80xi32, #tpu.memory_space<vmem>> -> memref<2x80xi32, #tpu.memory_space<vmem>>
    %dma_start3A_312 = arith.constant 0 : i32
    %dma_start3A_313 = tpu.memref_slice %arg6[%dma_start3A_312, %add3A_306] : memref<2x320000xi32, #tpu.memory_space<hbm>> -> memref<2x80xi32, #tpu.memory_space<hbm>>
    %dma_start3A_314 = arith.constant 0 : i32
    %dma_start3A_315 = arith.constant 0 : i32
    %dma_start3A_316 = tpu.memref_slice %arg9[%dma_start3A_307, %dma_start3A_314, %dma_start3A_315] : memref<2x2x80xi32, #tpu.memory_space<vmem>> -> memref<1x2x80xi32, #tpu.memory_space<vmem>>
    %dma_start3A_317 = tpu.memref_squeeze %dma_start3A_316 : memref<1x2x80xi32, #tpu.memory_space<vmem>> -> memref<2x80xi32, #tpu.memory_space<vmem>>
    %dma_start3A_318 = arith.constant 0 : i32
    %dma_start3A_319 = tpu.memref_slice %arg6[%dma_start3A_318, %add3A_306] : memref<2x320000xi32, #tpu.memory_space<hbm>> -> memref<2x80xi32, #tpu.memory_space<hbm>>
    tpu.enqueue_dma source(%dma_start3A_319 : memref<2x80xi32, #tpu.memory_space<hbm>>) target(%dma_start3A_317 : memref<2x80xi32, #tpu.memory_space<vmem>>) target_semaphore(%arg17 : memref<!tpu.dma_semaphore, #tpu.memory_space<semaphore_mem>>)
    %dma_wait3A_320 = arith.constant 1 : i32
    %dma_wait3A_321 = arith.constant 0 : i32
    %dma_wait3A_322 = arith.constant 0 : i32
    %dma_wait3A_323 = tpu.memref_slice %arg10[%dma_wait3A_320, %dma_wait3A_321, %dma_wait3A_322] : memref<2x80x128xf32, #tpu.memory_space<vmem>> -> memref<1x80x128xf32, #tpu.memory_space<vmem>>
    %dma_wait3A_324 = tpu.memref_squeeze %dma_wait3A_323 : memref<1x80x128xf32, #tpu.memory_space<vmem>> -> memref<80x128xf32, #tpu.memory_space<vmem>>
    %dma_wait3A_325 = arith.constant 0 : i32
    %dma_wait3A_326 = arith.constant 0 : i32
    %dma_wait3A_327 = tpu.memref_slice %arg4[%dma_wait3A_325, %dma_wait3A_326] : memref<320000x128xf32, #tpu.memory_space<hbm>> -> memref<80x128xf32, #tpu.memory_space<hbm>>
    %dma_wait3A_328 = arith.constant 0 : i32
    %dma_wait3A_329 = arith.constant 0 : i32
    %dma_wait3A_330 = tpu.memref_slice %arg10[%dma_wait3A_320, %dma_wait3A_328, %dma_wait3A_329] : memref<2x80x128xf32, #tpu.memory_space<vmem>> -> memref<1x80x128xf32, #tpu.memory_space<vmem>>
    %dma_wait3A_331 = tpu.memref_squeeze %dma_wait3A_330 : memref<1x80x128xf32, #tpu.memory_space<vmem>> -> memref<80x128xf32, #tpu.memory_space<vmem>>
    %dma_wait3A_332 = arith.constant 0 : i32
    %dma_wait3A_333 = arith.constant 0 : i32
    %dma_wait3A_334 = tpu.memref_slice %arg4[%dma_wait3A_332, %dma_wait3A_333] : memref<320000x128xf32, #tpu.memory_space<hbm>> -> memref<80x128xf32, #tpu.memory_space<hbm>>
    tpu.wait_dma2 semaphore(%arg20 : memref<!tpu.dma_semaphore, #tpu.memory_space<semaphore_mem>>) src(%dma_wait3A_334 : memref<80x128xf32, #tpu.memory_space<hbm>>) dst(%dma_wait3A_331 : memref<80x128xf32, #tpu.memory_space<vmem>>)
    %dma_wait3A_335 = arith.constant 1 : i32
    %dma_wait3A_336 = arith.constant 0 : i32
    %dma_wait3A_337 = tpu.memref_slice %arg11[%dma_wait3A_335, %dma_wait3A_336] : memref<2x80xf32, #tpu.memory_space<vmem>> -> memref<1x80xf32, #tpu.memory_space<vmem>>
    %dma_wait3A_338 = tpu.memref_squeeze %dma_wait3A_337 : memref<1x80xf32, #tpu.memory_space<vmem>> -> memref<80xf32, #tpu.memory_space<vmem>>
    %dma_wait3A_339 = arith.constant 0 : i32
    %dma_wait3A_340 = tpu.memref_slice %arg5[%dma_wait3A_339] : memref<320000xf32, #tpu.memory_space<hbm>> -> memref<80xf32, #tpu.memory_space<hbm>>
    %dma_wait3A_341 = arith.constant 0 : i32
    %dma_wait3A_342 = tpu.memref_slice %arg11[%dma_wait3A_335, %dma_wait3A_341] : memref<2x80xf32, #tpu.memory_space<vmem>> -> memref<1x80xf32, #tpu.memory_space<vmem>>
    %dma_wait3A_343 = tpu.memref_squeeze %dma_wait3A_342 : memref<1x80xf32, #tpu.memory_space<vmem>> -> memref<80xf32, #tpu.memory_space<vmem>>
    %dma_wait3A_344 = arith.constant 0 : i32
    %dma_wait3A_345 = tpu.memref_slice %arg5[%dma_wait3A_344] : memref<320000xf32, #tpu.memory_space<hbm>> -> memref<80xf32, #tpu.memory_space<hbm>>
    tpu.wait_dma2 semaphore(%arg20 : memref<!tpu.dma_semaphore, #tpu.memory_space<semaphore_mem>>) src(%dma_wait3A_345 : memref<80xf32, #tpu.memory_space<hbm>>) dst(%dma_wait3A_343 : memref<80xf32, #tpu.memory_space<vmem>>)
    %dma_start3A_346 = arith.constant 1 : i32
    %dma_start3A_347 = arith.constant 0 : i32
    %dma_start3A_348 = arith.constant 1 : i32
    %dma_start3A_349 = arith.constant 0 : i32
    %dma_start3A_350 = arith.constant 0 : i32
    %dma_start3A_351 = tpu.memref_slice %arg10[%dma_start3A_348, %dma_start3A_349, %dma_start3A_350] : memref<2x80x128xf32, #tpu.memory_space<vmem>> -> memref<1x80x128xf32, #tpu.memory_space<vmem>>
    %dma_start3A_352 = tpu.memref_squeeze %dma_start3A_351 : memref<1x80x128xf32, #tpu.memory_space<vmem>> -> memref<80x128xf32, #tpu.memory_space<vmem>>
    %dma_start3A_353 = arith.constant 0 : i32
    %dma_start3A_354 = tpu.memref_slice %arg9[%dma_start3A_346, %dma_start3A_347, %dma_start3A_353] : memref<2x2x80xi32, #tpu.memory_space<vmem>> -> memref<1x1x80xi32, #tpu.memory_space<vmem>>
    %dma_start3A_355 = tpu.memref_squeeze %dma_start3A_354 : memref<1x1x80xi32, #tpu.memory_space<vmem>> -> memref<80xi32, #tpu.memory_space<vmem>>
    %dma_start3A_356 = arith.constant 0 : i32
    %dma_start3A_357 = arith.constant 0 : i32
    %dma_start3A_358 = tpu.memref_slice %arg2[%dma_start3A_356, %dma_start3A_357] : memref<10000x128xf32, #tpu.memory_space<hbm>> -> memref<10000x128xf32, #tpu.memory_space<hbm>>
    tpu.enqueue_indirect_dma source(%dma_start3A_358 : memref<10000x128xf32, #tpu.memory_space<hbm>>) target(%dma_start3A_352 : memref<80x128xf32, #tpu.memory_space<vmem>>) offsets(%dma_start3A_355 : memref<80xi32, #tpu.memory_space<vmem>>) semaphore(%arg22 : memref<!tpu.dma_semaphore, #tpu.memory_space<semaphore_mem>>) {add = true}
    %dma_start3A_359 = arith.constant 1 : i32
    %dma_start3A_360 = arith.constant 1 : i32
    %dma_start3A_361 = arith.constant 1 : i32
    %dma_start3A_362 = arith.constant 0 : i32
    %dma_start3A_363 = arith.constant 0 : i32
    %dma_start3A_364 = tpu.memref_slice %arg10[%dma_start3A_361, %dma_start3A_362, %dma_start3A_363] : memref<2x80x128xf32, #tpu.memory_space<vmem>> -> memref<1x80x128xf32, #tpu.memory_space<vmem>>
    %dma_start3A_365 = tpu.memref_squeeze %dma_start3A_364 : memref<1x80x128xf32, #tpu.memory_space<vmem>> -> memref<80x128xf32, #tpu.memory_space<vmem>>
    %dma_start3A_366 = arith.constant 0 : i32
    %dma_start3A_367 = tpu.memref_slice %arg9[%dma_start3A_359, %dma_start3A_360, %dma_start3A_366] : memref<2x2x80xi32, #tpu.memory_space<vmem>> -> memref<1x1x80xi32, #tpu.memory_space<vmem>>
    %dma_start3A_368 = tpu.memref_squeeze %dma_start3A_367 : memref<1x1x80xi32, #tpu.memory_space<vmem>> -> memref<80xi32, #tpu.memory_space<vmem>>
    %dma_start3A_369 = arith.constant 0 : i32
    %dma_start3A_370 = arith.constant 0 : i32
    %dma_start3A_371 = tpu.memref_slice %arg3[%dma_start3A_369, %dma_start3A_370] : memref<10000x128xf32, #tpu.memory_space<hbm>> -> memref<10000x128xf32, #tpu.memory_space<hbm>>
    tpu.enqueue_indirect_dma source(%dma_start3A_371 : memref<10000x128xf32, #tpu.memory_space<hbm>>) target(%dma_start3A_365 : memref<80x128xf32, #tpu.memory_space<vmem>>) offsets(%dma_start3A_368 : memref<80xi32, #tpu.memory_space<vmem>>) semaphore(%arg22 : memref<!tpu.dma_semaphore, #tpu.memory_space<semaphore_mem>>) {add = true}
    %scan3A_372 = arith.constant 0 : i32
    %scan3A_373 = arith.constant 0 : i32
    %scan3A_374 = arith.constant 80 : i32
    %scan3A_375 = arith.addi %scan3A_373, %scan3A_374 : i32
    %scan3A_376 = arith.constant 1 : i32
    scf.for %scan3A_1164 = %scan3A_373 to %scan3A_375 step %scan3A_376  : i32 {
      %broadcast_in_dim3A_1165 = vector.broadcast %scan3A_1164 : i32 to vector<16xi32>
      %gather3A = arith.constant 0 : i32
      %gather3A_1166 = arith.constant 0 : i32
      %gather3A_1167 = tpu.memref_slice %arg11[%gather3A, %gather3A_1166] : memref<2x80xf32, #tpu.memory_space<vmem>> -> memref<1x80xf32, #tpu.memory_space<vmem>>
      %gather3A_1168 = tpu.memref_squeeze %gather3A_1167 : memref<1x80xf32, #tpu.memory_space<vmem>> -> memref<80xf32, #tpu.memory_space<vmem>>
      %gather3A_1169 = tpu.vector_load_idx %gather3A_1168[%broadcast_in_dim3A_1165] : memref<80xf32, #tpu.memory_space<vmem>>[vector<16xi32>], vector<16xf32>,
      %get3A_1170 = arith.constant 0 : i32
      %get3A_1171 = arith.index_cast %get3A_1170 : i32 to index
      %get3A_1172 = arith.index_cast %scan3A_1164 : i32 to index
      %get3A_1173 = arith.constant 0 : index
      %get3A_1174 = tpu.vector_load %arg10[%get3A_1171, %get3A_1172, %get3A_1173] {strides = array<i32>} : memref<2x80x128xf32, #tpu.memory_space<vmem>>, vector<16xf32>,
      %max3A = arith.constant 0.000000e+00 : f32
      %max3A_1175 = vector.broadcast %max3A : f32 to vector<16xf32>
      %max3A_1176 = arith.maximumf %get3A_1174, %max3A_1175 : vector<16xf32>
      %mul3A_1177 = arith.mulf %max3A_1176, %gather3A_1169 : vector<16xf32>
      %swap3A_1178 = arith.index_cast %scan3A_1164 : i32 to index
      %swap3A_1179 = arith.constant 0 : index
      %swap3A_1180 = tpu.vector_load %arg12[%swap3A_1178, %swap3A_1179] {strides = array<i32>} : memref<80x128xf32, #tpu.memory_space<vmem>>, vector<16xf32>,
      tpu.vector_store %arg12[%swap3A_1178, %swap3A_1179], %mul3A_1177 {strides = array<i32>} : memref<80x128xf32, #tpu.memory_space<vmem>>, vector<16xf32>,
      %get3A_1181 = arith.constant 0 : i32
      %get3A_1182 = arith.index_cast %get3A_1181 : i32 to index
      %get3A_1183 = arith.index_cast %scan3A_1164 : i32 to index
      %get3A_1184 = arith.constant 16 : index
      %get3A_1185 = tpu.vector_load %arg10[%get3A_1182, %get3A_1183, %get3A_1184] {strides = array<i32>} : memref<2x80x128xf32, #tpu.memory_space<vmem>>, vector<16xf32>,
      %max3A_1186 = arith.constant 0.000000e+00 : f32
      %max3A_1187 = vector.broadcast %max3A_1186 : f32 to vector<16xf32>
      %max3A_1188 = arith.maximumf %get3A_1185, %max3A_1187 : vector<16xf32>
      %mul3A_1189 = arith.mulf %max3A_1188, %gather3A_1169 : vector<16xf32>
      %swap3A_1190 = arith.index_cast %scan3A_1164 : i32 to index
      %swap3A_1191 = arith.constant 16 : index
      %swap3A_1192 = tpu.vector_load %arg12[%swap3A_1190, %swap3A_1191] {strides = array<i32>} : memref<80x128xf32, #tpu.memory_space<vmem>>, vector<16xf32>,
      tpu.vector_store %arg12[%swap3A_1190, %swap3A_1191], %mul3A_1189 {strides = array<i32>} : memref<80x128xf32, #tpu.memory_space<vmem>>, vector<16xf32>,
      %get3A_1193 = arith.constant 0 : i32
      %get3A_1194 = arith.index_cast %get3A_1193 : i32 to index
      %get3A_1195 = arith.index_cast %scan3A_1164 : i32 to index
      %get3A_1196 = arith.constant 32 : index
      %get3A_1197 = tpu.vector_load %arg10[%get3A_1194, %get3A_1195, %get3A_1196] {strides = array<i32>} : memref<2x80x128xf32, #tpu.memory_space<vmem>>, vector<16xf32>,
      %max3A_1198 = arith.constant 0.000000e+00 : f32
      %max3A_1199 = vector.broadcast %max3A_1198 : f32 to vector<16xf32>
      %max3A_1200 = arith.maximumf %get3A_1197, %max3A_1199 : vector<16xf32>
      %mul3A_1201 = arith.mulf %max3A_1200, %gather3A_1169 : vector<16xf32>
      %swap3A_1202 = arith.index_cast %scan3A_1164 : i32 to index
      %swap3A_1203 = arith.constant 32 : index
      %swap3A_1204 = tpu.vector_load %arg12[%swap3A_1202, %swap3A_1203] {strides = array<i32>} : memref<80x128xf32, #tpu.memory_space<vmem>>, vector<16xf32>,
      tpu.vector_store %arg12[%swap3A_1202, %swap3A_1203], %mul3A_1201 {strides = array<i32>} : memref<80x128xf32, #tpu.memory_space<vmem>>, vector<16xf32>,
      %get3A_1205 = arith.constant 0 : i32
      %get3A_1206 = arith.index_cast %get3A_1205 : i32 to index
      %get3A_1207 = arith.index_cast %scan3A_1164 : i32 to index
      %get3A_1208 = arith.constant 48 : index
      %get3A_1209 = tpu.vector_load %arg10[%get3A_1206, %get3A_1207, %get3A_1208] {strides = array<i32>} : memref<2x80x128xf32, #tpu.memory_space<vmem>>, vector<16xf32>,
      %max3A_1210 = arith.constant 0.000000e+00 : f32
      %max3A_1211 = vector.broadcast %max3A_1210 : f32 to vector<16xf32>
      %max3A_1212 = arith.maximumf %get3A_1209, %max3A_1211 : vector<16xf32>
      %mul3A_1213 = arith.mulf %max3A_1212, %gather3A_1169 : vector<16xf32>
      %swap3A_1214 = arith.index_cast %scan3A_1164 : i32 to index
      %swap3A_1215 = arith.constant 48 : index
      %swap3A_1216 = tpu.vector_load %arg12[%swap3A_1214, %swap3A_1215] {strides = array<i32>} : memref<80x128xf32, #tpu.memory_space<vmem>>, vector<16xf32>,
      tpu.vector_store %arg12[%swap3A_1214, %swap3A_1215], %mul3A_1213 {strides = array<i32>} : memref<80x128xf32, #tpu.memory_space<vmem>>, vector<16xf32>,
      %get3A_1217 = arith.constant 0 : i32
      %get3A_1218 = arith.index_cast %get3A_1217 : i32 to index
      %get3A_1219 = arith.index_cast %scan3A_1164 : i32 to index
      %get3A_1220 = arith.constant 64 : index
      %get3A_1221 = tpu.vector_load %arg10[%get3A_1218, %get3A_1219, %get3A_1220] {strides = array<i32>} : memref<2x80x128xf32, #tpu.memory_space<vmem>>, vector<16xf32>,
      %max3A_1222 = arith.constant 0.000000e+00 : f32
      %max3A_1223 = vector.broadcast %max3A_1222 : f32 to vector<16xf32>
      %max3A_1224 = arith.maximumf %get3A_1221, %max3A_1223 : vector<16xf32>
      %mul3A_1225 = arith.mulf %max3A_1224, %gather3A_1169 : vector<16xf32>
      %swap3A_1226 = arith.index_cast %scan3A_1164 : i32 to index
      %swap3A_1227 = arith.constant 64 : index
      %swap3A_1228 = tpu.vector_load %arg12[%swap3A_1226, %swap3A_1227] {strides = array<i32>} : memref<80x128xf32, #tpu.memory_space<vmem>>, vector<16xf32>,
      tpu.vector_store %arg12[%swap3A_1226, %swap3A_1227], %mul3A_1225 {strides = array<i32>} : memref<80x128xf32, #tpu.memory_space<vmem>>, vector<16xf32>,
      %get3A_1229 = arith.constant 0 : i32
      %get3A_1230 = arith.index_cast %get3A_1229 : i32 to index
      %get3A_1231 = arith.index_cast %scan3A_1164 : i32 to index
      %get3A_1232 = arith.constant 80 : index
      %get3A_1233 = tpu.vector_load %arg10[%get3A_1230, %get3A_1231, %get3A_1232] {strides = array<i32>} : memref<2x80x128xf32, #tpu.memory_space<vmem>>, vector<16xf32>,
      %max3A_1234 = arith.constant 0.000000e+00 : f32
      %max3A_1235 = vector.broadcast %max3A_1234 : f32 to vector<16xf32>
      %max3A_1236 = arith.maximumf %get3A_1233, %max3A_1235 : vector<16xf32>
      %mul3A_1237 = arith.mulf %max3A_1236, %gather3A_1169 : vector<16xf32>
      %swap3A_1238 = arith.index_cast %scan3A_1164 : i32 to index
      %swap3A_1239 = arith.constant 80 : index
      %swap3A_1240 = tpu.vector_load %arg12[%swap3A_1238, %swap3A_1239] {strides = array<i32>} : memref<80x128xf32, #tpu.memory_space<vmem>>, vector<16xf32>,
      tpu.vector_store %arg12[%swap3A_1238, %swap3A_1239], %mul3A_1237 {strides = array<i32>} : memref<80x128xf32, #tpu.memory_space<vmem>>, vector<16xf32>,
      %get3A_1241 = arith.constant 0 : i32
      %get3A_1242 = arith.index_cast %get3A_1241 : i32 to index
      %get3A_1243 = arith.index_cast %scan3A_1164 : i32 to index
      %get3A_1244 = arith.constant 96 : index
      %get3A_1245 = tpu.vector_load %arg10[%get3A_1242, %get3A_1243, %get3A_1244] {strides = array<i32>} : memref<2x80x128xf32, #tpu.memory_space<vmem>>, vector<16xf32>,
      %max3A_1246 = arith.constant 0.000000e+00 : f32
      %max3A_1247 = vector.broadcast %max3A_1246 : f32 to vector<16xf32>
      %max3A_1248 = arith.maximumf %get3A_1245, %max3A_1247 : vector<16xf32>
      %mul3A_1249 = arith.mulf %max3A_1248, %gather3A_1169 : vector<16xf32>
      %swap3A_1250 = arith.index_cast %scan3A_1164 : i32 to index
      %swap3A_1251 = arith.constant 96 : index
      %swap3A_1252 = tpu.vector_load %arg12[%swap3A_1250, %swap3A_1251] {strides = array<i32>} : memref<80x128xf32, #tpu.memory_space<vmem>>, vector<16xf32>,
      tpu.vector_store %arg12[%swap3A_1250, %swap3A_1251], %mul3A_1249 {strides = array<i32>} : memref<80x128xf32, #tpu.memory_space<vmem>>, vector<16xf32>,
      %get3A_1253 = arith.constant 0 : i32
      %get3A_1254 = arith.index_cast %get3A_1253 : i32 to index
      %get3A_1255 = arith.index_cast %scan3A_1164 : i32 to index
      %get3A_1256 = arith.constant 112 : index
      %get3A_1257 = tpu.vector_load %arg10[%get3A_1254, %get3A_1255, %get3A_1256] {strides = array<i32>} : memref<2x80x128xf32, #tpu.memory_space<vmem>>, vector<16xf32>,
      %max3A_1258 = arith.constant 0.000000e+00 : f32
      %max3A_1259 = vector.broadcast %max3A_1258 : f32 to vector<16xf32>
      %max3A_1260 = arith.maximumf %get3A_1257, %max3A_1259 : vector<16xf32>
      %mul3A_1261 = arith.mulf %max3A_1260, %gather3A_1169 : vector<16xf32>
      %swap3A_1262 = arith.index_cast %scan3A_1164 : i32 to index
      %swap3A_1263 = arith.constant 112 : index
      %swap3A_1264 = tpu.vector_load %arg12[%swap3A_1262, %swap3A_1263] {strides = array<i32>} : memref<80x128xf32, #tpu.memory_space<vmem>>, vector<16xf32>,
      tpu.vector_store %arg12[%swap3A_1262, %swap3A_1263], %mul3A_1261 {strides = array<i32>} : memref<80x128xf32, #tpu.memory_space<vmem>>, vector<16xf32>,
      %swap3A_1265 = arith.index_cast %scan3A_1164 : i32 to index
      %swap3A_1266 = arith.constant 0 : index
      %swap3A_1267 = tpu.vector_load %arg13[%swap3A_1265, %swap3A_1266] {strides = array<i32>} : memref<80x16xf32, #tpu.memory_space<vmem>>, vector<16xf32>,
      tpu.vector_store %arg13[%swap3A_1265, %swap3A_1266], %gather3A_1169 {strides = array<i32>} : memref<80x16xf32, #tpu.memory_space<vmem>>, vector<16xf32>,
    }
    %scan3A_377 = arith.constant 80 : i32
    %dma_wait3A_378 = arith.constant 0 : i32
    %dma_wait3A_379 = arith.constant 0 : i32
    %dma_wait3A_380 = arith.constant 0 : i32
    %dma_wait3A_381 = tpu.memref_slice %arg9[%dma_wait3A_378, %dma_wait3A_379, %dma_wait3A_380] : memref<2x2x80xi32, #tpu.memory_space<vmem>> -> memref<1x2x80xi32, #tpu.memory_space<vmem>>
    %dma_wait3A_382 = tpu.memref_squeeze %dma_wait3A_381 : memref<1x2x80xi32, #tpu.memory_space<vmem>> -> memref<2x80xi32, #tpu.memory_space<vmem>>
    %dma_wait3A_383 = arith.constant 0 : i32
    %dma_wait3A_384 = arith.constant 0 : i32
    %dma_wait3A_385 = tpu.memref_slice %arg6[%dma_wait3A_383, %dma_wait3A_384] : memref<2x320000xi32, #tpu.memory_space<hbm>> -> memref<2x80xi32, #tpu.memory_space<hbm>>
    %dma_wait3A_386 = arith.constant 0 : i32
    %dma_wait3A_387 = arith.constant 0 : i32
    %dma_wait3A_388 = tpu.memref_slice %arg9[%dma_wait3A_378, %dma_wait3A_386, %dma_wait3A_387] : memref<2x2x80xi32, #tpu.memory_space<vmem>> -> memref<1x2x80xi32, #tpu.memory_space<vmem>>
    %dma_wait3A_389 = tpu.memref_squeeze %dma_wait3A_388 : memref<1x2x80xi32, #tpu.memory_space<vmem>> -> memref<2x80xi32, #tpu.memory_space<vmem>>
    %dma_wait3A_390 = arith.constant 0 : i32
    %dma_wait3A_391 = arith.constant 0 : i32
    %dma_wait3A_392 = tpu.memref_slice %arg6[%dma_wait3A_390, %dma_wait3A_391] : memref<2x320000xi32, #tpu.memory_space<hbm>> -> memref<2x80xi32, #tpu.memory_space<hbm>>
    tpu.wait_dma2 semaphore(%arg17 : memref<!tpu.dma_semaphore, #tpu.memory_space<semaphore_mem>>) src(%dma_wait3A_392 : memref<2x80xi32, #tpu.memory_space<hbm>>) dst(%dma_wait3A_389 : memref<2x80xi32, #tpu.memory_space<vmem>>)
    %add3A_393 = arith.constant 160 : i32
    %add3A_394 = arith.addi %mul3A_72, %add3A_393 : i32
    %dma_start3A_395 = arith.constant 0 : i32
    %dma_start3A_396 = arith.constant 0 : i32
    %dma_start3A_397 = arith.constant 0 : i32
    %dma_start3A_398 = tpu.memref_slice %arg10[%dma_start3A_395, %dma_start3A_396, %dma_start3A_397] : memref<2x80x128xf32, #tpu.memory_space<vmem>> -> memref<1x80x128xf32, #tpu.memory_space<vmem>>
    %dma_start3A_399 = tpu.memref_squeeze %dma_start3A_398 : memref<1x80x128xf32, #tpu.memory_space<vmem>> -> memref<80x128xf32, #tpu.memory_space<vmem>>
    %dma_start3A_400 = arith.constant 0 : i32
    %dma_start3A_401 = tpu.memref_slice %arg4[%add3A_394, %dma_start3A_400] : memref<320000x128xf32, #tpu.memory_space<hbm>> -> memref<80x128xf32, #tpu.memory_space<hbm>>
    %dma_start3A_402 = arith.constant 0 : i32
    %dma_start3A_403 = arith.constant 0 : i32
    %dma_start3A_404 = tpu.memref_slice %arg10[%dma_start3A_395, %dma_start3A_402, %dma_start3A_403] : memref<2x80x128xf32, #tpu.memory_space<vmem>> -> memref<1x80x128xf32, #tpu.memory_space<vmem>>
    %dma_start3A_405 = tpu.memref_squeeze %dma_start3A_404 : memref<1x80x128xf32, #tpu.memory_space<vmem>> -> memref<80x128xf32, #tpu.memory_space<vmem>>
    %dma_start3A_406 = arith.constant 0 : i32
    %dma_start3A_407 = tpu.memref_slice %arg4[%add3A_394, %dma_start3A_406] : memref<320000x128xf32, #tpu.memory_space<hbm>> -> memref<80x128xf32, #tpu.memory_space<hbm>>
    tpu.enqueue_dma source(%dma_start3A_407 : memref<80x128xf32, #tpu.memory_space<hbm>>) target(%dma_start3A_405 : memref<80x128xf32, #tpu.memory_space<vmem>>) target_semaphore(%arg19 : memref<!tpu.dma_semaphore, #tpu.memory_space<semaphore_mem>>)
    %dma_start3A_408 = arith.constant 0 : i32
    %dma_start3A_409 = arith.constant 0 : i32
    %dma_start3A_410 = tpu.memref_slice %arg11[%dma_start3A_408, %dma_start3A_409] : memref<2x80xf32, #tpu.memory_space<vmem>> -> memref<1x80xf32, #tpu.memory_space<vmem>>
    %dma_start3A_411 = tpu.memref_squeeze %dma_start3A_410 : memref<1x80xf32, #tpu.memory_space<vmem>> -> memref<80xf32, #tpu.memory_space<vmem>>
    %dma_start3A_412 = tpu.memref_slice %arg5[%add3A_394] : memref<320000xf32, #tpu.memory_space<hbm>> -> memref<80xf32, #tpu.memory_space<hbm>>
    %dma_start3A_413 = arith.constant 0 : i32
    %dma_start3A_414 = tpu.memref_slice %arg11[%dma_start3A_408, %dma_start3A_413] : memref<2x80xf32, #tpu.memory_space<vmem>> -> memref<1x80xf32, #tpu.memory_space<vmem>>
    %dma_start3A_415 = tpu.memref_squeeze %dma_start3A_414 : memref<1x80xf32, #tpu.memory_space<vmem>> -> memref<80xf32, #tpu.memory_space<vmem>>
    %dma_start3A_416 = tpu.memref_slice %arg5[%add3A_394] : memref<320000xf32, #tpu.memory_space<hbm>> -> memref<80xf32, #tpu.memory_space<hbm>>
    tpu.enqueue_dma source(%dma_start3A_416 : memref<80xf32, #tpu.memory_space<hbm>>) target(%dma_start3A_415 : memref<80xf32, #tpu.memory_space<vmem>>) target_semaphore(%arg19 : memref<!tpu.dma_semaphore, #tpu.memory_space<semaphore_mem>>)
    %dma_start3A_417 = arith.constant 0 : i32
    %dma_start3A_418 = arith.constant 0 : i32
    %dma_start3A_419 = tpu.memref_slice %arg14[%dma_start3A_417, %dma_start3A_418] : memref<2x80xi32, #tpu.memory_space<vmem>> -> memref<1x80xi32, #tpu.memory_space<vmem>>
    %dma_start3A_420 = tpu.memref_squeeze %dma_start3A_419 : memref<1x80xi32, #tpu.memory_space<vmem>> -> memref<80xi32, #tpu.memory_space<vmem>>
    %dma_start3A_421 = arith.constant 0 : i32
    %dma_start3A_422 = arith.constant 0 : i32
    %dma_start3A_423 = tpu.memref_slice %arg15[%dma_start3A_421, %dma_start3A_422] : memref<10000x128xf32, #tpu.memory_space<vmem_shared>> -> memref<10000x128xf32, #tpu.memory_space<vmem_shared>>
    tpu.enqueue_indirect_dma source(%arg12 : memref<80x128xf32, #tpu.memory_space<vmem>>) target(%dma_start3A_423 : memref<10000x128xf32, #tpu.memory_space<vmem_shared>>) offsets(%dma_start3A_420 : memref<80xi32, #tpu.memory_space<vmem>>) semaphore(%arg23 : memref<!tpu.dma_semaphore, #tpu.memory_space<semaphore_mem>>) {add = true}
    %dma_start3A_424 = arith.constant 0 : i32
    %dma_start3A_425 = arith.constant 0 : i32
    %dma_start3A_426 = tpu.memref_slice %arg14[%dma_start3A_424, %dma_start3A_425] : memref<2x80xi32, #tpu.memory_space<vmem>> -> memref<1x80xi32, #tpu.memory_space<vmem>>
    %dma_start3A_427 = tpu.memref_squeeze %dma_start3A_426 : memref<1x80xi32, #tpu.memory_space<vmem>> -> memref<80xi32, #tpu.memory_space<vmem>>
    %dma_start3A_428 = arith.constant 0 : i32
    %dma_start3A_429 = arith.constant 0 : i32
    %dma_start3A_430 = tpu.memref_slice %arg16[%dma_start3A_428, %dma_start3A_429] : memref<10000x16xf32, #tpu.memory_space<vmem_shared>> -> memref<10000x16xf32, #tpu.memory_space<vmem_shared>>
    tpu.enqueue_indirect_dma source(%arg13 : memref<80x16xf32, #tpu.memory_space<vmem>>) target(%dma_start3A_430 : memref<10000x16xf32, #tpu.memory_space<vmem_shared>>) offsets(%dma_start3A_427 : memref<80xi32, #tpu.memory_space<vmem>>) semaphore(%arg23 : memref<!tpu.dma_semaphore, #tpu.memory_space<semaphore_mem>>) {add = true}
    %dma_wait3A_431 = arith.constant 1 : i32
    %dma_wait3A_432 = arith.constant 0 : i32
    %dma_wait3A_433 = arith.constant 1 : i32
    %dma_wait3A_434 = arith.constant 0 : i32
    %dma_wait3A_435 = arith.constant 0 : i32
    %dma_wait3A_436 = tpu.memref_slice %arg10[%dma_wait3A_433, %dma_wait3A_434, %dma_wait3A_435] : memref<2x80x128xf32, #tpu.memory_space<vmem>> -> memref<1x80x128xf32, #tpu.memory_space<vmem>>
    %dma_wait3A_437 = tpu.memref_squeeze %dma_wait3A_436 : memref<1x80x128xf32, #tpu.memory_space<vmem>> -> memref<80x128xf32, #tpu.memory_space<vmem>>
    %dma_wait3A_438 = arith.constant 0 : i32
    %dma_wait3A_439 = tpu.memref_slice %arg9[%dma_wait3A_431, %dma_wait3A_432, %dma_wait3A_438] : memref<2x2x80xi32, #tpu.memory_space<vmem>> -> memref<1x1x80xi32, #tpu.memory_space<vmem>>
    %dma_wait3A_440 = tpu.memref_squeeze %dma_wait3A_439 : memref<1x1x80xi32, #tpu.memory_space<vmem>> -> memref<80xi32, #tpu.memory_space<vmem>>
    %dma_wait3A_441 = arith.constant 0 : i32
    %dma_wait3A_442 = arith.constant 0 : i32
    %dma_wait3A_443 = tpu.memref_slice %arg2[%dma_wait3A_441, %dma_wait3A_442] : memref<10000x128xf32, #tpu.memory_space<hbm>> -> memref<10000x128xf32, #tpu.memory_space<hbm>>
    tpu.wait_indirect_dma semaphore(%arg22 : memref<!tpu.dma_semaphore, #tpu.memory_space<semaphore_mem>>) src(%dma_wait3A_443 : memref<10000x128xf32, #tpu.memory_space<hbm>>) dst(%dma_wait3A_437 : memref<80x128xf32, #tpu.memory_space<vmem>>)
    %dma_wait3A_444 = arith.constant 1 : i32
    %dma_wait3A_445 = arith.constant 1 : i32
    %dma_wait3A_446 = arith.constant 1 : i32
    %dma_wait3A_447 = arith.constant 0 : i32
    %dma_wait3A_448 = arith.constant 0 : i32
    %dma_wait3A_449 = tpu.memref_slice %arg10[%dma_wait3A_446, %dma_wait3A_447, %dma_wait3A_448] : memref<2x80x128xf32, #tpu.memory_space<vmem>> -> memref<1x80x128xf32, #tpu.memory_space<vmem>>
    %dma_wait3A_450 = tpu.memref_squeeze %dma_wait3A_449 : memref<1x80x128xf32, #tpu.memory_space<vmem>> -> memref<80x128xf32, #tpu.memory_space<vmem>>
    %dma_wait3A_451 = arith.constant 0 : i32
    %dma_wait3A_452 = tpu.memref_slice %arg9[%dma_wait3A_444, %dma_wait3A_445, %dma_wait3A_451] : memref<2x2x80xi32, #tpu.memory_space<vmem>> -> memref<1x1x80xi32, #tpu.memory_space<vmem>>
    %dma_wait3A_453 = tpu.memref_squeeze %dma_wait3A_452 : memref<1x1x80xi32, #tpu.memory_space<vmem>> -> memref<80xi32, #tpu.memory_space<vmem>>
    %dma_wait3A_454 = arith.constant 0 : i32
    %dma_wait3A_455 = arith.constant 0 : i32
    %dma_wait3A_456 = tpu.memref_slice %arg3[%dma_wait3A_454, %dma_wait3A_455] : memref<10000x128xf32, #tpu.memory_space<hbm>> -> memref<10000x128xf32, #tpu.memory_space<hbm>>
    tpu.wait_indirect_dma semaphore(%arg22 : memref<!tpu.dma_semaphore, #tpu.memory_space<semaphore_mem>>) src(%dma_wait3A_456 : memref<10000x128xf32, #tpu.memory_space<hbm>>) dst(%dma_wait3A_450 : memref<80x128xf32, #tpu.memory_space<vmem>>)
    %get3A_457 = arith.constant 1 : i32
    %get3A_458 = arith.constant 0 : i32
    %get3A_459 = arith.index_cast %get3A_457 : i32 to index
    %get3A_460 = arith.index_cast %get3A_458 : i32 to index
    %get3A_461 = arith.constant 0 : index
    %get3A_462 = tpu.vector_load %arg9[%get3A_459, %get3A_460, %get3A_461] {strides = array<i32>} : memref<2x2x80xi32, #tpu.memory_space<vmem>>, vector<16xi32>,
    %swap3A_463 = arith.constant 1 : i32
    %swap3A_464 = arith.index_cast %swap3A_463 : i32 to index
    %swap3A_465 = arith.constant 0 : index
    %swap3A_466 = tpu.vector_load %arg14[%swap3A_464, %swap3A_465] {strides = array<i32>} : memref<2x80xi32, #tpu.memory_space<vmem>>, vector<16xi32>,
    tpu.vector_store %arg14[%swap3A_464, %swap3A_465], %get3A_462 {strides = array<i32>} : memref<2x80xi32, #tpu.memory_space<vmem>>, vector<16xi32>,
    %get3A_467 = arith.constant 1 : i32
    %get3A_468 = arith.constant 0 : i32
    %get3A_469 = arith.index_cast %get3A_467 : i32 to index
    %get3A_470 = arith.index_cast %get3A_468 : i32 to index
    %get3A_471 = arith.constant 16 : index
    %get3A_472 = tpu.vector_load %arg9[%get3A_469, %get3A_470, %get3A_471] {strides = array<i32>} : memref<2x2x80xi32, #tpu.memory_space<vmem>>, vector<16xi32>,
    %swap3A_473 = arith.constant 1 : i32
    %swap3A_474 = arith.index_cast %swap3A_473 : i32 to index
    %swap3A_475 = arith.constant 16 : index
    %swap3A_476 = tpu.vector_load %arg14[%swap3A_474, %swap3A_475] {strides = array<i32>} : memref<2x80xi32, #tpu.memory_space<vmem>>, vector<16xi32>,
    tpu.vector_store %arg14[%swap3A_474, %swap3A_475], %get3A_472 {strides = array<i32>} : memref<2x80xi32, #tpu.memory_space<vmem>>, vector<16xi32>,
    %get3A_477 = arith.constant 1 : i32
    %get3A_478 = arith.constant 0 : i32
    %get3A_479 = arith.index_cast %get3A_477 : i32 to index
    %get3A_480 = arith.index_cast %get3A_478 : i32 to index
    %get3A_481 = arith.constant 32 : index
    %get3A_482 = tpu.vector_load %arg9[%get3A_479, %get3A_480, %get3A_481] {strides = array<i32>} : memref<2x2x80xi32, #tpu.memory_space<vmem>>, vector<16xi32>,
    %swap3A_483 = arith.constant 1 : i32
    %swap3A_484 = arith.index_cast %swap3A_483 : i32 to index
    %swap3A_485 = arith.constant 32 : index
    %swap3A_486 = tpu.vector_load %arg14[%swap3A_484, %swap3A_485] {strides = array<i32>} : memref<2x80xi32, #tpu.memory_space<vmem>>, vector<16xi32>,
    tpu.vector_store %arg14[%swap3A_484, %swap3A_485], %get3A_482 {strides = array<i32>} : memref<2x80xi32, #tpu.memory_space<vmem>>, vector<16xi32>,
    %get3A_487 = arith.constant 1 : i32
    %get3A_488 = arith.constant 0 : i32
    %get3A_489 = arith.index_cast %get3A_487 : i32 to index
    %get3A_490 = arith.index_cast %get3A_488 : i32 to index
    %get3A_491 = arith.constant 48 : index
    %get3A_492 = tpu.vector_load %arg9[%get3A_489, %get3A_490, %get3A_491] {strides = array<i32>} : memref<2x2x80xi32, #tpu.memory_space<vmem>>, vector<16xi32>,
    %swap3A_493 = arith.constant 1 : i32
    %swap3A_494 = arith.index_cast %swap3A_493 : i32 to index
    %swap3A_495 = arith.constant 48 : index
    %swap3A_496 = tpu.vector_load %arg14[%swap3A_494, %swap3A_495] {strides = array<i32>} : memref<2x80xi32, #tpu.memory_space<vmem>>, vector<16xi32>,
    tpu.vector_store %arg14[%swap3A_494, %swap3A_495], %get3A_492 {strides = array<i32>} : memref<2x80xi32, #tpu.memory_space<vmem>>, vector<16xi32>,
    %get3A_497 = arith.constant 1 : i32
    %get3A_498 = arith.constant 0 : i32
    %get3A_499 = arith.index_cast %get3A_497 : i32 to index
    %get3A_500 = arith.index_cast %get3A_498 : i32 to index
    %get3A_501 = arith.constant 64 : index
    %get3A_502 = tpu.vector_load %arg9[%get3A_499, %get3A_500, %get3A_501] {strides = array<i32>} : memref<2x2x80xi32, #tpu.memory_space<vmem>>, vector<16xi32>,
    %swap3A_503 = arith.constant 1 : i32
    %swap3A_504 = arith.index_cast %swap3A_503 : i32 to index
    %swap3A_505 = arith.constant 64 : index
    %swap3A_506 = tpu.vector_load %arg14[%swap3A_504, %swap3A_505] {strides = array<i32>} : memref<2x80xi32, #tpu.memory_space<vmem>>, vector<16xi32>,
    tpu.vector_store %arg14[%swap3A_504, %swap3A_505], %get3A_502 {strides = array<i32>} : memref<2x80xi32, #tpu.memory_space<vmem>>, vector<16xi32>,
    %add3A_507 = arith.constant 240 : i32
    %add3A_508 = arith.addi %mul3A_72, %add3A_507 : i32
    %dma_start3A_509 = arith.constant 1 : i32
    %dma_start3A_510 = arith.constant 0 : i32
    %dma_start3A_511 = arith.constant 0 : i32
    %dma_start3A_512 = tpu.memref_slice %arg9[%dma_start3A_509, %dma_start3A_510, %dma_start3A_511] : memref<2x2x80xi32, #tpu.memory_space<vmem>> -> memref<1x2x80xi32, #tpu.memory_space<vmem>>
    %dma_start3A_513 = tpu.memref_squeeze %dma_start3A_512 : memref<1x2x80xi32, #tpu.memory_space<vmem>> -> memref<2x80xi32, #tpu.memory_space<vmem>>
    %dma_start3A_514 = arith.constant 0 : i32
    %dma_start3A_515 = tpu.memref_slice %arg6[%dma_start3A_514, %add3A_508] : memref<2x320000xi32, #tpu.memory_space<hbm>> -> memref<2x80xi32, #tpu.memory_space<hbm>>
    %dma_start3A_516 = arith.constant 0 : i32
    %dma_start3A_517 = arith.constant 0 : i32
    %dma_start3A_518 = tpu.memref_slice %arg9[%dma_start3A_509, %dma_start3A_516, %dma_start3A_517] : memref<2x2x80xi32, #tpu.memory_space<vmem>> -> memref<1x2x80xi32, #tpu.memory_space<vmem>>
    %dma_start3A_519 = tpu.memref_squeeze %dma_start3A_518 : memref<1x2x80xi32, #tpu.memory_space<vmem>> -> memref<2x80xi32, #tpu.memory_space<vmem>>
    %dma_start3A_520 = arith.constant 0 : i32
    %dma_start3A_521 = tpu.memref_slice %arg6[%dma_start3A_520, %add3A_508] : memref<2x320000xi32, #tpu.memory_space<hbm>> -> memref<2x80xi32, #tpu.memory_space<hbm>>
    tpu.enqueue_dma source(%dma_start3A_521 : memref<2x80xi32, #tpu.memory_space<hbm>>) target(%dma_start3A_519 : memref<2x80xi32, #tpu.memory_space<vmem>>) target_semaphore(%arg18 : memref<!tpu.dma_semaphore, #tpu.memory_space<semaphore_mem>>)
    %dma_wait3A_522 = arith.constant 0 : i32
    %dma_wait3A_523 = arith.constant 0 : i32
    %dma_wait3A_524 = arith.constant 0 : i32
    %dma_wait3A_525 = tpu.memref_slice %arg10[%dma_wait3A_522, %dma_wait3A_523, %dma_wait3A_524] : memref<2x80x128xf32, #tpu.memory_space<vmem>> -> memref<1x80x128xf32, #tpu.memory_space<vmem>>
    %dma_wait3A_526 = tpu.memref_squeeze %dma_wait3A_525 : memref<1x80x128xf32, #tpu.memory_space<vmem>> -> memref<80x128xf32, #tpu.memory_space<vmem>>
    %dma_wait3A_527 = arith.constant 0 : i32
    %dma_wait3A_528 = arith.constant 0 : i32
    %dma_wait3A_529 = tpu.memref_slice %arg4[%dma_wait3A_527, %dma_wait3A_528] : memref<320000x128xf32, #tpu.memory_space<hbm>> -> memref<80x128xf32, #tpu.memory_space<hbm>>
    %dma_wait3A_530 = arith.constant 0 : i32
    %dma_wait3A_531 = arith.constant 0 : i32
    %dma_wait3A_532 = tpu.memref_slice %arg10[%dma_wait3A_522, %dma_wait3A_530, %dma_wait3A_531] : memref<2x80x128xf32, #tpu.memory_space<vmem>> -> memref<1x80x128xf32, #tpu.memory_space<vmem>>
    %dma_wait3A_533 = tpu.memref_squeeze %dma_wait3A_532 : memref<1x80x128xf32, #tpu.memory_space<vmem>> -> memref<80x128xf32, #tpu.memory_space<vmem>>
    %dma_wait3A_534 = arith.constant 0 : i32
    %dma_wait3A_535 = arith.constant 0 : i32
    %dma_wait3A_536 = tpu.memref_slice %arg4[%dma_wait3A_534, %dma_wait3A_535] : memref<320000x128xf32, #tpu.memory_space<hbm>> -> memref<80x128xf32, #tpu.memory_space<hbm>>
    tpu.wait_dma2 semaphore(%arg19 : memref<!tpu.dma_semaphore, #tpu.memory_space<semaphore_mem>>) src(%dma_wait3A_536 : memref<80x128xf32, #tpu.memory_space<hbm>>) dst(%dma_wait3A_533 : memref<80x128xf32, #tpu.memory_space<vmem>>)
    %dma_wait3A_537 = arith.constant 0 : i32
    %dma_wait3A_538 = arith.constant 0 : i32
    %dma_wait3A_539 = tpu.memref_slice %arg11[%dma_wait3A_537, %dma_wait3A_538] : memref<2x80xf32, #tpu.memory_space<vmem>> -> memref<1x80xf32, #tpu.memory_space<vmem>>
    %dma_wait3A_540 = tpu.memref_squeeze %dma_wait3A_539 : memref<1x80xf32, #tpu.memory_space<vmem>> -> memref<80xf32, #tpu.memory_space<vmem>>
    %dma_wait3A_541 = arith.constant 0 : i32
    %dma_wait3A_542 = tpu.memref_slice %arg5[%dma_wait3A_541] : memref<320000xf32, #tpu.memory_space<hbm>> -> memref<80xf32, #tpu.memory_space<hbm>>
    %dma_wait3A_543 = arith.constant 0 : i32
    %dma_wait3A_544 = tpu.memref_slice %arg11[%dma_wait3A_537, %dma_wait3A_543] : memref<2x80xf32, #tpu.memory_space<vmem>> -> memref<1x80xf32, #tpu.memory_space<vmem>>
    %dma_wait3A_545 = tpu.memref_squeeze %dma_wait3A_544 : memref<1x80xf32, #tpu.memory_space<vmem>> -> memref<80xf32, #tpu.memory_space<vmem>>
    %dma_wait3A_546 = arith.constant 0 : i32
    %dma_wait3A_547 = tpu.memref_slice %arg5[%dma_wait3A_546] : memref<320000xf32, #tpu.memory_space<hbm>> -> memref<80xf32, #tpu.memory_space<hbm>>
    tpu.wait_dma2 semaphore(%arg19 : memref<!tpu.dma_semaphore, #tpu.memory_space<semaphore_mem>>) src(%dma_wait3A_547 : memref<80xf32, #tpu.memory_space<hbm>>) dst(%dma_wait3A_545 : memref<80xf32, #tpu.memory_space<vmem>>)
    %dma_start3A_548 = arith.constant 0 : i32
    %dma_start3A_549 = arith.constant 0 : i32
    %dma_start3A_550 = arith.constant 0 : i32
    %dma_start3A_551 = arith.constant 0 : i32
    %dma_start3A_552 = arith.constant 0 : i32
    %dma_start3A_553 = tpu.memref_slice %arg10[%dma_start3A_550, %dma_start3A_551, %dma_start3A_552] : memref<2x80x128xf32, #tpu.memory_space<vmem>> -> memref<1x80x128xf32, #tpu.memory_space<vmem>>
    %dma_start3A_554 = tpu.memref_squeeze %dma_start3A_553 : memref<1x80x128xf32, #tpu.memory_space<vmem>> -> memref<80x128xf32, #tpu.memory_space<vmem>>
    %dma_start3A_555 = arith.constant 0 : i32
    %dma_start3A_556 = tpu.memref_slice %arg9[%dma_start3A_548, %dma_start3A_549, %dma_start3A_555] : memref<2x2x80xi32, #tpu.memory_space<vmem>> -> memref<1x1x80xi32, #tpu.memory_space<vmem>>
    %dma_start3A_557 = tpu.memref_squeeze %dma_start3A_556 : memref<1x1x80xi32, #tpu.memory_space<vmem>> -> memref<80xi32, #tpu.memory_space<vmem>>
    %dma_start3A_558 = arith.constant 0 : i32
    %dma_start3A_559 = arith.constant 0 : i32
    %dma_start3A_560 = tpu.memref_slice %arg2[%dma_start3A_558, %dma_start3A_559] : memref<10000x128xf32, #tpu.memory_space<hbm>> -> memref<10000x128xf32, #tpu.memory_space<hbm>>
    tpu.enqueue_indirect_dma source(%dma_start3A_560 : memref<10000x128xf32, #tpu.memory_space<hbm>>) target(%dma_start3A_554 : memref<80x128xf32, #tpu.memory_space<vmem>>) offsets(%dma_start3A_557 : memref<80xi32, #tpu.memory_space<vmem>>) semaphore(%arg21 : memref<!tpu.dma_semaphore, #tpu.memory_space<semaphore_mem>>) {add = true}
    %dma_start3A_561 = arith.constant 0 : i32
    %dma_start3A_562 = arith.constant 1 : i32
    %dma_start3A_563 = arith.constant 0 : i32
    %dma_start3A_564 = arith.constant 0 : i32
    %dma_start3A_565 = arith.constant 0 : i32
    %dma_start3A_566 = tpu.memref_slice %arg10[%dma_start3A_563, %dma_start3A_564, %dma_start3A_565] : memref<2x80x128xf32, #tpu.memory_space<vmem>> -> memref<1x80x128xf32, #tpu.memory_space<vmem>>
    %dma_start3A_567 = tpu.memref_squeeze %dma_start3A_566 : memref<1x80x128xf32, #tpu.memory_space<vmem>> -> memref<80x128xf32, #tpu.memory_space<vmem>>
    %dma_start3A_568 = arith.constant 0 : i32
    %dma_start3A_569 = tpu.memref_slice %arg9[%dma_start3A_561, %dma_start3A_562, %dma_start3A_568] : memref<2x2x80xi32, #tpu.memory_space<vmem>> -> memref<1x1x80xi32, #tpu.memory_space<vmem>>
    %dma_start3A_570 = tpu.memref_squeeze %dma_start3A_569 : memref<1x1x80xi32, #tpu.memory_space<vmem>> -> memref<80xi32, #tpu.memory_space<vmem>>
    %dma_start3A_571 = arith.constant 0 : i32
    %dma_start3A_572 = arith.constant 0 : i32
    %dma_start3A_573 = tpu.memref_slice %arg3[%dma_start3A_571, %dma_start3A_572] : memref<10000x128xf32, #tpu.memory_space<hbm>> -> memref<10000x128xf32, #tpu.memory_space<hbm>>
    tpu.enqueue_indirect_dma source(%dma_start3A_573 : memref<10000x128xf32, #tpu.memory_space<hbm>>) target(%dma_start3A_567 : memref<80x128xf32, #tpu.memory_space<vmem>>) offsets(%dma_start3A_570 : memref<80xi32, #tpu.memory_space<vmem>>) semaphore(%arg21 : memref<!tpu.dma_semaphore, #tpu.memory_space<semaphore_mem>>) {add = true}
    %dma_wait3A_574 = arith.constant 1 : i32
    %dma_wait3A_575 = arith.constant 0 : i32
    %dma_wait3A_576 = tpu.memref_slice %arg14[%dma_wait3A_574, %dma_wait3A_575] : memref<2x80xi32, #tpu.memory_space<vmem>> -> memref<1x80xi32, #tpu.memory_space<vmem>>
    %dma_wait3A_577 = tpu.memref_squeeze %dma_wait3A_576 : memref<1x80xi32, #tpu.memory_space<vmem>> -> memref<80xi32, #tpu.memory_space<vmem>>
    %dma_wait3A_578 = arith.constant 0 : i32
    %dma_wait3A_579 = arith.constant 0 : i32
    %dma_wait3A_580 = tpu.memref_slice %arg15[%dma_wait3A_578, %dma_wait3A_579] : memref<10000x128xf32, #tpu.memory_space<vmem_shared>> -> memref<10000x128xf32, #tpu.memory_space<vmem_shared>>
    tpu.wait_indirect_dma semaphore(%arg23 : memref<!tpu.dma_semaphore, #tpu.memory_space<semaphore_mem>>) src(%arg12 : memref<80x128xf32, #tpu.memory_space<vmem>>) dst(%dma_wait3A_580 : memref<10000x128xf32, #tpu.memory_space<vmem_shared>>)
    %dma_wait3A_581 = arith.constant 1 : i32
    %dma_wait3A_582 = arith.constant 0 : i32
    %dma_wait3A_583 = tpu.memref_slice %arg14[%dma_wait3A_581, %dma_wait3A_582] : memref<2x80xi32, #tpu.memory_space<vmem>> -> memref<1x80xi32, #tpu.memory_space<vmem>>
    %dma_wait3A_584 = tpu.memref_squeeze %dma_wait3A_583 : memref<1x80xi32, #tpu.memory_space<vmem>> -> memref<80xi32, #tpu.memory_space<vmem>>
    %dma_wait3A_585 = arith.constant 0 : i32
    %dma_wait3A_586 = arith.constant 0 : i32
    %dma_wait3A_587 = tpu.memref_slice %arg16[%dma_wait3A_585, %dma_wait3A_586] : memref<10000x16xf32, #tpu.memory_space<vmem_shared>> -> memref<10000x16xf32, #tpu.memory_space<vmem_shared>>
    tpu.wait_indirect_dma semaphore(%arg23 : memref<!tpu.dma_semaphore, #tpu.memory_space<semaphore_mem>>) src(%arg13 : memref<80x16xf32, #tpu.memory_space<vmem>>) dst(%dma_wait3A_587 : memref<10000x16xf32, #tpu.memory_space<vmem_shared>>)
    %scan3A_588 = arith.constant 0 : i32
    %scan3A_589 = arith.constant 0 : i32
    %scan3A_590 = arith.constant 80 : i32
    %scan3A_591 = arith.addi %scan3A_589, %scan3A_590 : i32
    %scan3A_592 = arith.constant 1 : i32
    scf.for %scan3A_1164 = %scan3A_589 to %scan3A_591 step %scan3A_592  : i32 {
      %broadcast_in_dim3A_1165 = vector.broadcast %scan3A_1164 : i32 to vector<16xi32>
      %gather3A = arith.constant 1 : i32
      %gather3A_1166 = arith.constant 0 : i32
      %gather3A_1167 = tpu.memref_slice %arg11[%gather3A, %gather3A_1166] : memref<2x80xf32, #tpu.memory_space<vmem>> -> memref<1x80xf32, #tpu.memory_space<vmem>>
      %gather3A_1168 = tpu.memref_squeeze %gather3A_1167 : memref<1x80xf32, #tpu.memory_space<vmem>> -> memref<80xf32, #tpu.memory_space<vmem>>
      %gather3A_1169 = tpu.vector_load_idx %gather3A_1168[%broadcast_in_dim3A_1165] : memref<80xf32, #tpu.memory_space<vmem>>[vector<16xi32>], vector<16xf32>,
      %get3A_1170 = arith.constant 1 : i32
      %get3A_1171 = arith.index_cast %get3A_1170 : i32 to index
      %get3A_1172 = arith.index_cast %scan3A_1164 : i32 to index
      %get3A_1173 = arith.constant 0 : index
      %get3A_1174 = tpu.vector_load %arg10[%get3A_1171, %get3A_1172, %get3A_1173] {strides = array<i32>} : memref<2x80x128xf32, #tpu.memory_space<vmem>>, vector<16xf32>,
      %max3A = arith.constant 0.000000e+00 : f32
      %max3A_1175 = vector.broadcast %max3A : f32 to vector<16xf32>
      %max3A_1176 = arith.maximumf %get3A_1174, %max3A_1175 : vector<16xf32>
      %mul3A_1177 = arith.mulf %max3A_1176, %gather3A_1169 : vector<16xf32>
      %swap3A_1178 = arith.index_cast %scan3A_1164 : i32 to index
      %swap3A_1179 = arith.constant 0 : index
      %swap3A_1180 = tpu.vector_load %arg12[%swap3A_1178, %swap3A_1179] {strides = array<i32>} : memref<80x128xf32, #tpu.memory_space<vmem>>, vector<16xf32>,
      tpu.vector_store %arg12[%swap3A_1178, %swap3A_1179], %mul3A_1177 {strides = array<i32>} : memref<80x128xf32, #tpu.memory_space<vmem>>, vector<16xf32>,
      %get3A_1181 = arith.constant 1 : i32
      %get3A_1182 = arith.index_cast %get3A_1181 : i32 to index
      %get3A_1183 = arith.index_cast %scan3A_1164 : i32 to index
      %get3A_1184 = arith.constant 16 : index
      %get3A_1185 = tpu.vector_load %arg10[%get3A_1182, %get3A_1183, %get3A_1184] {strides = array<i32>} : memref<2x80x128xf32, #tpu.memory_space<vmem>>, vector<16xf32>,
      %max3A_1186 = arith.constant 0.000000e+00 : f32
      %max3A_1187 = vector.broadcast %max3A_1186 : f32 to vector<16xf32>
      %max3A_1188 = arith.maximumf %get3A_1185, %max3A_1187 : vector<16xf32>
      %mul3A_1189 = arith.mulf %max3A_1188, %gather3A_1169 : vector<16xf32>
      %swap3A_1190 = arith.index_cast %scan3A_1164 : i32 to index
      %swap3A_1191 = arith.constant 16 : index
      %swap3A_1192 = tpu.vector_load %arg12[%swap3A_1190, %swap3A_1191] {strides = array<i32>} : memref<80x128xf32, #tpu.memory_space<vmem>>, vector<16xf32>,
      tpu.vector_store %arg12[%swap3A_1190, %swap3A_1191], %mul3A_1189 {strides = array<i32>} : memref<80x128xf32, #tpu.memory_space<vmem>>, vector<16xf32>,
      %get3A_1193 = arith.constant 1 : i32
      %get3A_1194 = arith.index_cast %get3A_1193 : i32 to index
      %get3A_1195 = arith.index_cast %scan3A_1164 : i32 to index
      %get3A_1196 = arith.constant 32 : index
      %get3A_1197 = tpu.vector_load %arg10[%get3A_1194, %get3A_1195, %get3A_1196] {strides = array<i32>} : memref<2x80x128xf32, #tpu.memory_space<vmem>>, vector<16xf32>,
      %max3A_1198 = arith.constant 0.000000e+00 : f32
      %max3A_1199 = vector.broadcast %max3A_1198 : f32 to vector<16xf32>
      %max3A_1200 = arith.maximumf %get3A_1197, %max3A_1199 : vector<16xf32>
      %mul3A_1201 = arith.mulf %max3A_1200, %gather3A_1169 : vector<16xf32>
      %swap3A_1202 = arith.index_cast %scan3A_1164 : i32 to index
      %swap3A_1203 = arith.constant 32 : index
      %swap3A_1204 = tpu.vector_load %arg12[%swap3A_1202, %swap3A_1203] {strides = array<i32>} : memref<80x128xf32, #tpu.memory_space<vmem>>, vector<16xf32>,
      tpu.vector_store %arg12[%swap3A_1202, %swap3A_1203], %mul3A_1201 {strides = array<i32>} : memref<80x128xf32, #tpu.memory_space<vmem>>, vector<16xf32>,
      %get3A_1205 = arith.constant 1 : i32
      %get3A_1206 = arith.index_cast %get3A_1205 : i32 to index
      %get3A_1207 = arith.index_cast %scan3A_1164 : i32 to index
      %get3A_1208 = arith.constant 48 : index
      %get3A_1209 = tpu.vector_load %arg10[%get3A_1206, %get3A_1207, %get3A_1208] {strides = array<i32>} : memref<2x80x128xf32, #tpu.memory_space<vmem>>, vector<16xf32>,
      %max3A_1210 = arith.constant 0.000000e+00 : f32
      %max3A_1211 = vector.broadcast %max3A_1210 : f32 to vector<16xf32>
      %max3A_1212 = arith.maximumf %get3A_1209, %max3A_1211 : vector<16xf32>
      %mul3A_1213 = arith.mulf %max3A_1212, %gather3A_1169 : vector<16xf32>
      %swap3A_1214 = arith.index_cast %scan3A_1164 : i32 to index
      %swap3A_1215 = arith.constant 48 : index
      %swap3A_1216 = tpu.vector_load %arg12[%swap3A_1214, %swap3A_1215] {strides = array<i32>} : memref<80x128xf32, #tpu.memory_space<vmem>>, vector<16xf32>,
      tpu.vector_store %arg12[%swap3A_1214, %swap3A_1215], %mul3A_1213 {strides = array<i32>} : memref<80x128xf32, #tpu.memory_space<vmem>>, vector<16xf32>,
      %get3A_1217 = arith.constant 1 : i32
      %get3A_1218 = arith.index_cast %get3A_1217 : i32 to index
      %get3A_1219 = arith.index_cast %scan3A_1164 : i32 to index
      %get3A_1220 = arith.constant 64 : index
      %get3A_1221 = tpu.vector_load %arg10[%get3A_1218, %get3A_1219, %get3A_1220] {strides = array<i32>} : memref<2x80x128xf32, #tpu.memory_space<vmem>>, vector<16xf32>,
      %max3A_1222 = arith.constant 0.000000e+00 : f32
      %max3A_1223 = vector.broadcast %max3A_1222 : f32 to vector<16xf32>
      %max3A_1224 = arith.maximumf %get3A_1221, %max3A_1223 : vector<16xf32>
      %mul3A_1225 = arith.mulf %max3A_1224, %gather3A_1169 : vector<16xf32>
      %swap3A_1226 = arith.index_cast %scan3A_1164 : i32 to index
      %swap3A_1227 = arith.constant 64 : index
      %swap3A_1228 = tpu.vector_load %arg12[%swap3A_1226, %swap3A_1227] {strides = array<i32>} : memref<80x128xf32, #tpu.memory_space<vmem>>, vector<16xf32>,
      tpu.vector_store %arg12[%swap3A_1226, %swap3A_1227], %mul3A_1225 {strides = array<i32>} : memref<80x128xf32, #tpu.memory_space<vmem>>, vector<16xf32>,
      %get3A_1229 = arith.constant 1 : i32
      %get3A_1230 = arith.index_cast %get3A_1229 : i32 to index
      %get3A_1231 = arith.index_cast %scan3A_1164 : i32 to index
      %get3A_1232 = arith.constant 80 : index
      %get3A_1233 = tpu.vector_load %arg10[%get3A_1230, %get3A_1231, %get3A_1232] {strides = array<i32>} : memref<2x80x128xf32, #tpu.memory_space<vmem>>, vector<16xf32>,
      %max3A_1234 = arith.constant 0.000000e+00 : f32
      %max3A_1235 = vector.broadcast %max3A_1234 : f32 to vector<16xf32>
      %max3A_1236 = arith.maximumf %get3A_1233, %max3A_1235 : vector<16xf32>
      %mul3A_1237 = arith.mulf %max3A_1236, %gather3A_1169 : vector<16xf32>
      %swap3A_1238 = arith.index_cast %scan3A_1164 : i32 to index
      %swap3A_1239 = arith.constant 80 : index
      %swap3A_1240 = tpu.vector_load %arg12[%swap3A_1238, %swap3A_1239] {strides = array<i32>} : memref<80x128xf32, #tpu.memory_space<vmem>>, vector<16xf32>,
      tpu.vector_store %arg12[%swap3A_1238, %swap3A_1239], %mul3A_1237 {strides = array<i32>} : memref<80x128xf32, #tpu.memory_space<vmem>>, vector<16xf32>,
      %get3A_1241 = arith.constant 1 : i32
      %get3A_1242 = arith.index_cast %get3A_1241 : i32 to index
      %get3A_1243 = arith.index_cast %scan3A_1164 : i32 to index
      %get3A_1244 = arith.constant 96 : index
      %get3A_1245 = tpu.vector_load %arg10[%get3A_1242, %get3A_1243, %get3A_1244] {strides = array<i32>} : memref<2x80x128xf32, #tpu.memory_space<vmem>>, vector<16xf32>,
      %max3A_1246 = arith.constant 0.000000e+00 : f32
      %max3A_1247 = vector.broadcast %max3A_1246 : f32 to vector<16xf32>
      %max3A_1248 = arith.maximumf %get3A_1245, %max3A_1247 : vector<16xf32>
      %mul3A_1249 = arith.mulf %max3A_1248, %gather3A_1169 : vector<16xf32>
      %swap3A_1250 = arith.index_cast %scan3A_1164 : i32 to index
      %swap3A_1251 = arith.constant 96 : index
      %swap3A_1252 = tpu.vector_load %arg12[%swap3A_1250, %swap3A_1251] {strides = array<i32>} : memref<80x128xf32, #tpu.memory_space<vmem>>, vector<16xf32>,
      tpu.vector_store %arg12[%swap3A_1250, %swap3A_1251], %mul3A_1249 {strides = array<i32>} : memref<80x128xf32, #tpu.memory_space<vmem>>, vector<16xf32>,
      %get3A_1253 = arith.constant 1 : i32
      %get3A_1254 = arith.index_cast %get3A_1253 : i32 to index
      %get3A_1255 = arith.index_cast %scan3A_1164 : i32 to index
      %get3A_1256 = arith.constant 112 : index
      %get3A_1257 = tpu.vector_load %arg10[%get3A_1254, %get3A_1255, %get3A_1256] {strides = array<i32>} : memref<2x80x128xf32, #tpu.memory_space<vmem>>, vector<16xf32>,
      %max3A_1258 = arith.constant 0.000000e+00 : f32
      %max3A_1259 = vector.broadcast %max3A_1258 : f32 to vector<16xf32>
      %max3A_1260 = arith.maximumf %get3A_1257, %max3A_1259 : vector<16xf32>
      %mul3A_1261 = arith.mulf %max3A_1260, %gather3A_1169 : vector<16xf32>
      %swap3A_1262 = arith.index_cast %scan3A_1164 : i32 to index
      %swap3A_1263 = arith.constant 112 : index
      %swap3A_1264 = tpu.vector_load %arg12[%swap3A_1262, %swap3A_1263] {strides = array<i32>} : memref<80x128xf32, #tpu.memory_space<vmem>>, vector<16xf32>,
      tpu.vector_store %arg12[%swap3A_1262, %swap3A_1263], %mul3A_1261 {strides = array<i32>} : memref<80x128xf32, #tpu.memory_space<vmem>>, vector<16xf32>,
      %swap3A_1265 = arith.index_cast %scan3A_1164 : i32 to index
      %swap3A_1266 = arith.constant 0 : index
      %swap3A_1267 = tpu.vector_load %arg13[%swap3A_1265, %swap3A_1266] {strides = array<i32>} : memref<80x16xf32, #tpu.memory_space<vmem>>, vector<16xf32>,
      tpu.vector_store %arg13[%swap3A_1265, %swap3A_1266], %gather3A_1169 {strides = array<i32>} : memref<80x16xf32, #tpu.memory_space<vmem>>, vector<16xf32>,
    }
    %scan3A_593 = arith.constant 80 : i32
    %dma_wait3A_594 = arith.constant 1 : i32
    %dma_wait3A_595 = arith.constant 0 : i32
    %dma_wait3A_596 = arith.constant 0 : i32
    %dma_wait3A_597 = tpu.memref_slice %arg9[%dma_wait3A_594, %dma_wait3A_595, %dma_wait3A_596] : memref<2x2x80xi32, #tpu.memory_space<vmem>> -> memref<1x2x80xi32, #tpu.memory_space<vmem>>
    %dma_wait3A_598 = tpu.memref_squeeze %dma_wait3A_597 : memref<1x2x80xi32, #tpu.memory_space<vmem>> -> memref<2x80xi32, #tpu.memory_space<vmem>>
    %dma_wait3A_599 = arith.constant 0 : i32
    %dma_wait3A_600 = arith.constant 0 : i32
    %dma_wait3A_601 = tpu.memref_slice %arg6[%dma_wait3A_599, %dma_wait3A_600] : memref<2x320000xi32, #tpu.memory_space<hbm>> -> memref<2x80xi32, #tpu.memory_space<hbm>>
    %dma_wait3A_602 = arith.constant 0 : i32
    %dma_wait3A_603 = arith.constant 0 : i32
    %dma_wait3A_604 = tpu.memref_slice %arg9[%dma_wait3A_594, %dma_wait3A_602, %dma_wait3A_603] : memref<2x2x80xi32, #tpu.memory_space<vmem>> -> memref<1x2x80xi32, #tpu.memory_space<vmem>>
    %dma_wait3A_605 = tpu.memref_squeeze %dma_wait3A_604 : memref<1x2x80xi32, #tpu.memory_space<vmem>> -> memref<2x80xi32, #tpu.memory_space<vmem>>
    %dma_wait3A_606 = arith.constant 0 : i32
    %dma_wait3A_607 = arith.constant 0 : i32
    %dma_wait3A_608 = tpu.memref_slice %arg6[%dma_wait3A_606, %dma_wait3A_607] : memref<2x320000xi32, #tpu.memory_space<hbm>> -> memref<2x80xi32, #tpu.memory_space<hbm>>
    tpu.wait_dma2 semaphore(%arg18 : memref<!tpu.dma_semaphore, #tpu.memory_space<semaphore_mem>>) src(%dma_wait3A_608 : memref<2x80xi32, #tpu.memory_space<hbm>>) dst(%dma_wait3A_605 : memref<2x80xi32, #tpu.memory_space<vmem>>)
    %add3A_609 = arith.constant 240 : i32
    %add3A_610 = arith.addi %mul3A_72, %add3A_609 : i32
    %dma_start3A_611 = arith.constant 1 : i32
    %dma_start3A_612 = arith.constant 0 : i32
    %dma_start3A_613 = arith.constant 0 : i32
    %dma_start3A_614 = tpu.memref_slice %arg10[%dma_start3A_611, %dma_start3A_612, %dma_start3A_613] : memref<2x80x128xf32, #tpu.memory_space<vmem>> -> memref<1x80x128xf32, #tpu.memory_space<vmem>>
    %dma_start3A_615 = tpu.memref_squeeze %dma_start3A_614 : memref<1x80x128xf32, #tpu.memory_space<vmem>> -> memref<80x128xf32, #tpu.memory_space<vmem>>
    %dma_start3A_616 = arith.constant 0 : i32
    %dma_start3A_617 = tpu.memref_slice %arg4[%add3A_610, %dma_start3A_616] : memref<320000x128xf32, #tpu.memory_space<hbm>> -> memref<80x128xf32, #tpu.memory_space<hbm>>
    %dma_start3A_618 = arith.constant 0 : i32
    %dma_start3A_619 = arith.constant 0 : i32
    %dma_start3A_620 = tpu.memref_slice %arg10[%dma_start3A_611, %dma_start3A_618, %dma_start3A_619] : memref<2x80x128xf32, #tpu.memory_space<vmem>> -> memref<1x80x128xf32, #tpu.memory_space<vmem>>
    %dma_start3A_621 = tpu.memref_squeeze %dma_start3A_620 : memref<1x80x128xf32, #tpu.memory_space<vmem>> -> memref<80x128xf32, #tpu.memory_space<vmem>>
    %dma_start3A_622 = arith.constant 0 : i32
    %dma_start3A_623 = tpu.memref_slice %arg4[%add3A_610, %dma_start3A_622] : memref<320000x128xf32, #tpu.memory_space<hbm>> -> memref<80x128xf32, #tpu.memory_space<hbm>>
    tpu.enqueue_dma source(%dma_start3A_623 : memref<80x128xf32, #tpu.memory_space<hbm>>) target(%dma_start3A_621 : memref<80x128xf32, #tpu.memory_space<vmem>>) target_semaphore(%arg20 : memref<!tpu.dma_semaphore, #tpu.memory_space<semaphore_mem>>)
    %dma_start3A_624 = arith.constant 1 : i32
    %dma_start3A_625 = arith.constant 0 : i32
    %dma_start3A_626 = tpu.memref_slice %arg11[%dma_start3A_624, %dma_start3A_625] : memref<2x80xf32, #tpu.memory_space<vmem>> -> memref<1x80xf32, #tpu.memory_space<vmem>>
    %dma_start3A_627 = tpu.memref_squeeze %dma_start3A_626 : memref<1x80xf32, #tpu.memory_space<vmem>> -> memref<80xf32, #tpu.memory_space<vmem>>
    %dma_start3A_628 = tpu.memref_slice %arg5[%add3A_610] : memref<320000xf32, #tpu.memory_space<hbm>> -> memref<80xf32, #tpu.memory_space<hbm>>
    %dma_start3A_629 = arith.constant 0 : i32
    %dma_start3A_630 = tpu.memref_slice %arg11[%dma_start3A_624, %dma_start3A_629] : memref<2x80xf32, #tpu.memory_space<vmem>> -> memref<1x80xf32, #tpu.memory_space<vmem>>
    %dma_start3A_631 = tpu.memref_squeeze %dma_start3A_630 : memref<1x80xf32, #tpu.memory_space<vmem>> -> memref<80xf32, #tpu.memory_space<vmem>>
    %dma_start3A_632 = tpu.memref_slice %arg5[%add3A_610] : memref<320000xf32, #tpu.memory_space<hbm>> -> memref<80xf32, #tpu.memory_space<hbm>>
    tpu.enqueue_dma source(%dma_start3A_632 : memref<80xf32, #tpu.memory_space<hbm>>) target(%dma_start3A_631 : memref<80xf32, #tpu.memory_space<vmem>>) target_semaphore(%arg20 : memref<!tpu.dma_semaphore, #tpu.memory_space<semaphore_mem>>)
    %dma_start3A_633 = arith.constant 1 : i32
    %dma_start3A_634 = arith.constant 0 : i32
    %dma_start3A_635 = tpu.memref_slice %arg14[%dma_start3A_633, %dma_start3A_634] : memref<2x80xi32, #tpu.memory_space<vmem>> -> memref<1x80xi32, #tpu.memory_space<vmem>>
    %dma_start3A_636 = tpu.memref_squeeze %dma_start3A_635 : memref<1x80xi32, #tpu.memory_space<vmem>> -> memref<80xi32, #tpu.memory_space<vmem>>
    %dma_start3A_637 = arith.constant 0 : i32
    %dma_start3A_638 = arith.constant 0 : i32
    %dma_start3A_639 = tpu.memref_slice %arg15[%dma_start3A_637, %dma_start3A_638] : memref<10000x128xf32, #tpu.memory_space<vmem_shared>> -> memref<10000x128xf32, #tpu.memory_space<vmem_shared>>
    tpu.enqueue_indirect_dma source(%arg12 : memref<80x128xf32, #tpu.memory_space<vmem>>) target(%dma_start3A_639 : memref<10000x128xf32, #tpu.memory_space<vmem_shared>>) offsets(%dma_start3A_636 : memref<80xi32, #tpu.memory_space<vmem>>) semaphore(%arg23 : memref<!tpu.dma_semaphore, #tpu.memory_space<semaphore_mem>>) {add = true}
    %dma_start3A_640 = arith.constant 1 : i32
    %dma_start3A_641 = arith.constant 0 : i32
    %dma_start3A_642 = tpu.memref_slice %arg14[%dma_start3A_640, %dma_start3A_641] : memref<2x80xi32, #tpu.memory_space<vmem>> -> memref<1x80xi32, #tpu.memory_space<vmem>>
    %dma_start3A_643 = tpu.memref_squeeze %dma_start3A_642 : memref<1x80xi32, #tpu.memory_space<vmem>> -> memref<80xi32, #tpu.memory_space<vmem>>
    %dma_start3A_644 = arith.constant 0 : i32
    %dma_start3A_645 = arith.constant 0 : i32
    %dma_start3A_646 = tpu.memref_slice %arg16[%dma_start3A_644, %dma_start3A_645] : memref<10000x16xf32, #tpu.memory_space<vmem_shared>> -> memref<10000x16xf32, #tpu.memory_space<vmem_shared>>
    tpu.enqueue_indirect_dma source(%arg13 : memref<80x16xf32, #tpu.memory_space<vmem>>) target(%dma_start3A_646 : memref<10000x16xf32, #tpu.memory_space<vmem_shared>>) offsets(%dma_start3A_643 : memref<80xi32, #tpu.memory_space<vmem>>) semaphore(%arg23 : memref<!tpu.dma_semaphore, #tpu.memory_space<semaphore_mem>>) {add = true}
    %scan3A_647 = arith.constant 0 : i32
    %scan3A_648 = arith.constant 1 : i32
    %scan3A_649 = arith.constant 60 : i32
    %scan3A_650 = arith.addi %scan3A_648, %scan3A_649 : i32
    %scan3A_651 = arith.constant 1 : i32
    scf.for %scan3A_1164 = %scan3A_648 to %scan3A_650 step %scan3A_651  : i32 {
      %mul3A_1165 = arith.constant 2 : i32
      %mul3A_1166 = arith.muli %mul3A_1165, %scan3A_1164 : i32
      %dma_wait3A_1167 = arith.constant 0 : i32
      %dma_wait3A_1168 = arith.constant 0 : i32
      %dma_wait3A_1169 = arith.constant 0 : i32
      %dma_wait3A_1170 = arith.constant 0 : i32
      %dma_wait3A_1171 = arith.constant 0 : i32
      %dma_wait3A_1172 = tpu.memref_slice %arg10[%dma_wait3A_1169, %dma_wait3A_1170, %dma_wait3A_1171] : memref<2x80x128xf32, #tpu.memory_space<vmem>> -> memref<1x80x128xf32, #tpu.memory_space<vmem>>
      %dma_wait3A_1173 = tpu.memref_squeeze %dma_wait3A_1172 : memref<1x80x128xf32, #tpu.memory_space<vmem>> -> memref<80x128xf32, #tpu.memory_space<vmem>>
      %dma_wait3A_1174 = arith.constant 0 : i32
      %dma_wait3A_1175 = tpu.memref_slice %arg9[%dma_wait3A_1167, %dma_wait3A_1168, %dma_wait3A_1174] : memref<2x2x80xi32, #tpu.memory_space<vmem>> -> memref<1x1x80xi32, #tpu.memory_space<vmem>>
      %dma_wait3A_1176 = tpu.memref_squeeze %dma_wait3A_1175 : memref<1x1x80xi32, #tpu.memory_space<vmem>> -> memref<80xi32, #tpu.memory_space<vmem>>
      %dma_wait3A_1177 = arith.constant 0 : i32
      %dma_wait3A_1178 = arith.constant 0 : i32
      %dma_wait3A_1179 = tpu.memref_slice %arg2[%dma_wait3A_1177, %dma_wait3A_1178] : memref<10000x128xf32, #tpu.memory_space<hbm>> -> memref<10000x128xf32, #tpu.memory_space<hbm>>
      tpu.wait_indirect_dma semaphore(%arg21 : memref<!tpu.dma_semaphore, #tpu.memory_space<semaphore_mem>>) src(%dma_wait3A_1179 : memref<10000x128xf32, #tpu.memory_space<hbm>>) dst(%dma_wait3A_1173 : memref<80x128xf32, #tpu.memory_space<vmem>>)
      %dma_wait3A_1180 = arith.constant 0 : i32
      %dma_wait3A_1181 = arith.constant 1 : i32
      %dma_wait3A_1182 = arith.constant 0 : i32
      %dma_wait3A_1183 = arith.constant 0 : i32
      %dma_wait3A_1184 = arith.constant 0 : i32
      %dma_wait3A_1185 = tpu.memref_slice %arg10[%dma_wait3A_1182, %dma_wait3A_1183, %dma_wait3A_1184] : memref<2x80x128xf32, #tpu.memory_space<vmem>> -> memref<1x80x128xf32, #tpu.memory_space<vmem>>
      %dma_wait3A_1186 = tpu.memref_squeeze %dma_wait3A_1185 : memref<1x80x128xf32, #tpu.memory_space<vmem>> -> memref<80x128xf32, #tpu.memory_space<vmem>>
      %dma_wait3A_1187 = arith.constant 0 : i32
      %dma_wait3A_1188 = tpu.memref_slice %arg9[%dma_wait3A_1180, %dma_wait3A_1181, %dma_wait3A_1187] : memref<2x2x80xi32, #tpu.memory_space<vmem>> -> memref<1x1x80xi32, #tpu.memory_space<vmem>>
      %dma_wait3A_1189 = tpu.memref_squeeze %dma_wait3A_1188 : memref<1x1x80xi32, #tpu.memory_space<vmem>> -> memref<80xi32, #tpu.memory_space<vmem>>
      %dma_wait3A_1190 = arith.constant 0 : i32
      %dma_wait3A_1191 = arith.constant 0 : i32
      %dma_wait3A_1192 = tpu.memref_slice %arg3[%dma_wait3A_1190, %dma_wait3A_1191] : memref<10000x128xf32, #tpu.memory_space<hbm>> -> memref<10000x128xf32, #tpu.memory_space<hbm>>
      tpu.wait_indirect_dma semaphore(%arg21 : memref<!tpu.dma_semaphore, #tpu.memory_space<semaphore_mem>>) src(%dma_wait3A_1192 : memref<10000x128xf32, #tpu.memory_space<hbm>>) dst(%dma_wait3A_1186 : memref<80x128xf32, #tpu.memory_space<vmem>>)
      %get3A_1193 = arith.constant 0 : i32
      %get3A_1194 = arith.constant 0 : i32
      %get3A_1195 = arith.index_cast %get3A_1193 : i32 to index
      %get3A_1196 = arith.index_cast %get3A_1194 : i32 to index
      %get3A_1197 = arith.constant 0 : index
      %get3A_1198 = tpu.vector_load %arg9[%get3A_1195, %get3A_1196, %get3A_1197] {strides = array<i32>} : memref<2x2x80xi32, #tpu.memory_space<vmem>>, vector<16xi32>,
      %swap3A_1199 = arith.constant 0 : i32
      %swap3A_1200 = arith.index_cast %swap3A_1199 : i32 to index
      %swap3A_1201 = arith.constant 0 : index
      %swap3A_1202 = tpu.vector_load %arg14[%swap3A_1200, %swap3A_1201] {strides = array<i32>} : memref<2x80xi32, #tpu.memory_space<vmem>>, vector<16xi32>,
      tpu.vector_store %arg14[%swap3A_1200, %swap3A_1201], %get3A_1198 {strides = array<i32>} : memref<2x80xi32, #tpu.memory_space<vmem>>, vector<16xi32>,
      %get3A_1203 = arith.constant 0 : i32
      %get3A_1204 = arith.constant 0 : i32
      %get3A_1205 = arith.index_cast %get3A_1203 : i32 to index
      %get3A_1206 = arith.index_cast %get3A_1204 : i32 to index
      %get3A_1207 = arith.constant 16 : index
      %get3A_1208 = tpu.vector_load %arg9[%get3A_1205, %get3A_1206, %get3A_1207] {strides = array<i32>} : memref<2x2x80xi32, #tpu.memory_space<vmem>>, vector<16xi32>,
      %swap3A_1209 = arith.constant 0 : i32
      %swap3A_1210 = arith.index_cast %swap3A_1209 : i32 to index
      %swap3A_1211 = arith.constant 16 : index
      %swap3A_1212 = tpu.vector_load %arg14[%swap3A_1210, %swap3A_1211] {strides = array<i32>} : memref<2x80xi32, #tpu.memory_space<vmem>>, vector<16xi32>,
      tpu.vector_store %arg14[%swap3A_1210, %swap3A_1211], %get3A_1208 {strides = array<i32>} : memref<2x80xi32, #tpu.memory_space<vmem>>, vector<16xi32>,
      %get3A_1213 = arith.constant 0 : i32
      %get3A_1214 = arith.constant 0 : i32
      %get3A_1215 = arith.index_cast %get3A_1213 : i32 to index
      %get3A_1216 = arith.index_cast %get3A_1214 : i32 to index
      %get3A_1217 = arith.constant 32 : index
      %get3A_1218 = tpu.vector_load %arg9[%get3A_1215, %get3A_1216, %get3A_1217] {strides = array<i32>} : memref<2x2x80xi32, #tpu.memory_space<vmem>>, vector<16xi32>,
      %swap3A_1219 = arith.constant 0 : i32
      %swap3A_1220 = arith.index_cast %swap3A_1219 : i32 to index
      %swap3A_1221 = arith.constant 32 : index
      %swap3A_1222 = tpu.vector_load %arg14[%swap3A_1220, %swap3A_1221] {strides = array<i32>} : memref<2x80xi32, #tpu.memory_space<vmem>>, vector<16xi32>,
      tpu.vector_store %arg14[%swap3A_1220, %swap3A_1221], %get3A_1218 {strides = array<i32>} : memref<2x80xi32, #tpu.memory_space<vmem>>, vector<16xi32>,
      %get3A_1223 = arith.constant 0 : i32
      %get3A_1224 = arith.constant 0 : i32
      %get3A_1225 = arith.index_cast %get3A_1223 : i32 to index
      %get3A_1226 = arith.index_cast %get3A_1224 : i32 to index
      %get3A_1227 = arith.constant 48 : index
      %get3A_1228 = tpu.vector_load %arg9[%get3A_1225, %get3A_1226, %get3A_1227] {strides = array<i32>} : memref<2x2x80xi32, #tpu.memory_space<vmem>>, vector<16xi32>,
      %swap3A_1229 = arith.constant 0 : i32
      %swap3A_1230 = arith.index_cast %swap3A_1229 : i32 to index
      %swap3A_1231 = arith.constant 48 : index
      %swap3A_1232 = tpu.vector_load %arg14[%swap3A_1230, %swap3A_1231] {strides = array<i32>} : memref<2x80xi32, #tpu.memory_space<vmem>>, vector<16xi32>,
      tpu.vector_store %arg14[%swap3A_1230, %swap3A_1231], %get3A_1228 {strides = array<i32>} : memref<2x80xi32, #tpu.memory_space<vmem>>, vector<16xi32>,
      %get3A_1233 = arith.constant 0 : i32
      %get3A_1234 = arith.constant 0 : i32
      %get3A_1235 = arith.index_cast %get3A_1233 : i32 to index
      %get3A_1236 = arith.index_cast %get3A_1234 : i32 to index
      %get3A_1237 = arith.constant 64 : index
      %get3A_1238 = tpu.vector_load %arg9[%get3A_1235, %get3A_1236, %get3A_1237] {strides = array<i32>} : memref<2x2x80xi32, #tpu.memory_space<vmem>>, vector<16xi32>,
      %swap3A_1239 = arith.constant 0 : i32
      %swap3A_1240 = arith.index_cast %swap3A_1239 : i32 to index
      %swap3A_1241 = arith.constant 64 : index
      %swap3A_1242 = tpu.vector_load %arg14[%swap3A_1240, %swap3A_1241] {strides = array<i32>} : memref<2x80xi32, #tpu.memory_space<vmem>>, vector<16xi32>,
      tpu.vector_store %arg14[%swap3A_1240, %swap3A_1241], %get3A_1238 {strides = array<i32>} : memref<2x80xi32, #tpu.memory_space<vmem>>, vector<16xi32>,
      %add3A_1243 = arith.constant 2 : i32
      %add3A_1244 = arith.addi %mul3A_1166, %add3A_1243 : i32
      %mul3A_1245 = arith.constant 80 : i32
      %mul3A_1246 = arith.muli %add3A_1244, %mul3A_1245 : i32
      %add3A_1247 = arith.addi %mul3A_72, %mul3A_1246 : i32
      %dma_start3A_1248 = arith.constant 0 : i32
      %dma_start3A_1249 = arith.constant 0 : i32
      %dma_start3A_1250 = arith.constant 0 : i32
      %dma_start3A_1251 = tpu.memref_slice %arg9[%dma_start3A_1248, %dma_start3A_1249, %dma_start3A_1250] : memref<2x2x80xi32, #tpu.memory_space<vmem>> -> memref<1x2x80xi32, #tpu.memory_space<vmem>>
      %dma_start3A_1252 = tpu.memref_squeeze %dma_start3A_1251 : memref<1x2x80xi32, #tpu.memory_space<vmem>> -> memref<2x80xi32, #tpu.memory_space<vmem>>
      %dma_start3A_1253 = arith.constant 0 : i32
      %dma_start3A_1254 = tpu.memref_slice %arg6[%dma_start3A_1253, %add3A_1247] : memref<2x320000xi32, #tpu.memory_space<hbm>> -> memref<2x80xi32, #tpu.memory_space<hbm>>
      %dma_start3A_1255 = arith.constant 0 : i32
      %dma_start3A_1256 = arith.constant 0 : i32
      %dma_start3A_1257 = tpu.memref_slice %arg9[%dma_start3A_1248, %dma_start3A_1255, %dma_start3A_1256] : memref<2x2x80xi32, #tpu.memory_space<vmem>> -> memref<1x2x80xi32, #tpu.memory_space<vmem>>
      %dma_start3A_1258 = tpu.memref_squeeze %dma_start3A_1257 : memref<1x2x80xi32, #tpu.memory_space<vmem>> -> memref<2x80xi32, #tpu.memory_space<vmem>>
      %dma_start3A_1259 = arith.constant 0 : i32
      %dma_start3A_1260 = tpu.memref_slice %arg6[%dma_start3A_1259, %add3A_1247] : memref<2x320000xi32, #tpu.memory_space<hbm>> -> memref<2x80xi32, #tpu.memory_space<hbm>>
      tpu.enqueue_dma source(%dma_start3A_1260 : memref<2x80xi32, #tpu.memory_space<hbm>>) target(%dma_start3A_1258 : memref<2x80xi32, #tpu.memory_space<vmem>>) target_semaphore(%arg17 : memref<!tpu.dma_semaphore, #tpu.memory_space<semaphore_mem>>)
      %dma_wait3A_1261 = arith.constant 1 : i32
      %dma_wait3A_1262 = arith.constant 0 : i32
      %dma_wait3A_1263 = arith.constant 0 : i32
      %dma_wait3A_1264 = tpu.memref_slice %arg10[%dma_wait3A_1261, %dma_wait3A_1262, %dma_wait3A_1263] : memref<2x80x128xf32, #tpu.memory_space<vmem>> -> memref<1x80x128xf32, #tpu.memory_space<vmem>>
      %dma_wait3A_1265 = tpu.memref_squeeze %dma_wait3A_1264 : memref<1x80x128xf32, #tpu.memory_space<vmem>> -> memref<80x128xf32, #tpu.memory_space<vmem>>
      %dma_wait3A_1266 = arith.constant 0 : i32
      %dma_wait3A_1267 = arith.constant 0 : i32
      %dma_wait3A_1268 = tpu.memref_slice %arg4[%dma_wait3A_1266, %dma_wait3A_1267] : memref<320000x128xf32, #tpu.memory_space<hbm>> -> memref<80x128xf32, #tpu.memory_space<hbm>>
      %dma_wait3A_1269 = arith.constant 0 : i32
      %dma_wait3A_1270 = arith.constant 0 : i32
      %dma_wait3A_1271 = tpu.memref_slice %arg10[%dma_wait3A_1261, %dma_wait3A_1269, %dma_wait3A_1270] : memref<2x80x128xf32, #tpu.memory_space<vmem>> -> memref<1x80x128xf32, #tpu.memory_space<vmem>>
      %dma_wait3A_1272 = tpu.memref_squeeze %dma_wait3A_1271 : memref<1x80x128xf32, #tpu.memory_space<vmem>> -> memref<80x128xf32, #tpu.memory_space<vmem>>
      %dma_wait3A_1273 = arith.constant 0 : i32
      %dma_wait3A_1274 = arith.constant 0 : i32
      %dma_wait3A_1275 = tpu.memref_slice %arg4[%dma_wait3A_1273, %dma_wait3A_1274] : memref<320000x128xf32, #tpu.memory_space<hbm>> -> memref<80x128xf32, #tpu.memory_space<hbm>>
      tpu.wait_dma2 semaphore(%arg20 : memref<!tpu.dma_semaphore, #tpu.memory_space<semaphore_mem>>) src(%dma_wait3A_1275 : memref<80x128xf32, #tpu.memory_space<hbm>>) dst(%dma_wait3A_1272 : memref<80x128xf32, #tpu.memory_space<vmem>>)
      %dma_wait3A_1276 = arith.constant 1 : i32
      %dma_wait3A_1277 = arith.constant 0 : i32
      %dma_wait3A_1278 = tpu.memref_slice %arg11[%dma_wait3A_1276, %dma_wait3A_1277] : memref<2x80xf32, #tpu.memory_space<vmem>> -> memref<1x80xf32, #tpu.memory_space<vmem>>
      %dma_wait3A_1279 = tpu.memref_squeeze %dma_wait3A_1278 : memref<1x80xf32, #tpu.memory_space<vmem>> -> memref<80xf32, #tpu.memory_space<vmem>>
      %dma_wait3A_1280 = arith.constant 0 : i32
      %dma_wait3A_1281 = tpu.memref_slice %arg5[%dma_wait3A_1280] : memref<320000xf32, #tpu.memory_space<hbm>> -> memref<80xf32, #tpu.memory_space<hbm>>
      %dma_wait3A_1282 = arith.constant 0 : i32
      %dma_wait3A_1283 = tpu.memref_slice %arg11[%dma_wait3A_1276, %dma_wait3A_1282] : memref<2x80xf32, #tpu.memory_space<vmem>> -> memref<1x80xf32, #tpu.memory_space<vmem>>
      %dma_wait3A_1284 = tpu.memref_squeeze %dma_wait3A_1283 : memref<1x80xf32, #tpu.memory_space<vmem>> -> memref<80xf32, #tpu.memory_space<vmem>>
      %dma_wait3A_1285 = arith.constant 0 : i32
      %dma_wait3A_1286 = tpu.memref_slice %arg5[%dma_wait3A_1285] : memref<320000xf32, #tpu.memory_space<hbm>> -> memref<80xf32, #tpu.memory_space<hbm>>
      tpu.wait_dma2 semaphore(%arg20 : memref<!tpu.dma_semaphore, #tpu.memory_space<semaphore_mem>>) src(%dma_wait3A_1286 : memref<80xf32, #tpu.memory_space<hbm>>) dst(%dma_wait3A_1284 : memref<80xf32, #tpu.memory_space<vmem>>)
      %dma_start3A_1287 = arith.constant 1 : i32
      %dma_start3A_1288 = arith.constant 0 : i32
      %dma_start3A_1289 = arith.constant 1 : i32
      %dma_start3A_1290 = arith.constant 0 : i32
      %dma_start3A_1291 = arith.constant 0 : i32
      %dma_start3A_1292 = tpu.memref_slice %arg10[%dma_start3A_1289, %dma_start3A_1290, %dma_start3A_1291] : memref<2x80x128xf32, #tpu.memory_space<vmem>> -> memref<1x80x128xf32, #tpu.memory_space<vmem>>
      %dma_start3A_1293 = tpu.memref_squeeze %dma_start3A_1292 : memref<1x80x128xf32, #tpu.memory_space<vmem>> -> memref<80x128xf32, #tpu.memory_space<vmem>>
      %dma_start3A_1294 = arith.constant 0 : i32
      %dma_start3A_1295 = tpu.memref_slice %arg9[%dma_start3A_1287, %dma_start3A_1288, %dma_start3A_1294] : memref<2x2x80xi32, #tpu.memory_space<vmem>> -> memref<1x1x80xi32, #tpu.memory_space<vmem>>
      %dma_start3A_1296 = tpu.memref_squeeze %dma_start3A_1295 : memref<1x1x80xi32, #tpu.memory_space<vmem>> -> memref<80xi32, #tpu.memory_space<vmem>>
      %dma_start3A_1297 = arith.constant 0 : i32
      %dma_start3A_1298 = arith.constant 0 : i32
      %dma_start3A_1299 = tpu.memref_slice %arg2[%dma_start3A_1297, %dma_start3A_1298] : memref<10000x128xf32, #tpu.memory_space<hbm>> -> memref<10000x128xf32, #tpu.memory_space<hbm>>
      tpu.enqueue_indirect_dma source(%dma_start3A_1299 : memref<10000x128xf32, #tpu.memory_space<hbm>>) target(%dma_start3A_1293 : memref<80x128xf32, #tpu.memory_space<vmem>>) offsets(%dma_start3A_1296 : memref<80xi32, #tpu.memory_space<vmem>>) semaphore(%arg22 : memref<!tpu.dma_semaphore, #tpu.memory_space<semaphore_mem>>) {add = true}
      %dma_start3A_1300 = arith.constant 1 : i32
      %dma_start3A_1301 = arith.constant 1 : i32
      %dma_start3A_1302 = arith.constant 1 : i32
      %dma_start3A_1303 = arith.constant 0 : i32
      %dma_start3A_1304 = arith.constant 0 : i32
      %dma_start3A_1305 = tpu.memref_slice %arg10[%dma_start3A_1302, %dma_start3A_1303, %dma_start3A_1304] : memref<2x80x128xf32, #tpu.memory_space<vmem>> -> memref<1x80x128xf32, #tpu.memory_space<vmem>>
      %dma_start3A_1306 = tpu.memref_squeeze %dma_start3A_1305 : memref<1x80x128xf32, #tpu.memory_space<vmem>> -> memref<80x128xf32, #tpu.memory_space<vmem>>
      %dma_start3A_1307 = arith.constant 0 : i32
      %dma_start3A_1308 = tpu.memref_slice %arg9[%dma_start3A_1300, %dma_start3A_1301, %dma_start3A_1307] : memref<2x2x80xi32, #tpu.memory_space<vmem>> -> memref<1x1x80xi32, #tpu.memory_space<vmem>>
      %dma_start3A_1309 = tpu.memref_squeeze %dma_start3A_1308 : memref<1x1x80xi32, #tpu.memory_space<vmem>> -> memref<80xi32, #tpu.memory_space<vmem>>
      %dma_start3A_1310 = arith.constant 0 : i32
      %dma_start3A_1311 = arith.constant 0 : i32
      %dma_start3A_1312 = tpu.memref_slice %arg3[%dma_start3A_1310, %dma_start3A_1311] : memref<10000x128xf32, #tpu.memory_space<hbm>> -> memref<10000x128xf32, #tpu.memory_space<hbm>>
      tpu.enqueue_indirect_dma source(%dma_start3A_1312 : memref<10000x128xf32, #tpu.memory_space<hbm>>) target(%dma_start3A_1306 : memref<80x128xf32, #tpu.memory_space<vmem>>) offsets(%dma_start3A_1309 : memref<80xi32, #tpu.memory_space<vmem>>) semaphore(%arg22 : memref<!tpu.dma_semaphore, #tpu.memory_space<semaphore_mem>>) {add = true}
      %dma_wait3A_1313 = arith.constant 0 : i32
      %dma_wait3A_1314 = arith.constant 0 : i32
      %dma_wait3A_1315 = tpu.memref_slice %arg14[%dma_wait3A_1313, %dma_wait3A_1314] : memref<2x80xi32, #tpu.memory_space<vmem>> -> memref<1x80xi32, #tpu.memory_space<vmem>>
      %dma_wait3A_1316 = tpu.memref_squeeze %dma_wait3A_1315 : memref<1x80xi32, #tpu.memory_space<vmem>> -> memref<80xi32, #tpu.memory_space<vmem>>
      %dma_wait3A_1317 = arith.constant 0 : i32
      %dma_wait3A_1318 = arith.constant 0 : i32
      %dma_wait3A_1319 = tpu.memref_slice %arg15[%dma_wait3A_1317, %dma_wait3A_1318] : memref<10000x128xf32, #tpu.memory_space<vmem_shared>> -> memref<10000x128xf32, #tpu.memory_space<vmem_shared>>
      tpu.wait_indirect_dma semaphore(%arg23 : memref<!tpu.dma_semaphore, #tpu.memory_space<semaphore_mem>>) src(%arg12 : memref<80x128xf32, #tpu.memory_space<vmem>>) dst(%dma_wait3A_1319 : memref<10000x128xf32, #tpu.memory_space<vmem_shared>>)
      %dma_wait3A_1320 = arith.constant 0 : i32
      %dma_wait3A_1321 = arith.constant 0 : i32
      %dma_wait3A_1322 = tpu.memref_slice %arg14[%dma_wait3A_1320, %dma_wait3A_1321] : memref<2x80xi32, #tpu.memory_space<vmem>> -> memref<1x80xi32, #tpu.memory_space<vmem>>
      %dma_wait3A_1323 = tpu.memref_squeeze %dma_wait3A_1322 : memref<1x80xi32, #tpu.memory_space<vmem>> -> memref<80xi32, #tpu.memory_space<vmem>>
      %dma_wait3A_1324 = arith.constant 0 : i32
      %dma_wait3A_1325 = arith.constant 0 : i32
      %dma_wait3A_1326 = tpu.memref_slice %arg16[%dma_wait3A_1324, %dma_wait3A_1325] : memref<10000x16xf32, #tpu.memory_space<vmem_shared>> -> memref<10000x16xf32, #tpu.memory_space<vmem_shared>>
      tpu.wait_indirect_dma semaphore(%arg23 : memref<!tpu.dma_semaphore, #tpu.memory_space<semaphore_mem>>) src(%arg13 : memref<80x16xf32, #tpu.memory_space<vmem>>) dst(%dma_wait3A_1326 : memref<10000x16xf32, #tpu.memory_space<vmem_shared>>)
      %scan3A_1327 = arith.constant 0 : i32
      %scan3A_1328 = arith.constant 0 : i32
      %scan3A_1329 = arith.constant 80 : i32
      %scan3A_1330 = arith.addi %scan3A_1328, %scan3A_1329 : i32
      %scan3A_1331 = arith.constant 1 : i32
      scf.for %scan3A_1613 = %scan3A_1328 to %scan3A_1330 step %scan3A_1331  : i32 {
        %broadcast_in_dim3A_1614 = vector.broadcast %scan3A_1613 : i32 to vector<16xi32>
        %gather3A = arith.constant 0 : i32
        %gather3A_1615 = arith.constant 0 : i32
        %gather3A_1616 = tpu.memref_slice %arg11[%gather3A, %gather3A_1615] : memref<2x80xf32, #tpu.memory_space<vmem>> -> memref<1x80xf32, #tpu.memory_space<vmem>>
        %gather3A_1617 = tpu.memref_squeeze %gather3A_1616 : memref<1x80xf32, #tpu.memory_space<vmem>> -> memref<80xf32, #tpu.memory_space<vmem>>
        %gather3A_1618 = tpu.vector_load_idx %gather3A_1617[%broadcast_in_dim3A_1614] : memref<80xf32, #tpu.memory_space<vmem>>[vector<16xi32>], vector<16xf32>,
        %get3A_1619 = arith.constant 0 : i32
        %get3A_1620 = arith.index_cast %get3A_1619 : i32 to index
        %get3A_1621 = arith.index_cast %scan3A_1613 : i32 to index
        %get3A_1622 = arith.constant 0 : index
        %get3A_1623 = tpu.vector_load %arg10[%get3A_1620, %get3A_1621, %get3A_1622] {strides = array<i32>} : memref<2x80x128xf32, #tpu.memory_space<vmem>>, vector<16xf32>,
        %max3A = arith.constant 0.000000e+00 : f32
        %max3A_1624 = vector.broadcast %max3A : f32 to vector<16xf32>
        %max3A_1625 = arith.maximumf %get3A_1623, %max3A_1624 : vector<16xf32>
        %mul3A_1626 = arith.mulf %max3A_1625, %gather3A_1618 : vector<16xf32>
        %swap3A_1627 = arith.index_cast %scan3A_1613 : i32 to index
        %swap3A_1628 = arith.constant 0 : index
        %swap3A_1629 = tpu.vector_load %arg12[%swap3A_1627, %swap3A_1628] {strides = array<i32>} : memref<80x128xf32, #tpu.memory_space<vmem>>, vector<16xf32>,
        tpu.vector_store %arg12[%swap3A_1627, %swap3A_1628], %mul3A_1626 {strides = array<i32>} : memref<80x128xf32, #tpu.memory_space<vmem>>, vector<16xf32>,
        %get3A_1630 = arith.constant 0 : i32
        %get3A_1631 = arith.index_cast %get3A_1630 : i32 to index
        %get3A_1632 = arith.index_cast %scan3A_1613 : i32 to index
        %get3A_1633 = arith.constant 16 : index
        %get3A_1634 = tpu.vector_load %arg10[%get3A_1631, %get3A_1632, %get3A_1633] {strides = array<i32>} : memref<2x80x128xf32, #tpu.memory_space<vmem>>, vector<16xf32>,
        %max3A_1635 = arith.constant 0.000000e+00 : f32
        %max3A_1636 = vector.broadcast %max3A_1635 : f32 to vector<16xf32>
        %max3A_1637 = arith.maximumf %get3A_1634, %max3A_1636 : vector<16xf32>
        %mul3A_1638 = arith.mulf %max3A_1637, %gather3A_1618 : vector<16xf32>
        %swap3A_1639 = arith.index_cast %scan3A_1613 : i32 to index
        %swap3A_1640 = arith.constant 16 : index
        %swap3A_1641 = tpu.vector_load %arg12[%swap3A_1639, %swap3A_1640] {strides = array<i32>} : memref<80x128xf32, #tpu.memory_space<vmem>>, vector<16xf32>,
        tpu.vector_store %arg12[%swap3A_1639, %swap3A_1640], %mul3A_1638 {strides = array<i32>} : memref<80x128xf32, #tpu.memory_space<vmem>>, vector<16xf32>,
        %get3A_1642 = arith.constant 0 : i32
        %get3A_1643 = arith.index_cast %get3A_1642 : i32 to index
        %get3A_1644 = arith.index_cast %scan3A_1613 : i32 to index
        %get3A_1645 = arith.constant 32 : index
        %get3A_1646 = tpu.vector_load %arg10[%get3A_1643, %get3A_1644, %get3A_1645] {strides = array<i32>} : memref<2x80x128xf32, #tpu.memory_space<vmem>>, vector<16xf32>,
        %max3A_1647 = arith.constant 0.000000e+00 : f32
        %max3A_1648 = vector.broadcast %max3A_1647 : f32 to vector<16xf32>
        %max3A_1649 = arith.maximumf %get3A_1646, %max3A_1648 : vector<16xf32>
        %mul3A_1650 = arith.mulf %max3A_1649, %gather3A_1618 : vector<16xf32>
        %swap3A_1651 = arith.index_cast %scan3A_1613 : i32 to index
        %swap3A_1652 = arith.constant 32 : index
        %swap3A_1653 = tpu.vector_load %arg12[%swap3A_1651, %swap3A_1652] {strides = array<i32>} : memref<80x128xf32, #tpu.memory_space<vmem>>, vector<16xf32>,
        tpu.vector_store %arg12[%swap3A_1651, %swap3A_1652], %mul3A_1650 {strides = array<i32>} : memref<80x128xf32, #tpu.memory_space<vmem>>, vector<16xf32>,
        %get3A_1654 = arith.constant 0 : i32
        %get3A_1655 = arith.index_cast %get3A_1654 : i32 to index
        %get3A_1656 = arith.index_cast %scan3A_1613 : i32 to index
        %get3A_1657 = arith.constant 48 : index
        %get3A_1658 = tpu.vector_load %arg10[%get3A_1655, %get3A_1656, %get3A_1657] {strides = array<i32>} : memref<2x80x128xf32, #tpu.memory_space<vmem>>, vector<16xf32>,
        %max3A_1659 = arith.constant 0.000000e+00 : f32
        %max3A_1660 = vector.broadcast %max3A_1659 : f32 to vector<16xf32>
        %max3A_1661 = arith.maximumf %get3A_1658, %max3A_1660 : vector<16xf32>
        %mul3A_1662 = arith.mulf %max3A_1661, %gather3A_1618 : vector<16xf32>
        %swap3A_1663 = arith.index_cast %scan3A_1613 : i32 to index
        %swap3A_1664 = arith.constant 48 : index
        %swap3A_1665 = tpu.vector_load %arg12[%swap3A_1663, %swap3A_1664] {strides = array<i32>} : memref<80x128xf32, #tpu.memory_space<vmem>>, vector<16xf32>,
        tpu.vector_store %arg12[%swap3A_1663, %swap3A_1664], %mul3A_1662 {strides = array<i32>} : memref<80x128xf32, #tpu.memory_space<vmem>>, vector<16xf32>,
        %get3A_1666 = arith.constant 0 : i32
        %get3A_1667 = arith.index_cast %get3A_1666 : i32 to index
        %get3A_1668 = arith.index_cast %scan3A_1613 : i32 to index
        %get3A_1669 = arith.constant 64 : index
        %get3A_1670 = tpu.vector_load %arg10[%get3A_1667, %get3A_1668, %get3A_1669] {strides = array<i32>} : memref<2x80x128xf32, #tpu.memory_space<vmem>>, vector<16xf32>,
        %max3A_1671 = arith.constant 0.000000e+00 : f32
        %max3A_1672 = vector.broadcast %max3A_1671 : f32 to vector<16xf32>
        %max3A_1673 = arith.maximumf %get3A_1670, %max3A_1672 : vector<16xf32>
        %mul3A_1674 = arith.mulf %max3A_1673, %gather3A_1618 : vector<16xf32>
        %swap3A_1675 = arith.index_cast %scan3A_1613 : i32 to index
        %swap3A_1676 = arith.constant 64 : index
        %swap3A_1677 = tpu.vector_load %arg12[%swap3A_1675, %swap3A_1676] {strides = array<i32>} : memref<80x128xf32, #tpu.memory_space<vmem>>, vector<16xf32>,
        tpu.vector_store %arg12[%swap3A_1675, %swap3A_1676], %mul3A_1674 {strides = array<i32>} : memref<80x128xf32, #tpu.memory_space<vmem>>, vector<16xf32>,
        %get3A_1678 = arith.constant 0 : i32
        %get3A_1679 = arith.index_cast %get3A_1678 : i32 to index
        %get3A_1680 = arith.index_cast %scan3A_1613 : i32 to index
        %get3A_1681 = arith.constant 80 : index
        %get3A_1682 = tpu.vector_load %arg10[%get3A_1679, %get3A_1680, %get3A_1681] {strides = array<i32>} : memref<2x80x128xf32, #tpu.memory_space<vmem>>, vector<16xf32>,
        %max3A_1683 = arith.constant 0.000000e+00 : f32
        %max3A_1684 = vector.broadcast %max3A_1683 : f32 to vector<16xf32>
        %max3A_1685 = arith.maximumf %get3A_1682, %max3A_1684 : vector<16xf32>
        %mul3A_1686 = arith.mulf %max3A_1685, %gather3A_1618 : vector<16xf32>
        %swap3A_1687 = arith.index_cast %scan3A_1613 : i32 to index
        %swap3A_1688 = arith.constant 80 : index
        %swap3A_1689 = tpu.vector_load %arg12[%swap3A_1687, %swap3A_1688] {strides = array<i32>} : memref<80x128xf32, #tpu.memory_space<vmem>>, vector<16xf32>,
        tpu.vector_store %arg12[%swap3A_1687, %swap3A_1688], %mul3A_1686 {strides = array<i32>} : memref<80x128xf32, #tpu.memory_space<vmem>>, vector<16xf32>,
        %get3A_1690 = arith.constant 0 : i32
        %get3A_1691 = arith.index_cast %get3A_1690 : i32 to index
        %get3A_1692 = arith.index_cast %scan3A_1613 : i32 to index
        %get3A_1693 = arith.constant 96 : index
        %get3A_1694 = tpu.vector_load %arg10[%get3A_1691, %get3A_1692, %get3A_1693] {strides = array<i32>} : memref<2x80x128xf32, #tpu.memory_space<vmem>>, vector<16xf32>,
        %max3A_1695 = arith.constant 0.000000e+00 : f32
        %max3A_1696 = vector.broadcast %max3A_1695 : f32 to vector<16xf32>
        %max3A_1697 = arith.maximumf %get3A_1694, %max3A_1696 : vector<16xf32>
        %mul3A_1698 = arith.mulf %max3A_1697, %gather3A_1618 : vector<16xf32>
        %swap3A_1699 = arith.index_cast %scan3A_1613 : i32 to index
        %swap3A_1700 = arith.constant 96 : index
        %swap3A_1701 = tpu.vector_load %arg12[%swap3A_1699, %swap3A_1700] {strides = array<i32>} : memref<80x128xf32, #tpu.memory_space<vmem>>, vector<16xf32>,
        tpu.vector_store %arg12[%swap3A_1699, %swap3A_1700], %mul3A_1698 {strides = array<i32>} : memref<80x128xf32, #tpu.memory_space<vmem>>, vector<16xf32>,
        %get3A_1702 = arith.constant 0 : i32
        %get3A_1703 = arith.index_cast %get3A_1702 : i32 to index
        %get3A_1704 = arith.index_cast %scan3A_1613 : i32 to index
        %get3A_1705 = arith.constant 112 : index
        %get3A_1706 = tpu.vector_load %arg10[%get3A_1703, %get3A_1704, %get3A_1705] {strides = array<i32>} : memref<2x80x128xf32, #tpu.memory_space<vmem>>, vector<16xf32>,
        %max3A_1707 = arith.constant 0.000000e+00 : f32
        %max3A_1708 = vector.broadcast %max3A_1707 : f32 to vector<16xf32>
        %max3A_1709 = arith.maximumf %get3A_1706, %max3A_1708 : vector<16xf32>
        %mul3A_1710 = arith.mulf %max3A_1709, %gather3A_1618 : vector<16xf32>
        %swap3A_1711 = arith.index_cast %scan3A_1613 : i32 to index
        %swap3A_1712 = arith.constant 112 : index
        %swap3A_1713 = tpu.vector_load %arg12[%swap3A_1711, %swap3A_1712] {strides = array<i32>} : memref<80x128xf32, #tpu.memory_space<vmem>>, vector<16xf32>,
        tpu.vector_store %arg12[%swap3A_1711, %swap3A_1712], %mul3A_1710 {strides = array<i32>} : memref<80x128xf32, #tpu.memory_space<vmem>>, vector<16xf32>,
        %swap3A_1714 = arith.index_cast %scan3A_1613 : i32 to index
        %swap3A_1715 = arith.constant 0 : index
        %swap3A_1716 = tpu.vector_load %arg13[%swap3A_1714, %swap3A_1715] {strides = array<i32>} : memref<80x16xf32, #tpu.memory_space<vmem>>, vector<16xf32>,
        tpu.vector_store %arg13[%swap3A_1714, %swap3A_1715], %gather3A_1618 {strides = array<i32>} : memref<80x16xf32, #tpu.memory_space<vmem>>, vector<16xf32>,
      }
      %scan3A_1332 = arith.constant 80 : i32
      %dma_wait3A_1333 = arith.constant 0 : i32
      %dma_wait3A_1334 = arith.constant 0 : i32
      %dma_wait3A_1335 = arith.constant 0 : i32
      %dma_wait3A_1336 = tpu.memref_slice %arg9[%dma_wait3A_1333, %dma_wait3A_1334, %dma_wait3A_1335] : memref<2x2x80xi32, #tpu.memory_space<vmem>> -> memref<1x2x80xi32, #tpu.memory_space<vmem>>
      %dma_wait3A_1337 = tpu.memref_squeeze %dma_wait3A_1336 : memref<1x2x80xi32, #tpu.memory_space<vmem>> -> memref<2x80xi32, #tpu.memory_space<vmem>>
      %dma_wait3A_1338 = arith.constant 0 : i32
      %dma_wait3A_1339 = arith.constant 0 : i32
      %dma_wait3A_1340 = tpu.memref_slice %arg6[%dma_wait3A_1338, %dma_wait3A_1339] : memref<2x320000xi32, #tpu.memory_space<hbm>> -> memref<2x80xi32, #tpu.memory_space<hbm>>
      %dma_wait3A_1341 = arith.constant 0 : i32
      %dma_wait3A_1342 = arith.constant 0 : i32
      %dma_wait3A_1343 = tpu.memref_slice %arg9[%dma_wait3A_1333, %dma_wait3A_1341, %dma_wait3A_1342] : memref<2x2x80xi32, #tpu.memory_space<vmem>> -> memref<1x2x80xi32, #tpu.memory_space<vmem>>
      %dma_wait3A_1344 = tpu.memref_squeeze %dma_wait3A_1343 : memref<1x2x80xi32, #tpu.memory_space<vmem>> -> memref<2x80xi32, #tpu.memory_space<vmem>>
      %dma_wait3A_1345 = arith.constant 0 : i32
      %dma_wait3A_1346 = arith.constant 0 : i32
      %dma_wait3A_1347 = tpu.memref_slice %arg6[%dma_wait3A_1345, %dma_wait3A_1346] : memref<2x320000xi32, #tpu.memory_space<hbm>> -> memref<2x80xi32, #tpu.memory_space<hbm>>
      tpu.wait_dma2 semaphore(%arg17 : memref<!tpu.dma_semaphore, #tpu.memory_space<semaphore_mem>>) src(%dma_wait3A_1347 : memref<2x80xi32, #tpu.memory_space<hbm>>) dst(%dma_wait3A_1344 : memref<2x80xi32, #tpu.memory_space<vmem>>)
      %add3A_1348 = arith.constant 2 : i32
      %add3A_1349 = arith.addi %mul3A_1166, %add3A_1348 : i32
      %mul3A_1350 = arith.constant 80 : i32
      %mul3A_1351 = arith.muli %add3A_1349, %mul3A_1350 : i32
      %add3A_1352 = arith.addi %mul3A_72, %mul3A_1351 : i32
      %dma_start3A_1353 = arith.constant 0 : i32
      %dma_start3A_1354 = arith.constant 0 : i32
      %dma_start3A_1355 = arith.constant 0 : i32
      %dma_start3A_1356 = tpu.memref_slice %arg10[%dma_start3A_1353, %dma_start3A_1354, %dma_start3A_1355] : memref<2x80x128xf32, #tpu.memory_space<vmem>> -> memref<1x80x128xf32, #tpu.memory_space<vmem>>
      %dma_start3A_1357 = tpu.memref_squeeze %dma_start3A_1356 : memref<1x80x128xf32, #tpu.memory_space<vmem>> -> memref<80x128xf32, #tpu.memory_space<vmem>>
      %dma_start3A_1358 = arith.constant 0 : i32
      %dma_start3A_1359 = tpu.memref_slice %arg4[%add3A_1352, %dma_start3A_1358] : memref<320000x128xf32, #tpu.memory_space<hbm>> -> memref<80x128xf32, #tpu.memory_space<hbm>>
      %dma_start3A_1360 = arith.constant 0 : i32
      %dma_start3A_1361 = arith.constant 0 : i32
      %dma_start3A_1362 = tpu.memref_slice %arg10[%dma_start3A_1353, %dma_start3A_1360, %dma_start3A_1361] : memref<2x80x128xf32, #tpu.memory_space<vmem>> -> memref<1x80x128xf32, #tpu.memory_space<vmem>>
      %dma_start3A_1363 = tpu.memref_squeeze %dma_start3A_1362 : memref<1x80x128xf32, #tpu.memory_space<vmem>> -> memref<80x128xf32, #tpu.memory_space<vmem>>
      %dma_start3A_1364 = arith.constant 0 : i32
      %dma_start3A_1365 = tpu.memref_slice %arg4[%add3A_1352, %dma_start3A_1364] : memref<320000x128xf32, #tpu.memory_space<hbm>> -> memref<80x128xf32, #tpu.memory_space<hbm>>
      tpu.enqueue_dma source(%dma_start3A_1365 : memref<80x128xf32, #tpu.memory_space<hbm>>) target(%dma_start3A_1363 : memref<80x128xf32, #tpu.memory_space<vmem>>) target_semaphore(%arg19 : memref<!tpu.dma_semaphore, #tpu.memory_space<semaphore_mem>>)
      %dma_start3A_1366 = arith.constant 0 : i32
      %dma_start3A_1367 = arith.constant 0 : i32
      %dma_start3A_1368 = tpu.memref_slice %arg11[%dma_start3A_1366, %dma_start3A_1367] : memref<2x80xf32, #tpu.memory_space<vmem>> -> memref<1x80xf32, #tpu.memory_space<vmem>>
      %dma_start3A_1369 = tpu.memref_squeeze %dma_start3A_1368 : memref<1x80xf32, #tpu.memory_space<vmem>> -> memref<80xf32, #tpu.memory_space<vmem>>
      %dma_start3A_1370 = tpu.memref_slice %arg5[%add3A_1352] : memref<320000xf32, #tpu.memory_space<hbm>> -> memref<80xf32, #tpu.memory_space<hbm>>
      %dma_start3A_1371 = arith.constant 0 : i32
      %dma_start3A_1372 = tpu.memref_slice %arg11[%dma_start3A_1366, %dma_start3A_1371] : memref<2x80xf32, #tpu.memory_space<vmem>> -> memref<1x80xf32, #tpu.memory_space<vmem>>
      %dma_start3A_1373 = tpu.memref_squeeze %dma_start3A_1372 : memref<1x80xf32, #tpu.memory_space<vmem>> -> memref<80xf32, #tpu.memory_space<vmem>>
      %dma_start3A_1374 = tpu.memref_slice %arg5[%add3A_1352] : memref<320000xf32, #tpu.memory_space<hbm>> -> memref<80xf32, #tpu.memory_space<hbm>>
      tpu.enqueue_dma source(%dma_start3A_1374 : memref<80xf32, #tpu.memory_space<hbm>>) target(%dma_start3A_1373 : memref<80xf32, #tpu.memory_space<vmem>>) target_semaphore(%arg19 : memref<!tpu.dma_semaphore, #tpu.memory_space<semaphore_mem>>)
      %dma_start3A_1375 = arith.constant 0 : i32
      %dma_start3A_1376 = arith.constant 0 : i32
      %dma_start3A_1377 = tpu.memref_slice %arg14[%dma_start3A_1375, %dma_start3A_1376] : memref<2x80xi32, #tpu.memory_space<vmem>> -> memref<1x80xi32, #tpu.memory_space<vmem>>
      %dma_start3A_1378 = tpu.memref_squeeze %dma_start3A_1377 : memref<1x80xi32, #tpu.memory_space<vmem>> -> memref<80xi32, #tpu.memory_space<vmem>>
      %dma_start3A_1379 = arith.constant 0 : i32
      %dma_start3A_1380 = arith.constant 0 : i32
      %dma_start3A_1381 = tpu.memref_slice %arg15[%dma_start3A_1379, %dma_start3A_1380] : memref<10000x128xf32, #tpu.memory_space<vmem_shared>> -> memref<10000x128xf32, #tpu.memory_space<vmem_shared>>
      tpu.enqueue_indirect_dma source(%arg12 : memref<80x128xf32, #tpu.memory_space<vmem>>) target(%dma_start3A_1381 : memref<10000x128xf32, #tpu.memory_space<vmem_shared>>) offsets(%dma_start3A_1378 : memref<80xi32, #tpu.memory_space<vmem>>) semaphore(%arg23 : memref<!tpu.dma_semaphore, #tpu.memory_space<semaphore_mem>>) {add = true}
      %dma_start3A_1382 = arith.constant 0 : i32
      %dma_start3A_1383 = arith.constant 0 : i32
      %dma_start3A_1384 = tpu.memref_slice %arg14[%dma_start3A_1382, %dma_start3A_1383] : memref<2x80xi32, #tpu.memory_space<vmem>> -> memref<1x80xi32, #tpu.memory_space<vmem>>
      %dma_start3A_1385 = tpu.memref_squeeze %dma_start3A_1384 : memref<1x80xi32, #tpu.memory_space<vmem>> -> memref<80xi32, #tpu.memory_space<vmem>>
      %dma_start3A_1386 = arith.constant 0 : i32
      %dma_start3A_1387 = arith.constant 0 : i32
      %dma_start3A_1388 = tpu.memref_slice %arg16[%dma_start3A_1386, %dma_start3A_1387] : memref<10000x16xf32, #tpu.memory_space<vmem_shared>> -> memref<10000x16xf32, #tpu.memory_space<vmem_shared>>
      tpu.enqueue_indirect_dma source(%arg13 : memref<80x16xf32, #tpu.memory_space<vmem>>) target(%dma_start3A_1388 : memref<10000x16xf32, #tpu.memory_space<vmem_shared>>) offsets(%dma_start3A_1385 : memref<80xi32, #tpu.memory_space<vmem>>) semaphore(%arg23 : memref<!tpu.dma_semaphore, #tpu.memory_space<semaphore_mem>>) {add = true}
      %add3A_1389 = arith.constant 1 : i32
      %add3A_1390 = arith.addi %mul3A_1166, %add3A_1389 : i32
      %dma_wait3A_1391 = arith.constant 1 : i32
      %dma_wait3A_1392 = arith.constant 0 : i32
      %dma_wait3A_1393 = arith.constant 1 : i32
      %dma_wait3A_1394 = arith.constant 0 : i32
      %dma_wait3A_1395 = arith.constant 0 : i32
      %dma_wait3A_1396 = tpu.memref_slice %arg10[%dma_wait3A_1393, %dma_wait3A_1394, %dma_wait3A_1395] : memref<2x80x128xf32, #tpu.memory_space<vmem>> -> memref<1x80x128xf32, #tpu.memory_space<vmem>>
      %dma_wait3A_1397 = tpu.memref_squeeze %dma_wait3A_1396 : memref<1x80x128xf32, #tpu.memory_space<vmem>> -> memref<80x128xf32, #tpu.memory_space<vmem>>
      %dma_wait3A_1398 = arith.constant 0 : i32
      %dma_wait3A_1399 = tpu.memref_slice %arg9[%dma_wait3A_1391, %dma_wait3A_1392, %dma_wait3A_1398] : memref<2x2x80xi32, #tpu.memory_space<vmem>> -> memref<1x1x80xi32, #tpu.memory_space<vmem>>
      %dma_wait3A_1400 = tpu.memref_squeeze %dma_wait3A_1399 : memref<1x1x80xi32, #tpu.memory_space<vmem>> -> memref<80xi32, #tpu.memory_space<vmem>>
      %dma_wait3A_1401 = arith.constant 0 : i32
      %dma_wait3A_1402 = arith.constant 0 : i32
      %dma_wait3A_1403 = tpu.memref_slice %arg2[%dma_wait3A_1401, %dma_wait3A_1402] : memref<10000x128xf32, #tpu.memory_space<hbm>> -> memref<10000x128xf32, #tpu.memory_space<hbm>>
      tpu.wait_indirect_dma semaphore(%arg22 : memref<!tpu.dma_semaphore, #tpu.memory_space<semaphore_mem>>) src(%dma_wait3A_1403 : memref<10000x128xf32, #tpu.memory_space<hbm>>) dst(%dma_wait3A_1397 : memref<80x128xf32, #tpu.memory_space<vmem>>)
      %dma_wait3A_1404 = arith.constant 1 : i32
      %dma_wait3A_1405 = arith.constant 1 : i32
      %dma_wait3A_1406 = arith.constant 1 : i32
      %dma_wait3A_1407 = arith.constant 0 : i32
      %dma_wait3A_1408 = arith.constant 0 : i32
      %dma_wait3A_1409 = tpu.memref_slice %arg10[%dma_wait3A_1406, %dma_wait3A_1407, %dma_wait3A_1408] : memref<2x80x128xf32, #tpu.memory_space<vmem>> -> memref<1x80x128xf32, #tpu.memory_space<vmem>>
      %dma_wait3A_1410 = tpu.memref_squeeze %dma_wait3A_1409 : memref<1x80x128xf32, #tpu.memory_space<vmem>> -> memref<80x128xf32, #tpu.memory_space<vmem>>
      %dma_wait3A_1411 = arith.constant 0 : i32
      %dma_wait3A_1412 = tpu.memref_slice %arg9[%dma_wait3A_1404, %dma_wait3A_1405, %dma_wait3A_1411] : memref<2x2x80xi32, #tpu.memory_space<vmem>> -> memref<1x1x80xi32, #tpu.memory_space<vmem>>
      %dma_wait3A_1413 = tpu.memref_squeeze %dma_wait3A_1412 : memref<1x1x80xi32, #tpu.memory_space<vmem>> -> memref<80xi32, #tpu.memory_space<vmem>>
      %dma_wait3A_1414 = arith.constant 0 : i32
      %dma_wait3A_1415 = arith.constant 0 : i32
      %dma_wait3A_1416 = tpu.memref_slice %arg3[%dma_wait3A_1414, %dma_wait3A_1415] : memref<10000x128xf32, #tpu.memory_space<hbm>> -> memref<10000x128xf32, #tpu.memory_space<hbm>>
      tpu.wait_indirect_dma semaphore(%arg22 : memref<!tpu.dma_semaphore, #tpu.memory_space<semaphore_mem>>) src(%dma_wait3A_1416 : memref<10000x128xf32, #tpu.memory_space<hbm>>) dst(%dma_wait3A_1410 : memref<80x128xf32, #tpu.memory_space<vmem>>)
      %get3A_1417 = arith.constant 1 : i32
      %get3A_1418 = arith.constant 0 : i32
      %get3A_1419 = arith.index_cast %get3A_1417 : i32 to index
      %get3A_1420 = arith.index_cast %get3A_1418 : i32 to index
      %get3A_1421 = arith.constant 0 : index
      %get3A_1422 = tpu.vector_load %arg9[%get3A_1419, %get3A_1420, %get3A_1421] {strides = array<i32>} : memref<2x2x80xi32, #tpu.memory_space<vmem>>, vector<16xi32>,
      %swap3A_1423 = arith.constant 1 : i32
      %swap3A_1424 = arith.index_cast %swap3A_1423 : i32 to index
      %swap3A_1425 = arith.constant 0 : index
      %swap3A_1426 = tpu.vector_load %arg14[%swap3A_1424, %swap3A_1425] {strides = array<i32>} : memref<2x80xi32, #tpu.memory_space<vmem>>, vector<16xi32>,
      tpu.vector_store %arg14[%swap3A_1424, %swap3A_1425], %get3A_1422 {strides = array<i32>} : memref<2x80xi32, #tpu.memory_space<vmem>>, vector<16xi32>,
      %get3A_1427 = arith.constant 1 : i32
      %get3A_1428 = arith.constant 0 : i32
      %get3A_1429 = arith.index_cast %get3A_1427 : i32 to index
      %get3A_1430 = arith.index_cast %get3A_1428 : i32 to index
      %get3A_1431 = arith.constant 16 : index
      %get3A_1432 = tpu.vector_load %arg9[%get3A_1429, %get3A_1430, %get3A_1431] {strides = array<i32>} : memref<2x2x80xi32, #tpu.memory_space<vmem>>, vector<16xi32>,
      %swap3A_1433 = arith.constant 1 : i32
      %swap3A_1434 = arith.index_cast %swap3A_1433 : i32 to index
      %swap3A_1435 = arith.constant 16 : index
      %swap3A_1436 = tpu.vector_load %arg14[%swap3A_1434, %swap3A_1435] {strides = array<i32>} : memref<2x80xi32, #tpu.memory_space<vmem>>, vector<16xi32>,
      tpu.vector_store %arg14[%swap3A_1434, %swap3A_1435], %get3A_1432 {strides = array<i32>} : memref<2x80xi32, #tpu.memory_space<vmem>>, vector<16xi32>,
      %get3A_1437 = arith.constant 1 : i32
      %get3A_1438 = arith.constant 0 : i32
      %get3A_1439 = arith.index_cast %get3A_1437 : i32 to index
      %get3A_1440 = arith.index_cast %get3A_1438 : i32 to index
      %get3A_1441 = arith.constant 32 : index
      %get3A_1442 = tpu.vector_load %arg9[%get3A_1439, %get3A_1440, %get3A_1441] {strides = array<i32>} : memref<2x2x80xi32, #tpu.memory_space<vmem>>, vector<16xi32>,
      %swap3A_1443 = arith.constant 1 : i32
      %swap3A_1444 = arith.index_cast %swap3A_1443 : i32 to index
      %swap3A_1445 = arith.constant 32 : index
      %swap3A_1446 = tpu.vector_load %arg14[%swap3A_1444, %swap3A_1445] {strides = array<i32>} : memref<2x80xi32, #tpu.memory_space<vmem>>, vector<16xi32>,
      tpu.vector_store %arg14[%swap3A_1444, %swap3A_1445], %get3A_1442 {strides = array<i32>} : memref<2x80xi32, #tpu.memory_space<vmem>>, vector<16xi32>,
      %get3A_1447 = arith.constant 1 : i32
      %get3A_1448 = arith.constant 0 : i32
      %get3A_1449 = arith.index_cast %get3A_1447 : i32 to index
      %get3A_1450 = arith.index_cast %get3A_1448 : i32 to index
      %get3A_1451 = arith.constant 48 : index
      %get3A_1452 = tpu.vector_load %arg9[%get3A_1449, %get3A_1450, %get3A_1451] {strides = array<i32>} : memref<2x2x80xi32, #tpu.memory_space<vmem>>, vector<16xi32>,
      %swap3A_1453 = arith.constant 1 : i32
      %swap3A_1454 = arith.index_cast %swap3A_1453 : i32 to index
      %swap3A_1455 = arith.constant 48 : index
      %swap3A_1456 = tpu.vector_load %arg14[%swap3A_1454, %swap3A_1455] {strides = array<i32>} : memref<2x80xi32, #tpu.memory_space<vmem>>, vector<16xi32>,
      tpu.vector_store %arg14[%swap3A_1454, %swap3A_1455], %get3A_1452 {strides = array<i32>} : memref<2x80xi32, #tpu.memory_space<vmem>>, vector<16xi32>,
      %get3A_1457 = arith.constant 1 : i32
      %get3A_1458 = arith.constant 0 : i32
      %get3A_1459 = arith.index_cast %get3A_1457 : i32 to index
      %get3A_1460 = arith.index_cast %get3A_1458 : i32 to index
      %get3A_1461 = arith.constant 64 : index
      %get3A_1462 = tpu.vector_load %arg9[%get3A_1459, %get3A_1460, %get3A_1461] {strides = array<i32>} : memref<2x2x80xi32, #tpu.memory_space<vmem>>, vector<16xi32>,
      %swap3A_1463 = arith.constant 1 : i32
      %swap3A_1464 = arith.index_cast %swap3A_1463 : i32 to index
      %swap3A_1465 = arith.constant 64 : index
      %swap3A_1466 = tpu.vector_load %arg14[%swap3A_1464, %swap3A_1465] {strides = array<i32>} : memref<2x80xi32, #tpu.memory_space<vmem>>, vector<16xi32>,
      tpu.vector_store %arg14[%swap3A_1464, %swap3A_1465], %get3A_1462 {strides = array<i32>} : memref<2x80xi32, #tpu.memory_space<vmem>>, vector<16xi32>,
      %add3A_1467 = arith.constant 2 : i32
      %add3A_1468 = arith.addi %add3A_1390, %add3A_1467 : i32
      %mul3A_1469 = arith.constant 80 : i32
      %mul3A_1470 = arith.muli %add3A_1468, %mul3A_1469 : i32
      %add3A_1471 = arith.addi %mul3A_72, %mul3A_1470 : i32
      %dma_start3A_1472 = arith.constant 1 : i32
      %dma_start3A_1473 = arith.constant 0 : i32
      %dma_start3A_1474 = arith.constant 0 : i32
      %dma_start3A_1475 = tpu.memref_slice %arg9[%dma_start3A_1472, %dma_start3A_1473, %dma_start3A_1474] : memref<2x2x80xi32, #tpu.memory_space<vmem>> -> memref<1x2x80xi32, #tpu.memory_space<vmem>>
      %dma_start3A_1476 = tpu.memref_squeeze %dma_start3A_1475 : memref<1x2x80xi32, #tpu.memory_space<vmem>> -> memref<2x80xi32, #tpu.memory_space<vmem>>
      %dma_start3A_1477 = arith.constant 0 : i32
      %dma_start3A_1478 = tpu.memref_slice %arg6[%dma_start3A_1477, %add3A_1471] : memref<2x320000xi32, #tpu.memory_space<hbm>> -> memref<2x80xi32, #tpu.memory_space<hbm>>
      %dma_start3A_1479 = arith.constant 0 : i32
      %dma_start3A_1480 = arith.constant 0 : i32
      %dma_start3A_1481 = tpu.memref_slice %arg9[%dma_start3A_1472, %dma_start3A_1479, %dma_start3A_1480] : memref<2x2x80xi32, #tpu.memory_space<vmem>> -> memref<1x2x80xi32, #tpu.memory_space<vmem>>
      %dma_start3A_1482 = tpu.memref_squeeze %dma_start3A_1481 : memref<1x2x80xi32, #tpu.memory_space<vmem>> -> memref<2x80xi32, #tpu.memory_space<vmem>>
      %dma_start3A_1483 = arith.constant 0 : i32
      %dma_start3A_1484 = tpu.memref_slice %arg6[%dma_start3A_1483, %add3A_1471] : memref<2x320000xi32, #tpu.memory_space<hbm>> -> memref<2x80xi32, #tpu.memory_space<hbm>>
      tpu.enqueue_dma source(%dma_start3A_1484 : memref<2x80xi32, #tpu.memory_space<hbm>>) target(%dma_start3A_1482 : memref<2x80xi32, #tpu.memory_space<vmem>>) target_semaphore(%arg18 : memref<!tpu.dma_semaphore, #tpu.memory_space<semaphore_mem>>)
      %dma_wait3A_1485 = arith.constant 0 : i32
      %dma_wait3A_1486 = arith.constant 0 : i32
      %dma_wait3A_1487 = arith.constant 0 : i32
      %dma_wait3A_1488 = tpu.memref_slice %arg10[%dma_wait3A_1485, %dma_wait3A_1486, %dma_wait3A_1487] : memref<2x80x128xf32, #tpu.memory_space<vmem>> -> memref<1x80x128xf32, #tpu.memory_space<vmem>>
      %dma_wait3A_1489 = tpu.memref_squeeze %dma_wait3A_1488 : memref<1x80x128xf32, #tpu.memory_space<vmem>> -> memref<80x128xf32, #tpu.memory_space<vmem>>
      %dma_wait3A_1490 = arith.constant 0 : i32
      %dma_wait3A_1491 = arith.constant 0 : i32
      %dma_wait3A_1492 = tpu.memref_slice %arg4[%dma_wait3A_1490, %dma_wait3A_1491] : memref<320000x128xf32, #tpu.memory_space<hbm>> -> memref<80x128xf32, #tpu.memory_space<hbm>>
      %dma_wait3A_1493 = arith.constant 0 : i32
      %dma_wait3A_1494 = arith.constant 0 : i32
      %dma_wait3A_1495 = tpu.memref_slice %arg10[%dma_wait3A_1485, %dma_wait3A_1493, %dma_wait3A_1494] : memref<2x80x128xf32, #tpu.memory_space<vmem>> -> memref<1x80x128xf32, #tpu.memory_space<vmem>>
      %dma_wait3A_1496 = tpu.memref_squeeze %dma_wait3A_1495 : memref<1x80x128xf32, #tpu.memory_space<vmem>> -> memref<80x128xf32, #tpu.memory_space<vmem>>
      %dma_wait3A_1497 = arith.constant 0 : i32
      %dma_wait3A_1498 = arith.constant 0 : i32
      %dma_wait3A_1499 = tpu.memref_slice %arg4[%dma_wait3A_1497, %dma_wait3A_1498] : memref<320000x128xf32, #tpu.memory_space<hbm>> -> memref<80x128xf32, #tpu.memory_space<hbm>>
      tpu.wait_dma2 semaphore(%arg19 : memref<!tpu.dma_semaphore, #tpu.memory_space<semaphore_mem>>) src(%dma_wait3A_1499 : memref<80x128xf32, #tpu.memory_space<hbm>>) dst(%dma_wait3A_1496 : memref<80x128xf32, #tpu.memory_space<vmem>>)
      %dma_wait3A_1500 = arith.constant 0 : i32
      %dma_wait3A_1501 = arith.constant 0 : i32
      %dma_wait3A_1502 = tpu.memref_slice %arg11[%dma_wait3A_1500, %dma_wait3A_1501] : memref<2x80xf32, #tpu.memory_space<vmem>> -> memref<1x80xf32, #tpu.memory_space<vmem>>
      %dma_wait3A_1503 = tpu.memref_squeeze %dma_wait3A_1502 : memref<1x80xf32, #tpu.memory_space<vmem>> -> memref<80xf32, #tpu.memory_space<vmem>>
      %dma_wait3A_1504 = arith.constant 0 : i32
      %dma_wait3A_1505 = tpu.memref_slice %arg5[%dma_wait3A_1504] : memref<320000xf32, #tpu.memory_space<hbm>> -> memref<80xf32, #tpu.memory_space<hbm>>
      %dma_wait3A_1506 = arith.constant 0 : i32
      %dma_wait3A_1507 = tpu.memref_slice %arg11[%dma_wait3A_1500, %dma_wait3A_1506] : memref<2x80xf32, #tpu.memory_space<vmem>> -> memref<1x80xf32, #tpu.memory_space<vmem>>
      %dma_wait3A_1508 = tpu.memref_squeeze %dma_wait3A_1507 : memref<1x80xf32, #tpu.memory_space<vmem>> -> memref<80xf32, #tpu.memory_space<vmem>>
      %dma_wait3A_1509 = arith.constant 0 : i32
      %dma_wait3A_1510 = tpu.memref_slice %arg5[%dma_wait3A_1509] : memref<320000xf32, #tpu.memory_space<hbm>> -> memref<80xf32, #tpu.memory_space<hbm>>
      tpu.wait_dma2 semaphore(%arg19 : memref<!tpu.dma_semaphore, #tpu.memory_space<semaphore_mem>>) src(%dma_wait3A_1510 : memref<80xf32, #tpu.memory_space<hbm>>) dst(%dma_wait3A_1508 : memref<80xf32, #tpu.memory_space<vmem>>)
      %dma_start3A_1511 = arith.constant 0 : i32
      %dma_start3A_1512 = arith.constant 0 : i32
      %dma_start3A_1513 = arith.constant 0 : i32
      %dma_start3A_1514 = arith.constant 0 : i32
      %dma_start3A_1515 = arith.constant 0 : i32
      %dma_start3A_1516 = tpu.memref_slice %arg10[%dma_start3A_1513, %dma_start3A_1514, %dma_start3A_1515] : memref<2x80x128xf32, #tpu.memory_space<vmem>> -> memref<1x80x128xf32, #tpu.memory_space<vmem>>
      %dma_start3A_1517 = tpu.memref_squeeze %dma_start3A_1516 : memref<1x80x128xf32, #tpu.memory_space<vmem>> -> memref<80x128xf32, #tpu.memory_space<vmem>>
      %dma_start3A_1518 = arith.constant 0 : i32
      %dma_start3A_1519 = tpu.memref_slice %arg9[%dma_start3A_1511, %dma_start3A_1512, %dma_start3A_1518] : memref<2x2x80xi32, #tpu.memory_space<vmem>> -> memref<1x1x80xi32, #tpu.memory_space<vmem>>
      %dma_start3A_1520 = tpu.memref_squeeze %dma_start3A_1519 : memref<1x1x80xi32, #tpu.memory_space<vmem>> -> memref<80xi32, #tpu.memory_space<vmem>>
      %dma_start3A_1521 = arith.constant 0 : i32
      %dma_start3A_1522 = arith.constant 0 : i32
      %dma_start3A_1523 = tpu.memref_slice %arg2[%dma_start3A_1521, %dma_start3A_1522] : memref<10000x128xf32, #tpu.memory_space<hbm>> -> memref<10000x128xf32, #tpu.memory_space<hbm>>
      tpu.enqueue_indirect_dma source(%dma_start3A_1523 : memref<10000x128xf32, #tpu.memory_space<hbm>>) target(%dma_start3A_1517 : memref<80x128xf32, #tpu.memory_space<vmem>>) offsets(%dma_start3A_1520 : memref<80xi32, #tpu.memory_space<vmem>>) semaphore(%arg21 : memref<!tpu.dma_semaphore, #tpu.memory_space<semaphore_mem>>) {add = true}
      %dma_start3A_1524 = arith.constant 0 : i32
      %dma_start3A_1525 = arith.constant 1 : i32
      %dma_start3A_1526 = arith.constant 0 : i32
      %dma_start3A_1527 = arith.constant 0 : i32
      %dma_start3A_1528 = arith.constant 0 : i32
      %dma_start3A_1529 = tpu.memref_slice %arg10[%dma_start3A_1526, %dma_start3A_1527, %dma_start3A_1528] : memref<2x80x128xf32, #tpu.memory_space<vmem>> -> memref<1x80x128xf32, #tpu.memory_space<vmem>>
      %dma_start3A_1530 = tpu.memref_squeeze %dma_start3A_1529 : memref<1x80x128xf32, #tpu.memory_space<vmem>> -> memref<80x128xf32, #tpu.memory_space<vmem>>
      %dma_start3A_1531 = arith.constant 0 : i32
      %dma_start3A_1532 = tpu.memref_slice %arg9[%dma_start3A_1524, %dma_start3A_1525, %dma_start3A_1531] : memref<2x2x80xi32, #tpu.memory_space<vmem>> -> memref<1x1x80xi32, #tpu.memory_space<vmem>>
      %dma_start3A_1533 = tpu.memref_squeeze %dma_start3A_1532 : memref<1x1x80xi32, #tpu.memory_space<vmem>> -> memref<80xi32, #tpu.memory_space<vmem>>
      %dma_start3A_1534 = arith.constant 0 : i32
      %dma_start3A_1535 = arith.constant 0 : i32
      %dma_start3A_1536 = tpu.memref_slice %arg3[%dma_start3A_1534, %dma_start3A_1535] : memref<10000x128xf32, #tpu.memory_space<hbm>> -> memref<10000x128xf32, #tpu.memory_space<hbm>>
      tpu.enqueue_indirect_dma source(%dma_start3A_1536 : memref<10000x128xf32, #tpu.memory_space<hbm>>) target(%dma_start3A_1530 : memref<80x128xf32, #tpu.memory_space<vmem>>) offsets(%dma_start3A_1533 : memref<80xi32, #tpu.memory_space<vmem>>) semaphore(%arg21 : memref<!tpu.dma_semaphore, #tpu.memory_space<semaphore_mem>>) {add = true}
      %dma_wait3A_1537 = arith.constant 1 : i32
      %dma_wait3A_1538 = arith.constant 0 : i32
      %dma_wait3A_1539 = tpu.memref_slice %arg14[%dma_wait3A_1537, %dma_wait3A_1538] : memref<2x80xi32, #tpu.memory_space<vmem>> -> memref<1x80xi32, #tpu.memory_space<vmem>>
      %dma_wait3A_1540 = tpu.memref_squeeze %dma_wait3A_1539 : memref<1x80xi32, #tpu.memory_space<vmem>> -> memref<80xi32, #tpu.memory_space<vmem>>
      %dma_wait3A_1541 = arith.constant 0 : i32
      %dma_wait3A_1542 = arith.constant 0 : i32
      %dma_wait3A_1543 = tpu.memref_slice %arg15[%dma_wait3A_1541, %dma_wait3A_1542] : memref<10000x128xf32, #tpu.memory_space<vmem_shared>> -> memref<10000x128xf32, #tpu.memory_space<vmem_shared>>
      tpu.wait_indirect_dma semaphore(%arg23 : memref<!tpu.dma_semaphore, #tpu.memory_space<semaphore_mem>>) src(%arg12 : memref<80x128xf32, #tpu.memory_space<vmem>>) dst(%dma_wait3A_1543 : memref<10000x128xf32, #tpu.memory_space<vmem_shared>>)
      %dma_wait3A_1544 = arith.constant 1 : i32
      %dma_wait3A_1545 = arith.constant 0 : i32
      %dma_wait3A_1546 = tpu.memref_slice %arg14[%dma_wait3A_1544, %dma_wait3A_1545] : memref<2x80xi32, #tpu.memory_space<vmem>> -> memref<1x80xi32, #tpu.memory_space<vmem>>
      %dma_wait3A_1547 = tpu.memref_squeeze %dma_wait3A_1546 : memref<1x80xi32, #tpu.memory_space<vmem>> -> memref<80xi32, #tpu.memory_space<vmem>>
      %dma_wait3A_1548 = arith.constant 0 : i32
      %dma_wait3A_1549 = arith.constant 0 : i32
      %dma_wait3A_1550 = tpu.memref_slice %arg16[%dma_wait3A_1548, %dma_wait3A_1549] : memref<10000x16xf32, #tpu.memory_space<vmem_shared>> -> memref<10000x16xf32, #tpu.memory_space<vmem_shared>>
      tpu.wait_indirect_dma semaphore(%arg23 : memref<!tpu.dma_semaphore, #tpu.memory_space<semaphore_mem>>) src(%arg13 : memref<80x16xf32, #tpu.memory_space<vmem>>) dst(%dma_wait3A_1550 : memref<10000x16xf32, #tpu.memory_space<vmem_shared>>)
      %scan3A_1551 = arith.constant 0 : i32
      %scan3A_1552 = arith.constant 0 : i32
      %scan3A_1553 = arith.constant 80 : i32
      %scan3A_1554 = arith.addi %scan3A_1552, %scan3A_1553 : i32
      %scan3A_1555 = arith.constant 1 : i32
      scf.for %scan3A_1613 = %scan3A_1552 to %scan3A_1554 step %scan3A_1555  : i32 {
        %broadcast_in_dim3A_1614 = vector.broadcast %scan3A_1613 : i32 to vector<16xi32>
        %gather3A = arith.constant 1 : i32
        %gather3A_1615 = arith.constant 0 : i32
        %gather3A_1616 = tpu.memref_slice %arg11[%gather3A, %gather3A_1615] : memref<2x80xf32, #tpu.memory_space<vmem>> -> memref<1x80xf32, #tpu.memory_space<vmem>>
        %gather3A_1617 = tpu.memref_squeeze %gather3A_1616 : memref<1x80xf32, #tpu.memory_space<vmem>> -> memref<80xf32, #tpu.memory_space<vmem>>
        %gather3A_1618 = tpu.vector_load_idx %gather3A_1617[%broadcast_in_dim3A_1614] : memref<80xf32, #tpu.memory_space<vmem>>[vector<16xi32>], vector<16xf32>,
        %get3A_1619 = arith.constant 1 : i32
        %get3A_1620 = arith.index_cast %get3A_1619 : i32 to index
        %get3A_1621 = arith.index_cast %scan3A_1613 : i32 to index
        %get3A_1622 = arith.constant 0 : index
        %get3A_1623 = tpu.vector_load %arg10[%get3A_1620, %get3A_1621, %get3A_1622] {strides = array<i32>} : memref<2x80x128xf32, #tpu.memory_space<vmem>>, vector<16xf32>,
        %max3A = arith.constant 0.000000e+00 : f32
        %max3A_1624 = vector.broadcast %max3A : f32 to vector<16xf32>
        %max3A_1625 = arith.maximumf %get3A_1623, %max3A_1624 : vector<16xf32>
        %mul3A_1626 = arith.mulf %max3A_1625, %gather3A_1618 : vector<16xf32>
        %swap3A_1627 = arith.index_cast %scan3A_1613 : i32 to index
        %swap3A_1628 = arith.constant 0 : index
        %swap3A_1629 = tpu.vector_load %arg12[%swap3A_1627, %swap3A_1628] {strides = array<i32>} : memref<80x128xf32, #tpu.memory_space<vmem>>, vector<16xf32>,
        tpu.vector_store %arg12[%swap3A_1627, %swap3A_1628], %mul3A_1626 {strides = array<i32>} : memref<80x128xf32, #tpu.memory_space<vmem>>, vector<16xf32>,
        %get3A_1630 = arith.constant 1 : i32
        %get3A_1631 = arith.index_cast %get3A_1630 : i32 to index
        %get3A_1632 = arith.index_cast %scan3A_1613 : i32 to index
        %get3A_1633 = arith.constant 16 : index
        %get3A_1634 = tpu.vector_load %arg10[%get3A_1631, %get3A_1632, %get3A_1633] {strides = array<i32>} : memref<2x80x128xf32, #tpu.memory_space<vmem>>, vector<16xf32>,
        %max3A_1635 = arith.constant 0.000000e+00 : f32
        %max3A_1636 = vector.broadcast %max3A_1635 : f32 to vector<16xf32>
        %max3A_1637 = arith.maximumf %get3A_1634, %max3A_1636 : vector<16xf32>
        %mul3A_1638 = arith.mulf %max3A_1637, %gather3A_1618 : vector<16xf32>
        %swap3A_1639 = arith.index_cast %scan3A_1613 : i32 to index
        %swap3A_1640 = arith.constant 16 : index
        %swap3A_1641 = tpu.vector_load %arg12[%swap3A_1639, %swap3A_1640] {strides = array<i32>} : memref<80x128xf32, #tpu.memory_space<vmem>>, vector<16xf32>,
        tpu.vector_store %arg12[%swap3A_1639, %swap3A_1640], %mul3A_1638 {strides = array<i32>} : memref<80x128xf32, #tpu.memory_space<vmem>>, vector<16xf32>,
        %get3A_1642 = arith.constant 1 : i32
        %get3A_1643 = arith.index_cast %get3A_1642 : i32 to index
        %get3A_1644 = arith.index_cast %scan3A_1613 : i32 to index
        %get3A_1645 = arith.constant 32 : index
        %get3A_1646 = tpu.vector_load %arg10[%get3A_1643, %get3A_1644, %get3A_1645] {strides = array<i32>} : memref<2x80x128xf32, #tpu.memory_space<vmem>>, vector<16xf32>,
        %max3A_1647 = arith.constant 0.000000e+00 : f32
        %max3A_1648 = vector.broadcast %max3A_1647 : f32 to vector<16xf32>
        %max3A_1649 = arith.maximumf %get3A_1646, %max3A_1648 : vector<16xf32>
        %mul3A_1650 = arith.mulf %max3A_1649, %gather3A_1618 : vector<16xf32>
        %swap3A_1651 = arith.index_cast %scan3A_1613 : i32 to index
        %swap3A_1652 = arith.constant 32 : index
        %swap3A_1653 = tpu.vector_load %arg12[%swap3A_1651, %swap3A_1652] {strides = array<i32>} : memref<80x128xf32, #tpu.memory_space<vmem>>, vector<16xf32>,
        tpu.vector_store %arg12[%swap3A_1651, %swap3A_1652], %mul3A_1650 {strides = array<i32>} : memref<80x128xf32, #tpu.memory_space<vmem>>, vector<16xf32>,
        %get3A_1654 = arith.constant 1 : i32
        %get3A_1655 = arith.index_cast %get3A_1654 : i32 to index
        %get3A_1656 = arith.index_cast %scan3A_1613 : i32 to index
        %get3A_1657 = arith.constant 48 : index
        %get3A_1658 = tpu.vector_load %arg10[%get3A_1655, %get3A_1656, %get3A_1657] {strides = array<i32>} : memref<2x80x128xf32, #tpu.memory_space<vmem>>, vector<16xf32>,
        %max3A_1659 = arith.constant 0.000000e+00 : f32
        %max3A_1660 = vector.broadcast %max3A_1659 : f32 to vector<16xf32>
        %max3A_1661 = arith.maximumf %get3A_1658, %max3A_1660 : vector<16xf32>
        %mul3A_1662 = arith.mulf %max3A_1661, %gather3A_1618 : vector<16xf32>
        %swap3A_1663 = arith.index_cast %scan3A_1613 : i32 to index
        %swap3A_1664 = arith.constant 48 : index
        %swap3A_1665 = tpu.vector_load %arg12[%swap3A_1663, %swap3A_1664] {strides = array<i32>} : memref<80x128xf32, #tpu.memory_space<vmem>>, vector<16xf32>,
        tpu.vector_store %arg12[%swap3A_1663, %swap3A_1664], %mul3A_1662 {strides = array<i32>} : memref<80x128xf32, #tpu.memory_space<vmem>>, vector<16xf32>,
        %get3A_1666 = arith.constant 1 : i32
        %get3A_1667 = arith.index_cast %get3A_1666 : i32 to index
        %get3A_1668 = arith.index_cast %scan3A_1613 : i32 to index
        %get3A_1669 = arith.constant 64 : index
        %get3A_1670 = tpu.vector_load %arg10[%get3A_1667, %get3A_1668, %get3A_1669] {strides = array<i32>} : memref<2x80x128xf32, #tpu.memory_space<vmem>>, vector<16xf32>,
        %max3A_1671 = arith.constant 0.000000e+00 : f32
        %max3A_1672 = vector.broadcast %max3A_1671 : f32 to vector<16xf32>
        %max3A_1673 = arith.maximumf %get3A_1670, %max3A_1672 : vector<16xf32>
        %mul3A_1674 = arith.mulf %max3A_1673, %gather3A_1618 : vector<16xf32>
        %swap3A_1675 = arith.index_cast %scan3A_1613 : i32 to index
        %swap3A_1676 = arith.constant 64 : index
        %swap3A_1677 = tpu.vector_load %arg12[%swap3A_1675, %swap3A_1676] {strides = array<i32>} : memref<80x128xf32, #tpu.memory_space<vmem>>, vector<16xf32>,
        tpu.vector_store %arg12[%swap3A_1675, %swap3A_1676], %mul3A_1674 {strides = array<i32>} : memref<80x128xf32, #tpu.memory_space<vmem>>, vector<16xf32>,
        %get3A_1678 = arith.constant 1 : i32
        %get3A_1679 = arith.index_cast %get3A_1678 : i32 to index
        %get3A_1680 = arith.index_cast %scan3A_1613 : i32 to index
        %get3A_1681 = arith.constant 80 : index
        %get3A_1682 = tpu.vector_load %arg10[%get3A_1679, %get3A_1680, %get3A_1681] {strides = array<i32>} : memref<2x80x128xf32, #tpu.memory_space<vmem>>, vector<16xf32>,
        %max3A_1683 = arith.constant 0.000000e+00 : f32
        %max3A_1684 = vector.broadcast %max3A_1683 : f32 to vector<16xf32>
        %max3A_1685 = arith.maximumf %get3A_1682, %max3A_1684 : vector<16xf32>
        %mul3A_1686 = arith.mulf %max3A_1685, %gather3A_1618 : vector<16xf32>
        %swap3A_1687 = arith.index_cast %scan3A_1613 : i32 to index
        %swap3A_1688 = arith.constant 80 : index
        %swap3A_1689 = tpu.vector_load %arg12[%swap3A_1687, %swap3A_1688] {strides = array<i32>} : memref<80x128xf32, #tpu.memory_space<vmem>>, vector<16xf32>,
        tpu.vector_store %arg12[%swap3A_1687, %swap3A_1688], %mul3A_1686 {strides = array<i32>} : memref<80x128xf32, #tpu.memory_space<vmem>>, vector<16xf32>,
        %get3A_1690 = arith.constant 1 : i32
        %get3A_1691 = arith.index_cast %get3A_1690 : i32 to index
        %get3A_1692 = arith.index_cast %scan3A_1613 : i32 to index
        %get3A_1693 = arith.constant 96 : index
        %get3A_1694 = tpu.vector_load %arg10[%get3A_1691, %get3A_1692, %get3A_1693] {strides = array<i32>} : memref<2x80x128xf32, #tpu.memory_space<vmem>>, vector<16xf32>,
        %max3A_1695 = arith.constant 0.000000e+00 : f32
        %max3A_1696 = vector.broadcast %max3A_1695 : f32 to vector<16xf32>
        %max3A_1697 = arith.maximumf %get3A_1694, %max3A_1696 : vector<16xf32>
        %mul3A_1698 = arith.mulf %max3A_1697, %gather3A_1618 : vector<16xf32>
        %swap3A_1699 = arith.index_cast %scan3A_1613 : i32 to index
        %swap3A_1700 = arith.constant 96 : index
        %swap3A_1701 = tpu.vector_load %arg12[%swap3A_1699, %swap3A_1700] {strides = array<i32>} : memref<80x128xf32, #tpu.memory_space<vmem>>, vector<16xf32>,
        tpu.vector_store %arg12[%swap3A_1699, %swap3A_1700], %mul3A_1698 {strides = array<i32>} : memref<80x128xf32, #tpu.memory_space<vmem>>, vector<16xf32>,
        %get3A_1702 = arith.constant 1 : i32
        %get3A_1703 = arith.index_cast %get3A_1702 : i32 to index
        %get3A_1704 = arith.index_cast %scan3A_1613 : i32 to index
        %get3A_1705 = arith.constant 112 : index
        %get3A_1706 = tpu.vector_load %arg10[%get3A_1703, %get3A_1704, %get3A_1705] {strides = array<i32>} : memref<2x80x128xf32, #tpu.memory_space<vmem>>, vector<16xf32>,
        %max3A_1707 = arith.constant 0.000000e+00 : f32
        %max3A_1708 = vector.broadcast %max3A_1707 : f32 to vector<16xf32>
        %max3A_1709 = arith.maximumf %get3A_1706, %max3A_1708 : vector<16xf32>
        %mul3A_1710 = arith.mulf %max3A_1709, %gather3A_1618 : vector<16xf32>
        %swap3A_1711 = arith.index_cast %scan3A_1613 : i32 to index
        %swap3A_1712 = arith.constant 112 : index
        %swap3A_1713 = tpu.vector_load %arg12[%swap3A_1711, %swap3A_1712] {strides = array<i32>} : memref<80x128xf32, #tpu.memory_space<vmem>>, vector<16xf32>,
        tpu.vector_store %arg12[%swap3A_1711, %swap3A_1712], %mul3A_1710 {strides = array<i32>} : memref<80x128xf32, #tpu.memory_space<vmem>>, vector<16xf32>,
        %swap3A_1714 = arith.index_cast %scan3A_1613 : i32 to index
        %swap3A_1715 = arith.constant 0 : index
        %swap3A_1716 = tpu.vector_load %arg13[%swap3A_1714, %swap3A_1715] {strides = array<i32>} : memref<80x16xf32, #tpu.memory_space<vmem>>, vector<16xf32>,
        tpu.vector_store %arg13[%swap3A_1714, %swap3A_1715], %gather3A_1618 {strides = array<i32>} : memref<80x16xf32, #tpu.memory_space<vmem>>, vector<16xf32>,
      }
      %scan3A_1556 = arith.constant 80 : i32
      %dma_wait3A_1557 = arith.constant 1 : i32
      %dma_wait3A_1558 = arith.constant 0 : i32
      %dma_wait3A_1559 = arith.constant 0 : i32
      %dma_wait3A_1560 = tpu.memref_slice %arg9[%dma_wait3A_1557, %dma_wait3A_1558, %dma_wait3A_1559] : memref<2x2x80xi32, #tpu.memory_space<vmem>> -> memref<1x2x80xi32, #tpu.memory_space<vmem>>
      %dma_wait3A_1561 = tpu.memref_squeeze %dma_wait3A_1560 : memref<1x2x80xi32, #tpu.memory_space<vmem>> -> memref<2x80xi32, #tpu.memory_space<vmem>>
      %dma_wait3A_1562 = arith.constant 0 : i32
      %dma_wait3A_1563 = arith.constant 0 : i32
      %dma_wait3A_1564 = tpu.memref_slice %arg6[%dma_wait3A_1562, %dma_wait3A_1563] : memref<2x320000xi32, #tpu.memory_space<hbm>> -> memref<2x80xi32, #tpu.memory_space<hbm>>
      %dma_wait3A_1565 = arith.constant 0 : i32
      %dma_wait3A_1566 = arith.constant 0 : i32
      %dma_wait3A_1567 = tpu.memref_slice %arg9[%dma_wait3A_1557, %dma_wait3A_1565, %dma_wait3A_1566] : memref<2x2x80xi32, #tpu.memory_space<vmem>> -> memref<1x2x80xi32, #tpu.memory_space<vmem>>
      %dma_wait3A_1568 = tpu.memref_squeeze %dma_wait3A_1567 : memref<1x2x80xi32, #tpu.memory_space<vmem>> -> memref<2x80xi32, #tpu.memory_space<vmem>>
      %dma_wait3A_1569 = arith.constant 0 : i32
      %dma_wait3A_1570 = arith.constant 0 : i32
      %dma_wait3A_1571 = tpu.memref_slice %arg6[%dma_wait3A_1569, %dma_wait3A_1570] : memref<2x320000xi32, #tpu.memory_space<hbm>> -> memref<2x80xi32, #tpu.memory_space<hbm>>
      tpu.wait_dma2 semaphore(%arg18 : memref<!tpu.dma_semaphore, #tpu.memory_space<semaphore_mem>>) src(%dma_wait3A_1571 : memref<2x80xi32, #tpu.memory_space<hbm>>) dst(%dma_wait3A_1568 : memref<2x80xi32, #tpu.memory_space<vmem>>)
      %add3A_1572 = arith.constant 2 : i32
      %add3A_1573 = arith.addi %add3A_1390, %add3A_1572 : i32
      %mul3A_1574 = arith.constant 80 : i32
      %mul3A_1575 = arith.muli %add3A_1573, %mul3A_1574 : i32
      %add3A_1576 = arith.addi %mul3A_72, %mul3A_1575 : i32
      %dma_start3A_1577 = arith.constant 1 : i32
      %dma_start3A_1578 = arith.constant 0 : i32
      %dma_start3A_1579 = arith.constant 0 : i32
      %dma_start3A_1580 = tpu.memref_slice %arg10[%dma_start3A_1577, %dma_start3A_1578, %dma_start3A_1579] : memref<2x80x128xf32, #tpu.memory_space<vmem>> -> memref<1x80x128xf32, #tpu.memory_space<vmem>>
      %dma_start3A_1581 = tpu.memref_squeeze %dma_start3A_1580 : memref<1x80x128xf32, #tpu.memory_space<vmem>> -> memref<80x128xf32, #tpu.memory_space<vmem>>
      %dma_start3A_1582 = arith.constant 0 : i32
      %dma_start3A_1583 = tpu.memref_slice %arg4[%add3A_1576, %dma_start3A_1582] : memref<320000x128xf32, #tpu.memory_space<hbm>> -> memref<80x128xf32, #tpu.memory_space<hbm>>
      %dma_start3A_1584 = arith.constant 0 : i32
      %dma_start3A_1585 = arith.constant 0 : i32
      %dma_start3A_1586 = tpu.memref_slice %arg10[%dma_start3A_1577, %dma_start3A_1584, %dma_start3A_1585] : memref<2x80x128xf32, #tpu.memory_space<vmem>> -> memref<1x80x128xf32, #tpu.memory_space<vmem>>
      %dma_start3A_1587 = tpu.memref_squeeze %dma_start3A_1586 : memref<1x80x128xf32, #tpu.memory_space<vmem>> -> memref<80x128xf32, #tpu.memory_space<vmem>>
      %dma_start3A_1588 = arith.constant 0 : i32
      %dma_start3A_1589 = tpu.memref_slice %arg4[%add3A_1576, %dma_start3A_1588] : memref<320000x128xf32, #tpu.memory_space<hbm>> -> memref<80x128xf32, #tpu.memory_space<hbm>>
      tpu.enqueue_dma source(%dma_start3A_1589 : memref<80x128xf32, #tpu.memory_space<hbm>>) target(%dma_start3A_1587 : memref<80x128xf32, #tpu.memory_space<vmem>>) target_semaphore(%arg20 : memref<!tpu.dma_semaphore, #tpu.memory_space<semaphore_mem>>)
      %dma_start3A_1590 = arith.constant 1 : i32
      %dma_start3A_1591 = arith.constant 0 : i32
      %dma_start3A_1592 = tpu.memref_slice %arg11[%dma_start3A_1590, %dma_start3A_1591] : memref<2x80xf32, #tpu.memory_space<vmem>> -> memref<1x80xf32, #tpu.memory_space<vmem>>
      %dma_start3A_1593 = tpu.memref_squeeze %dma_start3A_1592 : memref<1x80xf32, #tpu.memory_space<vmem>> -> memref<80xf32, #tpu.memory_space<vmem>>
      %dma_start3A_1594 = tpu.memref_slice %arg5[%add3A_1576] : memref<320000xf32, #tpu.memory_space<hbm>> -> memref<80xf32, #tpu.memory_space<hbm>>
      %dma_start3A_1595 = arith.constant 0 : i32
      %dma_start3A_1596 = tpu.memref_slice %arg11[%dma_start3A_1590, %dma_start3A_1595] : memref<2x80xf32, #tpu.memory_space<vmem>> -> memref<1x80xf32, #tpu.memory_space<vmem>>
      %dma_start3A_1597 = tpu.memref_squeeze %dma_start3A_1596 : memref<1x80xf32, #tpu.memory_space<vmem>> -> memref<80xf32, #tpu.memory_space<vmem>>
      %dma_start3A_1598 = tpu.memref_slice %arg5[%add3A_1576] : memref<320000xf32, #tpu.memory_space<hbm>> -> memref<80xf32, #tpu.memory_space<hbm>>
      tpu.enqueue_dma source(%dma_start3A_1598 : memref<80xf32, #tpu.memory_space<hbm>>) target(%dma_start3A_1597 : memref<80xf32, #tpu.memory_space<vmem>>) target_semaphore(%arg20 : memref<!tpu.dma_semaphore, #tpu.memory_space<semaphore_mem>>)
      %dma_start3A_1599 = arith.constant 1 : i32
      %dma_start3A_1600 = arith.constant 0 : i32
      %dma_start3A_1601 = tpu.memref_slice %arg14[%dma_start3A_1599, %dma_start3A_1600] : memref<2x80xi32, #tpu.memory_space<vmem>> -> memref<1x80xi32, #tpu.memory_space<vmem>>
      %dma_start3A_1602 = tpu.memref_squeeze %dma_start3A_1601 : memref<1x80xi32, #tpu.memory_space<vmem>> -> memref<80xi32, #tpu.memory_space<vmem>>
      %dma_start3A_1603 = arith.constant 0 : i32
      %dma_start3A_1604 = arith.constant 0 : i32
      %dma_start3A_1605 = tpu.memref_slice %arg15[%dma_start3A_1603, %dma_start3A_1604] : memref<10000x128xf32, #tpu.memory_space<vmem_shared>> -> memref<10000x128xf32, #tpu.memory_space<vmem_shared>>
      tpu.enqueue_indirect_dma source(%arg12 : memref<80x128xf32, #tpu.memory_space<vmem>>) target(%dma_start3A_1605 : memref<10000x128xf32, #tpu.memory_space<vmem_shared>>) offsets(%dma_start3A_1602 : memref<80xi32, #tpu.memory_space<vmem>>) semaphore(%arg23 : memref<!tpu.dma_semaphore, #tpu.memory_space<semaphore_mem>>) {add = true}
      %dma_start3A_1606 = arith.constant 1 : i32
      %dma_start3A_1607 = arith.constant 0 : i32
      %dma_start3A_1608 = tpu.memref_slice %arg14[%dma_start3A_1606, %dma_start3A_1607] : memref<2x80xi32, #tpu.memory_space<vmem>> -> memref<1x80xi32, #tpu.memory_space<vmem>>
      %dma_start3A_1609 = tpu.memref_squeeze %dma_start3A_1608 : memref<1x80xi32, #tpu.memory_space<vmem>> -> memref<80xi32, #tpu.memory_space<vmem>>
      %dma_start3A_1610 = arith.constant 0 : i32
      %dma_start3A_1611 = arith.constant 0 : i32
      %dma_start3A_1612 = tpu.memref_slice %arg16[%dma_start3A_1610, %dma_start3A_1611] : memref<10000x16xf32, #tpu.memory_space<vmem_shared>> -> memref<10000x16xf32, #tpu.memory_space<vmem_shared>>
      tpu.enqueue_indirect_dma source(%arg13 : memref<80x16xf32, #tpu.memory_space<vmem>>) target(%dma_start3A_1612 : memref<10000x16xf32, #tpu.memory_space<vmem_shared>>) offsets(%dma_start3A_1609 : memref<80xi32, #tpu.memory_space<vmem>>) semaphore(%arg23 : memref<!tpu.dma_semaphore, #tpu.memory_space<semaphore_mem>>) {add = true}
    }
    %scan3A_652 = arith.constant 60 : i32
    %dma_wait3A_653 = arith.constant 0 : i32
    %dma_wait3A_654 = arith.constant 0 : i32
    %dma_wait3A_655 = arith.constant 0 : i32
    %dma_wait3A_656 = arith.constant 0 : i32
    %dma_wait3A_657 = arith.constant 0 : i32
    %dma_wait3A_658 = tpu.memref_slice %arg10[%dma_wait3A_655, %dma_wait3A_656, %dma_wait3A_657] : memref<2x80x128xf32, #tpu.memory_space<vmem>> -> memref<1x80x128xf32, #tpu.memory_space<vmem>>
    %dma_wait3A_659 = tpu.memref_squeeze %dma_wait3A_658 : memref<1x80x128xf32, #tpu.memory_space<vmem>> -> memref<80x128xf32, #tpu.memory_space<vmem>>
    %dma_wait3A_660 = arith.constant 0 : i32
    %dma_wait3A_661 = tpu.memref_slice %arg9[%dma_wait3A_653, %dma_wait3A_654, %dma_wait3A_660] : memref<2x2x80xi32, #tpu.memory_space<vmem>> -> memref<1x1x80xi32, #tpu.memory_space<vmem>>
    %dma_wait3A_662 = tpu.memref_squeeze %dma_wait3A_661 : memref<1x1x80xi32, #tpu.memory_space<vmem>> -> memref<80xi32, #tpu.memory_space<vmem>>
    %dma_wait3A_663 = arith.constant 0 : i32
    %dma_wait3A_664 = arith.constant 0 : i32
    %dma_wait3A_665 = tpu.memref_slice %arg2[%dma_wait3A_663, %dma_wait3A_664] : memref<10000x128xf32, #tpu.memory_space<hbm>> -> memref<10000x128xf32, #tpu.memory_space<hbm>>
    tpu.wait_indirect_dma semaphore(%arg21 : memref<!tpu.dma_semaphore, #tpu.memory_space<semaphore_mem>>) src(%dma_wait3A_665 : memref<10000x128xf32, #tpu.memory_space<hbm>>) dst(%dma_wait3A_659 : memref<80x128xf32, #tpu.memory_space<vmem>>)
    %dma_wait3A_666 = arith.constant 0 : i32
    %dma_wait3A_667 = arith.constant 1 : i32
    %dma_wait3A_668 = arith.constant 0 : i32
    %dma_wait3A_669 = arith.constant 0 : i32
    %dma_wait3A_670 = arith.constant 0 : i32
    %dma_wait3A_671 = tpu.memref_slice %arg10[%dma_wait3A_668, %dma_wait3A_669, %dma_wait3A_670] : memref<2x80x128xf32, #tpu.memory_space<vmem>> -> memref<1x80x128xf32, #tpu.memory_space<vmem>>
    %dma_wait3A_672 = tpu.memref_squeeze %dma_wait3A_671 : memref<1x80x128xf32, #tpu.memory_space<vmem>> -> memref<80x128xf32, #tpu.memory_space<vmem>>
    %dma_wait3A_673 = arith.constant 0 : i32
    %dma_wait3A_674 = tpu.memref_slice %arg9[%dma_wait3A_666, %dma_wait3A_667, %dma_wait3A_673] : memref<2x2x80xi32, #tpu.memory_space<vmem>> -> memref<1x1x80xi32, #tpu.memory_space<vmem>>
    %dma_wait3A_675 = tpu.memref_squeeze %dma_wait3A_674 : memref<1x1x80xi32, #tpu.memory_space<vmem>> -> memref<80xi32, #tpu.memory_space<vmem>>
    %dma_wait3A_676 = arith.constant 0 : i32
    %dma_wait3A_677 = arith.constant 0 : i32
    %dma_wait3A_678 = tpu.memref_slice %arg3[%dma_wait3A_676, %dma_wait3A_677] : memref<10000x128xf32, #tpu.memory_space<hbm>> -> memref<10000x128xf32, #tpu.memory_space<hbm>>
    tpu.wait_indirect_dma semaphore(%arg21 : memref<!tpu.dma_semaphore, #tpu.memory_space<semaphore_mem>>) src(%dma_wait3A_678 : memref<10000x128xf32, #tpu.memory_space<hbm>>) dst(%dma_wait3A_672 : memref<80x128xf32, #tpu.memory_space<vmem>>)
    %get3A_679 = arith.constant 0 : i32
    %get3A_680 = arith.constant 0 : i32
    %get3A_681 = arith.index_cast %get3A_679 : i32 to index
    %get3A_682 = arith.index_cast %get3A_680 : i32 to index
    %get3A_683 = arith.constant 0 : index
    %get3A_684 = tpu.vector_load %arg9[%get3A_681, %get3A_682, %get3A_683] {strides = array<i32>} : memref<2x2x80xi32, #tpu.memory_space<vmem>>, vector<16xi32>,
    %swap3A_685 = arith.constant 0 : i32
    %swap3A_686 = arith.index_cast %swap3A_685 : i32 to index
    %swap3A_687 = arith.constant 0 : index
    %swap3A_688 = tpu.vector_load %arg14[%swap3A_686, %swap3A_687] {strides = array<i32>} : memref<2x80xi32, #tpu.memory_space<vmem>>, vector<16xi32>,
    tpu.vector_store %arg14[%swap3A_686, %swap3A_687], %get3A_684 {strides = array<i32>} : memref<2x80xi32, #tpu.memory_space<vmem>>, vector<16xi32>,
    %get3A_689 = arith.constant 0 : i32
    %get3A_690 = arith.constant 0 : i32
    %get3A_691 = arith.index_cast %get3A_689 : i32 to index
    %get3A_692 = arith.index_cast %get3A_690 : i32 to index
    %get3A_693 = arith.constant 16 : index
    %get3A_694 = tpu.vector_load %arg9[%get3A_691, %get3A_692, %get3A_693] {strides = array<i32>} : memref<2x2x80xi32, #tpu.memory_space<vmem>>, vector<16xi32>,
    %swap3A_695 = arith.constant 0 : i32
    %swap3A_696 = arith.index_cast %swap3A_695 : i32 to index
    %swap3A_697 = arith.constant 16 : index
    %swap3A_698 = tpu.vector_load %arg14[%swap3A_696, %swap3A_697] {strides = array<i32>} : memref<2x80xi32, #tpu.memory_space<vmem>>, vector<16xi32>,
    tpu.vector_store %arg14[%swap3A_696, %swap3A_697], %get3A_694 {strides = array<i32>} : memref<2x80xi32, #tpu.memory_space<vmem>>, vector<16xi32>,
    %get3A_699 = arith.constant 0 : i32
    %get3A_700 = arith.constant 0 : i32
    %get3A_701 = arith.index_cast %get3A_699 : i32 to index
    %get3A_702 = arith.index_cast %get3A_700 : i32 to index
    %get3A_703 = arith.constant 32 : index
    %get3A_704 = tpu.vector_load %arg9[%get3A_701, %get3A_702, %get3A_703] {strides = array<i32>} : memref<2x2x80xi32, #tpu.memory_space<vmem>>, vector<16xi32>,
    %swap3A_705 = arith.constant 0 : i32
    %swap3A_706 = arith.index_cast %swap3A_705 : i32 to index
    %swap3A_707 = arith.constant 32 : index
    %swap3A_708 = tpu.vector_load %arg14[%swap3A_706, %swap3A_707] {strides = array<i32>} : memref<2x80xi32, #tpu.memory_space<vmem>>, vector<16xi32>,
    tpu.vector_store %arg14[%swap3A_706, %swap3A_707], %get3A_704 {strides = array<i32>} : memref<2x80xi32, #tpu.memory_space<vmem>>, vector<16xi32>,
    %get3A_709 = arith.constant 0 : i32
    %get3A_710 = arith.constant 0 : i32
    %get3A_711 = arith.index_cast %get3A_709 : i32 to index
    %get3A_712 = arith.index_cast %get3A_710 : i32 to index
    %get3A_713 = arith.constant 48 : index
    %get3A_714 = tpu.vector_load %arg9[%get3A_711, %get3A_712, %get3A_713] {strides = array<i32>} : memref<2x2x80xi32, #tpu.memory_space<vmem>>, vector<16xi32>,
    %swap3A_715 = arith.constant 0 : i32
    %swap3A_716 = arith.index_cast %swap3A_715 : i32 to index
    %swap3A_717 = arith.constant 48 : index
    %swap3A_718 = tpu.vector_load %arg14[%swap3A_716, %swap3A_717] {strides = array<i32>} : memref<2x80xi32, #tpu.memory_space<vmem>>, vector<16xi32>,
    tpu.vector_store %arg14[%swap3A_716, %swap3A_717], %get3A_714 {strides = array<i32>} : memref<2x80xi32, #tpu.memory_space<vmem>>, vector<16xi32>,
    %get3A_719 = arith.constant 0 : i32
    %get3A_720 = arith.constant 0 : i32
    %get3A_721 = arith.index_cast %get3A_719 : i32 to index
    %get3A_722 = arith.index_cast %get3A_720 : i32 to index
    %get3A_723 = arith.constant 64 : index
    %get3A_724 = tpu.vector_load %arg9[%get3A_721, %get3A_722, %get3A_723] {strides = array<i32>} : memref<2x2x80xi32, #tpu.memory_space<vmem>>, vector<16xi32>,
    %swap3A_725 = arith.constant 0 : i32
    %swap3A_726 = arith.index_cast %swap3A_725 : i32 to index
    %swap3A_727 = arith.constant 64 : index
    %swap3A_728 = tpu.vector_load %arg14[%swap3A_726, %swap3A_727] {strides = array<i32>} : memref<2x80xi32, #tpu.memory_space<vmem>>, vector<16xi32>,
    tpu.vector_store %arg14[%swap3A_726, %swap3A_727], %get3A_724 {strides = array<i32>} : memref<2x80xi32, #tpu.memory_space<vmem>>, vector<16xi32>,
    %add3A_729 = arith.constant 9920 : i32
    %add3A_730 = arith.addi %mul3A_72, %add3A_729 : i32
    %dma_start3A_731 = arith.constant 0 : i32
    %dma_start3A_732 = arith.constant 0 : i32
    %dma_start3A_733 = arith.constant 0 : i32
    %dma_start3A_734 = tpu.memref_slice %arg9[%dma_start3A_731, %dma_start3A_732, %dma_start3A_733] : memref<2x2x80xi32, #tpu.memory_space<vmem>> -> memref<1x2x80xi32, #tpu.memory_space<vmem>>
    %dma_start3A_735 = tpu.memref_squeeze %dma_start3A_734 : memref<1x2x80xi32, #tpu.memory_space<vmem>> -> memref<2x80xi32, #tpu.memory_space<vmem>>
    %dma_start3A_736 = arith.constant 0 : i32
    %dma_start3A_737 = tpu.memref_slice %arg6[%dma_start3A_736, %add3A_730] : memref<2x320000xi32, #tpu.memory_space<hbm>> -> memref<2x80xi32, #tpu.memory_space<hbm>>
    %dma_start3A_738 = arith.constant 0 : i32
    %dma_start3A_739 = arith.constant 0 : i32
    %dma_start3A_740 = tpu.memref_slice %arg9[%dma_start3A_731, %dma_start3A_738, %dma_start3A_739] : memref<2x2x80xi32, #tpu.memory_space<vmem>> -> memref<1x2x80xi32, #tpu.memory_space<vmem>>
    %dma_start3A_741 = tpu.memref_squeeze %dma_start3A_740 : memref<1x2x80xi32, #tpu.memory_space<vmem>> -> memref<2x80xi32, #tpu.memory_space<vmem>>
    %dma_start3A_742 = arith.constant 0 : i32
    %dma_start3A_743 = tpu.memref_slice %arg6[%dma_start3A_742, %add3A_730] : memref<2x320000xi32, #tpu.memory_space<hbm>> -> memref<2x80xi32, #tpu.memory_space<hbm>>
    tpu.enqueue_dma source(%dma_start3A_743 : memref<2x80xi32, #tpu.memory_space<hbm>>) target(%dma_start3A_741 : memref<2x80xi32, #tpu.memory_space<vmem>>) target_semaphore(%arg17 : memref<!tpu.dma_semaphore, #tpu.memory_space<semaphore_mem>>)
    %dma_wait3A_744 = arith.constant 1 : i32
    %dma_wait3A_745 = arith.constant 0 : i32
    %dma_wait3A_746 = arith.constant 0 : i32
    %dma_wait3A_747 = tpu.memref_slice %arg10[%dma_wait3A_744, %dma_wait3A_745, %dma_wait3A_746] : memref<2x80x128xf32, #tpu.memory_space<vmem>> -> memref<1x80x128xf32, #tpu.memory_space<vmem>>
    %dma_wait3A_748 = tpu.memref_squeeze %dma_wait3A_747 : memref<1x80x128xf32, #tpu.memory_space<vmem>> -> memref<80x128xf32, #tpu.memory_space<vmem>>
    %dma_wait3A_749 = arith.constant 0 : i32
    %dma_wait3A_750 = arith.constant 0 : i32
    %dma_wait3A_751 = tpu.memref_slice %arg4[%dma_wait3A_749, %dma_wait3A_750] : memref<320000x128xf32, #tpu.memory_space<hbm>> -> memref<80x128xf32, #tpu.memory_space<hbm>>
    %dma_wait3A_752 = arith.constant 0 : i32
    %dma_wait3A_753 = arith.constant 0 : i32
    %dma_wait3A_754 = tpu.memref_slice %arg10[%dma_wait3A_744, %dma_wait3A_752, %dma_wait3A_753] : memref<2x80x128xf32, #tpu.memory_space<vmem>> -> memref<1x80x128xf32, #tpu.memory_space<vmem>>
    %dma_wait3A_755 = tpu.memref_squeeze %dma_wait3A_754 : memref<1x80x128xf32, #tpu.memory_space<vmem>> -> memref<80x128xf32, #tpu.memory_space<vmem>>
    %dma_wait3A_756 = arith.constant 0 : i32
    %dma_wait3A_757 = arith.constant 0 : i32
    %dma_wait3A_758 = tpu.memref_slice %arg4[%dma_wait3A_756, %dma_wait3A_757] : memref<320000x128xf32, #tpu.memory_space<hbm>> -> memref<80x128xf32, #tpu.memory_space<hbm>>
    tpu.wait_dma2 semaphore(%arg20 : memref<!tpu.dma_semaphore, #tpu.memory_space<semaphore_mem>>) src(%dma_wait3A_758 : memref<80x128xf32, #tpu.memory_space<hbm>>) dst(%dma_wait3A_755 : memref<80x128xf32, #tpu.memory_space<vmem>>)
    %dma_wait3A_759 = arith.constant 1 : i32
    %dma_wait3A_760 = arith.constant 0 : i32
    %dma_wait3A_761 = tpu.memref_slice %arg11[%dma_wait3A_759, %dma_wait3A_760] : memref<2x80xf32, #tpu.memory_space<vmem>> -> memref<1x80xf32, #tpu.memory_space<vmem>>
    %dma_wait3A_762 = tpu.memref_squeeze %dma_wait3A_761 : memref<1x80xf32, #tpu.memory_space<vmem>> -> memref<80xf32, #tpu.memory_space<vmem>>
    %dma_wait3A_763 = arith.constant 0 : i32
    %dma_wait3A_764 = tpu.memref_slice %arg5[%dma_wait3A_763] : memref<320000xf32, #tpu.memory_space<hbm>> -> memref<80xf32, #tpu.memory_space<hbm>>
    %dma_wait3A_765 = arith.constant 0 : i32
    %dma_wait3A_766 = tpu.memref_slice %arg11[%dma_wait3A_759, %dma_wait3A_765] : memref<2x80xf32, #tpu.memory_space<vmem>> -> memref<1x80xf32, #tpu.memory_space<vmem>>
    %dma_wait3A_767 = tpu.memref_squeeze %dma_wait3A_766 : memref<1x80xf32, #tpu.memory_space<vmem>> -> memref<80xf32, #tpu.memory_space<vmem>>
    %dma_wait3A_768 = arith.constant 0 : i32
    %dma_wait3A_769 = tpu.memref_slice %arg5[%dma_wait3A_768] : memref<320000xf32, #tpu.memory_space<hbm>> -> memref<80xf32, #tpu.memory_space<hbm>>
    tpu.wait_dma2 semaphore(%arg20 : memref<!tpu.dma_semaphore, #tpu.memory_space<semaphore_mem>>) src(%dma_wait3A_769 : memref<80xf32, #tpu.memory_space<hbm>>) dst(%dma_wait3A_767 : memref<80xf32, #tpu.memory_space<vmem>>)
    %dma_start3A_770 = arith.constant 1 : i32
    %dma_start3A_771 = arith.constant 0 : i32
    %dma_start3A_772 = arith.constant 1 : i32
    %dma_start3A_773 = arith.constant 0 : i32
    %dma_start3A_774 = arith.constant 0 : i32
    %dma_start3A_775 = tpu.memref_slice %arg10[%dma_start3A_772, %dma_start3A_773, %dma_start3A_774] : memref<2x80x128xf32, #tpu.memory_space<vmem>> -> memref<1x80x128xf32, #tpu.memory_space<vmem>>
    %dma_start3A_776 = tpu.memref_squeeze %dma_start3A_775 : memref<1x80x128xf32, #tpu.memory_space<vmem>> -> memref<80x128xf32, #tpu.memory_space<vmem>>
    %dma_start3A_777 = arith.constant 0 : i32
    %dma_start3A_778 = tpu.memref_slice %arg9[%dma_start3A_770, %dma_start3A_771, %dma_start3A_777] : memref<2x2x80xi32, #tpu.memory_space<vmem>> -> memref<1x1x80xi32, #tpu.memory_space<vmem>>
    %dma_start3A_779 = tpu.memref_squeeze %dma_start3A_778 : memref<1x1x80xi32, #tpu.memory_space<vmem>> -> memref<80xi32, #tpu.memory_space<vmem>>
    %dma_start3A_780 = arith.constant 0 : i32
    %dma_start3A_781 = arith.constant 0 : i32
    %dma_start3A_782 = tpu.memref_slice %arg2[%dma_start3A_780, %dma_start3A_781] : memref<10000x128xf32, #tpu.memory_space<hbm>> -> memref<10000x128xf32, #tpu.memory_space<hbm>>
    tpu.enqueue_indirect_dma source(%dma_start3A_782 : memref<10000x128xf32, #tpu.memory_space<hbm>>) target(%dma_start3A_776 : memref<80x128xf32, #tpu.memory_space<vmem>>) offsets(%dma_start3A_779 : memref<80xi32, #tpu.memory_space<vmem>>) semaphore(%arg22 : memref<!tpu.dma_semaphore, #tpu.memory_space<semaphore_mem>>) {add = true}
    %dma_start3A_783 = arith.constant 1 : i32
    %dma_start3A_784 = arith.constant 1 : i32
    %dma_start3A_785 = arith.constant 1 : i32
    %dma_start3A_786 = arith.constant 0 : i32
    %dma_start3A_787 = arith.constant 0 : i32
    %dma_start3A_788 = tpu.memref_slice %arg10[%dma_start3A_785, %dma_start3A_786, %dma_start3A_787] : memref<2x80x128xf32, #tpu.memory_space<vmem>> -> memref<1x80x128xf32, #tpu.memory_space<vmem>>
    %dma_start3A_789 = tpu.memref_squeeze %dma_start3A_788 : memref<1x80x128xf32, #tpu.memory_space<vmem>> -> memref<80x128xf32, #tpu.memory_space<vmem>>
    %dma_start3A_790 = arith.constant 0 : i32
    %dma_start3A_791 = tpu.memref_slice %arg9[%dma_start3A_783, %dma_start3A_784, %dma_start3A_790] : memref<2x2x80xi32, #tpu.memory_space<vmem>> -> memref<1x1x80xi32, #tpu.memory_space<vmem>>
    %dma_start3A_792 = tpu.memref_squeeze %dma_start3A_791 : memref<1x1x80xi32, #tpu.memory_space<vmem>> -> memref<80xi32, #tpu.memory_space<vmem>>
    %dma_start3A_793 = arith.constant 0 : i32
    %dma_start3A_794 = arith.constant 0 : i32
    %dma_start3A_795 = tpu.memref_slice %arg3[%dma_start3A_793, %dma_start3A_794] : memref<10000x128xf32, #tpu.memory_space<hbm>> -> memref<10000x128xf32, #tpu.memory_space<hbm>>
    tpu.enqueue_indirect_dma source(%dma_start3A_795 : memref<10000x128xf32, #tpu.memory_space<hbm>>) target(%dma_start3A_789 : memref<80x128xf32, #tpu.memory_space<vmem>>) offsets(%dma_start3A_792 : memref<80xi32, #tpu.memory_space<vmem>>) semaphore(%arg22 : memref<!tpu.dma_semaphore, #tpu.memory_space<semaphore_mem>>) {add = true}
    %dma_wait3A_796 = arith.constant 0 : i32
    %dma_wait3A_797 = arith.constant 0 : i32
    %dma_wait3A_798 = tpu.memref_slice %arg14[%dma_wait3A_796, %dma_wait3A_797] : memref<2x80xi32, #tpu.memory_space<vmem>> -> memref<1x80xi32, #tpu.memory_space<vmem>>
    %dma_wait3A_799 = tpu.memref_squeeze %dma_wait3A_798 : memref<1x80xi32, #tpu.memory_space<vmem>> -> memref<80xi32, #tpu.memory_space<vmem>>
    %dma_wait3A_800 = arith.constant 0 : i32
    %dma_wait3A_801 = arith.constant 0 : i32
    %dma_wait3A_802 = tpu.memref_slice %arg15[%dma_wait3A_800, %dma_wait3A_801] : memref<10000x128xf32, #tpu.memory_space<vmem_shared>> -> memref<10000x128xf32, #tpu.memory_space<vmem_shared>>
    tpu.wait_indirect_dma semaphore(%arg23 : memref<!tpu.dma_semaphore, #tpu.memory_space<semaphore_mem>>) src(%arg12 : memref<80x128xf32, #tpu.memory_space<vmem>>) dst(%dma_wait3A_802 : memref<10000x128xf32, #tpu.memory_space<vmem_shared>>)
    %dma_wait3A_803 = arith.constant 0 : i32
    %dma_wait3A_804 = arith.constant 0 : i32
    %dma_wait3A_805 = tpu.memref_slice %arg14[%dma_wait3A_803, %dma_wait3A_804] : memref<2x80xi32, #tpu.memory_space<vmem>> -> memref<1x80xi32, #tpu.memory_space<vmem>>
    %dma_wait3A_806 = tpu.memref_squeeze %dma_wait3A_805 : memref<1x80xi32, #tpu.memory_space<vmem>> -> memref<80xi32, #tpu.memory_space<vmem>>
    %dma_wait3A_807 = arith.constant 0 : i32
    %dma_wait3A_808 = arith.constant 0 : i32
    %dma_wait3A_809 = tpu.memref_slice %arg16[%dma_wait3A_807, %dma_wait3A_808] : memref<10000x16xf32, #tpu.memory_space<vmem_shared>> -> memref<10000x16xf32, #tpu.memory_space<vmem_shared>>
    tpu.wait_indirect_dma semaphore(%arg23 : memref<!tpu.dma_semaphore, #tpu.memory_space<semaphore_mem>>) src(%arg13 : memref<80x16xf32, #tpu.memory_space<vmem>>) dst(%dma_wait3A_809 : memref<10000x16xf32, #tpu.memory_space<vmem_shared>>)
    %scan3A_810 = arith.constant 0 : i32
    %scan3A_811 = arith.constant 0 : i32
    %scan3A_812 = arith.constant 80 : i32
    %scan3A_813 = arith.addi %scan3A_811, %scan3A_812 : i32
    %scan3A_814 = arith.constant 1 : i32
    scf.for %scan3A_1164 = %scan3A_811 to %scan3A_813 step %scan3A_814  : i32 {
      %broadcast_in_dim3A_1165 = vector.broadcast %scan3A_1164 : i32 to vector<16xi32>
      %gather3A = arith.constant 0 : i32
      %gather3A_1166 = arith.constant 0 : i32
      %gather3A_1167 = tpu.memref_slice %arg11[%gather3A, %gather3A_1166] : memref<2x80xf32, #tpu.memory_space<vmem>> -> memref<1x80xf32, #tpu.memory_space<vmem>>
      %gather3A_1168 = tpu.memref_squeeze %gather3A_1167 : memref<1x80xf32, #tpu.memory_space<vmem>> -> memref<80xf32, #tpu.memory_space<vmem>>
      %gather3A_1169 = tpu.vector_load_idx %gather3A_1168[%broadcast_in_dim3A_1165] : memref<80xf32, #tpu.memory_space<vmem>>[vector<16xi32>], vector<16xf32>,
      %get3A_1170 = arith.constant 0 : i32
      %get3A_1171 = arith.index_cast %get3A_1170 : i32 to index
      %get3A_1172 = arith.index_cast %scan3A_1164 : i32 to index
      %get3A_1173 = arith.constant 0 : index
      %get3A_1174 = tpu.vector_load %arg10[%get3A_1171, %get3A_1172, %get3A_1173] {strides = array<i32>} : memref<2x80x128xf32, #tpu.memory_space<vmem>>, vector<16xf32>,
      %max3A = arith.constant 0.000000e+00 : f32
      %max3A_1175 = vector.broadcast %max3A : f32 to vector<16xf32>
      %max3A_1176 = arith.maximumf %get3A_1174, %max3A_1175 : vector<16xf32>
      %mul3A_1177 = arith.mulf %max3A_1176, %gather3A_1169 : vector<16xf32>
      %swap3A_1178 = arith.index_cast %scan3A_1164 : i32 to index
      %swap3A_1179 = arith.constant 0 : index
      %swap3A_1180 = tpu.vector_load %arg12[%swap3A_1178, %swap3A_1179] {strides = array<i32>} : memref<80x128xf32, #tpu.memory_space<vmem>>, vector<16xf32>,
      tpu.vector_store %arg12[%swap3A_1178, %swap3A_1179], %mul3A_1177 {strides = array<i32>} : memref<80x128xf32, #tpu.memory_space<vmem>>, vector<16xf32>,
      %get3A_1181 = arith.constant 0 : i32
      %get3A_1182 = arith.index_cast %get3A_1181 : i32 to index
      %get3A_1183 = arith.index_cast %scan3A_1164 : i32 to index
      %get3A_1184 = arith.constant 16 : index
      %get3A_1185 = tpu.vector_load %arg10[%get3A_1182, %get3A_1183, %get3A_1184] {strides = array<i32>} : memref<2x80x128xf32, #tpu.memory_space<vmem>>, vector<16xf32>,
      %max3A_1186 = arith.constant 0.000000e+00 : f32
      %max3A_1187 = vector.broadcast %max3A_1186 : f32 to vector<16xf32>
      %max3A_1188 = arith.maximumf %get3A_1185, %max3A_1187 : vector<16xf32>
      %mul3A_1189 = arith.mulf %max3A_1188, %gather3A_1169 : vector<16xf32>
      %swap3A_1190 = arith.index_cast %scan3A_1164 : i32 to index
      %swap3A_1191 = arith.constant 16 : index
      %swap3A_1192 = tpu.vector_load %arg12[%swap3A_1190, %swap3A_1191] {strides = array<i32>} : memref<80x128xf32, #tpu.memory_space<vmem>>, vector<16xf32>,
      tpu.vector_store %arg12[%swap3A_1190, %swap3A_1191], %mul3A_1189 {strides = array<i32>} : memref<80x128xf32, #tpu.memory_space<vmem>>, vector<16xf32>,
      %get3A_1193 = arith.constant 0 : i32
      %get3A_1194 = arith.index_cast %get3A_1193 : i32 to index
      %get3A_1195 = arith.index_cast %scan3A_1164 : i32 to index
      %get3A_1196 = arith.constant 32 : index
      %get3A_1197 = tpu.vector_load %arg10[%get3A_1194, %get3A_1195, %get3A_1196] {strides = array<i32>} : memref<2x80x128xf32, #tpu.memory_space<vmem>>, vector<16xf32>,
      %max3A_1198 = arith.constant 0.000000e+00 : f32
      %max3A_1199 = vector.broadcast %max3A_1198 : f32 to vector<16xf32>
      %max3A_1200 = arith.maximumf %get3A_1197, %max3A_1199 : vector<16xf32>
      %mul3A_1201 = arith.mulf %max3A_1200, %gather3A_1169 : vector<16xf32>
      %swap3A_1202 = arith.index_cast %scan3A_1164 : i32 to index
      %swap3A_1203 = arith.constant 32 : index
      %swap3A_1204 = tpu.vector_load %arg12[%swap3A_1202, %swap3A_1203] {strides = array<i32>} : memref<80x128xf32, #tpu.memory_space<vmem>>, vector<16xf32>,
      tpu.vector_store %arg12[%swap3A_1202, %swap3A_1203], %mul3A_1201 {strides = array<i32>} : memref<80x128xf32, #tpu.memory_space<vmem>>, vector<16xf32>,
      %get3A_1205 = arith.constant 0 : i32
      %get3A_1206 = arith.index_cast %get3A_1205 : i32 to index
      %get3A_1207 = arith.index_cast %scan3A_1164 : i32 to index
      %get3A_1208 = arith.constant 48 : index
      %get3A_1209 = tpu.vector_load %arg10[%get3A_1206, %get3A_1207, %get3A_1208] {strides = array<i32>} : memref<2x80x128xf32, #tpu.memory_space<vmem>>, vector<16xf32>,
      %max3A_1210 = arith.constant 0.000000e+00 : f32
      %max3A_1211 = vector.broadcast %max3A_1210 : f32 to vector<16xf32>
      %max3A_1212 = arith.maximumf %get3A_1209, %max3A_1211 : vector<16xf32>
      %mul3A_1213 = arith.mulf %max3A_1212, %gather3A_1169 : vector<16xf32>
      %swap3A_1214 = arith.index_cast %scan3A_1164 : i32 to index
      %swap3A_1215 = arith.constant 48 : index
      %swap3A_1216 = tpu.vector_load %arg12[%swap3A_1214, %swap3A_1215] {strides = array<i32>} : memref<80x128xf32, #tpu.memory_space<vmem>>, vector<16xf32>,
      tpu.vector_store %arg12[%swap3A_1214, %swap3A_1215], %mul3A_1213 {strides = array<i32>} : memref<80x128xf32, #tpu.memory_space<vmem>>, vector<16xf32>,
      %get3A_1217 = arith.constant 0 : i32
      %get3A_1218 = arith.index_cast %get3A_1217 : i32 to index
      %get3A_1219 = arith.index_cast %scan3A_1164 : i32 to index
      %get3A_1220 = arith.constant 64 : index
      %get3A_1221 = tpu.vector_load %arg10[%get3A_1218, %get3A_1219, %get3A_1220] {strides = array<i32>} : memref<2x80x128xf32, #tpu.memory_space<vmem>>, vector<16xf32>,
      %max3A_1222 = arith.constant 0.000000e+00 : f32
      %max3A_1223 = vector.broadcast %max3A_1222 : f32 to vector<16xf32>
      %max3A_1224 = arith.maximumf %get3A_1221, %max3A_1223 : vector<16xf32>
      %mul3A_1225 = arith.mulf %max3A_1224, %gather3A_1169 : vector<16xf32>
      %swap3A_1226 = arith.index_cast %scan3A_1164 : i32 to index
      %swap3A_1227 = arith.constant 64 : index
      %swap3A_1228 = tpu.vector_load %arg12[%swap3A_1226, %swap3A_1227] {strides = array<i32>} : memref<80x128xf32, #tpu.memory_space<vmem>>, vector<16xf32>,
      tpu.vector_store %arg12[%swap3A_1226, %swap3A_1227], %mul3A_1225 {strides = array<i32>} : memref<80x128xf32, #tpu.memory_space<vmem>>, vector<16xf32>,
      %get3A_1229 = arith.constant 0 : i32
      %get3A_1230 = arith.index_cast %get3A_1229 : i32 to index
      %get3A_1231 = arith.index_cast %scan3A_1164 : i32 to index
      %get3A_1232 = arith.constant 80 : index
      %get3A_1233 = tpu.vector_load %arg10[%get3A_1230, %get3A_1231, %get3A_1232] {strides = array<i32>} : memref<2x80x128xf32, #tpu.memory_space<vmem>>, vector<16xf32>,
      %max3A_1234 = arith.constant 0.000000e+00 : f32
      %max3A_1235 = vector.broadcast %max3A_1234 : f32 to vector<16xf32>
      %max3A_1236 = arith.maximumf %get3A_1233, %max3A_1235 : vector<16xf32>
      %mul3A_1237 = arith.mulf %max3A_1236, %gather3A_1169 : vector<16xf32>
      %swap3A_1238 = arith.index_cast %scan3A_1164 : i32 to index
      %swap3A_1239 = arith.constant 80 : index
      %swap3A_1240 = tpu.vector_load %arg12[%swap3A_1238, %swap3A_1239] {strides = array<i32>} : memref<80x128xf32, #tpu.memory_space<vmem>>, vector<16xf32>,
      tpu.vector_store %arg12[%swap3A_1238, %swap3A_1239], %mul3A_1237 {strides = array<i32>} : memref<80x128xf32, #tpu.memory_space<vmem>>, vector<16xf32>,
      %get3A_1241 = arith.constant 0 : i32
      %get3A_1242 = arith.index_cast %get3A_1241 : i32 to index
      %get3A_1243 = arith.index_cast %scan3A_1164 : i32 to index
      %get3A_1244 = arith.constant 96 : index
      %get3A_1245 = tpu.vector_load %arg10[%get3A_1242, %get3A_1243, %get3A_1244] {strides = array<i32>} : memref<2x80x128xf32, #tpu.memory_space<vmem>>, vector<16xf32>,
      %max3A_1246 = arith.constant 0.000000e+00 : f32
      %max3A_1247 = vector.broadcast %max3A_1246 : f32 to vector<16xf32>
      %max3A_1248 = arith.maximumf %get3A_1245, %max3A_1247 : vector<16xf32>
      %mul3A_1249 = arith.mulf %max3A_1248, %gather3A_1169 : vector<16xf32>
      %swap3A_1250 = arith.index_cast %scan3A_1164 : i32 to index
      %swap3A_1251 = arith.constant 96 : index
      %swap3A_1252 = tpu.vector_load %arg12[%swap3A_1250, %swap3A_1251] {strides = array<i32>} : memref<80x128xf32, #tpu.memory_space<vmem>>, vector<16xf32>,
      tpu.vector_store %arg12[%swap3A_1250, %swap3A_1251], %mul3A_1249 {strides = array<i32>} : memref<80x128xf32, #tpu.memory_space<vmem>>, vector<16xf32>,
      %get3A_1253 = arith.constant 0 : i32
      %get3A_1254 = arith.index_cast %get3A_1253 : i32 to index
      %get3A_1255 = arith.index_cast %scan3A_1164 : i32 to index
      %get3A_1256 = arith.constant 112 : index
      %get3A_1257 = tpu.vector_load %arg10[%get3A_1254, %get3A_1255, %get3A_1256] {strides = array<i32>} : memref<2x80x128xf32, #tpu.memory_space<vmem>>, vector<16xf32>,
      %max3A_1258 = arith.constant 0.000000e+00 : f32
      %max3A_1259 = vector.broadcast %max3A_1258 : f32 to vector<16xf32>
      %max3A_1260 = arith.maximumf %get3A_1257, %max3A_1259 : vector<16xf32>
      %mul3A_1261 = arith.mulf %max3A_1260, %gather3A_1169 : vector<16xf32>
      %swap3A_1262 = arith.index_cast %scan3A_1164 : i32 to index
      %swap3A_1263 = arith.constant 112 : index
      %swap3A_1264 = tpu.vector_load %arg12[%swap3A_1262, %swap3A_1263] {strides = array<i32>} : memref<80x128xf32, #tpu.memory_space<vmem>>, vector<16xf32>,
      tpu.vector_store %arg12[%swap3A_1262, %swap3A_1263], %mul3A_1261 {strides = array<i32>} : memref<80x128xf32, #tpu.memory_space<vmem>>, vector<16xf32>,
      %swap3A_1265 = arith.index_cast %scan3A_1164 : i32 to index
      %swap3A_1266 = arith.constant 0 : index
      %swap3A_1267 = tpu.vector_load %arg13[%swap3A_1265, %swap3A_1266] {strides = array<i32>} : memref<80x16xf32, #tpu.memory_space<vmem>>, vector<16xf32>,
      tpu.vector_store %arg13[%swap3A_1265, %swap3A_1266], %gather3A_1169 {strides = array<i32>} : memref<80x16xf32, #tpu.memory_space<vmem>>, vector<16xf32>,
    }
    %scan3A_815 = arith.constant 80 : i32
    %dma_wait3A_816 = arith.constant 0 : i32
    %dma_wait3A_817 = arith.constant 0 : i32
    %dma_wait3A_818 = arith.constant 0 : i32
    %dma_wait3A_819 = tpu.memref_slice %arg9[%dma_wait3A_816, %dma_wait3A_817, %dma_wait3A_818] : memref<2x2x80xi32, #tpu.memory_space<vmem>> -> memref<1x2x80xi32, #tpu.memory_space<vmem>>
    %dma_wait3A_820 = tpu.memref_squeeze %dma_wait3A_819 : memref<1x2x80xi32, #tpu.memory_space<vmem>> -> memref<2x80xi32, #tpu.memory_space<vmem>>
    %dma_wait3A_821 = arith.constant 0 : i32
    %dma_wait3A_822 = arith.constant 0 : i32
    %dma_wait3A_823 = tpu.memref_slice %arg6[%dma_wait3A_821, %dma_wait3A_822] : memref<2x320000xi32, #tpu.memory_space<hbm>> -> memref<2x80xi32, #tpu.memory_space<hbm>>
    %dma_wait3A_824 = arith.constant 0 : i32
    %dma_wait3A_825 = arith.constant 0 : i32
    %dma_wait3A_826 = tpu.memref_slice %arg9[%dma_wait3A_816, %dma_wait3A_824, %dma_wait3A_825] : memref<2x2x80xi32, #tpu.memory_space<vmem>> -> memref<1x2x80xi32, #tpu.memory_space<vmem>>
    %dma_wait3A_827 = tpu.memref_squeeze %dma_wait3A_826 : memref<1x2x80xi32, #tpu.memory_space<vmem>> -> memref<2x80xi32, #tpu.memory_space<vmem>>
    %dma_wait3A_828 = arith.constant 0 : i32
    %dma_wait3A_829 = arith.constant 0 : i32
    %dma_wait3A_830 = tpu.memref_slice %arg6[%dma_wait3A_828, %dma_wait3A_829] : memref<2x320000xi32, #tpu.memory_space<hbm>> -> memref<2x80xi32, #tpu.memory_space<hbm>>
    tpu.wait_dma2 semaphore(%arg17 : memref<!tpu.dma_semaphore, #tpu.memory_space<semaphore_mem>>) src(%dma_wait3A_830 : memref<2x80xi32, #tpu.memory_space<hbm>>) dst(%dma_wait3A_827 : memref<2x80xi32, #tpu.memory_space<vmem>>)
    %add3A_831 = arith.constant 9920 : i32
    %add3A_832 = arith.addi %mul3A_72, %add3A_831 : i32
    %dma_start3A_833 = arith.constant 0 : i32
    %dma_start3A_834 = arith.constant 0 : i32
    %dma_start3A_835 = arith.constant 0 : i32
    %dma_start3A_836 = tpu.memref_slice %arg10[%dma_start3A_833, %dma_start3A_834, %dma_start3A_835] : memref<2x80x128xf32, #tpu.memory_space<vmem>> -> memref<1x80x128xf32, #tpu.memory_space<vmem>>
    %dma_start3A_837 = tpu.memref_squeeze %dma_start3A_836 : memref<1x80x128xf32, #tpu.memory_space<vmem>> -> memref<80x128xf32, #tpu.memory_space<vmem>>
    %dma_start3A_838 = arith.constant 0 : i32
    %dma_start3A_839 = tpu.memref_slice %arg4[%add3A_832, %dma_start3A_838] : memref<320000x128xf32, #tpu.memory_space<hbm>> -> memref<80x128xf32, #tpu.memory_space<hbm>>
    %dma_start3A_840 = arith.constant 0 : i32
    %dma_start3A_841 = arith.constant 0 : i32
    %dma_start3A_842 = tpu.memref_slice %arg10[%dma_start3A_833, %dma_start3A_840, %dma_start3A_841] : memref<2x80x128xf32, #tpu.memory_space<vmem>> -> memref<1x80x128xf32, #tpu.memory_space<vmem>>
    %dma_start3A_843 = tpu.memref_squeeze %dma_start3A_842 : memref<1x80x128xf32, #tpu.memory_space<vmem>> -> memref<80x128xf32, #tpu.memory_space<vmem>>
    %dma_start3A_844 = arith.constant 0 : i32
    %dma_start3A_845 = tpu.memref_slice %arg4[%add3A_832, %dma_start3A_844] : memref<320000x128xf32, #tpu.memory_space<hbm>> -> memref<80x128xf32, #tpu.memory_space<hbm>>
    tpu.enqueue_dma source(%dma_start3A_845 : memref<80x128xf32, #tpu.memory_space<hbm>>) target(%dma_start3A_843 : memref<80x128xf32, #tpu.memory_space<vmem>>) target_semaphore(%arg19 : memref<!tpu.dma_semaphore, #tpu.memory_space<semaphore_mem>>)
    %dma_start3A_846 = arith.constant 0 : i32
    %dma_start3A_847 = arith.constant 0 : i32
    %dma_start3A_848 = tpu.memref_slice %arg11[%dma_start3A_846, %dma_start3A_847] : memref<2x80xf32, #tpu.memory_space<vmem>> -> memref<1x80xf32, #tpu.memory_space<vmem>>
    %dma_start3A_849 = tpu.memref_squeeze %dma_start3A_848 : memref<1x80xf32, #tpu.memory_space<vmem>> -> memref<80xf32, #tpu.memory_space<vmem>>
    %dma_start3A_850 = tpu.memref_slice %arg5[%add3A_832] : memref<320000xf32, #tpu.memory_space<hbm>> -> memref<80xf32, #tpu.memory_space<hbm>>
    %dma_start3A_851 = arith.constant 0 : i32
    %dma_start3A_852 = tpu.memref_slice %arg11[%dma_start3A_846, %dma_start3A_851] : memref<2x80xf32, #tpu.memory_space<vmem>> -> memref<1x80xf32, #tpu.memory_space<vmem>>
    %dma_start3A_853 = tpu.memref_squeeze %dma_start3A_852 : memref<1x80xf32, #tpu.memory_space<vmem>> -> memref<80xf32, #tpu.memory_space<vmem>>
    %dma_start3A_854 = tpu.memref_slice %arg5[%add3A_832] : memref<320000xf32, #tpu.memory_space<hbm>> -> memref<80xf32, #tpu.memory_space<hbm>>
    tpu.enqueue_dma source(%dma_start3A_854 : memref<80xf32, #tpu.memory_space<hbm>>) target(%dma_start3A_853 : memref<80xf32, #tpu.memory_space<vmem>>) target_semaphore(%arg19 : memref<!tpu.dma_semaphore, #tpu.memory_space<semaphore_mem>>)
    %dma_start3A_855 = arith.constant 0 : i32
    %dma_start3A_856 = arith.constant 0 : i32
    %dma_start3A_857 = tpu.memref_slice %arg14[%dma_start3A_855, %dma_start3A_856] : memref<2x80xi32, #tpu.memory_space<vmem>> -> memref<1x80xi32, #tpu.memory_space<vmem>>
    %dma_start3A_858 = tpu.memref_squeeze %dma_start3A_857 : memref<1x80xi32, #tpu.memory_space<vmem>> -> memref<80xi32, #tpu.memory_space<vmem>>
    %dma_start3A_859 = arith.constant 0 : i32
    %dma_start3A_860 = arith.constant 0 : i32
    %dma_start3A_861 = tpu.memref_slice %arg15[%dma_start3A_859, %dma_start3A_860] : memref<10000x128xf32, #tpu.memory_space<vmem_shared>> -> memref<10000x128xf32, #tpu.memory_space<vmem_shared>>
    tpu.enqueue_indirect_dma source(%arg12 : memref<80x128xf32, #tpu.memory_space<vmem>>) target(%dma_start3A_861 : memref<10000x128xf32, #tpu.memory_space<vmem_shared>>) offsets(%dma_start3A_858 : memref<80xi32, #tpu.memory_space<vmem>>) semaphore(%arg23 : memref<!tpu.dma_semaphore, #tpu.memory_space<semaphore_mem>>) {add = true}
    %dma_start3A_862 = arith.constant 0 : i32
    %dma_start3A_863 = arith.constant 0 : i32
    %dma_start3A_864 = tpu.memref_slice %arg14[%dma_start3A_862, %dma_start3A_863] : memref<2x80xi32, #tpu.memory_space<vmem>> -> memref<1x80xi32, #tpu.memory_space<vmem>>
    %dma_start3A_865 = tpu.memref_squeeze %dma_start3A_864 : memref<1x80xi32, #tpu.memory_space<vmem>> -> memref<80xi32, #tpu.memory_space<vmem>>
    %dma_start3A_866 = arith.constant 0 : i32
    %dma_start3A_867 = arith.constant 0 : i32
    %dma_start3A_868 = tpu.memref_slice %arg16[%dma_start3A_866, %dma_start3A_867] : memref<10000x16xf32, #tpu.memory_space<vmem_shared>> -> memref<10000x16xf32, #tpu.memory_space<vmem_shared>>
    tpu.enqueue_indirect_dma source(%arg13 : memref<80x16xf32, #tpu.memory_space<vmem>>) target(%dma_start3A_868 : memref<10000x16xf32, #tpu.memory_space<vmem_shared>>) offsets(%dma_start3A_865 : memref<80xi32, #tpu.memory_space<vmem>>) semaphore(%arg23 : memref<!tpu.dma_semaphore, #tpu.memory_space<semaphore_mem>>) {add = true}
    %dma_wait3A_869 = arith.constant 1 : i32
    %dma_wait3A_870 = arith.constant 0 : i32
    %dma_wait3A_871 = arith.constant 1 : i32
    %dma_wait3A_872 = arith.constant 0 : i32
    %dma_wait3A_873 = arith.constant 0 : i32
    %dma_wait3A_874 = tpu.memref_slice %arg10[%dma_wait3A_871, %dma_wait3A_872, %dma_wait3A_873] : memref<2x80x128xf32, #tpu.memory_space<vmem>> -> memref<1x80x128xf32, #tpu.memory_space<vmem>>
    %dma_wait3A_875 = tpu.memref_squeeze %dma_wait3A_874 : memref<1x80x128xf32, #tpu.memory_space<vmem>> -> memref<80x128xf32, #tpu.memory_space<vmem>>
    %dma_wait3A_876 = arith.constant 0 : i32
    %dma_wait3A_877 = tpu.memref_slice %arg9[%dma_wait3A_869, %dma_wait3A_870, %dma_wait3A_876] : memref<2x2x80xi32, #tpu.memory_space<vmem>> -> memref<1x1x80xi32, #tpu.memory_space<vmem>>
    %dma_wait3A_878 = tpu.memref_squeeze %dma_wait3A_877 : memref<1x1x80xi32, #tpu.memory_space<vmem>> -> memref<80xi32, #tpu.memory_space<vmem>>
    %dma_wait3A_879 = arith.constant 0 : i32
    %dma_wait3A_880 = arith.constant 0 : i32
    %dma_wait3A_881 = tpu.memref_slice %arg2[%dma_wait3A_879, %dma_wait3A_880] : memref<10000x128xf32, #tpu.memory_space<hbm>> -> memref<10000x128xf32, #tpu.memory_space<hbm>>
    tpu.wait_indirect_dma semaphore(%arg22 : memref<!tpu.dma_semaphore, #tpu.memory_space<semaphore_mem>>) src(%dma_wait3A_881 : memref<10000x128xf32, #tpu.memory_space<hbm>>) dst(%dma_wait3A_875 : memref<80x128xf32, #tpu.memory_space<vmem>>)
    %dma_wait3A_882 = arith.constant 1 : i32
    %dma_wait3A_883 = arith.constant 1 : i32
    %dma_wait3A_884 = arith.constant 1 : i32
    %dma_wait3A_885 = arith.constant 0 : i32
    %dma_wait3A_886 = arith.constant 0 : i32
    %dma_wait3A_887 = tpu.memref_slice %arg10[%dma_wait3A_884, %dma_wait3A_885, %dma_wait3A_886] : memref<2x80x128xf32, #tpu.memory_space<vmem>> -> memref<1x80x128xf32, #tpu.memory_space<vmem>>
    %dma_wait3A_888 = tpu.memref_squeeze %dma_wait3A_887 : memref<1x80x128xf32, #tpu.memory_space<vmem>> -> memref<80x128xf32, #tpu.memory_space<vmem>>
    %dma_wait3A_889 = arith.constant 0 : i32
    %dma_wait3A_890 = tpu.memref_slice %arg9[%dma_wait3A_882, %dma_wait3A_883, %dma_wait3A_889] : memref<2x2x80xi32, #tpu.memory_space<vmem>> -> memref<1x1x80xi32, #tpu.memory_space<vmem>>
    %dma_wait3A_891 = tpu.memref_squeeze %dma_wait3A_890 : memref<1x1x80xi32, #tpu.memory_space<vmem>> -> memref<80xi32, #tpu.memory_space<vmem>>
    %dma_wait3A_892 = arith.constant 0 : i32
    %dma_wait3A_893 = arith.constant 0 : i32
    %dma_wait3A_894 = tpu.memref_slice %arg3[%dma_wait3A_892, %dma_wait3A_893] : memref<10000x128xf32, #tpu.memory_space<hbm>> -> memref<10000x128xf32, #tpu.memory_space<hbm>>
    tpu.wait_indirect_dma semaphore(%arg22 : memref<!tpu.dma_semaphore, #tpu.memory_space<semaphore_mem>>) src(%dma_wait3A_894 : memref<10000x128xf32, #tpu.memory_space<hbm>>) dst(%dma_wait3A_888 : memref<80x128xf32, #tpu.memory_space<vmem>>)
    %get3A_895 = arith.constant 1 : i32
    %get3A_896 = arith.constant 0 : i32
    %get3A_897 = arith.index_cast %get3A_895 : i32 to index
    %get3A_898 = arith.index_cast %get3A_896 : i32 to index
    %get3A_899 = arith.constant 0 : index
    %get3A_900 = tpu.vector_load %arg9[%get3A_897, %get3A_898, %get3A_899] {strides = array<i32>} : memref<2x2x80xi32, #tpu.memory_space<vmem>>, vector<16xi32>,
    %swap3A_901 = arith.constant 1 : i32
    %swap3A_902 = arith.index_cast %swap3A_901 : i32 to index
    %swap3A_903 = arith.constant 0 : index
    %swap3A_904 = tpu.vector_load %arg14[%swap3A_902, %swap3A_903] {strides = array<i32>} : memref<2x80xi32, #tpu.memory_space<vmem>>, vector<16xi32>,
    tpu.vector_store %arg14[%swap3A_902, %swap3A_903], %get3A_900 {strides = array<i32>} : memref<2x80xi32, #tpu.memory_space<vmem>>, vector<16xi32>,
    %get3A_905 = arith.constant 1 : i32
    %get3A_906 = arith.constant 0 : i32
    %get3A_907 = arith.index_cast %get3A_905 : i32 to index
    %get3A_908 = arith.index_cast %get3A_906 : i32 to index
    %get3A_909 = arith.constant 16 : index
    %get3A_910 = tpu.vector_load %arg9[%get3A_907, %get3A_908, %get3A_909] {strides = array<i32>} : memref<2x2x80xi32, #tpu.memory_space<vmem>>, vector<16xi32>,
    %swap3A_911 = arith.constant 1 : i32
    %swap3A_912 = arith.index_cast %swap3A_911 : i32 to index
    %swap3A_913 = arith.constant 16 : index
    %swap3A_914 = tpu.vector_load %arg14[%swap3A_912, %swap3A_913] {strides = array<i32>} : memref<2x80xi32, #tpu.memory_space<vmem>>, vector<16xi32>,
    tpu.vector_store %arg14[%swap3A_912, %swap3A_913], %get3A_910 {strides = array<i32>} : memref<2x80xi32, #tpu.memory_space<vmem>>, vector<16xi32>,
    %get3A_915 = arith.constant 1 : i32
    %get3A_916 = arith.constant 0 : i32
    %get3A_917 = arith.index_cast %get3A_915 : i32 to index
    %get3A_918 = arith.index_cast %get3A_916 : i32 to index
    %get3A_919 = arith.constant 32 : index
    %get3A_920 = tpu.vector_load %arg9[%get3A_917, %get3A_918, %get3A_919] {strides = array<i32>} : memref<2x2x80xi32, #tpu.memory_space<vmem>>, vector<16xi32>,
    %swap3A_921 = arith.constant 1 : i32
    %swap3A_922 = arith.index_cast %swap3A_921 : i32 to index
    %swap3A_923 = arith.constant 32 : index
    %swap3A_924 = tpu.vector_load %arg14[%swap3A_922, %swap3A_923] {strides = array<i32>} : memref<2x80xi32, #tpu.memory_space<vmem>>, vector<16xi32>,
    tpu.vector_store %arg14[%swap3A_922, %swap3A_923], %get3A_920 {strides = array<i32>} : memref<2x80xi32, #tpu.memory_space<vmem>>, vector<16xi32>,
    %get3A_925 = arith.constant 1 : i32
    %get3A_926 = arith.constant 0 : i32
    %get3A_927 = arith.index_cast %get3A_925 : i32 to index
    %get3A_928 = arith.index_cast %get3A_926 : i32 to index
    %get3A_929 = arith.constant 48 : index
    %get3A_930 = tpu.vector_load %arg9[%get3A_927, %get3A_928, %get3A_929] {strides = array<i32>} : memref<2x2x80xi32, #tpu.memory_space<vmem>>, vector<16xi32>,
    %swap3A_931 = arith.constant 1 : i32
    %swap3A_932 = arith.index_cast %swap3A_931 : i32 to index
    %swap3A_933 = arith.constant 48 : index
    %swap3A_934 = tpu.vector_load %arg14[%swap3A_932, %swap3A_933] {strides = array<i32>} : memref<2x80xi32, #tpu.memory_space<vmem>>, vector<16xi32>,
    tpu.vector_store %arg14[%swap3A_932, %swap3A_933], %get3A_930 {strides = array<i32>} : memref<2x80xi32, #tpu.memory_space<vmem>>, vector<16xi32>,
    %get3A_935 = arith.constant 1 : i32
    %get3A_936 = arith.constant 0 : i32
    %get3A_937 = arith.index_cast %get3A_935 : i32 to index
    %get3A_938 = arith.index_cast %get3A_936 : i32 to index
    %get3A_939 = arith.constant 64 : index
    %get3A_940 = tpu.vector_load %arg9[%get3A_937, %get3A_938, %get3A_939] {strides = array<i32>} : memref<2x2x80xi32, #tpu.memory_space<vmem>>, vector<16xi32>,
    %swap3A_941 = arith.constant 1 : i32
    %swap3A_942 = arith.index_cast %swap3A_941 : i32 to index
    %swap3A_943 = arith.constant 64 : index
    %swap3A_944 = tpu.vector_load %arg14[%swap3A_942, %swap3A_943] {strides = array<i32>} : memref<2x80xi32, #tpu.memory_space<vmem>>, vector<16xi32>,
    tpu.vector_store %arg14[%swap3A_942, %swap3A_943], %get3A_940 {strides = array<i32>} : memref<2x80xi32, #tpu.memory_space<vmem>>, vector<16xi32>,
    %dma_wait3A_945 = arith.constant 0 : i32
    %dma_wait3A_946 = arith.constant 0 : i32
    %dma_wait3A_947 = arith.constant 0 : i32
    %dma_wait3A_948 = tpu.memref_slice %arg10[%dma_wait3A_945, %dma_wait3A_946, %dma_wait3A_947] : memref<2x80x128xf32, #tpu.memory_space<vmem>> -> memref<1x80x128xf32, #tpu.memory_space<vmem>>
    %dma_wait3A_949 = tpu.memref_squeeze %dma_wait3A_948 : memref<1x80x128xf32, #tpu.memory_space<vmem>> -> memref<80x128xf32, #tpu.memory_space<vmem>>
    %dma_wait3A_950 = arith.constant 0 : i32
    %dma_wait3A_951 = arith.constant 0 : i32
    %dma_wait3A_952 = tpu.memref_slice %arg4[%dma_wait3A_950, %dma_wait3A_951] : memref<320000x128xf32, #tpu.memory_space<hbm>> -> memref<80x128xf32, #tpu.memory_space<hbm>>
    %dma_wait3A_953 = arith.constant 0 : i32
    %dma_wait3A_954 = arith.constant 0 : i32
    %dma_wait3A_955 = tpu.memref_slice %arg10[%dma_wait3A_945, %dma_wait3A_953, %dma_wait3A_954] : memref<2x80x128xf32, #tpu.memory_space<vmem>> -> memref<1x80x128xf32, #tpu.memory_space<vmem>>
    %dma_wait3A_956 = tpu.memref_squeeze %dma_wait3A_955 : memref<1x80x128xf32, #tpu.memory_space<vmem>> -> memref<80x128xf32, #tpu.memory_space<vmem>>
    %dma_wait3A_957 = arith.constant 0 : i32
    %dma_wait3A_958 = arith.constant 0 : i32
    %dma_wait3A_959 = tpu.memref_slice %arg4[%dma_wait3A_957, %dma_wait3A_958] : memref<320000x128xf32, #tpu.memory_space<hbm>> -> memref<80x128xf32, #tpu.memory_space<hbm>>
    tpu.wait_dma2 semaphore(%arg19 : memref<!tpu.dma_semaphore, #tpu.memory_space<semaphore_mem>>) src(%dma_wait3A_959 : memref<80x128xf32, #tpu.memory_space<hbm>>) dst(%dma_wait3A_956 : memref<80x128xf32, #tpu.memory_space<vmem>>)
    %dma_wait3A_960 = arith.constant 0 : i32
    %dma_wait3A_961 = arith.constant 0 : i32
    %dma_wait3A_962 = tpu.memref_slice %arg11[%dma_wait3A_960, %dma_wait3A_961] : memref<2x80xf32, #tpu.memory_space<vmem>> -> memref<1x80xf32, #tpu.memory_space<vmem>>
    %dma_wait3A_963 = tpu.memref_squeeze %dma_wait3A_962 : memref<1x80xf32, #tpu.memory_space<vmem>> -> memref<80xf32, #tpu.memory_space<vmem>>
    %dma_wait3A_964 = arith.constant 0 : i32
    %dma_wait3A_965 = tpu.memref_slice %arg5[%dma_wait3A_964] : memref<320000xf32, #tpu.memory_space<hbm>> -> memref<80xf32, #tpu.memory_space<hbm>>
    %dma_wait3A_966 = arith.constant 0 : i32
    %dma_wait3A_967 = tpu.memref_slice %arg11[%dma_wait3A_960, %dma_wait3A_966] : memref<2x80xf32, #tpu.memory_space<vmem>> -> memref<1x80xf32, #tpu.memory_space<vmem>>
    %dma_wait3A_968 = tpu.memref_squeeze %dma_wait3A_967 : memref<1x80xf32, #tpu.memory_space<vmem>> -> memref<80xf32, #tpu.memory_space<vmem>>
    %dma_wait3A_969 = arith.constant 0 : i32
    %dma_wait3A_970 = tpu.memref_slice %arg5[%dma_wait3A_969] : memref<320000xf32, #tpu.memory_space<hbm>> -> memref<80xf32, #tpu.memory_space<hbm>>
    tpu.wait_dma2 semaphore(%arg19 : memref<!tpu.dma_semaphore, #tpu.memory_space<semaphore_mem>>) src(%dma_wait3A_970 : memref<80xf32, #tpu.memory_space<hbm>>) dst(%dma_wait3A_968 : memref<80xf32, #tpu.memory_space<vmem>>)
    %dma_start3A_971 = arith.constant 0 : i32
    %dma_start3A_972 = arith.constant 0 : i32
    %dma_start3A_973 = arith.constant 0 : i32
    %dma_start3A_974 = arith.constant 0 : i32
    %dma_start3A_975 = arith.constant 0 : i32
    %dma_start3A_976 = tpu.memref_slice %arg10[%dma_start3A_973, %dma_start3A_974, %dma_start3A_975] : memref<2x80x128xf32, #tpu.memory_space<vmem>> -> memref<1x80x128xf32, #tpu.memory_space<vmem>>
    %dma_start3A_977 = tpu.memref_squeeze %dma_start3A_976 : memref<1x80x128xf32, #tpu.memory_space<vmem>> -> memref<80x128xf32, #tpu.memory_space<vmem>>
    %dma_start3A_978 = arith.constant 0 : i32
    %dma_start3A_979 = tpu.memref_slice %arg9[%dma_start3A_971, %dma_start3A_972, %dma_start3A_978] : memref<2x2x80xi32, #tpu.memory_space<vmem>> -> memref<1x1x80xi32, #tpu.memory_space<vmem>>
    %dma_start3A_980 = tpu.memref_squeeze %dma_start3A_979 : memref<1x1x80xi32, #tpu.memory_space<vmem>> -> memref<80xi32, #tpu.memory_space<vmem>>
    %dma_start3A_981 = arith.constant 0 : i32
    %dma_start3A_982 = arith.constant 0 : i32
    %dma_start3A_983 = tpu.memref_slice %arg2[%dma_start3A_981, %dma_start3A_982] : memref<10000x128xf32, #tpu.memory_space<hbm>> -> memref<10000x128xf32, #tpu.memory_space<hbm>>
    tpu.enqueue_indirect_dma source(%dma_start3A_983 : memref<10000x128xf32, #tpu.memory_space<hbm>>) target(%dma_start3A_977 : memref<80x128xf32, #tpu.memory_space<vmem>>) offsets(%dma_start3A_980 : memref<80xi32, #tpu.memory_space<vmem>>) semaphore(%arg21 : memref<!tpu.dma_semaphore, #tpu.memory_space<semaphore_mem>>) {add = true}
    %dma_start3A_984 = arith.constant 0 : i32
    %dma_start3A_985 = arith.constant 1 : i32
    %dma_start3A_986 = arith.constant 0 : i32
    %dma_start3A_987 = arith.constant 0 : i32
    %dma_start3A_988 = arith.constant 0 : i32
    %dma_start3A_989 = tpu.memref_slice %arg10[%dma_start3A_986, %dma_start3A_987, %dma_start3A_988] : memref<2x80x128xf32, #tpu.memory_space<vmem>> -> memref<1x80x128xf32, #tpu.memory_space<vmem>>
    %dma_start3A_990 = tpu.memref_squeeze %dma_start3A_989 : memref<1x80x128xf32, #tpu.memory_space<vmem>> -> memref<80x128xf32, #tpu.memory_space<vmem>>
    %dma_start3A_991 = arith.constant 0 : i32
    %dma_start3A_992 = tpu.memref_slice %arg9[%dma_start3A_984, %dma_start3A_985, %dma_start3A_991] : memref<2x2x80xi32, #tpu.memory_space<vmem>> -> memref<1x1x80xi32, #tpu.memory_space<vmem>>
    %dma_start3A_993 = tpu.memref_squeeze %dma_start3A_992 : memref<1x1x80xi32, #tpu.memory_space<vmem>> -> memref<80xi32, #tpu.memory_space<vmem>>
    %dma_start3A_994 = arith.constant 0 : i32
    %dma_start3A_995 = arith.constant 0 : i32
    %dma_start3A_996 = tpu.memref_slice %arg3[%dma_start3A_994, %dma_start3A_995] : memref<10000x128xf32, #tpu.memory_space<hbm>> -> memref<10000x128xf32, #tpu.memory_space<hbm>>
    tpu.enqueue_indirect_dma source(%dma_start3A_996 : memref<10000x128xf32, #tpu.memory_space<hbm>>) target(%dma_start3A_990 : memref<80x128xf32, #tpu.memory_space<vmem>>) offsets(%dma_start3A_993 : memref<80xi32, #tpu.memory_space<vmem>>) semaphore(%arg21 : memref<!tpu.dma_semaphore, #tpu.memory_space<semaphore_mem>>) {add = true}
    %dma_wait3A_997 = arith.constant 1 : i32
    %dma_wait3A_998 = arith.constant 0 : i32
    %dma_wait3A_999 = tpu.memref_slice %arg14[%dma_wait3A_997, %dma_wait3A_998] : memref<2x80xi32, #tpu.memory_space<vmem>> -> memref<1x80xi32, #tpu.memory_space<vmem>>
    %dma_wait3A_1000 = tpu.memref_squeeze %dma_wait3A_999 : memref<1x80xi32, #tpu.memory_space<vmem>> -> memref<80xi32, #tpu.memory_space<vmem>>
    %dma_wait3A_1001 = arith.constant 0 : i32
    %dma_wait3A_1002 = arith.constant 0 : i32
    %dma_wait3A_1003 = tpu.memref_slice %arg15[%dma_wait3A_1001, %dma_wait3A_1002] : memref<10000x128xf32, #tpu.memory_space<vmem_shared>> -> memref<10000x128xf32, #tpu.memory_space<vmem_shared>>
    tpu.wait_indirect_dma semaphore(%arg23 : memref<!tpu.dma_semaphore, #tpu.memory_space<semaphore_mem>>) src(%arg12 : memref<80x128xf32, #tpu.memory_space<vmem>>) dst(%dma_wait3A_1003 : memref<10000x128xf32, #tpu.memory_space<vmem_shared>>)
    %dma_wait3A_1004 = arith.constant 1 : i32
    %dma_wait3A_1005 = arith.constant 0 : i32
    %dma_wait3A_1006 = tpu.memref_slice %arg14[%dma_wait3A_1004, %dma_wait3A_1005] : memref<2x80xi32, #tpu.memory_space<vmem>> -> memref<1x80xi32, #tpu.memory_space<vmem>>
    %dma_wait3A_1007 = tpu.memref_squeeze %dma_wait3A_1006 : memref<1x80xi32, #tpu.memory_space<vmem>> -> memref<80xi32, #tpu.memory_space<vmem>>
    %dma_wait3A_1008 = arith.constant 0 : i32
    %dma_wait3A_1009 = arith.constant 0 : i32
    %dma_wait3A_1010 = tpu.memref_slice %arg16[%dma_wait3A_1008, %dma_wait3A_1009] : memref<10000x16xf32, #tpu.memory_space<vmem_shared>> -> memref<10000x16xf32, #tpu.memory_space<vmem_shared>>
    tpu.wait_indirect_dma semaphore(%arg23 : memref<!tpu.dma_semaphore, #tpu.memory_space<semaphore_mem>>) src(%arg13 : memref<80x16xf32, #tpu.memory_space<vmem>>) dst(%dma_wait3A_1010 : memref<10000x16xf32, #tpu.memory_space<vmem_shared>>)
    %scan3A_1011 = arith.constant 0 : i32
    %scan3A_1012 = arith.constant 0 : i32
    %scan3A_1013 = arith.constant 80 : i32
    %scan3A_1014 = arith.addi %scan3A_1012, %scan3A_1013 : i32
    %scan3A_1015 = arith.constant 1 : i32
    scf.for %scan3A_1164 = %scan3A_1012 to %scan3A_1014 step %scan3A_1015  : i32 {
      %broadcast_in_dim3A_1165 = vector.broadcast %scan3A_1164 : i32 to vector<16xi32>
      %gather3A = arith.constant 1 : i32
      %gather3A_1166 = arith.constant 0 : i32
      %gather3A_1167 = tpu.memref_slice %arg11[%gather3A, %gather3A_1166] : memref<2x80xf32, #tpu.memory_space<vmem>> -> memref<1x80xf32, #tpu.memory_space<vmem>>
      %gather3A_1168 = tpu.memref_squeeze %gather3A_1167 : memref<1x80xf32, #tpu.memory_space<vmem>> -> memref<80xf32, #tpu.memory_space<vmem>>
      %gather3A_1169 = tpu.vector_load_idx %gather3A_1168[%broadcast_in_dim3A_1165] : memref<80xf32, #tpu.memory_space<vmem>>[vector<16xi32>], vector<16xf32>,
      %get3A_1170 = arith.constant 1 : i32
      %get3A_1171 = arith.index_cast %get3A_1170 : i32 to index
      %get3A_1172 = arith.index_cast %scan3A_1164 : i32 to index
      %get3A_1173 = arith.constant 0 : index
      %get3A_1174 = tpu.vector_load %arg10[%get3A_1171, %get3A_1172, %get3A_1173] {strides = array<i32>} : memref<2x80x128xf32, #tpu.memory_space<vmem>>, vector<16xf32>,
      %max3A = arith.constant 0.000000e+00 : f32
      %max3A_1175 = vector.broadcast %max3A : f32 to vector<16xf32>
      %max3A_1176 = arith.maximumf %get3A_1174, %max3A_1175 : vector<16xf32>
      %mul3A_1177 = arith.mulf %max3A_1176, %gather3A_1169 : vector<16xf32>
      %swap3A_1178 = arith.index_cast %scan3A_1164 : i32 to index
      %swap3A_1179 = arith.constant 0 : index
      %swap3A_1180 = tpu.vector_load %arg12[%swap3A_1178, %swap3A_1179] {strides = array<i32>} : memref<80x128xf32, #tpu.memory_space<vmem>>, vector<16xf32>,
      tpu.vector_store %arg12[%swap3A_1178, %swap3A_1179], %mul3A_1177 {strides = array<i32>} : memref<80x128xf32, #tpu.memory_space<vmem>>, vector<16xf32>,
      %get3A_1181 = arith.constant 1 : i32
      %get3A_1182 = arith.index_cast %get3A_1181 : i32 to index
      %get3A_1183 = arith.index_cast %scan3A_1164 : i32 to index
      %get3A_1184 = arith.constant 16 : index
      %get3A_1185 = tpu.vector_load %arg10[%get3A_1182, %get3A_1183, %get3A_1184] {strides = array<i32>} : memref<2x80x128xf32, #tpu.memory_space<vmem>>, vector<16xf32>,
      %max3A_1186 = arith.constant 0.000000e+00 : f32
      %max3A_1187 = vector.broadcast %max3A_1186 : f32 to vector<16xf32>
      %max3A_1188 = arith.maximumf %get3A_1185, %max3A_1187 : vector<16xf32>
      %mul3A_1189 = arith.mulf %max3A_1188, %gather3A_1169 : vector<16xf32>
      %swap3A_1190 = arith.index_cast %scan3A_1164 : i32 to index
      %swap3A_1191 = arith.constant 16 : index
      %swap3A_1192 = tpu.vector_load %arg12[%swap3A_1190, %swap3A_1191] {strides = array<i32>} : memref<80x128xf32, #tpu.memory_space<vmem>>, vector<16xf32>,
      tpu.vector_store %arg12[%swap3A_1190, %swap3A_1191], %mul3A_1189 {strides = array<i32>} : memref<80x128xf32, #tpu.memory_space<vmem>>, vector<16xf32>,
      %get3A_1193 = arith.constant 1 : i32
      %get3A_1194 = arith.index_cast %get3A_1193 : i32 to index
      %get3A_1195 = arith.index_cast %scan3A_1164 : i32 to index
      %get3A_1196 = arith.constant 32 : index
      %get3A_1197 = tpu.vector_load %arg10[%get3A_1194, %get3A_1195, %get3A_1196] {strides = array<i32>} : memref<2x80x128xf32, #tpu.memory_space<vmem>>, vector<16xf32>,
      %max3A_1198 = arith.constant 0.000000e+00 : f32
      %max3A_1199 = vector.broadcast %max3A_1198 : f32 to vector<16xf32>
      %max3A_1200 = arith.maximumf %get3A_1197, %max3A_1199 : vector<16xf32>
      %mul3A_1201 = arith.mulf %max3A_1200, %gather3A_1169 : vector<16xf32>
      %swap3A_1202 = arith.index_cast %scan3A_1164 : i32 to index
      %swap3A_1203 = arith.constant 32 : index
      %swap3A_1204 = tpu.vector_load %arg12[%swap3A_1202, %swap3A_1203] {strides = array<i32>} : memref<80x128xf32, #tpu.memory_space<vmem>>, vector<16xf32>,
      tpu.vector_store %arg12[%swap3A_1202, %swap3A_1203], %mul3A_1201 {strides = array<i32>} : memref<80x128xf32, #tpu.memory_space<vmem>>, vector<16xf32>,
      %get3A_1205 = arith.constant 1 : i32
      %get3A_1206 = arith.index_cast %get3A_1205 : i32 to index
      %get3A_1207 = arith.index_cast %scan3A_1164 : i32 to index
      %get3A_1208 = arith.constant 48 : index
      %get3A_1209 = tpu.vector_load %arg10[%get3A_1206, %get3A_1207, %get3A_1208] {strides = array<i32>} : memref<2x80x128xf32, #tpu.memory_space<vmem>>, vector<16xf32>,
      %max3A_1210 = arith.constant 0.000000e+00 : f32
      %max3A_1211 = vector.broadcast %max3A_1210 : f32 to vector<16xf32>
      %max3A_1212 = arith.maximumf %get3A_1209, %max3A_1211 : vector<16xf32>
      %mul3A_1213 = arith.mulf %max3A_1212, %gather3A_1169 : vector<16xf32>
      %swap3A_1214 = arith.index_cast %scan3A_1164 : i32 to index
      %swap3A_1215 = arith.constant 48 : index
      %swap3A_1216 = tpu.vector_load %arg12[%swap3A_1214, %swap3A_1215] {strides = array<i32>} : memref<80x128xf32, #tpu.memory_space<vmem>>, vector<16xf32>,
      tpu.vector_store %arg12[%swap3A_1214, %swap3A_1215], %mul3A_1213 {strides = array<i32>} : memref<80x128xf32, #tpu.memory_space<vmem>>, vector<16xf32>,
      %get3A_1217 = arith.constant 1 : i32
      %get3A_1218 = arith.index_cast %get3A_1217 : i32 to index
      %get3A_1219 = arith.index_cast %scan3A_1164 : i32 to index
      %get3A_1220 = arith.constant 64 : index
      %get3A_1221 = tpu.vector_load %arg10[%get3A_1218, %get3A_1219, %get3A_1220] {strides = array<i32>} : memref<2x80x128xf32, #tpu.memory_space<vmem>>, vector<16xf32>,
      %max3A_1222 = arith.constant 0.000000e+00 : f32
      %max3A_1223 = vector.broadcast %max3A_1222 : f32 to vector<16xf32>
      %max3A_1224 = arith.maximumf %get3A_1221, %max3A_1223 : vector<16xf32>
      %mul3A_1225 = arith.mulf %max3A_1224, %gather3A_1169 : vector<16xf32>
      %swap3A_1226 = arith.index_cast %scan3A_1164 : i32 to index
      %swap3A_1227 = arith.constant 64 : index
      %swap3A_1228 = tpu.vector_load %arg12[%swap3A_1226, %swap3A_1227] {strides = array<i32>} : memref<80x128xf32, #tpu.memory_space<vmem>>, vector<16xf32>,
      tpu.vector_store %arg12[%swap3A_1226, %swap3A_1227], %mul3A_1225 {strides = array<i32>} : memref<80x128xf32, #tpu.memory_space<vmem>>, vector<16xf32>,
      %get3A_1229 = arith.constant 1 : i32
      %get3A_1230 = arith.index_cast %get3A_1229 : i32 to index
      %get3A_1231 = arith.index_cast %scan3A_1164 : i32 to index
      %get3A_1232 = arith.constant 80 : index
      %get3A_1233 = tpu.vector_load %arg10[%get3A_1230, %get3A_1231, %get3A_1232] {strides = array<i32>} : memref<2x80x128xf32, #tpu.memory_space<vmem>>, vector<16xf32>,
      %max3A_1234 = arith.constant 0.000000e+00 : f32
      %max3A_1235 = vector.broadcast %max3A_1234 : f32 to vector<16xf32>
      %max3A_1236 = arith.maximumf %get3A_1233, %max3A_1235 : vector<16xf32>
      %mul3A_1237 = arith.mulf %max3A_1236, %gather3A_1169 : vector<16xf32>
      %swap3A_1238 = arith.index_cast %scan3A_1164 : i32 to index
      %swap3A_1239 = arith.constant 80 : index
      %swap3A_1240 = tpu.vector_load %arg12[%swap3A_1238, %swap3A_1239] {strides = array<i32>} : memref<80x128xf32, #tpu.memory_space<vmem>>, vector<16xf32>,
      tpu.vector_store %arg12[%swap3A_1238, %swap3A_1239], %mul3A_1237 {strides = array<i32>} : memref<80x128xf32, #tpu.memory_space<vmem>>, vector<16xf32>,
      %get3A_1241 = arith.constant 1 : i32
      %get3A_1242 = arith.index_cast %get3A_1241 : i32 to index
      %get3A_1243 = arith.index_cast %scan3A_1164 : i32 to index
      %get3A_1244 = arith.constant 96 : index
      %get3A_1245 = tpu.vector_load %arg10[%get3A_1242, %get3A_1243, %get3A_1244] {strides = array<i32>} : memref<2x80x128xf32, #tpu.memory_space<vmem>>, vector<16xf32>,
      %max3A_1246 = arith.constant 0.000000e+00 : f32
      %max3A_1247 = vector.broadcast %max3A_1246 : f32 to vector<16xf32>
      %max3A_1248 = arith.maximumf %get3A_1245, %max3A_1247 : vector<16xf32>
      %mul3A_1249 = arith.mulf %max3A_1248, %gather3A_1169 : vector<16xf32>
      %swap3A_1250 = arith.index_cast %scan3A_1164 : i32 to index
      %swap3A_1251 = arith.constant 96 : index
      %swap3A_1252 = tpu.vector_load %arg12[%swap3A_1250, %swap3A_1251] {strides = array<i32>} : memref<80x128xf32, #tpu.memory_space<vmem>>, vector<16xf32>,
      tpu.vector_store %arg12[%swap3A_1250, %swap3A_1251], %mul3A_1249 {strides = array<i32>} : memref<80x128xf32, #tpu.memory_space<vmem>>, vector<16xf32>,
      %get3A_1253 = arith.constant 1 : i32
      %get3A_1254 = arith.index_cast %get3A_1253 : i32 to index
      %get3A_1255 = arith.index_cast %scan3A_1164 : i32 to index
      %get3A_1256 = arith.constant 112 : index
      %get3A_1257 = tpu.vector_load %arg10[%get3A_1254, %get3A_1255, %get3A_1256] {strides = array<i32>} : memref<2x80x128xf32, #tpu.memory_space<vmem>>, vector<16xf32>,
      %max3A_1258 = arith.constant 0.000000e+00 : f32
      %max3A_1259 = vector.broadcast %max3A_1258 : f32 to vector<16xf32>
      %max3A_1260 = arith.maximumf %get3A_1257, %max3A_1259 : vector<16xf32>
      %mul3A_1261 = arith.mulf %max3A_1260, %gather3A_1169 : vector<16xf32>
      %swap3A_1262 = arith.index_cast %scan3A_1164 : i32 to index
      %swap3A_1263 = arith.constant 112 : index
      %swap3A_1264 = tpu.vector_load %arg12[%swap3A_1262, %swap3A_1263] {strides = array<i32>} : memref<80x128xf32, #tpu.memory_space<vmem>>, vector<16xf32>,
      tpu.vector_store %arg12[%swap3A_1262, %swap3A_1263], %mul3A_1261 {strides = array<i32>} : memref<80x128xf32, #tpu.memory_space<vmem>>, vector<16xf32>,
      %swap3A_1265 = arith.index_cast %scan3A_1164 : i32 to index
      %swap3A_1266 = arith.constant 0 : index
      %swap3A_1267 = tpu.vector_load %arg13[%swap3A_1265, %swap3A_1266] {strides = array<i32>} : memref<80x16xf32, #tpu.memory_space<vmem>>, vector<16xf32>,
      tpu.vector_store %arg13[%swap3A_1265, %swap3A_1266], %gather3A_1169 {strides = array<i32>} : memref<80x16xf32, #tpu.memory_space<vmem>>, vector<16xf32>,
    }
    %scan3A_1016 = arith.constant 80 : i32
    %dma_start3A_1017 = arith.constant 1 : i32
    %dma_start3A_1018 = arith.constant 0 : i32
    %dma_start3A_1019 = tpu.memref_slice %arg14[%dma_start3A_1017, %dma_start3A_1018] : memref<2x80xi32, #tpu.memory_space<vmem>> -> memref<1x80xi32, #tpu.memory_space<vmem>>
    %dma_start3A_1020 = tpu.memref_squeeze %dma_start3A_1019 : memref<1x80xi32, #tpu.memory_space<vmem>> -> memref<80xi32, #tpu.memory_space<vmem>>
    %dma_start3A_1021 = arith.constant 0 : i32
    %dma_start3A_1022 = arith.constant 0 : i32
    %dma_start3A_1023 = tpu.memref_slice %arg15[%dma_start3A_1021, %dma_start3A_1022] : memref<10000x128xf32, #tpu.memory_space<vmem_shared>> -> memref<10000x128xf32, #tpu.memory_space<vmem_shared>>
    tpu.enqueue_indirect_dma source(%arg12 : memref<80x128xf32, #tpu.memory_space<vmem>>) target(%dma_start3A_1023 : memref<10000x128xf32, #tpu.memory_space<vmem_shared>>) offsets(%dma_start3A_1020 : memref<80xi32, #tpu.memory_space<vmem>>) semaphore(%arg23 : memref<!tpu.dma_semaphore, #tpu.memory_space<semaphore_mem>>) {add = true}
    %dma_start3A_1024 = arith.constant 1 : i32
    %dma_start3A_1025 = arith.constant 0 : i32
    %dma_start3A_1026 = tpu.memref_slice %arg14[%dma_start3A_1024, %dma_start3A_1025] : memref<2x80xi32, #tpu.memory_space<vmem>> -> memref<1x80xi32, #tpu.memory_space<vmem>>
    %dma_start3A_1027 = tpu.memref_squeeze %dma_start3A_1026 : memref<1x80xi32, #tpu.memory_space<vmem>> -> memref<80xi32, #tpu.memory_space<vmem>>
    %dma_start3A_1028 = arith.constant 0 : i32
    %dma_start3A_1029 = arith.constant 0 : i32
    %dma_start3A_1030 = tpu.memref_slice %arg16[%dma_start3A_1028, %dma_start3A_1029] : memref<10000x16xf32, #tpu.memory_space<vmem_shared>> -> memref<10000x16xf32, #tpu.memory_space<vmem_shared>>
    tpu.enqueue_indirect_dma source(%arg13 : memref<80x16xf32, #tpu.memory_space<vmem>>) target(%dma_start3A_1030 : memref<10000x16xf32, #tpu.memory_space<vmem_shared>>) offsets(%dma_start3A_1027 : memref<80xi32, #tpu.memory_space<vmem>>) semaphore(%arg23 : memref<!tpu.dma_semaphore, #tpu.memory_space<semaphore_mem>>) {add = true}
    %dma_wait3A_1031 = arith.constant 0 : i32
    %dma_wait3A_1032 = arith.constant 0 : i32
    %dma_wait3A_1033 = arith.constant 0 : i32
    %dma_wait3A_1034 = arith.constant 0 : i32
    %dma_wait3A_1035 = arith.constant 0 : i32
    %dma_wait3A_1036 = tpu.memref_slice %arg10[%dma_wait3A_1033, %dma_wait3A_1034, %dma_wait3A_1035] : memref<2x80x128xf32, #tpu.memory_space<vmem>> -> memref<1x80x128xf32, #tpu.memory_space<vmem>>
    %dma_wait3A_1037 = tpu.memref_squeeze %dma_wait3A_1036 : memref<1x80x128xf32, #tpu.memory_space<vmem>> -> memref<80x128xf32, #tpu.memory_space<vmem>>
    %dma_wait3A_1038 = arith.constant 0 : i32
    %dma_wait3A_1039 = tpu.memref_slice %arg9[%dma_wait3A_1031, %dma_wait3A_1032, %dma_wait3A_1038] : memref<2x2x80xi32, #tpu.memory_space<vmem>> -> memref<1x1x80xi32, #tpu.memory_space<vmem>>
    %dma_wait3A_1040 = tpu.memref_squeeze %dma_wait3A_1039 : memref<1x1x80xi32, #tpu.memory_space<vmem>> -> memref<80xi32, #tpu.memory_space<vmem>>
    %dma_wait3A_1041 = arith.constant 0 : i32
    %dma_wait3A_1042 = arith.constant 0 : i32
    %dma_wait3A_1043 = tpu.memref_slice %arg2[%dma_wait3A_1041, %dma_wait3A_1042] : memref<10000x128xf32, #tpu.memory_space<hbm>> -> memref<10000x128xf32, #tpu.memory_space<hbm>>
    tpu.wait_indirect_dma semaphore(%arg21 : memref<!tpu.dma_semaphore, #tpu.memory_space<semaphore_mem>>) src(%dma_wait3A_1043 : memref<10000x128xf32, #tpu.memory_space<hbm>>) dst(%dma_wait3A_1037 : memref<80x128xf32, #tpu.memory_space<vmem>>)
    %dma_wait3A_1044 = arith.constant 0 : i32
    %dma_wait3A_1045 = arith.constant 1 : i32
    %dma_wait3A_1046 = arith.constant 0 : i32
    %dma_wait3A_1047 = arith.constant 0 : i32
    %dma_wait3A_1048 = arith.constant 0 : i32
    %dma_wait3A_1049 = tpu.memref_slice %arg10[%dma_wait3A_1046, %dma_wait3A_1047, %dma_wait3A_1048] : memref<2x80x128xf32, #tpu.memory_space<vmem>> -> memref<1x80x128xf32, #tpu.memory_space<vmem>>
    %dma_wait3A_1050 = tpu.memref_squeeze %dma_wait3A_1049 : memref<1x80x128xf32, #tpu.memory_space<vmem>> -> memref<80x128xf32, #tpu.memory_space<vmem>>
    %dma_wait3A_1051 = arith.constant 0 : i32
    %dma_wait3A_1052 = tpu.memref_slice %arg9[%dma_wait3A_1044, %dma_wait3A_1045, %dma_wait3A_1051] : memref<2x2x80xi32, #tpu.memory_space<vmem>> -> memref<1x1x80xi32, #tpu.memory_space<vmem>>
    %dma_wait3A_1053 = tpu.memref_squeeze %dma_wait3A_1052 : memref<1x1x80xi32, #tpu.memory_space<vmem>> -> memref<80xi32, #tpu.memory_space<vmem>>
    %dma_wait3A_1054 = arith.constant 0 : i32
    %dma_wait3A_1055 = arith.constant 0 : i32
    %dma_wait3A_1056 = tpu.memref_slice %arg3[%dma_wait3A_1054, %dma_wait3A_1055] : memref<10000x128xf32, #tpu.memory_space<hbm>> -> memref<10000x128xf32, #tpu.memory_space<hbm>>
    tpu.wait_indirect_dma semaphore(%arg21 : memref<!tpu.dma_semaphore, #tpu.memory_space<semaphore_mem>>) src(%dma_wait3A_1056 : memref<10000x128xf32, #tpu.memory_space<hbm>>) dst(%dma_wait3A_1050 : memref<80x128xf32, #tpu.memory_space<vmem>>)
    %get3A_1057 = arith.constant 0 : i32
    %get3A_1058 = arith.constant 0 : i32
    %get3A_1059 = arith.index_cast %get3A_1057 : i32 to index
    %get3A_1060 = arith.index_cast %get3A_1058 : i32 to index
    %get3A_1061 = arith.constant 0 : index
    %get3A_1062 = tpu.vector_load %arg9[%get3A_1059, %get3A_1060, %get3A_1061] {strides = array<i32>} : memref<2x2x80xi32, #tpu.memory_space<vmem>>, vector<16xi32>,
    %swap3A_1063 = arith.constant 0 : i32
    %swap3A_1064 = arith.index_cast %swap3A_1063 : i32 to index
    %swap3A_1065 = arith.constant 0 : index
    %swap3A_1066 = tpu.vector_load %arg14[%swap3A_1064, %swap3A_1065] {strides = array<i32>} : memref<2x80xi32, #tpu.memory_space<vmem>>, vector<16xi32>,
    tpu.vector_store %arg14[%swap3A_1064, %swap3A_1065], %get3A_1062 {strides = array<i32>} : memref<2x80xi32, #tpu.memory_space<vmem>>, vector<16xi32>,
    %get3A_1067 = arith.constant 0 : i32
    %get3A_1068 = arith.constant 0 : i32
    %get3A_1069 = arith.index_cast %get3A_1067 : i32 to index
    %get3A_1070 = arith.index_cast %get3A_1068 : i32 to index
    %get3A_1071 = arith.constant 16 : index
    %get3A_1072 = tpu.vector_load %arg9[%get3A_1069, %get3A_1070, %get3A_1071] {strides = array<i32>} : memref<2x2x80xi32, #tpu.memory_space<vmem>>, vector<16xi32>,
    %swap3A_1073 = arith.constant 0 : i32
    %swap3A_1074 = arith.index_cast %swap3A_1073 : i32 to index
    %swap3A_1075 = arith.constant 16 : index
    %swap3A_1076 = tpu.vector_load %arg14[%swap3A_1074, %swap3A_1075] {strides = array<i32>} : memref<2x80xi32, #tpu.memory_space<vmem>>, vector<16xi32>,
    tpu.vector_store %arg14[%swap3A_1074, %swap3A_1075], %get3A_1072 {strides = array<i32>} : memref<2x80xi32, #tpu.memory_space<vmem>>, vector<16xi32>,
    %get3A_1077 = arith.constant 0 : i32
    %get3A_1078 = arith.constant 0 : i32
    %get3A_1079 = arith.index_cast %get3A_1077 : i32 to index
    %get3A_1080 = arith.index_cast %get3A_1078 : i32 to index
    %get3A_1081 = arith.constant 32 : index
    %get3A_1082 = tpu.vector_load %arg9[%get3A_1079, %get3A_1080, %get3A_1081] {strides = array<i32>} : memref<2x2x80xi32, #tpu.memory_space<vmem>>, vector<16xi32>,
    %swap3A_1083 = arith.constant 0 : i32
    %swap3A_1084 = arith.index_cast %swap3A_1083 : i32 to index
    %swap3A_1085 = arith.constant 32 : index
    %swap3A_1086 = tpu.vector_load %arg14[%swap3A_1084, %swap3A_1085] {strides = array<i32>} : memref<2x80xi32, #tpu.memory_space<vmem>>, vector<16xi32>,
    tpu.vector_store %arg14[%swap3A_1084, %swap3A_1085], %get3A_1082 {strides = array<i32>} : memref<2x80xi32, #tpu.memory_space<vmem>>, vector<16xi32>,
    %get3A_1087 = arith.constant 0 : i32
    %get3A_1088 = arith.constant 0 : i32
    %get3A_1089 = arith.index_cast %get3A_1087 : i32 to index
    %get3A_1090 = arith.index_cast %get3A_1088 : i32 to index
    %get3A_1091 = arith.constant 48 : index
    %get3A_1092 = tpu.vector_load %arg9[%get3A_1089, %get3A_1090, %get3A_1091] {strides = array<i32>} : memref<2x2x80xi32, #tpu.memory_space<vmem>>, vector<16xi32>,
    %swap3A_1093 = arith.constant 0 : i32
    %swap3A_1094 = arith.index_cast %swap3A_1093 : i32 to index
    %swap3A_1095 = arith.constant 48 : index
    %swap3A_1096 = tpu.vector_load %arg14[%swap3A_1094, %swap3A_1095] {strides = array<i32>} : memref<2x80xi32, #tpu.memory_space<vmem>>, vector<16xi32>,
    tpu.vector_store %arg14[%swap3A_1094, %swap3A_1095], %get3A_1092 {strides = array<i32>} : memref<2x80xi32, #tpu.memory_space<vmem>>, vector<16xi32>,
    %get3A_1097 = arith.constant 0 : i32
    %get3A_1098 = arith.constant 0 : i32
    %get3A_1099 = arith.index_cast %get3A_1097 : i32 to index
    %get3A_1100 = arith.index_cast %get3A_1098 : i32 to index
    %get3A_1101 = arith.constant 64 : index
    %get3A_1102 = tpu.vector_load %arg9[%get3A_1099, %get3A_1100, %get3A_1101] {strides = array<i32>} : memref<2x2x80xi32, #tpu.memory_space<vmem>>, vector<16xi32>,
    %swap3A_1103 = arith.constant 0 : i32
    %swap3A_1104 = arith.index_cast %swap3A_1103 : i32 to index
    %swap3A_1105 = arith.constant 64 : index
    %swap3A_1106 = tpu.vector_load %arg14[%swap3A_1104, %swap3A_1105] {strides = array<i32>} : memref<2x80xi32, #tpu.memory_space<vmem>>, vector<16xi32>,
    tpu.vector_store %arg14[%swap3A_1104, %swap3A_1105], %get3A_1102 {strides = array<i32>} : memref<2x80xi32, #tpu.memory_space<vmem>>, vector<16xi32>,
    %dma_wait3A_1107 = arith.constant 0 : i32
    %dma_wait3A_1108 = arith.constant 0 : i32
    %dma_wait3A_1109 = tpu.memref_slice %arg14[%dma_wait3A_1107, %dma_wait3A_1108] : memref<2x80xi32, #tpu.memory_space<vmem>> -> memref<1x80xi32, #tpu.memory_space<vmem>>
    %dma_wait3A_1110 = tpu.memref_squeeze %dma_wait3A_1109 : memref<1x80xi32, #tpu.memory_space<vmem>> -> memref<80xi32, #tpu.memory_space<vmem>>
    %dma_wait3A_1111 = arith.constant 0 : i32
    %dma_wait3A_1112 = arith.constant 0 : i32
    %dma_wait3A_1113 = tpu.memref_slice %arg15[%dma_wait3A_1111, %dma_wait3A_1112] : memref<10000x128xf32, #tpu.memory_space<vmem_shared>> -> memref<10000x128xf32, #tpu.memory_space<vmem_shared>>
    tpu.wait_indirect_dma semaphore(%arg23 : memref<!tpu.dma_semaphore, #tpu.memory_space<semaphore_mem>>) src(%arg12 : memref<80x128xf32, #tpu.memory_space<vmem>>) dst(%dma_wait3A_1113 : memref<10000x128xf32, #tpu.memory_space<vmem_shared>>)
    %dma_wait3A_1114 = arith.constant 0 : i32
    %dma_wait3A_1115 = arith.constant 0 : i32
    %dma_wait3A_1116 = tpu.memref_slice %arg14[%dma_wait3A_1114, %dma_wait3A_1115] : memref<2x80xi32, #tpu.memory_space<vmem>> -> memref<1x80xi32, #tpu.memory_space<vmem>>
    %dma_wait3A_1117 = tpu.memref_squeeze %dma_wait3A_1116 : memref<1x80xi32, #tpu.memory_space<vmem>> -> memref<80xi32, #tpu.memory_space<vmem>>
    %dma_wait3A_1118 = arith.constant 0 : i32
    %dma_wait3A_1119 = arith.constant 0 : i32
    %dma_wait3A_1120 = tpu.memref_slice %arg16[%dma_wait3A_1118, %dma_wait3A_1119] : memref<10000x16xf32, #tpu.memory_space<vmem_shared>> -> memref<10000x16xf32, #tpu.memory_space<vmem_shared>>
    tpu.wait_indirect_dma semaphore(%arg23 : memref<!tpu.dma_semaphore, #tpu.memory_space<semaphore_mem>>) src(%arg13 : memref<80x16xf32, #tpu.memory_space<vmem>>) dst(%dma_wait3A_1120 : memref<10000x16xf32, #tpu.memory_space<vmem_shared>>)
    %scan3A_1121 = arith.constant 0 : i32
    %scan3A_1122 = arith.constant 0 : i32
    %scan3A_1123 = arith.constant 80 : i32
    %scan3A_1124 = arith.addi %scan3A_1122, %scan3A_1123 : i32
    %scan3A_1125 = arith.constant 1 : i32
    scf.for %scan3A_1164 = %scan3A_1122 to %scan3A_1124 step %scan3A_1125  : i32 {
      %broadcast_in_dim3A_1165 = vector.broadcast %scan3A_1164 : i32 to vector<16xi32>
      %gather3A = arith.constant 0 : i32
      %gather3A_1166 = arith.constant 0 : i32
      %gather3A_1167 = tpu.memref_slice %arg11[%gather3A, %gather3A_1166] : memref<2x80xf32, #tpu.memory_space<vmem>> -> memref<1x80xf32, #tpu.memory_space<vmem>>
      %gather3A_1168 = tpu.memref_squeeze %gather3A_1167 : memref<1x80xf32, #tpu.memory_space<vmem>> -> memref<80xf32, #tpu.memory_space<vmem>>
      %gather3A_1169 = tpu.vector_load_idx %gather3A_1168[%broadcast_in_dim3A_1165] : memref<80xf32, #tpu.memory_space<vmem>>[vector<16xi32>], vector<16xf32>,
      %get3A_1170 = arith.constant 0 : i32
      %get3A_1171 = arith.index_cast %get3A_1170 : i32 to index
      %get3A_1172 = arith.index_cast %scan3A_1164 : i32 to index
      %get3A_1173 = arith.constant 0 : index
      %get3A_1174 = tpu.vector_load %arg10[%get3A_1171, %get3A_1172, %get3A_1173] {strides = array<i32>} : memref<2x80x128xf32, #tpu.memory_space<vmem>>, vector<16xf32>,
      %max3A = arith.constant 0.000000e+00 : f32
      %max3A_1175 = vector.broadcast %max3A : f32 to vector<16xf32>
      %max3A_1176 = arith.maximumf %get3A_1174, %max3A_1175 : vector<16xf32>
      %mul3A_1177 = arith.mulf %max3A_1176, %gather3A_1169 : vector<16xf32>
      %swap3A_1178 = arith.index_cast %scan3A_1164 : i32 to index
      %swap3A_1179 = arith.constant 0 : index
      %swap3A_1180 = tpu.vector_load %arg12[%swap3A_1178, %swap3A_1179] {strides = array<i32>} : memref<80x128xf32, #tpu.memory_space<vmem>>, vector<16xf32>,
      tpu.vector_store %arg12[%swap3A_1178, %swap3A_1179], %mul3A_1177 {strides = array<i32>} : memref<80x128xf32, #tpu.memory_space<vmem>>, vector<16xf32>,
      %get3A_1181 = arith.constant 0 : i32
      %get3A_1182 = arith.index_cast %get3A_1181 : i32 to index
      %get3A_1183 = arith.index_cast %scan3A_1164 : i32 to index
      %get3A_1184 = arith.constant 16 : index
      %get3A_1185 = tpu.vector_load %arg10[%get3A_1182, %get3A_1183, %get3A_1184] {strides = array<i32>} : memref<2x80x128xf32, #tpu.memory_space<vmem>>, vector<16xf32>,
      %max3A_1186 = arith.constant 0.000000e+00 : f32
      %max3A_1187 = vector.broadcast %max3A_1186 : f32 to vector<16xf32>
      %max3A_1188 = arith.maximumf %get3A_1185, %max3A_1187 : vector<16xf32>
      %mul3A_1189 = arith.mulf %max3A_1188, %gather3A_1169 : vector<16xf32>
      %swap3A_1190 = arith.index_cast %scan3A_1164 : i32 to index
      %swap3A_1191 = arith.constant 16 : index
      %swap3A_1192 = tpu.vector_load %arg12[%swap3A_1190, %swap3A_1191] {strides = array<i32>} : memref<80x128xf32, #tpu.memory_space<vmem>>, vector<16xf32>,
      tpu.vector_store %arg12[%swap3A_1190, %swap3A_1191], %mul3A_1189 {strides = array<i32>} : memref<80x128xf32, #tpu.memory_space<vmem>>, vector<16xf32>,
      %get3A_1193 = arith.constant 0 : i32
      %get3A_1194 = arith.index_cast %get3A_1193 : i32 to index
      %get3A_1195 = arith.index_cast %scan3A_1164 : i32 to index
      %get3A_1196 = arith.constant 32 : index
      %get3A_1197 = tpu.vector_load %arg10[%get3A_1194, %get3A_1195, %get3A_1196] {strides = array<i32>} : memref<2x80x128xf32, #tpu.memory_space<vmem>>, vector<16xf32>,
      %max3A_1198 = arith.constant 0.000000e+00 : f32
      %max3A_1199 = vector.broadcast %max3A_1198 : f32 to vector<16xf32>
      %max3A_1200 = arith.maximumf %get3A_1197, %max3A_1199 : vector<16xf32>
      %mul3A_1201 = arith.mulf %max3A_1200, %gather3A_1169 : vector<16xf32>
      %swap3A_1202 = arith.index_cast %scan3A_1164 : i32 to index
      %swap3A_1203 = arith.constant 32 : index
      %swap3A_1204 = tpu.vector_load %arg12[%swap3A_1202, %swap3A_1203] {strides = array<i32>} : memref<80x128xf32, #tpu.memory_space<vmem>>, vector<16xf32>,
      tpu.vector_store %arg12[%swap3A_1202, %swap3A_1203], %mul3A_1201 {strides = array<i32>} : memref<80x128xf32, #tpu.memory_space<vmem>>, vector<16xf32>,
      %get3A_1205 = arith.constant 0 : i32
      %get3A_1206 = arith.index_cast %get3A_1205 : i32 to index
      %get3A_1207 = arith.index_cast %scan3A_1164 : i32 to index
      %get3A_1208 = arith.constant 48 : index
      %get3A_1209 = tpu.vector_load %arg10[%get3A_1206, %get3A_1207, %get3A_1208] {strides = array<i32>} : memref<2x80x128xf32, #tpu.memory_space<vmem>>, vector<16xf32>,
      %max3A_1210 = arith.constant 0.000000e+00 : f32
      %max3A_1211 = vector.broadcast %max3A_1210 : f32 to vector<16xf32>
      %max3A_1212 = arith.maximumf %get3A_1209, %max3A_1211 : vector<16xf32>
      %mul3A_1213 = arith.mulf %max3A_1212, %gather3A_1169 : vector<16xf32>
      %swap3A_1214 = arith.index_cast %scan3A_1164 : i32 to index
      %swap3A_1215 = arith.constant 48 : index
      %swap3A_1216 = tpu.vector_load %arg12[%swap3A_1214, %swap3A_1215] {strides = array<i32>} : memref<80x128xf32, #tpu.memory_space<vmem>>, vector<16xf32>,
      tpu.vector_store %arg12[%swap3A_1214, %swap3A_1215], %mul3A_1213 {strides = array<i32>} : memref<80x128xf32, #tpu.memory_space<vmem>>, vector<16xf32>,
      %get3A_1217 = arith.constant 0 : i32
      %get3A_1218 = arith.index_cast %get3A_1217 : i32 to index
      %get3A_1219 = arith.index_cast %scan3A_1164 : i32 to index
      %get3A_1220 = arith.constant 64 : index
      %get3A_1221 = tpu.vector_load %arg10[%get3A_1218, %get3A_1219, %get3A_1220] {strides = array<i32>} : memref<2x80x128xf32, #tpu.memory_space<vmem>>, vector<16xf32>,
      %max3A_1222 = arith.constant 0.000000e+00 : f32
      %max3A_1223 = vector.broadcast %max3A_1222 : f32 to vector<16xf32>
      %max3A_1224 = arith.maximumf %get3A_1221, %max3A_1223 : vector<16xf32>
      %mul3A_1225 = arith.mulf %max3A_1224, %gather3A_1169 : vector<16xf32>
      %swap3A_1226 = arith.index_cast %scan3A_1164 : i32 to index
      %swap3A_1227 = arith.constant 64 : index
      %swap3A_1228 = tpu.vector_load %arg12[%swap3A_1226, %swap3A_1227] {strides = array<i32>} : memref<80x128xf32, #tpu.memory_space<vmem>>, vector<16xf32>,
      tpu.vector_store %arg12[%swap3A_1226, %swap3A_1227], %mul3A_1225 {strides = array<i32>} : memref<80x128xf32, #tpu.memory_space<vmem>>, vector<16xf32>,
      %get3A_1229 = arith.constant 0 : i32
      %get3A_1230 = arith.index_cast %get3A_1229 : i32 to index
      %get3A_1231 = arith.index_cast %scan3A_1164 : i32 to index
      %get3A_1232 = arith.constant 80 : index
      %get3A_1233 = tpu.vector_load %arg10[%get3A_1230, %get3A_1231, %get3A_1232] {strides = array<i32>} : memref<2x80x128xf32, #tpu.memory_space<vmem>>, vector<16xf32>,
      %max3A_1234 = arith.constant 0.000000e+00 : f32
      %max3A_1235 = vector.broadcast %max3A_1234 : f32 to vector<16xf32>
      %max3A_1236 = arith.maximumf %get3A_1233, %max3A_1235 : vector<16xf32>
      %mul3A_1237 = arith.mulf %max3A_1236, %gather3A_1169 : vector<16xf32>
      %swap3A_1238 = arith.index_cast %scan3A_1164 : i32 to index
      %swap3A_1239 = arith.constant 80 : index
      %swap3A_1240 = tpu.vector_load %arg12[%swap3A_1238, %swap3A_1239] {strides = array<i32>} : memref<80x128xf32, #tpu.memory_space<vmem>>, vector<16xf32>,
      tpu.vector_store %arg12[%swap3A_1238, %swap3A_1239], %mul3A_1237 {strides = array<i32>} : memref<80x128xf32, #tpu.memory_space<vmem>>, vector<16xf32>,
      %get3A_1241 = arith.constant 0 : i32
      %get3A_1242 = arith.index_cast %get3A_1241 : i32 to index
      %get3A_1243 = arith.index_cast %scan3A_1164 : i32 to index
      %get3A_1244 = arith.constant 96 : index
      %get3A_1245 = tpu.vector_load %arg10[%get3A_1242, %get3A_1243, %get3A_1244] {strides = array<i32>} : memref<2x80x128xf32, #tpu.memory_space<vmem>>, vector<16xf32>,
      %max3A_1246 = arith.constant 0.000000e+00 : f32
      %max3A_1247 = vector.broadcast %max3A_1246 : f32 to vector<16xf32>
      %max3A_1248 = arith.maximumf %get3A_1245, %max3A_1247 : vector<16xf32>
      %mul3A_1249 = arith.mulf %max3A_1248, %gather3A_1169 : vector<16xf32>
      %swap3A_1250 = arith.index_cast %scan3A_1164 : i32 to index
      %swap3A_1251 = arith.constant 96 : index
      %swap3A_1252 = tpu.vector_load %arg12[%swap3A_1250, %swap3A_1251] {strides = array<i32>} : memref<80x128xf32, #tpu.memory_space<vmem>>, vector<16xf32>,
      tpu.vector_store %arg12[%swap3A_1250, %swap3A_1251], %mul3A_1249 {strides = array<i32>} : memref<80x128xf32, #tpu.memory_space<vmem>>, vector<16xf32>,
      %get3A_1253 = arith.constant 0 : i32
      %get3A_1254 = arith.index_cast %get3A_1253 : i32 to index
      %get3A_1255 = arith.index_cast %scan3A_1164 : i32 to index
      %get3A_1256 = arith.constant 112 : index
      %get3A_1257 = tpu.vector_load %arg10[%get3A_1254, %get3A_1255, %get3A_1256] {strides = array<i32>} : memref<2x80x128xf32, #tpu.memory_space<vmem>>, vector<16xf32>,
      %max3A_1258 = arith.constant 0.000000e+00 : f32
      %max3A_1259 = vector.broadcast %max3A_1258 : f32 to vector<16xf32>
      %max3A_1260 = arith.maximumf %get3A_1257, %max3A_1259 : vector<16xf32>
      %mul3A_1261 = arith.mulf %max3A_1260, %gather3A_1169 : vector<16xf32>
      %swap3A_1262 = arith.index_cast %scan3A_1164 : i32 to index
      %swap3A_1263 = arith.constant 112 : index
      %swap3A_1264 = tpu.vector_load %arg12[%swap3A_1262, %swap3A_1263] {strides = array<i32>} : memref<80x128xf32, #tpu.memory_space<vmem>>, vector<16xf32>,
      tpu.vector_store %arg12[%swap3A_1262, %swap3A_1263], %mul3A_1261 {strides = array<i32>} : memref<80x128xf32, #tpu.memory_space<vmem>>, vector<16xf32>,
      %swap3A_1265 = arith.index_cast %scan3A_1164 : i32 to index
      %swap3A_1266 = arith.constant 0 : index
      %swap3A_1267 = tpu.vector_load %arg13[%swap3A_1265, %swap3A_1266] {strides = array<i32>} : memref<80x16xf32, #tpu.memory_space<vmem>>, vector<16xf32>,
      tpu.vector_store %arg13[%swap3A_1265, %swap3A_1266], %gather3A_1169 {strides = array<i32>} : memref<80x16xf32, #tpu.memory_space<vmem>>, vector<16xf32>,
    }
    %scan3A_1126 = arith.constant 80 : i32
    %dma_start3A_1127 = arith.constant 0 : i32
    %dma_start3A_1128 = arith.constant 0 : i32
    %dma_start3A_1129 = tpu.memref_slice %arg14[%dma_start3A_1127, %dma_start3A_1128] : memref<2x80xi32, #tpu.memory_space<vmem>> -> memref<1x80xi32, #tpu.memory_space<vmem>>
    %dma_start3A_1130 = tpu.memref_squeeze %dma_start3A_1129 : memref<1x80xi32, #tpu.memory_space<vmem>> -> memref<80xi32, #tpu.memory_space<vmem>>
    %dma_start3A_1131 = arith.constant 0 : i32
    %dma_start3A_1132 = arith.constant 0 : i32
    %dma_start3A_1133 = tpu.memref_slice %arg15[%dma_start3A_1131, %dma_start3A_1132] : memref<10000x128xf32, #tpu.memory_space<vmem_shared>> -> memref<10000x128xf32, #tpu.memory_space<vmem_shared>>
    tpu.enqueue_indirect_dma source(%arg12 : memref<80x128xf32, #tpu.memory_space<vmem>>) target(%dma_start3A_1133 : memref<10000x128xf32, #tpu.memory_space<vmem_shared>>) offsets(%dma_start3A_1130 : memref<80xi32, #tpu.memory_space<vmem>>) semaphore(%arg23 : memref<!tpu.dma_semaphore, #tpu.memory_space<semaphore_mem>>) {add = true}
    %dma_start3A_1134 = arith.constant 0 : i32
    %dma_start3A_1135 = arith.constant 0 : i32
    %dma_start3A_1136 = tpu.memref_slice %arg14[%dma_start3A_1134, %dma_start3A_1135] : memref<2x80xi32, #tpu.memory_space<vmem>> -> memref<1x80xi32, #tpu.memory_space<vmem>>
    %dma_start3A_1137 = tpu.memref_squeeze %dma_start3A_1136 : memref<1x80xi32, #tpu.memory_space<vmem>> -> memref<80xi32, #tpu.memory_space<vmem>>
    %dma_start3A_1138 = arith.constant 0 : i32
    %dma_start3A_1139 = arith.constant 0 : i32
    %dma_start3A_1140 = tpu.memref_slice %arg16[%dma_start3A_1138, %dma_start3A_1139] : memref<10000x16xf32, #tpu.memory_space<vmem_shared>> -> memref<10000x16xf32, #tpu.memory_space<vmem_shared>>
    tpu.enqueue_indirect_dma source(%arg13 : memref<80x16xf32, #tpu.memory_space<vmem>>) target(%dma_start3A_1140 : memref<10000x16xf32, #tpu.memory_space<vmem_shared>>) offsets(%dma_start3A_1137 : memref<80xi32, #tpu.memory_space<vmem>>) semaphore(%arg23 : memref<!tpu.dma_semaphore, #tpu.memory_space<semaphore_mem>>) {add = true}
    %dma_wait3A_1141 = arith.constant 0 : i32
    %dma_wait3A_1142 = arith.constant 0 : i32
    %dma_wait3A_1143 = tpu.memref_slice %arg14[%dma_wait3A_1141, %dma_wait3A_1142] : memref<2x80xi32, #tpu.memory_space<vmem>> -> memref<1x80xi32, #tpu.memory_space<vmem>>
    %dma_wait3A_1144 = tpu.memref_squeeze %dma_wait3A_1143 : memref<1x80xi32, #tpu.memory_space<vmem>> -> memref<80xi32, #tpu.memory_space<vmem>>
    %dma_wait3A_1145 = arith.constant 0 : i32
    %dma_wait3A_1146 = arith.constant 0 : i32
    %dma_wait3A_1147 = tpu.memref_slice %arg15[%dma_wait3A_1145, %dma_wait3A_1146] : memref<10000x128xf32, #tpu.memory_space<vmem_shared>> -> memref<10000x128xf32, #tpu.memory_space<vmem_shared>>
    tpu.wait_indirect_dma semaphore(%arg23 : memref<!tpu.dma_semaphore, #tpu.memory_space<semaphore_mem>>) src(%arg12 : memref<80x128xf32, #tpu.memory_space<vmem>>) dst(%dma_wait3A_1147 : memref<10000x128xf32, #tpu.memory_space<vmem_shared>>)
    %dma_wait3A_1148 = arith.constant 0 : i32
    %dma_wait3A_1149 = arith.constant 0 : i32
    %dma_wait3A_1150 = tpu.memref_slice %arg14[%dma_wait3A_1148, %dma_wait3A_1149] : memref<2x80xi32, #tpu.memory_space<vmem>> -> memref<1x80xi32, #tpu.memory_space<vmem>>
    %dma_wait3A_1151 = tpu.memref_squeeze %dma_wait3A_1150 : memref<1x80xi32, #tpu.memory_space<vmem>> -> memref<80xi32, #tpu.memory_space<vmem>>
    %dma_wait3A_1152 = arith.constant 0 : i32
    %dma_wait3A_1153 = arith.constant 0 : i32
    %dma_wait3A_1154 = tpu.memref_slice %arg16[%dma_wait3A_1152, %dma_wait3A_1153] : memref<10000x16xf32, #tpu.memory_space<vmem_shared>> -> memref<10000x16xf32, #tpu.memory_space<vmem_shared>>
    tpu.wait_indirect_dma semaphore(%arg23 : memref<!tpu.dma_semaphore, #tpu.memory_space<semaphore_mem>>) src(%arg13 : memref<80x16xf32, #tpu.memory_space<vmem>>) dst(%dma_wait3A_1154 : memref<10000x16xf32, #tpu.memory_space<vmem_shared>>)
    %barrier3A_1155 = arith.constant 0 : index
    tpu.barrier barrier_id(%barrier3A_1155)
    %mul3A_1156 = arith.constant 625 : i32
    %mul3A_1157 = arith.muli %arg1, %mul3A_1156 : i32
    %mul3A_1158 = arith.constant 625 : i32
    %mul3A_1159 = arith.muli %arg1, %mul3A_1158 : i32
    "tpu.region"() ({
      %run_scoped3A = tpu.sem_alloc : memref<!tpu.dma_semaphore, #tpu.memory_space<semaphore_mem>>
      %dma_start3A_1164 = arith.constant 0 : i32
      %dma_start3A_1165 = tpu.memref_slice %arg7[%arg0, %mul3A_1159, %dma_start3A_1164] : memref<2x10000x128xf32, #tpu.memory_space<hbm>> -> memref<1x625x128xf32, #tpu.memory_space<hbm>>
      %dma_start3A_1166 = tpu.memref_squeeze %dma_start3A_1165 : memref<1x625x128xf32, #tpu.memory_space<hbm>> -> memref<625x128xf32, #tpu.memory_space<hbm>>
      %dma_start3A_1167 = arith.constant 0 : i32
      %dma_start3A_1168 = tpu.memref_slice %arg15[%mul3A_1157, %dma_start3A_1167] : memref<10000x128xf32, #tpu.memory_space<vmem_shared>> -> memref<625x128xf32, #tpu.memory_space<vmem_shared>>
      tpu.enqueue_dma source(%dma_start3A_1168 : memref<625x128xf32, #tpu.memory_space<vmem_shared>>) target(%dma_start3A_1166 : memref<625x128xf32, #tpu.memory_space<hbm>>) target_semaphore(%run_scoped3A : memref<!tpu.dma_semaphore, #tpu.memory_space<semaphore_mem>>)
      %dma_wait3A_1169 = arith.constant 0 : i32
      %dma_wait3A_1170 = tpu.memref_slice %arg7[%arg0, %mul3A_1159, %dma_wait3A_1169] : memref<2x10000x128xf32, #tpu.memory_space<hbm>> -> memref<1x625x128xf32, #tpu.memory_space<hbm>>
      %dma_wait3A_1171 = tpu.memref_squeeze %dma_wait3A_1170 : memref<1x625x128xf32, #tpu.memory_space<hbm>> -> memref<625x128xf32, #tpu.memory_space<hbm>>
      %dma_wait3A_1172 = arith.constant 0 : i32
      %dma_wait3A_1173 = tpu.memref_slice %arg15[%mul3A_1157, %dma_wait3A_1172] : memref<10000x128xf32, #tpu.memory_space<vmem_shared>> -> memref<625x128xf32, #tpu.memory_space<vmem_shared>>
      tpu.wait_dma2 semaphore(%run_scoped3A : memref<!tpu.dma_semaphore, #tpu.memory_space<semaphore_mem>>) src(%dma_wait3A_1173 : memref<625x128xf32, #tpu.memory_space<vmem_shared>>) dst(%dma_wait3A_1171 : memref<625x128xf32, #tpu.memory_space<hbm>>)
      tpu.yield
    }) : () -> ()
    %mul3A_1160 = arith.constant 625 : i32
    %mul3A_1161 = arith.muli %arg1, %mul3A_1160 : i32
    %mul3A_1162 = arith.constant 625 : i32
    %mul3A_1163 = arith.muli %arg1, %mul3A_1162 : i32
    "tpu.region"() ({
      %run_scoped3A = tpu.sem_alloc : memref<!tpu.dma_semaphore, #tpu.memory_space<semaphore_mem>>
      %dma_start3A_1164 = arith.constant 0 : i32
      %dma_start3A_1165 = tpu.memref_slice %arg8[%arg0, %mul3A_1163, %dma_start3A_1164] : memref<2x10000x16xf32, #tpu.memory_space<hbm>> -> memref<1x625x16xf32, #tpu.memory_space<hbm>>
      %dma_start3A_1166 = tpu.memref_squeeze %dma_start3A_1165 : memref<1x625x16xf32, #tpu.memory_space<hbm>> -> memref<625x16xf32, #tpu.memory_space<hbm>>
      %dma_start3A_1167 = arith.constant 0 : i32
      %dma_start3A_1168 = tpu.memref_slice %arg16[%mul3A_1161, %dma_start3A_1167] : memref<10000x16xf32, #tpu.memory_space<vmem_shared>> -> memref<625x16xf32, #tpu.memory_space<vmem_shared>>
      tpu.enqueue_dma source(%dma_start3A_1168 : memref<625x16xf32, #tpu.memory_space<vmem_shared>>) target(%dma_start3A_1166 : memref<625x16xf32, #tpu.memory_space<hbm>>) target_semaphore(%run_scoped3A : memref<!tpu.dma_semaphore, #tpu.memory_space<semaphore_mem>>)
      %dma_wait3A_1169 = arith.constant 0 : i32
      %dma_wait3A_1170 = tpu.memref_slice %arg8[%arg0, %mul3A_1163, %dma_wait3A_1169] : memref<2x10000x16xf32, #tpu.memory_space<hbm>> -> memref<1x625x16xf32, #tpu.memory_space<hbm>>
      %dma_wait3A_1171 = tpu.memref_squeeze %dma_wait3A_1170 : memref<1x625x16xf32, #tpu.memory_space<hbm>> -> memref<625x16xf32, #tpu.memory_space<hbm>>
      %dma_wait3A_1172 = arith.constant 0 : i32
      %dma_wait3A_1173 = tpu.memref_slice %arg16[%mul3A_1161, %dma_wait3A_1172] : memref<10000x16xf32, #tpu.memory_space<vmem_shared>> -> memref<625x16xf32, #tpu.memory_space<vmem_shared>>
      tpu.wait_dma2 semaphore(%run_scoped3A : memref<!tpu.dma_semaphore, #tpu.memory_space<semaphore_mem>>) src(%dma_wait3A_1173 : memref<625x16xf32, #tpu.memory_space<vmem_shared>>) dst(%dma_wait3A_1171 : memref<625x16xf32, #tpu.memory_space<hbm>>)
      tpu.yield
    }) : () -> ()
    return
  }
}

module attributes {stable_mosaic.version = 14 : i64} {
  func.func @_edge_proj_body(%arg0: i32, %arg1: memref<3200x64xf32, #tpu.memory_space<vmem>>, %arg2: memref<64x128xf32, #tpu.memory_space<vmem>>, %arg3: memref<1x128xf32, #tpu.memory_space<vmem>>, %arg4: memref<1x64xf32, #tpu.memory_space<vmem>>, %arg5: memref<1x1xf32, #tpu.memory_space<vmem>>, %arg6: memref<3200x128xf32, #tpu.memory_space<vmem>>, %arg7: memref<1x3200xf32, #tpu.memory_space<vmem>>) attributes {dimension_semantics = [#tpu.dimension_semantics<arbitrary>], iteration_bounds = array<i64: 100>, scalar_prefetch = 0 : i64, scratch_operands = 0 : i64, tpu.core_type = #tpu.core_type<tc>, window_params = [{transform_indices = @transform_0, window_bounds = array<i64: 3200, 64>}, {pipeline_mode = #tpu.pipeline_mode<synchronous>, transform_indices = @transform_1, window_bounds = array<i64: 64, 128>}, {pipeline_mode = #tpu.pipeline_mode<synchronous>, transform_indices = @transform_2, window_bounds = array<i64: 1, 128>}, {pipeline_mode = #tpu.pipeline_mode<synchronous>, transform_indices = @transform_3, window_bounds = array<i64: 1, 64>}, {pipeline_mode = #tpu.pipeline_mode<synchronous>, transform_indices = @transform_4, window_bounds = array<i64: 1, 1>}, {transform_indices = @transform_5, window_bounds = array<i64: 3200, 128>}, {transform_indices = @transform_6, window_bounds = array<i64: 1, 3200>}]} {
    %get3A = arith.constant 0 : index
    %get3A_0 = arith.constant 0 : index
    %get3A_1 = vector.load %arg1[%get3A, %get3A_0] : memref<3200x64xf32, #tpu.memory_space<vmem>>, vector<3200x64xf32>
    %get3A_2 = arith.constant 0 : index
    %get3A_3 = arith.constant 0 : index
    %get3A_4 = vector.load %arg2[%get3A_2, %get3A_3] : memref<64x128xf32, #tpu.memory_space<vmem>>, vector<64x128xf32>
    %dot_general3A = arith.constant dense<0.000000e+00> : vector<3200x128xf32>
    %dot_general3A_5 = tpu.matmul %get3A_1, %get3A_4, %dot_general3A {dimension_numbers = #tpu.dot_dimension_numbers<[1], [0], [0], [1], [0, 0, 1, 1], [], []>, transpose_lhs_hint = false} : vector<3200x64xf32>, vector<64x128xf32>, vector<3200x128xf32> -> vector<3200x128xf32>
    %get3A_6 = arith.constant 0 : index
    %get3A_7 = arith.constant 0 : index
    %get3A_8 = vector.load %arg3[%get3A_6, %get3A_7] : memref<1x128xf32, #tpu.memory_space<vmem>>, vector<1x128xf32>
    %add3A = vector.broadcast %get3A_8 : vector<1x128xf32> to vector<3200x128xf32>
    %add3A_9 = arith.addf %dot_general3A_5, %add3A : vector<3200x128xf32>
    %swap3A = arith.constant 0 : index
    %swap3A_10 = arith.constant 0 : index
    %swap3A_11 = vector.load %arg6[%swap3A, %swap3A_10] : memref<3200x128xf32, #tpu.memory_space<vmem>>, vector<3200x128xf32>
    tpu.vector_store %arg6[%swap3A, %swap3A_10], %add3A_9 {strides = array<i32>} : memref<3200x128xf32, #tpu.memory_space<vmem>>, vector<3200x128xf32>,
    %get3A_12 = arith.constant 0 : index
    %get3A_13 = arith.constant 0 : index
    %get3A_14 = vector.load %arg4[%get3A_12, %get3A_13] : memref<1x64xf32, #tpu.memory_space<vmem>>, vector<1x64xf32>
    %dot_general3A_15 = arith.constant dense<0.000000e+00> : vector<1x3200xf32>
    %dot_general3A_16 = tpu.matmul %get3A_14, %get3A_1, %dot_general3A_15 {dimension_numbers = #tpu.dot_dimension_numbers<[1], [1], [0], [0], [0, 0, 1, 0], [], []>, transpose_lhs_hint = false} : vector<1x64xf32>, vector<3200x64xf32>, vector<1x3200xf32> -> vector<1x3200xf32>
    %get3A_17 = arith.constant 0 : index
    %get3A_18 = arith.constant 0 : index
    %get3A_19 = vector.load %arg5[%get3A_17, %get3A_18] : memref<1x1xf32, #tpu.memory_space<vmem>>, vector<1x1xf32>
    %add3A_20 = vector.broadcast %get3A_19 : vector<1x1xf32> to vector<1x3200xf32>
    %add3A_21 = arith.addf %dot_general3A_16, %add3A_20 : vector<1x3200xf32>
    %logistic3A = arith.negf %add3A_21 : vector<1x3200xf32>
    %logistic3A_22 = math.exp %logistic3A : vector<1x3200xf32>
    %logistic3A_23 = arith.constant 1.000000e+00 : f32
    %logistic3A_24 = vector.broadcast %logistic3A_23 : f32 to vector<1x3200xf32>
    %logistic3A_25 = arith.addf %logistic3A_24, %logistic3A_22 : vector<1x3200xf32>
    %logistic3A_26 = arith.divf %logistic3A_24, %logistic3A_25 : vector<1x3200xf32>
    %swap3A_27 = arith.constant 0 : index
    %swap3A_28 = arith.constant 0 : index
    %swap3A_29 = vector.load %arg7[%swap3A_27, %swap3A_28] : memref<1x3200xf32, #tpu.memory_space<vmem>>, vector<1x3200xf32>
    tpu.vector_store %arg7[%swap3A_27, %swap3A_28], %logistic3A_26 {strides = array<i32>} : memref<1x3200xf32, #tpu.memory_space<vmem>>, vector<1x3200xf32>,
    return
  }
  func.func @transform_0(%arg0: i32) -> (i32, i32) {
    %c0_i32 = arith.constant 0 : i32
    %c0_i32_0 = arith.constant 0 : i32
    return %arg0, %c0_i32 : i32, i32
  }
  func.func @transform_1(%arg0: i32) -> (i32, i32) {
    %c0_i32 = arith.constant 0 : i32
    %c0_i32_0 = arith.constant 0 : i32
    %c0_i32_1 = arith.constant 0 : i32
    return %c0_i32, %c0_i32_0 : i32, i32
  }
  func.func @transform_2(%arg0: i32) -> (i32, i32) {
    %c0_i32 = arith.constant 0 : i32
    %c0_i32_0 = arith.constant 0 : i32
    %c0_i32_1 = arith.constant 0 : i32
    return %c0_i32, %c0_i32_0 : i32, i32
  }
  func.func @transform_3(%arg0: i32) -> (i32, i32) {
    %c0_i32 = arith.constant 0 : i32
    %c0_i32_0 = arith.constant 0 : i32
    %c0_i32_1 = arith.constant 0 : i32
    return %c0_i32, %c0_i32_0 : i32, i32
  }
  func.func @transform_4(%arg0: i32) -> (i32, i32) {
    %c0_i32 = arith.constant 0 : i32
    %c0_i32_0 = arith.constant 0 : i32
    %c0_i32_1 = arith.constant 0 : i32
    return %c0_i32, %c0_i32_0 : i32, i32
  }
  func.func @transform_5(%arg0: i32) -> (i32, i32) {
    %c0_i32 = arith.constant 0 : i32
    %c0_i32_0 = arith.constant 0 : i32
    return %arg0, %c0_i32 : i32, i32
  }
  func.func @transform_6(%arg0: i32) -> (i32, i32) {
    %c0_i32 = arith.constant 0 : i32
    %c0_i32_0 = arith.constant 0 : i32
    return %c0_i32, %arg0 : i32, i32
  }
}

module attributes {stable_mosaic.version = 14 : i64} {
  func.func @_node_proj_body(%arg0: i32, %arg1: memref<1000x128xf32, #tpu.memory_space<vmem>>, %arg2: memref<128x128xf32, #tpu.memory_space<vmem>>, %arg3: memref<128x128xf32, #tpu.memory_space<vmem>>, %arg4: memref<1000x128xf32, #tpu.memory_space<vmem>>, %arg5: memref<1000x128xf32, #tpu.memory_space<vmem>>) attributes {dimension_semantics = [#tpu.dimension_semantics<arbitrary>], iteration_bounds = array<i64: 10>, scalar_prefetch = 0 : i64, scratch_operands = 0 : i64, tpu.core_type = #tpu.core_type<tc>, window_params = [{transform_indices = @transform_0, window_bounds = array<i64: 1000, 128>}, {pipeline_mode = #tpu.pipeline_mode<synchronous>, transform_indices = @transform_1, window_bounds = array<i64: 128, 128>}, {pipeline_mode = #tpu.pipeline_mode<synchronous>, transform_indices = @transform_2, window_bounds = array<i64: 128, 128>}, {transform_indices = @transform_3, window_bounds = array<i64: 1000, 128>}, {transform_indices = @transform_4, window_bounds = array<i64: 1000, 128>}]} {
    %get3A = arith.constant 0 : index
    %get3A_0 = arith.constant 0 : index
    %get3A_1 = vector.load %arg1[%get3A, %get3A_0] : memref<1000x128xf32, #tpu.memory_space<vmem>>, vector<1000x128xf32>
    %get3A_2 = arith.constant 0 : index
    %get3A_3 = arith.constant 0 : index
    %get3A_4 = vector.load %arg2[%get3A_2, %get3A_3] : memref<128x128xf32, #tpu.memory_space<vmem>>, vector<128x128xf32>
    %dot_general3A = arith.constant dense<0.000000e+00> : vector<1000x128xf32>
    %dot_general3A_5 = tpu.matmul %get3A_1, %get3A_4, %dot_general3A {dimension_numbers = #tpu.dot_dimension_numbers<[1], [0], [0], [1], [0, 0, 1, 1], [], []>, transpose_lhs_hint = false} : vector<1000x128xf32>, vector<128x128xf32>, vector<1000x128xf32> -> vector<1000x128xf32>
    %swap3A = arith.constant 0 : index
    %swap3A_6 = arith.constant 0 : index
    %swap3A_7 = vector.load %arg4[%swap3A, %swap3A_6] : memref<1000x128xf32, #tpu.memory_space<vmem>>, vector<1000x128xf32>
    tpu.vector_store %arg4[%swap3A, %swap3A_6], %dot_general3A_5 {strides = array<i32>} : memref<1000x128xf32, #tpu.memory_space<vmem>>, vector<1000x128xf32>,
    %get3A_8 = arith.constant 0 : index
    %get3A_9 = arith.constant 0 : index
    %get3A_10 = vector.load %arg3[%get3A_8, %get3A_9] : memref<128x128xf32, #tpu.memory_space<vmem>>, vector<128x128xf32>
    %dot_general3A_11 = arith.constant dense<0.000000e+00> : vector<1000x128xf32>
    %dot_general3A_12 = tpu.matmul %get3A_1, %get3A_10, %dot_general3A_11 {dimension_numbers = #tpu.dot_dimension_numbers<[1], [0], [0], [1], [0, 0, 1, 1], [], []>, transpose_lhs_hint = false} : vector<1000x128xf32>, vector<128x128xf32>, vector<1000x128xf32> -> vector<1000x128xf32>
    %swap3A_13 = arith.constant 0 : index
    %swap3A_14 = arith.constant 0 : index
    %swap3A_15 = vector.load %arg5[%swap3A_13, %swap3A_14] : memref<1000x128xf32, #tpu.memory_space<vmem>>, vector<1000x128xf32>
    tpu.vector_store %arg5[%swap3A_13, %swap3A_14], %dot_general3A_12 {strides = array<i32>} : memref<1000x128xf32, #tpu.memory_space<vmem>>, vector<1000x128xf32>,
    return
  }
  func.func @transform_0(%arg0: i32) -> (i32, i32) {
    %c0_i32 = arith.constant 0 : i32
    %c0_i32_0 = arith.constant 0 : i32
    return %arg0, %c0_i32 : i32, i32
  }
  func.func @transform_1(%arg0: i32) -> (i32, i32) {
    %c0_i32 = arith.constant 0 : i32
    %c0_i32_0 = arith.constant 0 : i32
    %c0_i32_1 = arith.constant 0 : i32
    return %c0_i32, %c0_i32_0 : i32, i32
  }
  func.func @transform_2(%arg0: i32) -> (i32, i32) {
    %c0_i32 = arith.constant 0 : i32
    %c0_i32_0 = arith.constant 0 : i32
    %c0_i32_1 = arith.constant 0 : i32
    return %c0_i32, %c0_i32_0 : i32, i32
  }
  func.func @transform_3(%arg0: i32) -> (i32, i32) {
    %c0_i32 = arith.constant 0 : i32
    %c0_i32_0 = arith.constant 0 : i32
    return %arg0, %c0_i32 : i32, i32
  }
  func.func @transform_4(%arg0: i32) -> (i32, i32) {
    %c0_i32 = arith.constant 0 : i32
    %c0_i32_0 = arith.constant 0 : i32
    return %arg0, %c0_i32 : i32, i32
  }
}

module attributes {stable_mosaic.version = 14 : i64} {
  func.func @_epilogue_body(%arg0: i32, %arg1: memref<1000x128xf32, #tpu.memory_space<vmem>>, %arg2: memref<2x1000x128xf32, #tpu.memory_space<vmem>>, %arg3: memref<2x1000x16xf32, #tpu.memory_space<vmem>>, %arg4: memref<128x128xf32, #tpu.memory_space<vmem>>, %arg5: memref<1x128xf32, #tpu.memory_space<vmem>>, %arg6: memref<1000x128xf32, #tpu.memory_space<vmem>>) attributes {dimension_semantics = [#tpu.dimension_semantics<arbitrary>], iteration_bounds = array<i64: 10>, scalar_prefetch = 0 : i64, scratch_operands = 0 : i64, tpu.core_type = #tpu.core_type<tc>, window_params = [{transform_indices = @transform_0, window_bounds = array<i64: 1000, 128>}, {transform_indices = @transform_1, window_bounds = array<i64: 2, 1000, 128>}, {transform_indices = @transform_2, window_bounds = array<i64: 2, 1000, 16>}, {pipeline_mode = #tpu.pipeline_mode<synchronous>, transform_indices = @transform_3, window_bounds = array<i64: 128, 128>}, {pipeline_mode = #tpu.pipeline_mode<synchronous>, transform_indices = @transform_4, window_bounds = array<i64: 1, 128>}, {transform_indices = @transform_5, window_bounds = array<i64: 1000, 128>}]} {
    %get3A = arith.constant 0 : index
    %get3A_0 = arith.constant 0 : index
    %get3A_1 = arith.constant 0 : index
    %get3A_2 = vector.load %arg2[%get3A, %get3A_0, %get3A_1] : memref<2x1000x128xf32, #tpu.memory_space<vmem>>, vector<1x1000x128xf32>
    %get3A_3 = vector.shape_cast %get3A_2 : vector<1x1000x128xf32> to vector<1000x128xf32>
    %get3A_4 = arith.constant 1 : index
    %get3A_5 = arith.constant 0 : index
    %get3A_6 = arith.constant 0 : index
    %get3A_7 = vector.load %arg2[%get3A_4, %get3A_5, %get3A_6] : memref<2x1000x128xf32, #tpu.memory_space<vmem>>, vector<1x1000x128xf32>
    %get3A_8 = vector.shape_cast %get3A_7 : vector<1x1000x128xf32> to vector<1000x128xf32>
    %add3A = arith.addf %get3A_3, %get3A_8 : vector<1000x128xf32>
    %get3A_9 = arith.constant 0 : index
    %get3A_10 = arith.constant 0 : index
    %get3A_11 = arith.constant 0 : index
    %get3A_12 = vector.load %arg3[%get3A_9, %get3A_10, %get3A_11] : memref<2x1000x16xf32, #tpu.memory_space<vmem>>, vector<1x1000x16xf32>
    %get3A_13 = vector.shape_cast %get3A_12 : vector<1x1000x16xf32> to vector<1000x16xf32>
    %get3A_14 = arith.constant 1 : index
    %get3A_15 = arith.constant 0 : index
    %get3A_16 = arith.constant 0 : index
    %get3A_17 = vector.load %arg3[%get3A_14, %get3A_15, %get3A_16] : memref<2x1000x16xf32, #tpu.memory_space<vmem>>, vector<1x1000x16xf32>
    %get3A_18 = vector.shape_cast %get3A_17 : vector<1x1000x16xf32> to vector<1000x16xf32>
    %add3A_19 = arith.addf %get3A_13, %get3A_18 : vector<1000x16xf32>
    %slice3A = vector.extract_strided_slice %add3A_19 {offsets = [0, 0], sizes = [1000, 1], strides = [1, 1]} : vector<1000x16xf32> to vector<1000x1xf32>
    %get3A_20 = arith.constant 0 : index
    %get3A_21 = arith.constant 0 : index
    %get3A_22 = vector.load %arg1[%get3A_20, %get3A_21] : memref<1000x128xf32, #tpu.memory_space<vmem>>, vector<1000x128xf32>
    %get3A_23 = arith.constant 0 : index
    %get3A_24 = arith.constant 0 : index
    %get3A_25 = vector.load %arg4[%get3A_23, %get3A_24] : memref<128x128xf32, #tpu.memory_space<vmem>>, vector<128x128xf32>
    %dot_general3A = arith.constant dense<0.000000e+00> : vector<1000x128xf32>
    %dot_general3A_26 = tpu.matmul %add3A, %get3A_25, %dot_general3A {dimension_numbers = #tpu.dot_dimension_numbers<[1], [0], [0], [1], [0, 0, 1, 1], [], []>, transpose_lhs_hint = false} : vector<1000x128xf32>, vector<128x128xf32>, vector<1000x128xf32> -> vector<1000x128xf32>
    %add3A_27 = arith.addf %get3A_22, %dot_general3A_26 : vector<1000x128xf32>
    %get3A_28 = arith.constant 0 : index
    %get3A_29 = arith.constant 0 : index
    %get3A_30 = vector.load %arg5[%get3A_28, %get3A_29] : memref<1x128xf32, #tpu.memory_space<vmem>>, vector<1x128xf32>
    %mul3A = vector.broadcast %slice3A : vector<1000x1xf32> to vector<1000x128xf32>
    %mul3A_31 = vector.broadcast %get3A_30 : vector<1x128xf32> to vector<1000x128xf32>
    %mul3A_32 = arith.mulf %mul3A, %mul3A_31 : vector<1000x128xf32>
    %add3A_33 = arith.addf %add3A_27, %mul3A_32 : vector<1000x128xf32>
    %swap3A = arith.constant 0 : index
    %swap3A_34 = arith.constant 0 : index
    %swap3A_35 = vector.load %arg6[%swap3A, %swap3A_34] : memref<1000x128xf32, #tpu.memory_space<vmem>>, vector<1000x128xf32>
    tpu.vector_store %arg6[%swap3A, %swap3A_34], %add3A_33 {strides = array<i32>} : memref<1000x128xf32, #tpu.memory_space<vmem>>, vector<1000x128xf32>,
    return
  }
  func.func @transform_0(%arg0: i32) -> (i32, i32) {
    %c0_i32 = arith.constant 0 : i32
    %c0_i32_0 = arith.constant 0 : i32
    return %arg0, %c0_i32 : i32, i32
  }
  func.func @transform_1(%arg0: i32) -> (i32, i32, i32) {
    %c0_i32 = arith.constant 0 : i32
    %c0_i32_0 = arith.constant 0 : i32
    %c0_i32_1 = arith.constant 0 : i32
    return %c0_i32, %arg0, %c0_i32_0 : i32, i32, i32
  }
  func.func @transform_2(%arg0: i32) -> (i32, i32, i32) {
    %c0_i32 = arith.constant 0 : i32
    %c0_i32_0 = arith.constant 0 : i32
    %c0_i32_1 = arith.constant 0 : i32
    return %c0_i32, %arg0, %c0_i32_0 : i32, i32, i32
  }
  func.func @transform_3(%arg0: i32) -> (i32, i32) {
    %c0_i32 = arith.constant 0 : i32
    %c0_i32_0 = arith.constant 0 : i32
    %c0_i32_1 = arith.constant 0 : i32
    return %c0_i32, %c0_i32_0 : i32, i32
  }
  func.func @transform_4(%arg0: i32) -> (i32, i32) {
    %c0_i32 = arith.constant 0 : i32
    %c0_i32_0 = arith.constant 0 : i32
    %c0_i32_1 = arith.constant 0 : i32
    return %c0_i32, %c0_i32_0 : i32, i32
  }
  func.func @transform_5(%arg0: i32) -> (i32, i32) {
    %c0_i32 = arith.constant 0 : i32
    %c0_i32_0 = arith.constant 0 : i32
    return %arg0, %c0_i32 : i32, i32
  }
}

</mosaic_0001>

<sc_bundles>
// kernel: kernel.6.cloned.1.call-start
scs
__scs_entry_jumppad:
0x0: {  	(pc) =	sbr.rel $0x88, $3  }
0x1: {  	(tag) =	ssettag $0x0;
	lr =	simm.s32 $0x1  }
0x2: {  	[smem:$0x3F98] =	sst lr;
	_ =	strace $0xD0000000  }
0x3: {  	_ = 	snop  }
0x4: {  	_ = 	snop  }
0x5: {  	_ = 	snop  }
0x6: {  	_ = 	snop  }
0x7: {  	_ = 	snop  }
__scs_overlays_trampoline_lowered:
0x8: {  	[smem:$0x3FA7] =	sst s0  }
0x9: {  	[smem:$0x3FA8] =	sst s1  }
0xa: {  	[smem:$0x3FA9] =	sst s2  }
0xb: {  	[smem:$0x3FAA] =	sst s3  }
0xc: {  	[smem:$0x3FAB] =	sst s4  }
0xd: {  	[smem:$0x3FAC] =	sst s5  }
0xe: {  	[smem:$0x3FAD] =	sst s6  }
0xf: {  	[smem:$0x3FAE] =	sst s7  }
0x10: {  	[smem:$0x3FAF] =	sst s8  }
0x11: {  	[smem:$0x3FB0] =	sst s9;
	s0 =	simm.s32 @!p0 $0x0  }
0x12: {  	s1 =	sld [smem:$0x3F96];
	s0 =	simm.s32 @p0 $0x1  }
0x13: {  	[smem:$0x3FB1] =	sst s0;
	s0 =	simm.s32 @!p1 $0x0  }
0x14: {  	s2 =	sld [smem:$0x3F95];
	s0 =	simm.s32 @p1 $0x1  }
0x15: {  	[smem:$0x3FB2] =	sst s0;
	s0 =	simm.s32 @!p2 $0x0  }
0x16: {  	s3 =	sld [smem:$0x3FDB];
	s0 =	simm.s32 @p2 $0x1  }
0x17: {  	s4 =	simm.s32 $0x1BF5;
	[smem:$0x3FB4] =	sst s0  }
0x18: {  	s0 =	sld [smem:$0x3F97];
	_ =	swait.ge [sflag:s4], $0x0  }
0x19: {  	s7 =	sld [smem:$0x3F98]  }
0x1a: {  	s8 =	sadd.s32 $0xFFFFE003, lr  }
0x1b: {  	s9 =	sadd.s32 $0xFFFFFEF7, lr;
	s5 =	simm.s32 $0xFFFFFFFF;
	p2 =	slt.u32 s8, $0xFFFFF086  }
0x1c: {  	p1 =	slt.u32 s9, $0xF7A;
	s5 =	simm.s32 @!p2 $0x0  }
0x1d: {  	s5 =	simm.s32 @p1 $0x1;
	p0 =	seq.s32 s7, s2  }
0x1e: {  	s7 =	smul.u32 @!p0 $0xF7A, s2;
	p2 =	seq.s32 @!p0 s5, $0x0  }
0x1f: {  	s9 =	smul.u32 $0xF7A, s1;
	s8 =	simm.s32 @!p0 $0x1BF5;
	p2 =	por !p2, p0  }
0x20: {  	[sflag:s8] =	ssyncset.s32 @!p0 $0xFFFFF086;
	s6 =	sadd.s32 @!p0 s3, s7;
	s7 =	simm.s32 @!p0 $0x108  }
0x21: {  	s3 =	sadd.s32 s3, s9;
	s6 =	sadd.s32 @!p0 $0x88, s6;
	s7 =	simm.s32 @p2 $0x1082  }
0x22: {  	[simem:s7], [sflag:s8] =	dma.local @!p0 [hbm:s6], $0xF7A  }
0x23: {  	s9 =	sor.u32 $0xD0000000, s2;
	s6 =	simm.s32 $0x108;
	_ =	swait.ge @!p0 [sflag:s8], $0x0  }
0x24: {  	s3 =	sadd.s32 $0x88, s3;
	s6 =	simm.s32 @!p1 $0x1082;
	[sflag:s4] =	ssyncset.s32 $0xFFFFF086  }
0x25: {  	[simem:s6], [sflag:s4] =	dma.local [hbm:s3], $0xF7A  }
0x26: {  	[smem:$0x3F98] =	sst s1;
	(tag) =	ssettag s2;
	_ =	strace s9  }
0x27: {  	s1 =	sld [smem:$0x3FA8]  }
0x28: {  	s2 =	sld [smem:$0x3FA9]  }
0x29: {  	s4 =	sld [smem:$0x3FAB]  }
0x2a: {  	p0 =	seq.s32 s5, $0x0;
	s5 =	sld [smem:$0x3FAC]  }
0x2b: {  	s6 =	sld [smem:$0x3FAD]  }
0x2c: {  	s7 =	sld [smem:$0x3FAE]  }
0x2d: {  	s3 =	simm.s32 $0x108;
	s8 =	sld [smem:$0x3FAF]  }
0x2e: {  	s3 =	simm.s32 @!p0 $0x1082;
	s9 =	sld [smem:$0x3FB0]  }
0x2f: {  	lr =	sadd.s32 s0, s3;
	s0 =	sld [smem:$0x3FA7]  }
0x30: {  	s3 =	sld [smem:$0x3FAA]  }
0x31: {  	[smem:$0x3FB3] =	sst s10  }
0x32: {  	s10 =	sld [smem:$0x3FB1];
	_ =	sdelay $0x3  }
0x33: {  	p0 =	seq.s32 s10, $0x1;
	s10 =	sld [smem:$0x3FB3];
	_ =	sdelay $0x3  }
0x34: {  	[smem:$0x3FB3] =	sst s10  }
0x35: {  	s10 =	sld [smem:$0x3FB2];
	_ =	sdelay $0x3  }
0x36: {  	p1 =	seq.s32 s10, $0x1;
	s10 =	sld [smem:$0x3FB3];
	_ =	sdelay $0x3  }
0x37: {  	[smem:$0x3FB3] =	sst s10  }
0x38: {  	s10 =	sld [smem:$0x3FB4]  }
0x39: {  	_ = 	snop;
	(pc) =	sbr.ind lr, $3  }
0x3a: {  	_ = 	snop  }
0x3b: {  	_ = 	snop  }
0x3c: {  	p2 =	seq.s32 s10, $0x1;
	s10 =	sld [smem:$0x3FB3]  }
0x3d: {  	_ =	shalt  }
0x3e: {  	_ =	shalt  }
0x3f: {  	_ =	shalt  }
0x40: {  	_ =	shalt  }
0x41: {  	_ =	shalt  }
0x42: {  	_ =	shalt  }
0x43: {  	_ =	shalt  }
0x44: {  	_ =	shalt  }
0x45: {  	_ =	shalt  }
0x46: {  	_ =	shalt  }
0x47: {  	_ =	shalt  }
0x48: {  	_ =	shalt  }
0x49: {  	_ =	shalt  }
0x4a: {  	_ =	shalt  }
0x4b: {  	_ =	shalt  }
0x4c: {  	_ =	shalt  }
0x4d: {  	_ =	shalt  }
0x4e: {  	_ =	shalt  }
0x4f: {  	_ =	shalt  }
0x50: {  	_ =	shalt  }
0x51: {  	_ =	shalt  }
0x52: {  	_ =	shalt  }
0x53: {  	_ =	shalt  }
0x54: {  	_ =	shalt  }
0x55: {  	_ =	shalt  }
0x56: {  	_ =	shalt  }
0x57: {  	_ =	shalt  }
0x58: {  	_ =	shalt  }
0x59: {  	_ =	shalt  }
0x5a: {  	_ =	shalt  }
0x5b: {  	_ =	shalt  }
0x5c: {  	_ =	shalt  }
0x5d: {  	_ =	shalt  }
0x5e: {  	_ =	shalt  }
0x5f: {  	_ =	shalt  }
0x60: {  	_ =	shalt  }
0x61: {  	_ =	shalt  }
0x62: {  	_ =	shalt  }
0x63: {  	_ =	shalt  }
0x64: {  	_ =	shalt  }
0x65: {  	_ =	shalt  }
0x66: {  	_ =	shalt  }
0x67: {  	_ =	shalt  }
0x68: {  	_ =	shalt  }
0x69: {  	_ =	shalt  }
0x6a: {  	_ =	shalt  }
0x6b: {  	_ =	shalt  }
0x6c: {  	_ =	shalt  }
0x6d: {  	_ =	shalt  }
0x6e: {  	_ =	shalt  }
0x6f: {  	_ =	shalt  }
0x70: {  	_ =	shalt  }
0x71: {  	_ =	shalt  }
0x72: {  	_ =	shalt  }
0x73: {  	_ =	shalt  }
0x74: {  	_ =	shalt  }
0x75: {  	_ =	shalt  }
0x76: {  	_ =	shalt  }
0x77: {  	_ =	shalt  }
0x78: {  	_ =	shalt  }
0x79: {  	_ =	shalt  }
0x7a: {  	_ =	shalt  }
0x7b: {  	_ =	shalt  }
0x7c: {  	_ =	shalt  }
0x7d: {  	_ =	shalt  }
0x7e: {  	_ =	shalt  }
0x7f: {  	_ =	shalt  }
0x80: {  	_ =	shalt  }
0x81: {  	_ =	shalt  }
0x82: {  	_ =	shalt  }
0x83: {  	_ =	shalt  }
0x84: {  	_ =	shalt  }
0x85: {  	_ =	shalt  }
0x86: {  	_ =	shalt  }
0x87: {  	_ =	shalt  }
.Lfunc_end0:
.L_simem_size_0:
called_computation_lowered:
.L_overlay_start_0:
0x88: {  	s2 =	sld [smem:$0x3FD9]  }
0x89: {  	s3 =	sld [smem:$0x3FFE];
	_ =	sdelay $0x1  }
0x8a: {  	s1 =	srdreg.scid  }
0x8b: {  	s0 =	sand.u32 $0x1, s1  }
0x8c: {  	s17 =	sshll.u32 s0, $0xA;
	s2 =	sadd.s32 s3, s2  }
0x8d: {  	s2 =	sadd.s32 s2, s17  }
0x8e: {  	[smem:$0x3FBF] =	sst s2  }
0x8f: {  	_ = 	snop  }
0x90: {  	s2 =	sld [smem:$0x3FD0];
	(tm) =	ssettm $0x1  }
0x91: {  	s18 =	sld [smem:$0x3FFB];
	_ =	sdelay $0x3  }
0x92: {  	_ =	strace s18  }
0x93: {  	s3 =	sld [smem:$0x3FFC];
	_ =	sdelay $0x3  }
0x94: {  	_ =	strace s3  }
0x95: {  	s3 =	sld [smem:$0x3FFD];
	_ =	sdelay $0x3  }
0x96: {  	_ =	strace s3  }
0x97: {  	_ =	strace $0x8FFFFFFF  }
0x98: {  	s19 =	sld [smem:$0x3FDB];
	_ =	sdelay $0x1  }
0x99: {  	s4 =	simm.s32 $_scs_section_size  }
0x9a: {  	s5 =	simm.s32 $_size__tile_overlayer_lowered;
	s6 =	simm.s32 $_tile_overlayer_lowered  }
0x9b: {  	s22 =	simm.s32 $0x1BFF;
	s21 =	sshll.u32 s6, $0x1;
	s3 =	sadd.s32 s4, s19  }
0x9c: {  	s7 =	simm.s32 $0x0;
	s20 =	sshll.u32 s5, $0x1;
	s5 =	sadd.s32 s21, s3  }
0x9d: {  	[timem:s7], [sflag:s22] =	dma.local [hbm:s5], s20  }
0x9e: {  	_ =	swait.ge [sflag:s22], s20  }
0x9f: {  	s4 =	ssub.s32 $0x0, s20;
	[sflag:s22] =	ssyncset.done $0x0  }
0xa0: {  	[sflag:s22] =	ssyncadd.s32 s4;
	_ =	sdelay $0x1  }
0xa1: {  	s23 =	simm.s32 $0x1B8B  }
0xa2: {  	_ =	swait.ge [sflag:s23], $0x1  }
0xa3: {  	[sflag:s23] =	ssyncset.done $0x0  }
0xa4: {  	s25 =	simm.s32 $0x1B8E;
	s24 =	sld [smem:$0x3FFE];
	[sflag:s23] =	ssyncadd.s32 $0xFFFFFFFF  }
0xa5: {  	s26 =	simm.s32 $execute0_lowered;
	[smem:$0x3FD2] =	sst s25  }
0xa6: {  	s5 =	sshll.u32 s26, $0x1;
	_ =	strace $0x80000046;
	[dreg:$0x1] =	wrdreg $0xFFFFFFFF  }
0xa7: {  	s28 =	simm.s32 $_size_execute0_lowered;
	s3 =	sadd.s32 s3, s5;
	[dreg:$0x0] =	wrdreg $0x0  }
0xa8: {  	s5 =	sshll.u32 s28, $0x1;
	[dreg:$0x2] =	wrdreg s3  }
0xa9: {  	[dreg:$0x3] =	wrdreg s5  }
0xaa: {  	[dreg:$0x4] =	wrdreg $0xC0  }
0xab: {  	_ =	task [dreg:s7], $0x5FFFF  }
0xac: {  	[dreg:$0x1] =	wrdreg $0xFFFFFFFF  }
0xad: {  	[dreg:$0x0] =	wrdreg $0x60  }
0xae: {  	[dreg:$0x2] =	wrdreg s2  }
0xaf: {  	[dreg:$0x3] =	wrdreg s24  }
0xb0: {  	[dreg:$0x4] =	wrdreg $0x7F800  }
0xb1: {  	[dreg:$0x5] =	wrdreg $0x1B8000  }
0xb2: {  	[dreg:$0x6] =	wrdreg $0x9  }
0xb3: {  	_ =	task.clear_ibuf [dreg:s7], $0x7FFFF;
	_ =	strace $0x90000046  }
0xb4: {  	s29 =	simm.s32 $0x9;
	_ =	strace $0x80000048  }
0xb5: {  	_ =	swait.ge [sflag:s29], $0x1  }
0xb6: {  	[sflag:s29] =	ssyncadd.s32 $0xFFFFFFFF  }
0xb7: {  	_ =	strace $0x90000048  }
0xb8: {  	_ =	sfence  }
0xb9: {  	s30 =	sld [smem:$0x0];
	_ =	sdelay $0x2  }
0xba: {  	s31 =	sshll.u32 s1, $0xD;
	s1 =	sshrl.u32 s1, $0x2  }
0xbb: {  	s3 =	sand.u32 $0x4000, s31;
	s1 =	sadd.s32 s1, s30  }
0xbc: {  	s0 =	sor.u32 s3, s0;
	s1 =	sshll.u32 s1, $0x11  }
0xbd: {  	s0 =	sor.u32 s1, s0  }
0xbe: {  	s0 =	sadd.s32 $0x8F2B, s0  }
0xbf: {  	[sflag:s0] =	ssyncadd.remote.s32 $0x1  }
0xc0: {  	_ =	sfence.sel $0xFFFF  }
0xc1: {  	[dreg:$0x0] =	wrdreg $0xFFFFFFFF;
	(pc) =	sbr.abs _section_cstart, $3  }
0xc2: {  	[dreg:$0x1] =	wrdreg $0xFFFFFFFF  }
0xc3: {  	_ =	task.clear_ibuf [dreg:s7], $0x2FFFF;
	_ =	strace $0x9FFFFFFF  }
0xc4: {  	(tm) =	ssettm $0x7FFFFFFF  }
0xc5: {  	_ =	shalt  }
tec
execute0_lowered:
.L_overlay_start_1:
0x0: {  	(tag) =	ssettag $0x1  }
0x1: {  	s14 =	rddreg [dreg:$0x0]  }
0x2: {  	s1 =	rddreg [dreg:$0x1]  }
0x3: {  	s15 =	rddreg [dreg:$0x2];
	s0 =	srdreg.scid  }
0x4: {  	s13 =	stileid.u32;
	s2 =	simm.s32 $0x0;
	s28 =	simm.s32 $0x50  }
0x5: {  	s29 =	simm.s32 $0x4E200;
	s3 =	sand.u32 $0x1, s0;
	s4 =	smul.u32 $0x13880, s13  }
0x6: {  	[smem:$0x7FF] =	sst s2;
	s5 =	smul.u32 $0x2710, s13;
	s6 =	sadd.s32 $0xC200, s1  }
0x7: {  	s7 =	sadd.s32 $0x4F7E00, s1;
	s8 =	sadd.s32 $0x2400, s1;
	s12 =	smul.u32 $0x271, s13  }
0x8: {  	s16 =	rddreg [dreg:$0x3];
	s9 =	sadd.s32 $0x4E4400, s1;
	s0 =	smul.u32 $0x138800, s3  }
0x9: {  	_ =	strace $0x80000047;
	s30 =	smul.u32 $0x27100, s3;
	s10 =	ssub.s32 $0x2, s3  }
0xa: {  	s3 =	sshll.u32 s3, $0x4;
	s11 =	sshrl.u32 s10, $0x1;
	s20 =	sadd.s32 s5, s16  }
0xb: {  	s18 =	sadd.s32 $0xA0, s12;
	s22 =	sadd.s32 $0xF0, s12;
	s25 =	sadd.s32 $0x140, s12  }
0xc: {  	s3 =	sor.u32 s13, s3;
	s0 =	sadd.s32 s4, s0;
	s2 =	sadd.s32 s5, s30  }
0xd: {  	s19 =	sshll.u32 s18, $0x7;
	s21 =	sshll.u32 s18, $0x4;
	s23 =	sshll.u32 s22, $0x7  }
0xe: {  	s26 =	sshll.u32 s25, $0x7;
	s0 =	sshrl.u32 s0, $0x3;
	s2 =	sshrl.u32 s2, $0x3  }
0xf: {  	[dreg:$0x6] =	wrdreg s20;
	s0 =	sadd.s32 s0, s1;
	s1 =	sadd.s32 s2, s1  }
0x10: {  	s2 =	ssub.s32 s10, s11;
	s11 =	sadd.s32 s4, s15;
	s10 =	sadd.s32 $0x50, s12  }
0x11: {  	s17 =	sshll.u32 s10, $0x7;
	s0 =	sadd.s32 $0x3D200, s0;
	[dreg:$0x5] =	wrdreg s11  }
0x12: {  	s4 =	sshll.u32 s10, $0x4;
	s5 =	sadd.s32 s17, s15;
	[smem:$0x7FB] =	sst s0  }
0x13: {  	s30 =	sadd.s32 $0x190, s12;
	s4 =	sadd.s32 s4, s16;
	[dreg:$0x7] =	wrdreg s5  }
0x14: {  	[dreg:$0x8] =	wrdreg s4;
	s4 =	sadd.s32 s19, s15;
	s5 =	sshll.u32 s22, $0x4  }
0x15: {  	s22 =	sadd.s32 $0x230, s12;
	[dreg:$0x9] =	wrdreg s4;
	s4 =	sadd.s32 s21, s16  }
0x16: {  	s24 =	sadd.s32 s5, s16;
	s5 =	sadd.s32 s26, s15;
	[dreg:$0xa] =	wrdreg s4  }
0x17: {  	s4 =	sadd.s32 s23, s15;
	[dreg:$0xc] =	wrdreg s24;
	s23 =	smul.u32 $0x2710, s3  }
0x18: {  	[dreg:$0xd] =	wrdreg s5;
	s24 =	sshll.u32 s22, $0x7;
	s3 =	smul.u32 $0x27100, s3  }
0x19: {  	[dreg:$0xb] =	wrdreg s4;
	s4 =	sshll.u32 s25, $0x4;
	s10 =	sadd.s32 s24, s15  }
0x1a: {  	s17 =	sshll.u32 s30, $0x4;
	s4 =	sadd.s32 s4, s16;
	[dreg:$0x13] =	wrdreg s10  }
0x1b: {  	s5 =	sshll.u32 s30, $0x7;
	s3 =	sadd.s32 s7, s3;
	[dreg:$0xe] =	wrdreg s4  }
0x1c: {  	s25 =	sshrl.u32 s23, $0x3;
	s13 =	sadd.s32 $0xA0, s23;
	[dreg:$0x15] =	wrdreg s3  }
0x1d: {  	s30 =	sadd.s32 $0x50, s23;
	s4 =	sadd.s32 s5, s15;
	[dreg:$0x1a] =	wrdreg s13  }
0x1e: {  	s26 =	sadd.s32 s9, s25;
	s10 =	sshrl.u32 s30, $0x3;
	[dreg:$0xf] =	wrdreg s4  }
0x1f: {  	s3 =	sshll.u32 s30, $0x4;
	s30 =	smax.u32 s2, $0x1;
	[dreg:$0x16] =	wrdreg s26  }
0x20: {  	s31 =	simm.s32 $0x140;
	s4 =	sadd.s32 s17, s16;
	[smem:$0x7FD] =	sst s30  }
0x21: {  	s18 =	sadd.s32 $0x1E0, s12;
	s3 =	sadd.s32 s7, s3;
	[dreg:$0x10] =	wrdreg s4  }
0x22: {  	s19 =	sshll.u32 s18, $0x7;
	s12 =	sadd.s32 s9, s10;
	[dreg:$0x18] =	wrdreg s3  }
0x23: {  	s21 =	sshll.u32 s18, $0x4;
	s26 =	sadd.s32 $0x33400, s1;
	[dreg:$0x19] =	wrdreg s12  }
0x24: {  	s2 =	simm.s32 $0x5140;
	s4 =	sadd.s32 s19, s15;
	[smem:$0x7FC] =	sst s26  }
0x25: {  	s17 =	sshll.u32 s13, $0x4;
	s15 =	sadd.s32 s8, s10;
	[dreg:$0x11] =	wrdreg s4  }
0x26: {  	s1 =	simm.s32 $0x0;
	s19 =	sadd.s32 $0xF0, s23;
	[dreg:$0x1b] =	wrdreg s15  }
0x27: {  	s12 =	simm.s32 $0x2940;
	s4 =	sadd.s32 s21, s16;
	[dreg:$0x1e] =	wrdreg s19  }
0x28: {  	s21 =	sshrl.u32 s19, $0x3;
	s15 =	simm.s32 $0x1;
	[dreg:$0x12] =	wrdreg s4  }
0x29: {  	s4 =	sshll.u32 s22, $0x4;
	s22 =	sadd.s32 $0x26C0, s23;
	s23 =	sadd.s32 s9, s21  }
0x2a: {  	s4 =	sadd.s32 s4, s16;
	s16 =	sshrl.u32 s13, $0x3;
	[smem:$0x7F6] =	sst s23  }
0x2b: {  	s24 =	sshrl.u32 s22, $0x3;
	[dreg:$0x14] =	wrdreg s4;
	s4 =	sadd.s32 s8, s25  }
0x2c: {  	s13 =	simm.s32 $0x5190;
	s18 =	sadd.s32 s9, s16;
	[dreg:$0x17] =	wrdreg s4  }
0x2d: {  	s23 =	simm.s32 $0x7;
	s3 =	sadd.s32 s8, s16;
	[dreg:$0x1d] =	wrdreg s18  }
0x2e: {  	s25 =	sadd.s32 s9, s24;
	s16 =	simm.s32 $0x2;
	[dreg:$0x1f] =	wrdreg s3  }
0x2f: {  	s4 =	sadd.s32 s7, s17;
	s3 =	sadd.s32 s8, s21;
	[smem:$0x7F9] =	sst s25  }
0x30: {  	s25 =	simm.s32 $0x51E0;
	s17 =	simm.s32 $0x3;
	s18 =	simm.s32 $0x5  }
0x31: {  	s21 =	simm.s32 $0x7EE0;
	[dreg:$0x1c] =	wrdreg s4;
	s4 =	sshll.u32 s19, $0x4  }
0x32: {  	[smem:$0x7F7] =	sst s3;
	s3 =	sadd.s32 s8, s24;
	s4 =	sadd.s32 s7, s4  }
0x33: {  	s19 =	simm.s32 $0x4;
	[smem:$0x7F5] =	sst s4;
	s4 =	sshll.u32 s22, $0x4  }
0x34: {  	s24 =	simm.s32 $0xA0;
	[smem:$0x7FA] =	sst s3;
	s4 =	sadd.s32 s7, s4  }
0x35: {  	v0 =	vimm.f32 $0.0e+00;
	s22 =	simm.s32 $0x6;
	[smem:$0x7F8] =	sst s4;
	s4 =	simm.s32 $0x8  }
.LBB2_1:
0x36: {  	s0 =	simm.s32 $0x5220  }
0x37: {  	[tilespmem:s0+$0xFFFFFFD0] =	vst v0  }
0x38: {  	[tilespmem:s0+$0xFFFFFFE0] =	vst v0  }
0x39: {  	[tilespmem:s0+$0xFFFFFFF0] =	vst v0  }
0x3a: {  	[tilespmem:s0+$0x0] =	vst v0  }
0x3b: {  	[tilespmem:s0+$0x10] =	vst v0  }
0x3c: {  	[tilespmem:s0+$0x20] =	vst v0  }
0x3d: {  	[tilespmem:s0+$0x30] =	vst v0  }
0x3e: {  	[smem:$0x7F4] =	sst s1;
	s3 =	simm.s32 $0x0;
	s1 =	simm.s32 $0x40;
	[tilespmem:s0+$0xFFFFFFC0] =	vst v0  }
.LBB2_2:
0x3f: {  	p0 =	sne.s32 s1, $0x13C0;
	[tilespmem:s3+$0x79E0] =	vst v0;
	s0 =	sadd.s32 $0x80, s0  }
0x40: {  	[tilespmem:s0+$0xFFFFFFD0] =	vst v0  }
0x41: {  	[tilespmem:s0+$0xFFFFFFE0] =	vst v0  }
0x42: {  	[tilespmem:s0+$0xFFFFFFF0] =	vst v0  }
.Ltmp0:
0x43: {  	[tilespmem:s0+$0x0] =	vst v0;
	(pc) =	sbr.rel @p0 .LBB2_2-.Ltmp0, $4  }
0x44: {  	[tilespmem:s0+$0x10] =	vst v0  }
0x45: {  	[tilespmem:s0+$0x20] =	vst v0  }
0x46: {  	[tilespmem:s0+$0x30] =	vst v0  }
0x47: {  	s3 =	sshra.s32 s1, $0x2;
	s1 =	sadd.s32 $0x40, s1;
	[tilespmem:s0+$0xFFFFFFC0] =	vst v0  }
0x48: {  	[tilespmem:s3+$0x79E0] =	vst v0  }
0x49: {  	[spmem:s11] =	stream.linear.scatter [tilespmem:s25], [sflag:$0x8], $0x2800, $0x38;
	[tilespmem:$0x1DF10] =	vst v63  }
0x4a: {  	_ =	swait.ge [sflag:s4], $0x2800  }
0x4b: {  	[sflag:s4] =	ssyncset.done $0x0  }
0x4c: {  	s11 =	simm.s32 $0x79E0;
	[sflag:s4] =	ssyncadd.s32 $0xFFFFD800  }
0x4d: {  	[spmem:s20] =	stream.linear.scatter [tilespmem:s11], [sflag:$0x8], $0x500, $0x38;
	[tilespmem:$0x1DF10] =	vst v63  }
0x4e: {  	_ =	swait.ge [sflag:s4], $0x500  }
0x4f: {  	[sflag:s4] =	ssyncset.done $0x0  }
0x50: {  	s0 =	rddreg [dreg:$0x7];
	[sflag:s4] =	ssyncadd.s32 $0xFFFFFB00  }
0x51: {  	[spmem:s0] =	stream.linear.scatter [tilespmem:s25], [sflag:$0x8], $0x2800, $0x38;
	[tilespmem:$0x1DF10] =	vst v63  }
0x52: {  	_ =	swait.ge [sflag:s4], $0x2800  }
0x53: {  	[sflag:s4] =	ssyncset.done $0x0  }
0x54: {  	s20 =	rddreg [dreg:$0x8];
	[sflag:s4] =	ssyncadd.s32 $0xFFFFD800  }
0x55: {  	[spmem:s20] =	stream.linear.scatter [tilespmem:s11], [sflag:$0x8], $0x500, $0x38;
	[tilespmem:$0x1DF10] =	vst v63  }
0x56: {  	_ =	swait.ge [sflag:s4], $0x500  }
0x57: {  	[sflag:s4] =	ssyncset.done $0x0  }
0x58: {  	s26 =	rddreg [dreg:$0x9];
	[sflag:s4] =	ssyncadd.s32 $0xFFFFFB00  }
0x59: {  	[spmem:s26] =	stream.linear.scatter [tilespmem:s25], [sflag:$0x8], $0x2800, $0x38;
	[tilespmem:$0x1DF10] =	vst v63  }
0x5a: {  	_ =	swait.ge [sflag:s4], $0x2800  }
0x5b: {  	[sflag:s4] =	ssyncset.done $0x0  }
0x5c: {  	s30 =	rddreg [dreg:$0xa];
	[sflag:s4] =	ssyncadd.s32 $0xFFFFD800  }
0x5d: {  	[spmem:s30] =	stream.linear.scatter [tilespmem:s11], [sflag:$0x8], $0x500, $0x38;
	[tilespmem:$0x1DF10] =	vst v63  }
0x5e: {  	_ =	swait.ge [sflag:s4], $0x500  }
0x5f: {  	[sflag:s4] =	ssyncset.done $0x0  }
0x60: {  	s1 =	rddreg [dreg:$0xb];
	[sflag:s4] =	ssyncadd.s32 $0xFFFFFB00  }
0x61: {  	[spmem:s1] =	stream.linear.scatter [tilespmem:s25], [sflag:$0x8], $0x2800, $0x38;
	[tilespmem:$0x1DF10] =	vst v63  }
0x62: {  	_ =	swait.ge [sflag:s4], $0x2800  }
0x63: {  	[sflag:s4] =	ssyncset.done $0x0  }
0x64: {  	s3 =	rddreg [dreg:$0xc];
	[sflag:s4] =	ssyncadd.s32 $0xFFFFD800  }
0x65: {  	[spmem:s3] =	stream.linear.scatter [tilespmem:s11], [sflag:$0x8], $0x500, $0x38;
	[tilespmem:$0x1DF10] =	vst v63  }
0x66: {  	_ =	swait.ge [sflag:s4], $0x500  }
0x67: {  	[sflag:s4] =	ssyncset.done $0x0  }
0x68: {  	s5 =	rddreg [dreg:$0xd];
	[sflag:s4] =	ssyncadd.s32 $0xFFFFFB00  }
0x69: {  	[spmem:s5] =	stream.linear.scatter [tilespmem:s25], [sflag:$0x8], $0x2800, $0x38;
	[tilespmem:$0x1DF10] =	vst v63  }
0x6a: {  	_ =	swait.ge [sflag:s4], $0x2800  }
0x6b: {  	[sflag:s4] =	ssyncset.done $0x0  }
0x6c: {  	s10 =	rddreg [dreg:$0xe];
	[sflag:s4] =	ssyncadd.s32 $0xFFFFD800  }
0x6d: {  	[spmem:s10] =	stream.linear.scatter [tilespmem:s11], [sflag:$0x8], $0x500, $0x38;
	[tilespmem:$0x1DF10] =	vst v63  }
0x6e: {  	_ =	swait.ge [sflag:s4], $0x500  }
0x6f: {  	[sflag:s4] =	ssyncset.done $0x0  }
0x70: {  	s20 =	rddreg [dreg:$0xf];
	[sflag:s4] =	ssyncadd.s32 $0xFFFFFB00  }
0x71: {  	[spmem:s20] =	stream.linear.scatter [tilespmem:s25], [sflag:$0x8], $0x2800, $0x38;
	[tilespmem:$0x1DF10] =	vst v63  }
0x72: {  	_ =	swait.ge [sflag:s4], $0x2800  }
0x73: {  	[sflag:s4] =	ssyncset.done $0x0  }
0x74: {  	s26 =	rddreg [dreg:$0x10];
	[sflag:s4] =	ssyncadd.s32 $0xFFFFD800  }
0x75: {  	[spmem:s26] =	stream.linear.scatter [tilespmem:s11], [sflag:$0x8], $0x500, $0x38;
	[tilespmem:$0x1DF10] =	vst v63  }
0x76: {  	_ =	swait.ge [sflag:s4], $0x500  }
0x77: {  	[sflag:s4] =	ssyncset.done $0x0  }
0x78: {  	s30 =	rddreg [dreg:$0x11];
	[sflag:s4] =	ssyncadd.s32 $0xFFFFFB00  }
0x79: {  	[spmem:s30] =	stream.linear.scatter [tilespmem:s25], [sflag:$0x8], $0x2800, $0x38;
	[tilespmem:$0x1DF10] =	vst v63  }
0x7a: {  	_ =	swait.ge [sflag:s4], $0x2800  }
0x7b: {  	[sflag:s4] =	ssyncset.done $0x0  }
0x7c: {  	s1 =	rddreg [dreg:$0x12];
	[sflag:s4] =	ssyncadd.s32 $0xFFFFD800  }
0x7d: {  	[spmem:s1] =	stream.linear.scatter [tilespmem:s11], [sflag:$0x8], $0x500, $0x38;
	[tilespmem:$0x1DF10] =	vst v63  }
0x7e: {  	_ =	swait.ge [sflag:s4], $0x500  }
0x7f: {  	[sflag:s4] =	ssyncset.done $0x0  }
0x80: {  	s3 =	rddreg [dreg:$0x13];
	[sflag:s4] =	ssyncadd.s32 $0xFFFFFB00  }
0x81: {  	[spmem:s3] =	stream.linear.scatter [tilespmem:s25], [sflag:$0x8], $0x2080, $0x38;
	[tilespmem:$0x1DF10] =	vst v63  }
0x82: {  	_ =	swait.ge [sflag:s4], $0x2080  }
0x83: {  	[sflag:s4] =	ssyncset.done $0x0  }
0x84: {  	s5 =	rddreg [dreg:$0x14];
	[sflag:s4] =	ssyncadd.s32 $0xFFFFDF80  }
0x85: {  	[spmem:s5] =	stream.linear.scatter [tilespmem:s11], [sflag:$0x8], $0x410, $0x38;
	[tilespmem:$0x1DF10] =	vst v63  }
0x86: {  	_ =	swait.ge [sflag:s4], $0x410  }
0x87: {  	[sflag:s4] =	ssyncset.done $0x0  }
0x88: {  	[sflag:s4] =	ssyncadd.s32 $0xFFFFFBF0  }
0x89: {  	[bflag:$0x0] =	sbarrier.arrive $0xFFFF  }
0x8a: {  	s0 =	simm.s32 $0x0;
	s1 =	rddreg [dreg:$0x16]  }
0x8b: {  	[tilespmem:s0], [sflag:$0x1] =	stream.strided.gather [hbm4b:s1+s28], $0xA0, s29, s28, $0x38;
	[tilespmem:$0x1DF10] =	vst v63  }
0x8c: {  	s20 =	simm.s32 $0xA0;
	s10 =	rddreg [dreg:$0x19]  }
0x8d: {  	[tilespmem:s20], [sflag:$0x2] =	stream.strided.gather [hbm4b:s10+s28], $0xA0, s29, s28, $0x38;
	[tilespmem:$0x1DF10] =	vst v63  }
0x8e: {  	s26 =	rddreg [dreg:$0x15]  }
0x8f: {  	[tilespmem:s31], [sflag:$0x3] =	stream.linear.gather [hbm4b:s26+s0], $0x2800, $0x38;
	[tilespmem:$0x1DF10] =	vst v63  }
0x90: {  	s30 =	rddreg [dreg:$0x17]  }
0x91: {  	[tilespmem:s2], [sflag:$0x3] =	stream.linear.gather [hbm4b:s30+s0], $0x50, $0x38;
	[tilespmem:$0x1DF10] =	vst v63  }
0x92: {  	s4 =	rddreg [dreg:$0x18]  }
0x93: {  	[tilespmem:s12], [sflag:$0x4] =	stream.linear.gather [hbm4b:s4+s0], $0x2800, $0x38;
	[tilespmem:$0x1DF10] =	vst v63  }
0x94: {  	s5 =	rddreg [dreg:$0x1b]  }
0x95: {  	[tilespmem:s13], [sflag:$0x4] =	stream.linear.gather [hbm4b:s5+s0], $0x50, $0x38;
	[tilespmem:$0x1DF10] =	vst v63  }
0x96: {  	_ =	swait.ge [sflag:s15], $0xA0  }
0x97: {  	[sflag:s15] =	ssyncset.done $0x0  }
0x98: {  	[sflag:s15] =	ssyncadd.s32 $0xFFFFFF60  }
0x99: {  	_ =	swait.ge [sflag:s16], $0xA0  }
0x9a: {  	[sflag:s16] =	ssyncset.done $0x0  }
0x9b: {  	[sflag:s16] =	ssyncadd.s32 $0xFFFFFF60  }
0x9c: {  	_ =	swait.ge [sflag:s17], $0x2800  }
0x9d: {  	[sflag:s17] =	ssyncset.done $0x0  }
0x9e: {  	[sflag:s17] =	ssyncadd.s32 $0xFFFFD800  }
0x9f: {  	_ =	swait.ge [sflag:s17], $0x50  }
0xa0: {  	[sflag:s17] =	ssyncset.done $0x0  }
0xa1: {  	[sflag:s17] =	ssyncadd.s32 $0xFFFFFFB0  }
0xa2: {  	[tilespmem:s31], [sflag:$0x5] =	stream.indirect.gather.add.f32 [hbm:s14], $0x80, s0, s28, $0xb8;
	[tilespmem:$0x1DF10] =	vst v63  }
0xa3: {  	_ = 	snop  }
0xa4: {  	[tilespmem:s31], [sflag:$0x5] =	stream.indirect.gather.add.f32 [hbm:s6], $0x80, s28, s28, $0xb8;
	[tilespmem:$0x1DF10] =	vst v63  }
0xa5: {  	_ =	swait.ge [sflag:s18], $0x2800  }
0xa6: {  	[sflag:s18] =	ssyncset.done $0x0  }
0xa7: {  	[sflag:s18] =	ssyncadd.s32 $0xFFFFD800  }
0xa8: {  	_ =	swait.ge [sflag:s18], $0x2800  }
0xa9: {  	[sflag:s18] =	ssyncset.done $0x0  }
0xaa: {  	[sflag:s18] =	ssyncadd.s32 $0xFFFFD800  }
0xab: {  	v1 =	vld [tilespmem:$0x0]  }
0xac: {  	v2 =	vld [tilespmem:$0x10]  }
0xad: {  	v3 =	vld [tilespmem:$0x20]  }
0xae: {  	v4 =	vld [tilespmem:$0x30]  }
0xaf: {  	v5 =	vld [tilespmem:$0x40]  }
0xb0: {  	[tilespmem:$0x7EE0] =	vst v1  }
0xb1: {  	[tilespmem:$0x7EF0] =	vst v2  }
0xb2: {  	[tilespmem:$0x7F00] =	vst v3  }
0xb3: {  	[tilespmem:$0x7F10] =	vst v4  }
0xb4: {  	s10 =	rddreg [dreg:$0x1d];
	[tilespmem:$0x7F20] =	vst v5  }
0xb5: {  	[tilespmem:s0], [sflag:$0x1] =	stream.strided.gather [hbm4b:s10+s28], $0xA0, s29, s28, $0x38;
	[tilespmem:$0x1DF10] =	vst v63  }
0xb6: {  	_ =	swait.ge [sflag:s19], $0x2800  }
0xb7: {  	[sflag:s19] =	ssyncset.done $0x0  }
0xb8: {  	[sflag:s19] =	ssyncadd.s32 $0xFFFFD800  }
0xb9: {  	_ =	swait.ge [sflag:s19], $0x50  }
0xba: {  	[sflag:s19] =	ssyncset.done $0x0  }
0xbb: {  	v1 =	vmov s0;
	[sflag:s19] =	ssyncadd.s32 $0xFFFFFFB0  }
0xbc: {  	[tilespmem:s12], [sflag:$0x6] =	stream.indirect.gather.add.f32 [hbm:s14], $0x80, s20, s28, $0xb8;
	[tilespmem:$0x1DF10] =	vst v63  }
0xbd: {  	s26 =	simm.s32 $0x180;
	s20 =	simm.s32 $0xF0  }
0xbe: {  	[tilespmem:s12], [sflag:$0x6] =	stream.indirect.gather.add.f32 [hbm:s6], $0x80, s20, s28, $0xb8;
	[tilespmem:$0x1DF10] =	vst v63  }
0xbf: {  	v2 =	vld [tilespmem:s26+$0xFFFFFFC0]  }
0xc0: {  	v1 =	vld.idx.msk [tilespmem:v1+s2+$0x0], $0xffff;
	_ =	sdelay $0x3  }
0xc1: {  	v2 =	vmax.f32 v2, $0.0e+00  }
0xc2: {  	v2 =	vmul.f32 v2, v1  }
0xc3: {  	s5 =	simm.s32 $0x5220  }
0xc4: {  	[tilespmem:s5+$0xFFFFFFC0] =	vst v2  }
0xc5: {  	v2 =	vld [tilespmem:s26+$0xFFFFFFD0];
	_ =	sdelay $0x4  }
0xc6: {  	v2 =	vmax.f32 v2, $0.0e+00  }
0xc7: {  	v2 =	vmul.f32 v2, v1;
	_ =	sdelay $0x1  }
0xc8: {  	[tilespmem:s5+$0xFFFFFFD0] =	vst v2  }
0xc9: {  	v2 =	vld [tilespmem:s26+$0xFFFFFFE0];
	_ =	sdelay $0x4  }
0xca: {  	v2 =	vmax.f32 v2, $0.0e+00  }
0xcb: {  	v2 =	vmul.f32 v2, v1;
	_ =	sdelay $0x1  }
0xcc: {  	[tilespmem:s5+$0xFFFFFFE0] =	vst v2  }
0xcd: {  	v2 =	vld [tilespmem:s26+$0xFFFFFFF0];
	_ =	sdelay $0x4  }
0xce: {  	v2 =	vmax.f32 v2, $0.0e+00  }
0xcf: {  	v2 =	vmul.f32 v2, v1;
	_ =	sdelay $0x1  }
0xd0: {  	[tilespmem:s5+$0xFFFFFFF0] =	vst v2  }
0xd1: {  	v2 =	vld [tilespmem:s26+$0x0];
	_ =	sdelay $0x4  }
0xd2: {  	v2 =	vmax.f32 v2, $0.0e+00  }
0xd3: {  	v2 =	vmul.f32 v2, v1;
	_ =	sdelay $0x1  }
0xd4: {  	[tilespmem:s5+$0x0] =	vst v2  }
0xd5: {  	v2 =	vld [tilespmem:s26+$0x10];
	_ =	sdelay $0x4  }
0xd6: {  	v2 =	vmax.f32 v2, $0.0e+00  }
0xd7: {  	v2 =	vmul.f32 v2, v1;
	_ =	sdelay $0x1  }
0xd8: {  	[tilespmem:s5+$0x10] =	vst v2  }
0xd9: {  	v2 =	vld [tilespmem:s26+$0x20];
	_ =	sdelay $0x4  }
0xda: {  	v2 =	vmax.f32 v2, $0.0e+00  }
0xdb: {  	v2 =	vmul.f32 v2, v1;
	_ =	sdelay $0x1  }
0xdc: {  	[tilespmem:s5+$0x20] =	vst v2  }
0xdd: {  	v2 =	vld [tilespmem:s26+$0x30];
	_ =	sdelay $0x4  }
0xde: {  	v2 =	vmax.f32 v2, $0.0e+00  }
0xdf: {  	s30 =	simm.s32 $0x1;
	v3 =	vmul.f32 v2, v1  }
0xe0: {  	v2 =	vmov s30  }
0xe1: {  	s3 =	simm.s32 $0x2;
	s0 =	simm.s32 $0x200;
	[tilespmem:s5+$0x30] =	vst v3  }
.LBB2_4:
0xe2: {  	[tilespmem:s11+$0x0] =	vst v1;
	s11 =	sadd.s32 $0x10, s11  }
0xe3: {  	s5 =	sadd.s32 $0x80, s5;
	s1 =	smov.u32 s3;
	s10 =	sadd.s32 $0x1, s3  }
0xe4: {  	p0 =	sne.s32 s3, $0x4F;
	v3 =	vld [tilespmem:s0+$0xFFFFFFC0]  }
0xe5: {  	v1 =	vld.idx.msk [tilespmem:v2+s2+$0x0], $0xffff;
	_ =	sdelay $0x4  }
0xe6: {  	v2 =	vmax.f32 v3, $0.0e+00  }
0xe7: {  	v2 =	vmul.f32 v2, v1;
	_ =	sdelay $0x1  }
0xe8: {  	[tilespmem:s5+$0xFFFFFFC0] =	vst v2  }
0xe9: {  	v2 =	vld [tilespmem:s0+$0xFFFFFFD0];
	_ =	sdelay $0x4  }
0xea: {  	v2 =	vmax.f32 v2, $0.0e+00  }
0xeb: {  	v2 =	vmul.f32 v2, v1;
	_ =	sdelay $0x1  }
0xec: {  	[tilespmem:s5+$0xFFFFFFD0] =	vst v2  }
0xed: {  	v2 =	vld [tilespmem:s0+$0xFFFFFFE0];
	_ =	sdelay $0x4  }
0xee: {  	v2 =	vmax.f32 v2, $0.0e+00  }
0xef: {  	v2 =	vmul.f32 v2, v1;
	_ =	sdelay $0x1  }
0xf0: {  	[tilespmem:s5+$0xFFFFFFE0] =	vst v2  }
0xf1: {  	v2 =	vld [tilespmem:s0+$0xFFFFFFF0];
	_ =	sdelay $0x4  }
0xf2: {  	v2 =	vmax.f32 v2, $0.0e+00  }
0xf3: {  	v2 =	vmul.f32 v2, v1;
	_ =	sdelay $0x1  }
0xf4: {  	[tilespmem:s5+$0xFFFFFFF0] =	vst v2  }
0xf5: {  	v2 =	vld [tilespmem:s0+$0x0];
	_ =	sdelay $0x4  }
0xf6: {  	v2 =	vmax.f32 v2, $0.0e+00  }
0xf7: {  	v2 =	vmul.f32 v2, v1;
	_ =	sdelay $0x1  }
0xf8: {  	[tilespmem:s5+$0x0] =	vst v2  }
0xf9: {  	v2 =	vld [tilespmem:s0+$0x10];
	_ =	sdelay $0x4  }
0xfa: {  	v2 =	vmax.f32 v2, $0.0e+00  }
0xfb: {  	v2 =	vmul.f32 v2, v1;
	_ =	sdelay $0x1  }
0xfc: {  	[tilespmem:s5+$0x10] =	vst v2  }
0xfd: {  	v2 =	vld [tilespmem:s0+$0x20];
	_ =	sdelay $0x4  }
0xfe: {  	v2 =	vmax.f32 v2, $0.0e+00  }
0xff: {  	v2 =	vmul.f32 v2, v1;
	_ =	sdelay $0x1  }
0x100: {  	[tilespmem:s5+$0x20] =	vst v2  }
0x101: {  	v2 =	vld [tilespmem:s0+$0x30];
	_ =	sdelay $0x3  }
.Ltmp1:
0x102: {  	(pc) =	sbr.rel @p0 .LBB2_4-.Ltmp1, $3  }
0x103: {  	v3 =	vmax.f32 v2, $0.0e+00  }
0x104: {  	v2 =	vmov s1;
	v3 =	vmul.f32 v3, v1;
	_ =	sdelay $0x1  }
0x105: {  	s3 =	smov.u32 s10;
	s0 =	sadd.s32 $0x80, s0;
	[tilespmem:s5+$0x30] =	vst v3  }
0x106: {  	_ =	sdelay $0x1  }
0x107: {  	[tilespmem:s11+$0x0] =	vst v1  }
0x108: {  	v1 =	vld [tilespmem:s0+$0xFFFFFFC0]  }
0x109: {  	v2 =	vld.idx.msk [tilespmem:v2+s2+$0x0], $0xffff;
	_ =	sdelay $0x3  }
0x10a: {  	v1 =	vmax.f32 v1, $0.0e+00  }
0x10b: {  	v1 =	vmul.f32 v1, v2  }
0x10c: {  	s1 =	sadd.s32 $0x80, s5  }
0x10d: {  	[tilespmem:s1+$0xFFFFFFC0] =	vst v1  }
0x10e: {  	v1 =	vld [tilespmem:s0+$0xFFFFFFD0];
	_ =	sdelay $0x4  }
0x10f: {  	v1 =	vmax.f32 v1, $0.0e+00  }
0x110: {  	v1 =	vmul.f32 v1, v2;
	_ =	sdelay $0x1  }
0x111: {  	[tilespmem:s1+$0xFFFFFFD0] =	vst v1  }
0x112: {  	v1 =	vld [tilespmem:s0+$0xFFFFFFE0];
	_ =	sdelay $0x4  }
0x113: {  	v1 =	vmax.f32 v1, $0.0e+00  }
0x114: {  	v1 =	vmul.f32 v1, v2;
	_ =	sdelay $0x1  }
0x115: {  	[tilespmem:s1+$0xFFFFFFE0] =	vst v1  }
0x116: {  	v1 =	vld [tilespmem:s0+$0xFFFFFFF0];
	_ =	sdelay $0x4  }
0x117: {  	v1 =	vmax.f32 v1, $0.0e+00  }
0x118: {  	v1 =	vmul.f32 v1, v2;
	_ =	sdelay $0x1  }
0x119: {  	[tilespmem:s1+$0xFFFFFFF0] =	vst v1  }
0x11a: {  	v1 =	vld [tilespmem:s0+$0x0];
	_ =	sdelay $0x4  }
0x11b: {  	v1 =	vmax.f32 v1, $0.0e+00  }
0x11c: {  	v1 =	vmul.f32 v1, v2;
	_ =	sdelay $0x1  }
0x11d: {  	[tilespmem:s1+$0x0] =	vst v1  }
0x11e: {  	v1 =	vld [tilespmem:s0+$0x10];
	_ =	sdelay $0x4  }
0x11f: {  	v1 =	vmax.f32 v1, $0.0e+00  }
0x120: {  	v1 =	vmul.f32 v1, v2;
	_ =	sdelay $0x1  }
0x121: {  	[tilespmem:s1+$0x10] =	vst v1  }
0x122: {  	v1 =	vld [tilespmem:s0+$0x20];
	_ =	sdelay $0x4  }
0x123: {  	v1 =	vmax.f32 v1, $0.0e+00  }
0x124: {  	v1 =	vmul.f32 v1, v2;
	_ =	sdelay $0x1  }
0x125: {  	[tilespmem:s1+$0x20] =	vst v1  }
0x126: {  	v1 =	vld [tilespmem:s0+$0x30];
	_ =	sdelay $0x4  }
0x127: {  	v1 =	vmax.f32 v1, $0.0e+00  }
0x128: {  	v1 =	vmul.f32 v1, v2;
	_ =	sdelay $0x1  }
0x129: {  	s30 =	sadd.s32 $0x10, s11;
	[tilespmem:s1+$0x30] =	vst v1  }
0x12a: {  	[tilespmem:s30+$0x0] =	vst v2  }
0x12b: {  	_ =	swait.ge [sflag:s15], $0xA0  }
0x12c: {  	[sflag:s15] =	ssyncset.done $0x0  }
0x12d: {  	s3 =	simm.s32 $0x0;
	s4 =	rddreg [dreg:$0x1c];
	[sflag:s15] =	ssyncadd.s32 $0xFFFFFF60  }
0x12e: {  	[tilespmem:s31], [sflag:$0x3] =	stream.linear.gather [hbm4b:s4+s3], $0x2800, $0x38;
	[tilespmem:$0x1DF10] =	vst v63  }
0x12f: {  	s5 =	rddreg [dreg:$0x1f]  }
0x130: {  	[tilespmem:s2], [sflag:$0x3] =	stream.linear.gather [hbm4b:s5+s3], $0x50, $0x38;
	[tilespmem:$0x1DF10] =	vst v63  }
0x131: {  	s10 =	rddreg [dreg:$0x2]  }
0x132: {  	[spmem:s10] =	stream.indirect.scatter.add.f32 [tilespmem:s25], [sflag:$0x7], $0x80, s21, s28, $0xb8;
	[tilespmem:$0x1DF10] =	vst v63  }
0x133: {  	s11 =	rddreg [dreg:$0x3];
	s10 =	simm.s32 $0x79E0  }
0x134: {  	[spmem:s11] =	stream.indirect.scatter.add.f32 [tilespmem:s10], [sflag:$0x7], $0x10, s21, s28, $0xb8;
	[tilespmem:$0x1DF10] =	vst v63  }
0x135: {  	_ =	swait.ge [sflag:s22], $0x2800  }
0x136: {  	[sflag:s22] =	ssyncset.done $0x0  }
0x137: {  	[sflag:s22] =	ssyncadd.s32 $0xFFFFD800  }
0x138: {  	_ =	swait.ge [sflag:s22], $0x2800  }
0x139: {  	[sflag:s22] =	ssyncset.done $0x0  }
0x13a: {  	[sflag:s22] =	ssyncadd.s32 $0xFFFFD800  }
0x13b: {  	v1 =	vld [tilespmem:$0xA0]  }
0x13c: {  	v2 =	vld [tilespmem:$0xB0]  }
0x13d: {  	v3 =	vld [tilespmem:$0xC0]  }
0x13e: {  	v4 =	vld [tilespmem:$0xD0]  }
0x13f: {  	v5 =	vld [tilespmem:$0xE0]  }
0x140: {  	[tilespmem:$0x7F30] =	vst v1  }
0x141: {  	[tilespmem:$0x7F40] =	vst v2  }
0x142: {  	s20 =	sld [smem:$0x7F6];
	[tilespmem:$0x7F50] =	vst v3  }
0x143: {  	[tilespmem:$0x7F60] =	vst v4  }
0x144: {  	[tilespmem:$0x7F70] =	vst v5  }
0x145: {  	[tilespmem:s24], [sflag:$0x2] =	stream.strided.gather [hbm4b:s20+s28], $0xA0, s29, s28, $0x38;
	[tilespmem:$0x1DF10] =	vst v63  }
0x146: {  	_ =	swait.ge [sflag:s17], $0x2800  }
0x147: {  	[sflag:s17] =	ssyncset.done $0x0  }
0x148: {  	[sflag:s17] =	ssyncadd.s32 $0xFFFFD800  }
0x149: {  	_ =	swait.ge [sflag:s17], $0x50  }
0x14a: {  	[sflag:s17] =	ssyncset.done $0x0  }
0x14b: {  	[sflag:s17] =	ssyncadd.s32 $0xFFFFFFB0  }
0x14c: {  	[tilespmem:s31], [sflag:$0x5] =	stream.indirect.gather.add.f32 [hbm:s14], $0x80, s3, s28, $0xb8;
	[tilespmem:$0x1DF10] =	vst v63  }
0x14d: {  	_ = 	snop  }
0x14e: {  	[tilespmem:s31], [sflag:$0x5] =	stream.indirect.gather.add.f32 [hbm:s6], $0x80, s28, s28, $0xb8;
	[tilespmem:$0x1DF10] =	vst v63  }
0x14f: {  	_ =	swait.ge [sflag:s23], $0x2800  }
0x150: {  	[sflag:s23] =	ssyncset.done $0x0  }
0x151: {  	v1 =	vmov s3;
	[sflag:s23] =	ssyncadd.s32 $0xFFFFD800  }
0x152: {  	_ =	swait.ge [sflag:s23], $0x500  }
0x153: {  	[sflag:s23] =	ssyncset.done $0x0  }
0x154: {  	s26 =	simm.s32 $0x29B0;
	[sflag:s23] =	ssyncadd.s32 $0xFFFFFB00  }
0x155: {  	v2 =	vld [tilespmem:s26+$0xFFFFFF90]  }
0x156: {  	v1 =	vld.idx.msk [tilespmem:v1+s13+$0x0], $0xffff;
	_ =	sdelay $0x3  }
0x157: {  	v2 =	vmax.f32 v2, $0.0e+00  }
0x158: {  	v2 =	vmul.f32 v2, v1  }
0x159: {  	s5 =	simm.s32 $0x5220  }
0x15a: {  	[tilespmem:s5+$0xFFFFFFC0] =	vst v2  }
0x15b: {  	v2 =	vld [tilespmem:s26+$0xFFFFFFA0];
	_ =	sdelay $0x4  }
0x15c: {  	v2 =	vmax.f32 v2, $0.0e+00  }
0x15d: {  	v2 =	vmul.f32 v2, v1;
	_ =	sdelay $0x1  }
0x15e: {  	[tilespmem:s5+$0xFFFFFFD0] =	vst v2  }
0x15f: {  	v2 =	vld [tilespmem:s26+$0xFFFFFFB0];
	_ =	sdelay $0x4  }
0x160: {  	v2 =	vmax.f32 v2, $0.0e+00  }
0x161: {  	v2 =	vmul.f32 v2, v1;
	_ =	sdelay $0x1  }
0x162: {  	[tilespmem:s5+$0xFFFFFFE0] =	vst v2  }
0x163: {  	v2 =	vld [tilespmem:s26+$0xFFFFFFC0];
	_ =	sdelay $0x4  }
0x164: {  	v2 =	vmax.f32 v2, $0.0e+00  }
0x165: {  	v2 =	vmul.f32 v2, v1;
	_ =	sdelay $0x1  }
0x166: {  	[tilespmem:s5+$0xFFFFFFF0] =	vst v2  }
0x167: {  	v2 =	vld [tilespmem:s26+$0xFFFFFFD0];
	_ =	sdelay $0x4  }
0x168: {  	v2 =	vmax.f32 v2, $0.0e+00  }
0x169: {  	v2 =	vmul.f32 v2, v1;
	_ =	sdelay $0x1  }
0x16a: {  	[tilespmem:s5+$0x0] =	vst v2  }
0x16b: {  	v2 =	vld [tilespmem:s26+$0xFFFFFFE0];
	_ =	sdelay $0x4  }
0x16c: {  	v2 =	vmax.f32 v2, $0.0e+00  }
0x16d: {  	v2 =	vmul.f32 v2, v1;
	_ =	sdelay $0x1  }
0x16e: {  	[tilespmem:s5+$0x10] =	vst v2  }
0x16f: {  	v2 =	vld [tilespmem:s26+$0xFFFFFFF0];
	_ =	sdelay $0x4  }
0x170: {  	v2 =	vmax.f32 v2, $0.0e+00  }
0x171: {  	v2 =	vmul.f32 v2, v1;
	_ =	sdelay $0x1  }
0x172: {  	[tilespmem:s5+$0x20] =	vst v2  }
0x173: {  	v2 =	vld [tilespmem:s26+$0x0];
	_ =	sdelay $0x4  }
0x174: {  	v2 =	vmax.f32 v2, $0.0e+00  }
0x175: {  	s30 =	simm.s32 $0x1;
	v3 =	vmul.f32 v2, v1  }
0x176: {  	v2 =	vmov s30  }
0x177: {  	s0 =	simm.s32 $0x2A30;
	s3 =	simm.s32 $0x2;
	[tilespmem:s5+$0x30] =	vst v3  }
.LBB2_6:
0x178: {  	[tilespmem:s10+$0x0] =	vst v1;
	s10 =	sadd.s32 $0x10, s10  }
0x179: {  	s5 =	sadd.s32 $0x80, s5;
	s1 =	smov.u32 s3;
	s11 =	sadd.s32 $0x1, s3  }
0x17a: {  	p0 =	sne.s32 s3, $0x4F;
	v3 =	vld [tilespmem:s0+$0xFFFFFF90]  }
0x17b: {  	v1 =	vld.idx.msk [tilespmem:v2+s13+$0x0], $0xffff;
	_ =	sdelay $0x4  }
0x17c: {  	v2 =	vmax.f32 v3, $0.0e+00  }
0x17d: {  	v2 =	vmul.f32 v2, v1;
	_ =	sdelay $0x1  }
0x17e: {  	[tilespmem:s5+$0xFFFFFFC0] =	vst v2  }
0x17f: {  	v2 =	vld [tilespmem:s0+$0xFFFFFFA0];
	_ =	sdelay $0x4  }
0x180: {  	v2 =	vmax.f32 v2, $0.0e+00  }
0x181: {  	v2 =	vmul.f32 v2, v1;
	_ =	sdelay $0x1  }
0x182: {  	[tilespmem:s5+$0xFFFFFFD0] =	vst v2  }
0x183: {  	v2 =	vld [tilespmem:s0+$0xFFFFFFB0];
	_ =	sdelay $0x4  }
0x184: {  	v2 =	vmax.f32 v2, $0.0e+00  }
0x185: {  	v2 =	vmul.f32 v2, v1;
	_ =	sdelay $0x1  }
0x186: {  	[tilespmem:s5+$0xFFFFFFE0] =	vst v2  }
0x187: {  	v2 =	vld [tilespmem:s0+$0xFFFFFFC0];
	_ =	sdelay $0x4  }
0x188: {  	v2 =	vmax.f32 v2, $0.0e+00  }
0x189: {  	v2 =	vmul.f32 v2, v1;
	_ =	sdelay $0x1  }
0x18a: {  	[tilespmem:s5+$0xFFFFFFF0] =	vst v2  }
0x18b: {  	v2 =	vld [tilespmem:s0+$0xFFFFFFD0];
	_ =	sdelay $0x4  }
0x18c: {  	v2 =	vmax.f32 v2, $0.0e+00  }
0x18d: {  	v2 =	vmul.f32 v2, v1;
	_ =	sdelay $0x1  }
0x18e: {  	[tilespmem:s5+$0x0] =	vst v2  }
0x18f: {  	v2 =	vld [tilespmem:s0+$0xFFFFFFE0];
	_ =	sdelay $0x4  }
0x190: {  	v2 =	vmax.f32 v2, $0.0e+00  }
0x191: {  	v2 =	vmul.f32 v2, v1;
	_ =	sdelay $0x1  }
0x192: {  	[tilespmem:s5+$0x10] =	vst v2  }
0x193: {  	v2 =	vld [tilespmem:s0+$0xFFFFFFF0];
	_ =	sdelay $0x4  }
0x194: {  	v2 =	vmax.f32 v2, $0.0e+00  }
0x195: {  	v2 =	vmul.f32 v2, v1;
	_ =	sdelay $0x1  }
0x196: {  	[tilespmem:s5+$0x20] =	vst v2  }
0x197: {  	v2 =	vld [tilespmem:s0+$0x0];
	_ =	sdelay $0x3  }
.Ltmp2:
0x198: {  	(pc) =	sbr.rel @p0 .LBB2_6-.Ltmp2, $3  }
0x199: {  	v3 =	vmax.f32 v2, $0.0e+00  }
0x19a: {  	v2 =	vmov s1;
	v3 =	vmul.f32 v3, v1;
	_ =	sdelay $0x1  }
0x19b: {  	s3 =	smov.u32 s11;
	s0 =	sadd.s32 $0x80, s0;
	[tilespmem:s5+$0x30] =	vst v3  }
0x19c: {  	_ =	sdelay $0x1  }
0x19d: {  	[tilespmem:s10+$0x0] =	vst v1  }
0x19e: {  	v1 =	vld [tilespmem:s0+$0xFFFFFF90]  }
0x19f: {  	v2 =	vld.idx.msk [tilespmem:v2+s13+$0x0], $0xffff;
	_ =	sdelay $0x3  }
0x1a0: {  	v1 =	vmax.f32 v1, $0.0e+00  }
0x1a1: {  	v1 =	vmul.f32 v1, v2  }
0x1a2: {  	s1 =	sadd.s32 $0x80, s5  }
0x1a3: {  	[tilespmem:s1+$0xFFFFFFC0] =	vst v1  }
0x1a4: {  	v1 =	vld [tilespmem:s0+$0xFFFFFFA0];
	_ =	sdelay $0x4  }
0x1a5: {  	v1 =	vmax.f32 v1, $0.0e+00  }
0x1a6: {  	v1 =	vmul.f32 v1, v2;
	_ =	sdelay $0x1  }
0x1a7: {  	[tilespmem:s1+$0xFFFFFFD0] =	vst v1  }
0x1a8: {  	v1 =	vld [tilespmem:s0+$0xFFFFFFB0];
	_ =	sdelay $0x4  }
0x1a9: {  	v1 =	vmax.f32 v1, $0.0e+00  }
0x1aa: {  	v1 =	vmul.f32 v1, v2;
	_ =	sdelay $0x1  }
0x1ab: {  	[tilespmem:s1+$0xFFFFFFE0] =	vst v1  }
0x1ac: {  	v1 =	vld [tilespmem:s0+$0xFFFFFFC0];
	_ =	sdelay $0x4  }
0x1ad: {  	v1 =	vmax.f32 v1, $0.0e+00  }
0x1ae: {  	v1 =	vmul.f32 v1, v2;
	_ =	sdelay $0x1  }
0x1af: {  	[tilespmem:s1+$0xFFFFFFF0] =	vst v1  }
0x1b0: {  	v1 =	vld [tilespmem:s0+$0xFFFFFFD0];
	_ =	sdelay $0x4  }
0x1b1: {  	v1 =	vmax.f32 v1, $0.0e+00  }
0x1b2: {  	v1 =	vmul.f32 v1, v2;
	_ =	sdelay $0x1  }
0x1b3: {  	[tilespmem:s1+$0x0] =	vst v1  }
0x1b4: {  	v1 =	vld [tilespmem:s0+$0xFFFFFFE0];
	_ =	sdelay $0x4  }
0x1b5: {  	v1 =	vmax.f32 v1, $0.0e+00  }
0x1b6: {  	v1 =	vmul.f32 v1, v2;
	_ =	sdelay $0x1  }
0x1b7: {  	[tilespmem:s1+$0x10] =	vst v1  }
0x1b8: {  	v1 =	vld [tilespmem:s0+$0xFFFFFFF0];
	_ =	sdelay $0x4  }
0x1b9: {  	v1 =	vmax.f32 v1, $0.0e+00  }
0x1ba: {  	v1 =	vmul.f32 v1, v2;
	_ =	sdelay $0x1  }
0x1bb: {  	[tilespmem:s1+$0x20] =	vst v1  }
0x1bc: {  	v1 =	vld [tilespmem:s0+$0x0];
	_ =	sdelay $0x4  }
0x1bd: {  	v1 =	vmax.f32 v1, $0.0e+00  }
0x1be: {  	v1 =	vmul.f32 v1, v2;
	_ =	sdelay $0x1  }
0x1bf: {  	s4 =	sadd.s32 $0x10, s10;
	[tilespmem:s1+$0x30] =	vst v1  }
0x1c0: {  	[tilespmem:s4+$0x0] =	vst v2  }
0x1c1: {  	_ =	swait.ge [sflag:s16], $0xA0  }
0x1c2: {  	s10 =	sld [smem:$0x7F5]  }
0x1c3: {  	[sflag:s16] =	ssyncset.done $0x0  }
0x1c4: {  	s5 =	simm.s32 $0x0;
	s11 =	sld [smem:$0x7F7];
	[sflag:s16] =	ssyncadd.s32 $0xFFFFFF60  }
0x1c5: {  	[tilespmem:s12], [sflag:$0x4] =	stream.linear.gather [hbm4b:s10+s5], $0x2800, $0x38;
	[tilespmem:$0x1DF10] =	vst v63  }
0x1c6: {  	_ = 	snop  }
0x1c7: {  	[tilespmem:s13], [sflag:$0x4] =	stream.linear.gather [hbm4b:s11+s5], $0x50, $0x38;
	[tilespmem:$0x1DF10] =	vst v63  }
0x1c8: {  	s26 =	simm.s32 $0x7F30;
	s20 =	rddreg [dreg:$0x2]  }
0x1c9: {  	[spmem:s20] =	stream.indirect.scatter.add.f32 [tilespmem:s25], [sflag:$0x7], $0x80, s26, s28, $0xb8;
	[tilespmem:$0x1DF10] =	vst v63  }
0x1ca: {  	s3 =	simm.s32 $0x79E0;
	s30 =	rddreg [dreg:$0x3];
	s11 =	simm.s32 $0x1  }
0x1cb: {  	[spmem:s30] =	stream.indirect.scatter.add.f32 [tilespmem:s3], [sflag:$0x7], $0x10, s26, s28, $0xb8;
	[tilespmem:$0x1DF10] =	vst v63  }
.LBB2_8:
0x1cc: {  	_ =	swait.ge [sflag:s18], $0x2800  }
0x1cd: {  	[sflag:s18] =	ssyncset.done $0x0  }
0x1ce: {  	[sflag:s18] =	ssyncadd.s32 $0xFFFFD800  }
0x1cf: {  	_ =	swait.ge [sflag:s18], $0x2800  }
0x1d0: {  	[sflag:s18] =	ssyncset.done $0x0  }
0x1d1: {  	[sflag:s18] =	ssyncadd.s32 $0xFFFFD800  }
0x1d2: {  	v1 =	vld [tilespmem:$0x0]  }
0x1d3: {  	v2 =	vld [tilespmem:$0x10]  }
0x1d4: {  	v3 =	vld [tilespmem:$0x20]  }
0x1d5: {  	v4 =	vld [tilespmem:$0x30]  }
0x1d6: {  	v5 =	vld [tilespmem:$0x40]  }
0x1d7: {  	s20 =	smul.u32 $0xA0, s11;
	[tilespmem:$0x7EE0] =	vst v1  }
0x1d8: {  	s0 =	rddreg [dreg:$0x1a];
	[tilespmem:$0x7EF0] =	vst v2  }
0x1d9: {  	s26 =	sadd.s32 s20, s0;
	[tilespmem:$0x7F00] =	vst v3  }
0x1da: {  	s10 =	sshrl.u32 s26, $0x3;
	[tilespmem:$0x7F10] =	vst v4  }
0x1db: {  	s1 =	simm.s32 $0x0;
	s4 =	sadd.s32 s9, s10;
	[tilespmem:$0x7F20] =	vst v5  }
0x1dc: {  	[tilespmem:s1], [sflag:$0x1] =	stream.strided.gather [hbm4b:s4+s28], $0xA0, s29, s28, $0x38;
	[tilespmem:$0x1DF10] =	vst v63  }
0x1dd: {  	_ =	swait.ge [sflag:s19], $0x2800  }
0x1de: {  	[sflag:s19] =	ssyncset.done $0x0  }
0x1df: {  	[sflag:s19] =	ssyncadd.s32 $0xFFFFD800  }
0x1e0: {  	_ =	swait.ge [sflag:s19], $0x50  }
0x1e1: {  	[sflag:s19] =	ssyncset.done $0x0  }
0x1e2: {  	[sflag:s19] =	ssyncadd.s32 $0xFFFFFFB0  }
0x1e3: {  	[tilespmem:s12], [sflag:$0x6] =	stream.indirect.gather.add.f32 [hbm:s14], $0x80, s24, s28, $0xb8;
	[tilespmem:$0x1DF10] =	vst v63  }
0x1e4: {  	s5 =	simm.s32 $0xF0  }
0x1e5: {  	[tilespmem:s12], [sflag:$0x6] =	stream.indirect.gather.add.f32 [hbm:s6], $0x80, s5, s28, $0xb8;
	[tilespmem:$0x1DF10] =	vst v63  }
0x1e6: {  	_ =	swait.ge [sflag:s23], $0x2800  }
0x1e7: {  	[sflag:s23] =	ssyncset.done $0x0  }
0x1e8: {  	v1 =	vmov s1;
	[sflag:s23] =	ssyncadd.s32 $0xFFFFD800  }
0x1e9: {  	_ =	swait.ge [sflag:s23], $0x500  }
0x1ea: {  	[sflag:s23] =	ssyncset.done $0x0  }
0x1eb: {  	s30 =	smov.u32 s14;
	s14 =	simm.s32 $0x180;
	[sflag:s23] =	ssyncadd.s32 $0xFFFFFB00  }
0x1ec: {  	v2 =	vld [tilespmem:s14+$0xFFFFFFC0]  }
0x1ed: {  	v1 =	vld.idx.msk [tilespmem:v1+s2+$0x0], $0xffff;
	_ =	sdelay $0x3  }
0x1ee: {  	v2 =	vmax.f32 v2, $0.0e+00  }
0x1ef: {  	v2 =	vmul.f32 v2, v1  }
0x1f0: {  	s5 =	simm.s32 $0x5220  }
0x1f1: {  	[tilespmem:s5+$0xFFFFFFC0] =	vst v2  }
0x1f2: {  	v2 =	vld [tilespmem:s14+$0xFFFFFFD0];
	_ =	sdelay $0x4  }
0x1f3: {  	v2 =	vmax.f32 v2, $0.0e+00  }
0x1f4: {  	v2 =	vmul.f32 v2, v1;
	_ =	sdelay $0x1  }
0x1f5: {  	[tilespmem:s5+$0xFFFFFFD0] =	vst v2  }
0x1f6: {  	v2 =	vld [tilespmem:s14+$0xFFFFFFE0];
	_ =	sdelay $0x4  }
0x1f7: {  	v2 =	vmax.f32 v2, $0.0e+00  }
0x1f8: {  	v2 =	vmul.f32 v2, v1;
	_ =	sdelay $0x1  }
0x1f9: {  	[tilespmem:s5+$0xFFFFFFE0] =	vst v2  }
0x1fa: {  	v2 =	vld [tilespmem:s14+$0xFFFFFFF0];
	_ =	sdelay $0x4  }
0x1fb: {  	v2 =	vmax.f32 v2, $0.0e+00  }
0x1fc: {  	v2 =	vmul.f32 v2, v1;
	_ =	sdelay $0x1  }
0x1fd: {  	[tilespmem:s5+$0xFFFFFFF0] =	vst v2  }
0x1fe: {  	v2 =	vld [tilespmem:s14+$0x0];
	_ =	sdelay $0x4  }
0x1ff: {  	v2 =	vmax.f32 v2, $0.0e+00  }
0x200: {  	v2 =	vmul.f32 v2, v1;
	_ =	sdelay $0x1  }
0x201: {  	[tilespmem:s5+$0x0] =	vst v2  }
0x202: {  	v2 =	vld [tilespmem:s14+$0x10];
	_ =	sdelay $0x4  }
0x203: {  	v2 =	vmax.f32 v2, $0.0e+00  }
0x204: {  	v2 =	vmul.f32 v2, v1;
	_ =	sdelay $0x1  }
0x205: {  	[tilespmem:s5+$0x10] =	vst v2  }
0x206: {  	v2 =	vld [tilespmem:s14+$0x20];
	_ =	sdelay $0x4  }
0x207: {  	v2 =	vmax.f32 v2, $0.0e+00  }
0x208: {  	v2 =	vmul.f32 v2, v1;
	_ =	sdelay $0x1  }
0x209: {  	[tilespmem:s5+$0x20] =	vst v2  }
0x20a: {  	v2 =	vld [tilespmem:s14+$0x30];
	_ =	sdelay $0x4  }
0x20b: {  	v2 =	vmax.f32 v2, $0.0e+00  }
0x20c: {  	s3 =	simm.s32 $0x1;
	v3 =	vmul.f32 v2, v1  }
0x20d: {  	v2 =	vmov s3  }
0x20e: {  	s0 =	simm.s32 $0x79E0;
	s1 =	simm.s32 $0x2;
	s14 =	simm.s32 $0x200;
	[tilespmem:s5+$0x30] =	vst v3  }
.LBB2_9:
0x20f: {  	[tilespmem:s0+$0x0] =	vst v1;
	s0 =	sadd.s32 $0x10, s0  }
0x210: {  	s5 =	sadd.s32 $0x80, s5;
	s3 =	smov.u32 s1;
	s4 =	sadd.s32 $0x1, s1  }
0x211: {  	p0 =	sne.s32 s1, $0x4F;
	v3 =	vld [tilespmem:s14+$0xFFFFFFC0]  }
0x212: {  	v1 =	vld.idx.msk [tilespmem:v2+s2+$0x0], $0xffff;
	_ =	sdelay $0x4  }
0x213: {  	v2 =	vmax.f32 v3, $0.0e+00  }
0x214: {  	v2 =	vmul.f32 v2, v1;
	_ =	sdelay $0x1  }
0x215: {  	[tilespmem:s5+$0xFFFFFFC0] =	vst v2  }
0x216: {  	v2 =	vld [tilespmem:s14+$0xFFFFFFD0];
	_ =	sdelay $0x4  }
0x217: {  	v2 =	vmax.f32 v2, $0.0e+00  }
0x218: {  	v2 =	vmul.f32 v2, v1;
	_ =	sdelay $0x1  }
0x219: {  	[tilespmem:s5+$0xFFFFFFD0] =	vst v2  }
0x21a: {  	v2 =	vld [tilespmem:s14+$0xFFFFFFE0];
	_ =	sdelay $0x4  }
0x21b: {  	v2 =	vmax.f32 v2, $0.0e+00  }
0x21c: {  	v2 =	vmul.f32 v2, v1;
	_ =	sdelay $0x1  }
0x21d: {  	[tilespmem:s5+$0xFFFFFFE0] =	vst v2  }
0x21e: {  	v2 =	vld [tilespmem:s14+$0xFFFFFFF0];
	_ =	sdelay $0x4  }
0x21f: {  	v2 =	vmax.f32 v2, $0.0e+00  }
0x220: {  	v2 =	vmul.f32 v2, v1;
	_ =	sdelay $0x1  }
0x221: {  	[tilespmem:s5+$0xFFFFFFF0] =	vst v2  }
0x222: {  	v2 =	vld [tilespmem:s14+$0x0];
	_ =	sdelay $0x4  }
0x223: {  	v2 =	vmax.f32 v2, $0.0e+00  }
0x224: {  	v2 =	vmul.f32 v2, v1;
	_ =	sdelay $0x1  }
0x225: {  	[tilespmem:s5+$0x0] =	vst v2  }
0x226: {  	v2 =	vld [tilespmem:s14+$0x10];
	_ =	sdelay $0x4  }
0x227: {  	v2 =	vmax.f32 v2, $0.0e+00  }
0x228: {  	v2 =	vmul.f32 v2, v1;
	_ =	sdelay $0x1  }
0x229: {  	[tilespmem:s5+$0x10] =	vst v2  }
0x22a: {  	v2 =	vld [tilespmem:s14+$0x20];
	_ =	sdelay $0x4  }
0x22b: {  	v2 =	vmax.f32 v2, $0.0e+00  }
0x22c: {  	v2 =	vmul.f32 v2, v1;
	_ =	sdelay $0x1  }
0x22d: {  	[tilespmem:s5+$0x20] =	vst v2  }
0x22e: {  	v2 =	vld [tilespmem:s14+$0x30];
	_ =	sdelay $0x3  }
.Ltmp3:
0x22f: {  	(pc) =	sbr.rel @p0 .LBB2_9-.Ltmp3, $3  }
0x230: {  	v3 =	vmax.f32 v2, $0.0e+00  }
0x231: {  	v2 =	vmov s3;
	v3 =	vmul.f32 v3, v1;
	_ =	sdelay $0x1  }
0x232: {  	s1 =	smov.u32 s4;
	s14 =	sadd.s32 $0x80, s14;
	[tilespmem:s5+$0x30] =	vst v3  }
0x233: {  	_ =	sdelay $0x1  }
0x234: {  	[tilespmem:s0+$0x0] =	vst v1  }
0x235: {  	v1 =	vld [tilespmem:s14+$0xFFFFFFC0]  }
0x236: {  	v2 =	vld.idx.msk [tilespmem:v2+s2+$0x0], $0xffff;
	_ =	sdelay $0x3  }
0x237: {  	v1 =	vmax.f32 v1, $0.0e+00  }
0x238: {  	v1 =	vmul.f32 v1, v2  }
0x239: {  	s1 =	sadd.s32 $0x80, s5  }
0x23a: {  	[tilespmem:s1+$0xFFFFFFC0] =	vst v1  }
0x23b: {  	v1 =	vld [tilespmem:s14+$0xFFFFFFD0];
	_ =	sdelay $0x4  }
0x23c: {  	v1 =	vmax.f32 v1, $0.0e+00  }
0x23d: {  	v1 =	vmul.f32 v1, v2;
	_ =	sdelay $0x1  }
0x23e: {  	[tilespmem:s1+$0xFFFFFFD0] =	vst v1  }
0x23f: {  	v1 =	vld [tilespmem:s14+$0xFFFFFFE0];
	_ =	sdelay $0x4  }
0x240: {  	v1 =	vmax.f32 v1, $0.0e+00  }
0x241: {  	v1 =	vmul.f32 v1, v2;
	_ =	sdelay $0x1  }
0x242: {  	[tilespmem:s1+$0xFFFFFFE0] =	vst v1  }
0x243: {  	v1 =	vld [tilespmem:s14+$0xFFFFFFF0];
	_ =	sdelay $0x4  }
0x244: {  	v1 =	vmax.f32 v1, $0.0e+00  }
0x245: {  	v1 =	vmul.f32 v1, v2;
	_ =	sdelay $0x1  }
0x246: {  	[tilespmem:s1+$0xFFFFFFF0] =	vst v1  }
0x247: {  	v1 =	vld [tilespmem:s14+$0x0];
	_ =	sdelay $0x4  }
0x248: {  	v1 =	vmax.f32 v1, $0.0e+00  }
0x249: {  	v1 =	vmul.f32 v1, v2;
	_ =	sdelay $0x1  }
0x24a: {  	[tilespmem:s1+$0x0] =	vst v1  }
0x24b: {  	v1 =	vld [tilespmem:s14+$0x10];
	_ =	sdelay $0x4  }
0x24c: {  	v1 =	vmax.f32 v1, $0.0e+00  }
0x24d: {  	v1 =	vmul.f32 v1, v2;
	_ =	sdelay $0x1  }
0x24e: {  	[tilespmem:s1+$0x10] =	vst v1  }
0x24f: {  	v1 =	vld [tilespmem:s14+$0x20];
	_ =	sdelay $0x4  }
0x250: {  	v1 =	vmax.f32 v1, $0.0e+00  }
0x251: {  	v1 =	vmul.f32 v1, v2;
	_ =	sdelay $0x1  }
0x252: {  	[tilespmem:s1+$0x20] =	vst v1  }
0x253: {  	v1 =	vld [tilespmem:s14+$0x30];
	_ =	sdelay $0x4  }
0x254: {  	v1 =	vmax.f32 v1, $0.0e+00  }
0x255: {  	v1 =	vmul.f32 v1, v2;
	_ =	sdelay $0x1  }
0x256: {  	s3 =	sadd.s32 $0x10, s0;
	[tilespmem:s1+$0x30] =	vst v1  }
0x257: {  	[tilespmem:s3+$0x0] =	vst v2  }
0x258: {  	s4 =	sshll.u32 s26, $0x4;
	_ =	swait.ge [sflag:s15], $0xA0  }
0x259: {  	s0 =	sand.u32 $0x1FFFFF00, s4;
	[sflag:s15] =	ssyncset.done $0x0  }
0x25a: {  	s5 =	simm.s32 $0x0;
	s0 =	sadd.s32 s7, s0;
	[sflag:s15] =	ssyncadd.s32 $0xFFFFFF60  }
0x25b: {  	[tilespmem:s31], [sflag:$0x3] =	stream.linear.gather [hbm4b:s0+s5], $0x2800, $0x38;
	[tilespmem:$0x1DF10] =	vst v63  }
0x25c: {  	s10 =	sadd.s32 s8, s10  }
0x25d: {  	[tilespmem:s2], [sflag:$0x3] =	stream.linear.gather [hbm4b:s10+s5], $0x50, $0x38;
	[tilespmem:$0x1DF10] =	vst v63  }
0x25e: {  	s14 =	rddreg [dreg:$0x2]  }
0x25f: {  	[spmem:s14] =	stream.indirect.scatter.add.f32 [tilespmem:s25], [sflag:$0x7], $0x80, s21, s28, $0xb8;
	[tilespmem:$0x1DF10] =	vst v63  }
0x260: {  	s26 =	rddreg [dreg:$0x3];
	s10 =	simm.s32 $0x79E0  }
0x261: {  	[spmem:s26] =	stream.indirect.scatter.add.f32 [tilespmem:s10], [sflag:$0x7], $0x10, s21, s28, $0xb8;
	[tilespmem:$0x1DF10] =	vst v63  }
0x262: {  	_ =	swait.ge [sflag:s22], $0x2800  }
0x263: {  	[sflag:s22] =	ssyncset.done $0x0  }
0x264: {  	[sflag:s22] =	ssyncadd.s32 $0xFFFFD800  }
0x265: {  	_ =	swait.ge [sflag:s22], $0x2800  }
0x266: {  	[sflag:s22] =	ssyncset.done $0x0  }
0x267: {  	[sflag:s22] =	ssyncadd.s32 $0xFFFFD800  }
0x268: {  	v1 =	vld [tilespmem:$0xA0]  }
0x269: {  	v2 =	vld [tilespmem:$0xB0]  }
0x26a: {  	v3 =	vld [tilespmem:$0xC0]  }
0x26b: {  	v4 =	vld [tilespmem:$0xD0]  }
0x26c: {  	v5 =	vld [tilespmem:$0xE0]  }
0x26d: {  	[tilespmem:$0x7F30] =	vst v1  }
0x26e: {  	s3 =	rddreg [dreg:$0x1e];
	[tilespmem:$0x7F40] =	vst v2  }
0x26f: {  	s26 =	sadd.s32 s20, s3;
	[tilespmem:$0x7F50] =	vst v3  }
0x270: {  	s20 =	sshrl.u32 s26, $0x3;
	[tilespmem:$0x7F60] =	vst v4  }
0x271: {  	s4 =	sadd.s32 s9, s20;
	[tilespmem:$0x7F70] =	vst v5  }
0x272: {  	[tilespmem:s24], [sflag:$0x2] =	stream.strided.gather [hbm4b:s4+s28], $0xA0, s29, s28, $0x38;
	[tilespmem:$0x1DF10] =	vst v63  }
0x273: {  	_ =	swait.ge [sflag:s17], $0x2800  }
0x274: {  	[sflag:s17] =	ssyncset.done $0x0  }
0x275: {  	[sflag:s17] =	ssyncadd.s32 $0xFFFFD800  }
0x276: {  	_ =	swait.ge [sflag:s17], $0x50  }
0x277: {  	[sflag:s17] =	ssyncset.done $0x0  }
0x278: {  	[sflag:s17] =	ssyncadd.s32 $0xFFFFFFB0  }
0x279: {  	[tilespmem:s31], [sflag:$0x5] =	stream.indirect.gather.add.f32 [hbm:s30], $0x80, s5, s28, $0xb8;
	[tilespmem:$0x1DF10] =	vst v63  }
0x27a: {  	_ = 	snop  }
0x27b: {  	[tilespmem:s31], [sflag:$0x5] =	stream.indirect.gather.add.f32 [hbm:s6], $0x80, s28, s28, $0xb8;
	[tilespmem:$0x1DF10] =	vst v63  }
0x27c: {  	_ =	swait.ge [sflag:s23], $0x2800  }
0x27d: {  	[sflag:s23] =	ssyncset.done $0x0  }
0x27e: {  	v1 =	vmov s5;
	[sflag:s23] =	ssyncadd.s32 $0xFFFFD800  }
0x27f: {  	_ =	swait.ge [sflag:s23], $0x500  }
0x280: {  	[sflag:s23] =	ssyncset.done $0x0  }
0x281: {  	s5 =	simm.s32 $0x29B0;
	[sflag:s23] =	ssyncadd.s32 $0xFFFFFB00  }
0x282: {  	v2 =	vld [tilespmem:s5+$0xFFFFFF90]  }
0x283: {  	v1 =	vld.idx.msk [tilespmem:v1+s13+$0x0], $0xffff;
	_ =	sdelay $0x3  }
0x284: {  	v2 =	vmax.f32 v2, $0.0e+00  }
0x285: {  	v2 =	vmul.f32 v2, v1  }
0x286: {  	s0 =	simm.s32 $0x5220  }
0x287: {  	[tilespmem:s0+$0xFFFFFFC0] =	vst v2  }
0x288: {  	v2 =	vld [tilespmem:s5+$0xFFFFFFA0];
	_ =	sdelay $0x4  }
0x289: {  	v2 =	vmax.f32 v2, $0.0e+00  }
0x28a: {  	v2 =	vmul.f32 v2, v1;
	_ =	sdelay $0x1  }
0x28b: {  	[tilespmem:s0+$0xFFFFFFD0] =	vst v2  }
0x28c: {  	v2 =	vld [tilespmem:s5+$0xFFFFFFB0];
	_ =	sdelay $0x4  }
0x28d: {  	v2 =	vmax.f32 v2, $0.0e+00  }
0x28e: {  	v2 =	vmul.f32 v2, v1;
	_ =	sdelay $0x1  }
0x28f: {  	[tilespmem:s0+$0xFFFFFFE0] =	vst v2  }
0x290: {  	v2 =	vld [tilespmem:s5+$0xFFFFFFC0];
	_ =	sdelay $0x4  }
0x291: {  	v2 =	vmax.f32 v2, $0.0e+00  }
0x292: {  	v2 =	vmul.f32 v2, v1;
	_ =	sdelay $0x1  }
0x293: {  	[tilespmem:s0+$0xFFFFFFF0] =	vst v2  }
0x294: {  	v2 =	vld [tilespmem:s5+$0xFFFFFFD0];
	_ =	sdelay $0x4  }
0x295: {  	v2 =	vmax.f32 v2, $0.0e+00  }
0x296: {  	v2 =	vmul.f32 v2, v1;
	_ =	sdelay $0x1  }
0x297: {  	[tilespmem:s0+$0x0] =	vst v2  }
0x298: {  	v2 =	vld [tilespmem:s5+$0xFFFFFFE0];
	_ =	sdelay $0x4  }
0x299: {  	v2 =	vmax.f32 v2, $0.0e+00  }
0x29a: {  	v2 =	vmul.f32 v2, v1;
	_ =	sdelay $0x1  }
0x29b: {  	[tilespmem:s0+$0x10] =	vst v2  }
0x29c: {  	v2 =	vld [tilespmem:s5+$0xFFFFFFF0];
	_ =	sdelay $0x4  }
0x29d: {  	v2 =	vmax.f32 v2, $0.0e+00  }
0x29e: {  	v2 =	vmul.f32 v2, v1;
	_ =	sdelay $0x1  }
0x29f: {  	[tilespmem:s0+$0x20] =	vst v2  }
0x2a0: {  	v2 =	vld [tilespmem:s5+$0x0];
	_ =	sdelay $0x4  }
0x2a1: {  	v2 =	vmax.f32 v2, $0.0e+00  }
0x2a2: {  	s14 =	smov.u32 s30;
	s30 =	simm.s32 $0x1;
	v3 =	vmul.f32 v2, v1  }
0x2a3: {  	v2 =	vmov s30  }
0x2a4: {  	s4 =	simm.s32 $0x2;
	s5 =	simm.s32 $0x2A30;
	[tilespmem:s0+$0x30] =	vst v3  }
.LBB2_11:
0x2a5: {  	[tilespmem:s10+$0x0] =	vst v1;
	s10 =	sadd.s32 $0x10, s10  }
0x2a6: {  	s0 =	sadd.s32 $0x80, s0;
	s3 =	smov.u32 s4;
	s1 =	sadd.s32 $0x1, s4  }
0x2a7: {  	p0 =	sne.s32 s4, $0x4F;
	v3 =	vld [tilespmem:s5+$0xFFFFFF90]  }
0x2a8: {  	v1 =	vld.idx.msk [tilespmem:v2+s13+$0x0], $0xffff;
	_ =	sdelay $0x4  }
0x2a9: {  	v2 =	vmax.f32 v3, $0.0e+00  }
0x2aa: {  	v2 =	vmul.f32 v2, v1;
	_ =	sdelay $0x1  }
0x2ab: {  	[tilespmem:s0+$0xFFFFFFC0] =	vst v2  }
0x2ac: {  	v2 =	vld [tilespmem:s5+$0xFFFFFFA0];
	_ =	sdelay $0x4  }
0x2ad: {  	v2 =	vmax.f32 v2, $0.0e+00  }
0x2ae: {  	v2 =	vmul.f32 v2, v1;
	_ =	sdelay $0x1  }
0x2af: {  	[tilespmem:s0+$0xFFFFFFD0] =	vst v2  }
0x2b0: {  	v2 =	vld [tilespmem:s5+$0xFFFFFFB0];
	_ =	sdelay $0x4  }
0x2b1: {  	v2 =	vmax.f32 v2, $0.0e+00  }
0x2b2: {  	v2 =	vmul.f32 v2, v1;
	_ =	sdelay $0x1  }
0x2b3: {  	[tilespmem:s0+$0xFFFFFFE0] =	vst v2  }
0x2b4: {  	v2 =	vld [tilespmem:s5+$0xFFFFFFC0];
	_ =	sdelay $0x4  }
0x2b5: {  	v2 =	vmax.f32 v2, $0.0e+00  }
0x2b6: {  	v2 =	vmul.f32 v2, v1;
	_ =	sdelay $0x1  }
0x2b7: {  	[tilespmem:s0+$0xFFFFFFF0] =	vst v2  }
0x2b8: {  	v2 =	vld [tilespmem:s5+$0xFFFFFFD0];
	_ =	sdelay $0x4  }
0x2b9: {  	v2 =	vmax.f32 v2, $0.0e+00  }
0x2ba: {  	v2 =	vmul.f32 v2, v1;
	_ =	sdelay $0x1  }
0x2bb: {  	[tilespmem:s0+$0x0] =	vst v2  }
0x2bc: {  	v2 =	vld [tilespmem:s5+$0xFFFFFFE0];
	_ =	sdelay $0x4  }
0x2bd: {  	v2 =	vmax.f32 v2, $0.0e+00  }
0x2be: {  	v2 =	vmul.f32 v2, v1;
	_ =	sdelay $0x1  }
0x2bf: {  	[tilespmem:s0+$0x10] =	vst v2  }
0x2c0: {  	v2 =	vld [tilespmem:s5+$0xFFFFFFF0];
	_ =	sdelay $0x4  }
0x2c1: {  	v2 =	vmax.f32 v2, $0.0e+00  }
0x2c2: {  	v2 =	vmul.f32 v2, v1;
	_ =	sdelay $0x1  }
0x2c3: {  	[tilespmem:s0+$0x20] =	vst v2  }
0x2c4: {  	v2 =	vld [tilespmem:s5+$0x0];
	_ =	sdelay $0x3  }
.Ltmp4:
0x2c5: {  	(pc) =	sbr.rel @p0 .LBB2_11-.Ltmp4, $3  }
0x2c6: {  	v3 =	vmax.f32 v2, $0.0e+00  }
0x2c7: {  	v2 =	vmov s3;
	v3 =	vmul.f32 v3, v1;
	_ =	sdelay $0x1  }
0x2c8: {  	s4 =	smov.u32 s1;
	s5 =	sadd.s32 $0x80, s5;
	[tilespmem:s0+$0x30] =	vst v3  }
0x2c9: {  	_ =	sdelay $0x1  }
0x2ca: {  	[tilespmem:s10+$0x0] =	vst v1  }
0x2cb: {  	v1 =	vld [tilespmem:s5+$0xFFFFFF90]  }
0x2cc: {  	v2 =	vld.idx.msk [tilespmem:v2+s13+$0x0], $0xffff;
	_ =	sdelay $0x3  }
0x2cd: {  	v1 =	vmax.f32 v1, $0.0e+00  }
0x2ce: {  	v1 =	vmul.f32 v1, v2  }
0x2cf: {  	s0 =	sadd.s32 $0x80, s0  }
0x2d0: {  	[tilespmem:s0+$0xFFFFFFC0] =	vst v1  }
0x2d1: {  	v1 =	vld [tilespmem:s5+$0xFFFFFFA0];
	_ =	sdelay $0x4  }
0x2d2: {  	v1 =	vmax.f32 v1, $0.0e+00  }
0x2d3: {  	v1 =	vmul.f32 v1, v2;
	_ =	sdelay $0x1  }
0x2d4: {  	[tilespmem:s0+$0xFFFFFFD0] =	vst v1  }
0x2d5: {  	v1 =	vld [tilespmem:s5+$0xFFFFFFB0];
	_ =	sdelay $0x4  }
0x2d6: {  	v1 =	vmax.f32 v1, $0.0e+00  }
0x2d7: {  	v1 =	vmul.f32 v1, v2;
	_ =	sdelay $0x1  }
0x2d8: {  	[tilespmem:s0+$0xFFFFFFE0] =	vst v1  }
0x2d9: {  	v1 =	vld [tilespmem:s5+$0xFFFFFFC0];
	_ =	sdelay $0x4  }
0x2da: {  	v1 =	vmax.f32 v1, $0.0e+00  }
0x2db: {  	v1 =	vmul.f32 v1, v2;
	_ =	sdelay $0x1  }
0x2dc: {  	[tilespmem:s0+$0xFFFFFFF0] =	vst v1  }
0x2dd: {  	v1 =	vld [tilespmem:s5+$0xFFFFFFD0];
	_ =	sdelay $0x4  }
0x2de: {  	v1 =	vmax.f32 v1, $0.0e+00  }
0x2df: {  	v1 =	vmul.f32 v1, v2;
	_ =	sdelay $0x1  }
0x2e0: {  	[tilespmem:s0+$0x0] =	vst v1  }
0x2e1: {  	v1 =	vld [tilespmem:s5+$0xFFFFFFE0];
	_ =	sdelay $0x4  }
0x2e2: {  	v1 =	vmax.f32 v1, $0.0e+00  }
0x2e3: {  	v1 =	vmul.f32 v1, v2;
	_ =	sdelay $0x1  }
0x2e4: {  	[tilespmem:s0+$0x10] =	vst v1  }
0x2e5: {  	v1 =	vld [tilespmem:s5+$0xFFFFFFF0];
	_ =	sdelay $0x4  }
0x2e6: {  	v1 =	vmax.f32 v1, $0.0e+00  }
0x2e7: {  	v1 =	vmul.f32 v1, v2;
	_ =	sdelay $0x1  }
0x2e8: {  	[tilespmem:s0+$0x20] =	vst v1  }
0x2e9: {  	v1 =	vld [tilespmem:s5+$0x0];
	_ =	sdelay $0x4  }
0x2ea: {  	v1 =	vmax.f32 v1, $0.0e+00  }
0x2eb: {  	v1 =	vmul.f32 v1, v2;
	_ =	sdelay $0x1  }
0x2ec: {  	s1 =	sadd.s32 $0x10, s10;
	[tilespmem:s0+$0x30] =	vst v1  }
0x2ed: {  	[tilespmem:s1+$0x0] =	vst v2  }
0x2ee: {  	s4 =	sshll.u32 s26, $0x4;
	_ =	swait.ge [sflag:s16], $0xA0  }
0x2ef: {  	s11 =	sadd.s32 $0x1, s11;
	s0 =	sand.u32 $0x1FFFFF00, s4;
	[sflag:s16] =	ssyncset.done $0x0  }
0x2f0: {  	s5 =	simm.s32 $0x0;
	s0 =	sadd.s32 s7, s0;
	[sflag:s16] =	ssyncadd.s32 $0xFFFFFF60  }
0x2f1: {  	[tilespmem:s12], [sflag:$0x4] =	stream.linear.gather [hbm4b:s0+s5], $0x2800, $0x38;
	[tilespmem:$0x1DF10] =	vst v63  }
0x2f2: {  	s10 =	sadd.s32 s8, s20;
	p0 =	sne.s32 s11, $0x3D  }
0x2f3: {  	[tilespmem:s13], [sflag:$0x4] =	stream.linear.gather [hbm4b:s10+s5], $0x50, $0x38;
	[tilespmem:$0x1DF10] =	vst v63  }
.Ltmp5:
0x2f4: {  	_ = 	snop;
	(pc) =	sbr.rel @p0 .LBB2_8-.Ltmp5, $4  }
0x2f5: {  	s26 =	simm.s32 $0x7F30;
	s20 =	rddreg [dreg:$0x2]  }
0x2f6: {  	[spmem:s20] =	stream.indirect.scatter.add.f32 [tilespmem:s25], [sflag:$0x7], $0x80, s26, s28, $0xb8;
	[tilespmem:$0x1DF10] =	vst v63  }
0x2f7: {  	s3 =	simm.s32 $0x79E0;
	s30 =	rddreg [dreg:$0x3]  }
0x2f8: {  	[spmem:s30] =	stream.indirect.scatter.add.f32 [tilespmem:s3], [sflag:$0x7], $0x10, s26, s28, $0xb8;
	[tilespmem:$0x1DF10] =	vst v63  }
0x2f9: {  	_ =	swait.ge [sflag:s18], $0x2800  }
0x2fa: {  	[sflag:s18] =	ssyncset.done $0x0  }
0x2fb: {  	[sflag:s18] =	ssyncadd.s32 $0xFFFFD800  }
0x2fc: {  	_ =	swait.ge [sflag:s18], $0x2800  }
0x2fd: {  	[sflag:s18] =	ssyncset.done $0x0  }
0x2fe: {  	[sflag:s18] =	ssyncadd.s32 $0xFFFFD800  }
0x2ff: {  	v1 =	vld [tilespmem:$0x0]  }
0x300: {  	v2 =	vld [tilespmem:$0x10]  }
0x301: {  	v3 =	vld [tilespmem:$0x20]  }
0x302: {  	v4 =	vld [tilespmem:$0x30]  }
0x303: {  	v5 =	vld [tilespmem:$0x40]  }
0x304: {  	[tilespmem:$0x7EE0] =	vst v1  }
0x305: {  	[tilespmem:$0x7EF0] =	vst v2  }
0x306: {  	s1 =	sld [smem:$0x7F9];
	[tilespmem:$0x7F00] =	vst v3  }
0x307: {  	[tilespmem:$0x7F10] =	vst v4  }
0x308: {  	s0 =	simm.s32 $0x0;
	[tilespmem:$0x7F20] =	vst v5  }
0x309: {  	[tilespmem:s0], [sflag:$0x1] =	stream.strided.gather [hbm4b:s1+s28], $0xA0, s29, s28, $0x38;
	[tilespmem:$0x1DF10] =	vst v63  }
0x30a: {  	_ =	swait.ge [sflag:s19], $0x2800  }
0x30b: {  	[sflag:s19] =	ssyncset.done $0x0  }
0x30c: {  	[sflag:s19] =	ssyncadd.s32 $0xFFFFD800  }
0x30d: {  	_ =	swait.ge [sflag:s19], $0x50  }
0x30e: {  	[sflag:s19] =	ssyncset.done $0x0  }
0x30f: {  	[sflag:s19] =	ssyncadd.s32 $0xFFFFFFB0  }
0x310: {  	[tilespmem:s12], [sflag:$0x6] =	stream.indirect.gather.add.f32 [hbm:s14], $0x80, s24, s28, $0xb8;
	[tilespmem:$0x1DF10] =	vst v63  }
0x311: {  	s20 =	simm.s32 $0xF0  }
0x312: {  	[tilespmem:s12], [sflag:$0x6] =	stream.indirect.gather.add.f32 [hbm:s6], $0x80, s20, s28, $0xb8;
	[tilespmem:$0x1DF10] =	vst v63  }
0x313: {  	_ =	swait.ge [sflag:s23], $0x2800  }
0x314: {  	[sflag:s23] =	ssyncset.done $0x0  }
0x315: {  	v1 =	vmov s0;
	[sflag:s23] =	ssyncadd.s32 $0xFFFFD800  }
0x316: {  	_ =	swait.ge [sflag:s23], $0x500  }
0x317: {  	[sflag:s23] =	ssyncset.done $0x0  }
0x318: {  	s26 =	simm.s32 $0x180;
	[sflag:s23] =	ssyncadd.s32 $0xFFFFFB00  }
0x319: {  	v2 =	vld [tilespmem:s26+$0xFFFFFFC0]  }
0x31a: {  	v1 =	vld.idx.msk [tilespmem:v1+s2+$0x0], $0xffff;
	_ =	sdelay $0x3  }
0x31b: {  	v2 =	vmax.f32 v2, $0.0e+00  }
0x31c: {  	v2 =	vmul.f32 v2, v1  }
0x31d: {  	s5 =	simm.s32 $0x5220  }
0x31e: {  	[tilespmem:s5+$0xFFFFFFC0] =	vst v2  }
0x31f: {  	v2 =	vld [tilespmem:s26+$0xFFFFFFD0];
	_ =	sdelay $0x4  }
0x320: {  	v2 =	vmax.f32 v2, $0.0e+00  }
0x321: {  	v2 =	vmul.f32 v2, v1;
	_ =	sdelay $0x1  }
0x322: {  	[tilespmem:s5+$0xFFFFFFD0] =	vst v2  }
0x323: {  	v2 =	vld [tilespmem:s26+$0xFFFFFFE0];
	_ =	sdelay $0x4  }
0x324: {  	v2 =	vmax.f32 v2, $0.0e+00  }
0x325: {  	v2 =	vmul.f32 v2, v1;
	_ =	sdelay $0x1  }
0x326: {  	[tilespmem:s5+$0xFFFFFFE0] =	vst v2  }
0x327: {  	v2 =	vld [tilespmem:s26+$0xFFFFFFF0];
	_ =	sdelay $0x4  }
0x328: {  	v2 =	vmax.f32 v2, $0.0e+00  }
0x329: {  	v2 =	vmul.f32 v2, v1;
	_ =	sdelay $0x1  }
0x32a: {  	[tilespmem:s5+$0xFFFFFFF0] =	vst v2  }
0x32b: {  	v2 =	vld [tilespmem:s26+$0x0];
	_ =	sdelay $0x4  }
0x32c: {  	v2 =	vmax.f32 v2, $0.0e+00  }
0x32d: {  	v2 =	vmul.f32 v2, v1;
	_ =	sdelay $0x1  }
0x32e: {  	[tilespmem:s5+$0x0] =	vst v2  }
0x32f: {  	v2 =	vld [tilespmem:s26+$0x10];
	_ =	sdelay $0x4  }
0x330: {  	v2 =	vmax.f32 v2, $0.0e+00  }
0x331: {  	v2 =	vmul.f32 v2, v1;
	_ =	sdelay $0x1  }
0x332: {  	[tilespmem:s5+$0x10] =	vst v2  }
0x333: {  	v2 =	vld [tilespmem:s26+$0x20];
	_ =	sdelay $0x4  }
0x334: {  	v2 =	vmax.f32 v2, $0.0e+00  }
0x335: {  	v2 =	vmul.f32 v2, v1;
	_ =	sdelay $0x1  }
0x336: {  	[tilespmem:s5+$0x20] =	vst v2  }
0x337: {  	v2 =	vld [tilespmem:s26+$0x30];
	_ =	sdelay $0x4  }
0x338: {  	v2 =	vmax.f32 v2, $0.0e+00  }
0x339: {  	s30 =	simm.s32 $0x1;
	v3 =	vmul.f32 v2, v1  }
0x33a: {  	v2 =	vmov s30  }
0x33b: {  	s4 =	simm.s32 $0x2;
	s10 =	simm.s32 $0x200;
	s0 =	simm.s32 $0x79E0;
	[tilespmem:s5+$0x30] =	vst v3  }
.LBB2_14:
0x33c: {  	[tilespmem:s0+$0x0] =	vst v1;
	s0 =	sadd.s32 $0x10, s0  }
0x33d: {  	s5 =	sadd.s32 $0x80, s5;
	s3 =	smov.u32 s4;
	s1 =	sadd.s32 $0x1, s4  }
0x33e: {  	p0 =	sne.s32 s4, $0x4F;
	v3 =	vld [tilespmem:s10+$0xFFFFFFC0]  }
0x33f: {  	v1 =	vld.idx.msk [tilespmem:v2+s2+$0x0], $0xffff;
	_ =	sdelay $0x4  }
0x340: {  	v2 =	vmax.f32 v3, $0.0e+00  }
0x341: {  	v2 =	vmul.f32 v2, v1;
	_ =	sdelay $0x1  }
0x342: {  	[tilespmem:s5+$0xFFFFFFC0] =	vst v2  }
0x343: {  	v2 =	vld [tilespmem:s10+$0xFFFFFFD0];
	_ =	sdelay $0x4  }
0x344: {  	v2 =	vmax.f32 v2, $0.0e+00  }
0x345: {  	v2 =	vmul.f32 v2, v1;
	_ =	sdelay $0x1  }
0x346: {  	[tilespmem:s5+$0xFFFFFFD0] =	vst v2  }
0x347: {  	v2 =	vld [tilespmem:s10+$0xFFFFFFE0];
	_ =	sdelay $0x4  }
0x348: {  	v2 =	vmax.f32 v2, $0.0e+00  }
0x349: {  	v2 =	vmul.f32 v2, v1;
	_ =	sdelay $0x1  }
0x34a: {  	[tilespmem:s5+$0xFFFFFFE0] =	vst v2  }
0x34b: {  	v2 =	vld [tilespmem:s10+$0xFFFFFFF0];
	_ =	sdelay $0x4  }
0x34c: {  	v2 =	vmax.f32 v2, $0.0e+00  }
0x34d: {  	v2 =	vmul.f32 v2, v1;
	_ =	sdelay $0x1  }
0x34e: {  	[tilespmem:s5+$0xFFFFFFF0] =	vst v2  }
0x34f: {  	v2 =	vld [tilespmem:s10+$0x0];
	_ =	sdelay $0x4  }
0x350: {  	v2 =	vmax.f32 v2, $0.0e+00  }
0x351: {  	v2 =	vmul.f32 v2, v1;
	_ =	sdelay $0x1  }
0x352: {  	[tilespmem:s5+$0x0] =	vst v2  }
0x353: {  	v2 =	vld [tilespmem:s10+$0x10];
	_ =	sdelay $0x4  }
0x354: {  	v2 =	vmax.f32 v2, $0.0e+00  }
0x355: {  	v2 =	vmul.f32 v2, v1;
	_ =	sdelay $0x1  }
0x356: {  	[tilespmem:s5+$0x10] =	vst v2  }
0x357: {  	v2 =	vld [tilespmem:s10+$0x20];
	_ =	sdelay $0x4  }
0x358: {  	v2 =	vmax.f32 v2, $0.0e+00  }
0x359: {  	v2 =	vmul.f32 v2, v1;
	_ =	sdelay $0x1  }
0x35a: {  	[tilespmem:s5+$0x20] =	vst v2  }
0x35b: {  	v2 =	vld [tilespmem:s10+$0x30];
	_ =	sdelay $0x3  }
.Ltmp6:
0x35c: {  	(pc) =	sbr.rel @p0 .LBB2_14-.Ltmp6, $3  }
0x35d: {  	v3 =	vmax.f32 v2, $0.0e+00  }
0x35e: {  	v2 =	vmov s3;
	v3 =	vmul.f32 v3, v1;
	_ =	sdelay $0x1  }
0x35f: {  	s4 =	smov.u32 s1;
	s10 =	sadd.s32 $0x80, s10;
	[tilespmem:s5+$0x30] =	vst v3  }
0x360: {  	_ =	sdelay $0x1  }
0x361: {  	[tilespmem:s0+$0x0] =	vst v1  }
0x362: {  	v1 =	vld [tilespmem:s10+$0xFFFFFFC0]  }
0x363: {  	v2 =	vld.idx.msk [tilespmem:v2+s2+$0x0], $0xffff;
	_ =	sdelay $0x3  }
0x364: {  	v1 =	vmax.f32 v1, $0.0e+00  }
0x365: {  	v1 =	vmul.f32 v1, v2  }
0x366: {  	s1 =	sadd.s32 $0x80, s5  }
0x367: {  	[tilespmem:s1+$0xFFFFFFC0] =	vst v1  }
0x368: {  	v1 =	vld [tilespmem:s10+$0xFFFFFFD0];
	_ =	sdelay $0x4  }
0x369: {  	v1 =	vmax.f32 v1, $0.0e+00  }
0x36a: {  	v1 =	vmul.f32 v1, v2;
	_ =	sdelay $0x1  }
0x36b: {  	[tilespmem:s1+$0xFFFFFFD0] =	vst v1  }
0x36c: {  	v1 =	vld [tilespmem:s10+$0xFFFFFFE0];
	_ =	sdelay $0x4  }
0x36d: {  	v1 =	vmax.f32 v1, $0.0e+00  }
0x36e: {  	v1 =	vmul.f32 v1, v2;
	_ =	sdelay $0x1  }
0x36f: {  	[tilespmem:s1+$0xFFFFFFE0] =	vst v1  }
0x370: {  	v1 =	vld [tilespmem:s10+$0xFFFFFFF0];
	_ =	sdelay $0x4  }
0x371: {  	v1 =	vmax.f32 v1, $0.0e+00  }
0x372: {  	v1 =	vmul.f32 v1, v2;
	_ =	sdelay $0x1  }
0x373: {  	[tilespmem:s1+$0xFFFFFFF0] =	vst v1  }
0x374: {  	v1 =	vld [tilespmem:s10+$0x0];
	_ =	sdelay $0x4  }
0x375: {  	v1 =	vmax.f32 v1, $0.0e+00  }
0x376: {  	v1 =	vmul.f32 v1, v2;
	_ =	sdelay $0x1  }
0x377: {  	[tilespmem:s1+$0x0] =	vst v1  }
0x378: {  	v1 =	vld [tilespmem:s10+$0x10];
	_ =	sdelay $0x4  }
0x379: {  	v1 =	vmax.f32 v1, $0.0e+00  }
0x37a: {  	v1 =	vmul.f32 v1, v2;
	_ =	sdelay $0x1  }
0x37b: {  	[tilespmem:s1+$0x10] =	vst v1  }
0x37c: {  	v1 =	vld [tilespmem:s10+$0x20];
	_ =	sdelay $0x4  }
0x37d: {  	v1 =	vmax.f32 v1, $0.0e+00  }
0x37e: {  	v1 =	vmul.f32 v1, v2;
	_ =	sdelay $0x1  }
0x37f: {  	[tilespmem:s1+$0x20] =	vst v1  }
0x380: {  	v1 =	vld [tilespmem:s10+$0x30];
	_ =	sdelay $0x4  }
0x381: {  	v1 =	vmax.f32 v1, $0.0e+00  }
0x382: {  	v1 =	vmul.f32 v1, v2;
	_ =	sdelay $0x1  }
0x383: {  	s3 =	sadd.s32 $0x10, s0;
	[tilespmem:s1+$0x30] =	vst v1  }
0x384: {  	[tilespmem:s3+$0x0] =	vst v2  }
0x385: {  	_ =	swait.ge [sflag:s15], $0xA0  }
0x386: {  	s5 =	sld [smem:$0x7F8]  }
0x387: {  	[sflag:s15] =	ssyncset.done $0x0  }
0x388: {  	s4 =	simm.s32 $0x0;
	s10 =	sld [smem:$0x7FA];
	[sflag:s15] =	ssyncadd.s32 $0xFFFFFF60  }
0x389: {  	[tilespmem:s31], [sflag:$0x3] =	stream.linear.gather [hbm4b:s5+s4], $0x2800, $0x38;
	[tilespmem:$0x1DF10] =	vst v63  }
0x38a: {  	_ = 	snop  }
0x38b: {  	[tilespmem:s2], [sflag:$0x3] =	stream.linear.gather [hbm4b:s10+s4], $0x50, $0x38;
	[tilespmem:$0x1DF10] =	vst v63  }
0x38c: {  	s11 =	rddreg [dreg:$0x2]  }
0x38d: {  	[spmem:s11] =	stream.indirect.scatter.add.f32 [tilespmem:s25], [sflag:$0x7], $0x80, s21, s28, $0xb8;
	[tilespmem:$0x1DF10] =	vst v63  }
0x38e: {  	s20 =	rddreg [dreg:$0x3];
	s10 =	simm.s32 $0x79E0  }
0x38f: {  	[spmem:s20] =	stream.indirect.scatter.add.f32 [tilespmem:s10], [sflag:$0x7], $0x10, s21, s28, $0xb8;
	[tilespmem:$0x1DF10] =	vst v63  }
0x390: {  	_ =	swait.ge [sflag:s22], $0x2800  }
0x391: {  	[sflag:s22] =	ssyncset.done $0x0  }
0x392: {  	[sflag:s22] =	ssyncadd.s32 $0xFFFFD800  }
0x393: {  	_ =	swait.ge [sflag:s22], $0x2800  }
0x394: {  	[sflag:s22] =	ssyncset.done $0x0  }
0x395: {  	[sflag:s22] =	ssyncadd.s32 $0xFFFFD800  }
0x396: {  	v1 =	vld [tilespmem:$0xA0]  }
0x397: {  	v2 =	vld [tilespmem:$0xB0]  }
0x398: {  	v3 =	vld [tilespmem:$0xC0]  }
0x399: {  	v4 =	vld [tilespmem:$0xD0]  }
0x39a: {  	v5 =	vld [tilespmem:$0xE0]  }
0x39b: {  	[tilespmem:$0x7F30] =	vst v1  }
0x39c: {  	[tilespmem:$0x7F40] =	vst v2  }
0x39d: {  	[tilespmem:$0x7F50] =	vst v3  }
0x39e: {  	[tilespmem:$0x7F60] =	vst v4  }
0x39f: {  	[tilespmem:$0x7F70] =	vst v5  }
0x3a0: {  	_ =	swait.ge [sflag:s17], $0x2800  }
0x3a1: {  	[sflag:s17] =	ssyncset.done $0x0  }
0x3a2: {  	[sflag:s17] =	ssyncadd.s32 $0xFFFFD800  }
0x3a3: {  	_ =	swait.ge [sflag:s17], $0x50  }
0x3a4: {  	[sflag:s17] =	ssyncset.done $0x0  }
0x3a5: {  	[sflag:s17] =	ssyncadd.s32 $0xFFFFFFB0  }
0x3a6: {  	[tilespmem:s31], [sflag:$0x5] =	stream.indirect.gather.add.f32 [hbm:s14], $0x80, s4, s28, $0xb8;
	[tilespmem:$0x1DF10] =	vst v63  }
0x3a7: {  	_ = 	snop  }
0x3a8: {  	[tilespmem:s31], [sflag:$0x5] =	stream.indirect.gather.add.f32 [hbm:s6], $0x80, s28, s28, $0xb8;
	[tilespmem:$0x1DF10] =	vst v63  }
0x3a9: {  	_ =	swait.ge [sflag:s23], $0x2800  }
0x3aa: {  	[sflag:s23] =	ssyncset.done $0x0  }
0x3ab: {  	v1 =	vmov s4;
	[sflag:s23] =	ssyncadd.s32 $0xFFFFD800  }
0x3ac: {  	_ =	swait.ge [sflag:s23], $0x500  }
0x3ad: {  	[sflag:s23] =	ssyncset.done $0x0  }
0x3ae: {  	s26 =	simm.s32 $0x29B0;
	[sflag:s23] =	ssyncadd.s32 $0xFFFFFB00  }
0x3af: {  	v2 =	vld [tilespmem:s26+$0xFFFFFF90]  }
0x3b0: {  	v1 =	vld.idx.msk [tilespmem:v1+s13+$0x0], $0xffff;
	_ =	sdelay $0x3  }
0x3b1: {  	v2 =	vmax.f32 v2, $0.0e+00  }
0x3b2: {  	v2 =	vmul.f32 v2, v1  }
0x3b3: {  	s0 =	simm.s32 $0x5220  }
0x3b4: {  	[tilespmem:s0+$0xFFFFFFC0] =	vst v2  }
0x3b5: {  	v2 =	vld [tilespmem:s26+$0xFFFFFFA0];
	_ =	sdelay $0x4  }
0x3b6: {  	v2 =	vmax.f32 v2, $0.0e+00  }
0x3b7: {  	v2 =	vmul.f32 v2, v1;
	_ =	sdelay $0x1  }
0x3b8: {  	[tilespmem:s0+$0xFFFFFFD0] =	vst v2  }
0x3b9: {  	v2 =	vld [tilespmem:s26+$0xFFFFFFB0];
	_ =	sdelay $0x4  }
0x3ba: {  	v2 =	vmax.f32 v2, $0.0e+00  }
0x3bb: {  	v2 =	vmul.f32 v2, v1;
	_ =	sdelay $0x1  }
0x3bc: {  	[tilespmem:s0+$0xFFFFFFE0] =	vst v2  }
0x3bd: {  	v2 =	vld [tilespmem:s26+$0xFFFFFFC0];
	_ =	sdelay $0x4  }
0x3be: {  	v2 =	vmax.f32 v2, $0.0e+00  }
0x3bf: {  	v2 =	vmul.f32 v2, v1;
	_ =	sdelay $0x1  }
0x3c0: {  	[tilespmem:s0+$0xFFFFFFF0] =	vst v2  }
0x3c1: {  	v2 =	vld [tilespmem:s26+$0xFFFFFFD0];
	_ =	sdelay $0x4  }
0x3c2: {  	v2 =	vmax.f32 v2, $0.0e+00  }
0x3c3: {  	v2 =	vmul.f32 v2, v1;
	_ =	sdelay $0x1  }
0x3c4: {  	[tilespmem:s0+$0x0] =	vst v2  }
0x3c5: {  	v2 =	vld [tilespmem:s26+$0xFFFFFFE0];
	_ =	sdelay $0x4  }
0x3c6: {  	v2 =	vmax.f32 v2, $0.0e+00  }
0x3c7: {  	v2 =	vmul.f32 v2, v1;
	_ =	sdelay $0x1  }
0x3c8: {  	[tilespmem:s0+$0x10] =	vst v2  }
0x3c9: {  	v2 =	vld [tilespmem:s26+$0xFFFFFFF0];
	_ =	sdelay $0x4  }
0x3ca: {  	v2 =	vmax.f32 v2, $0.0e+00  }
0x3cb: {  	v2 =	vmul.f32 v2, v1;
	_ =	sdelay $0x1  }
0x3cc: {  	[tilespmem:s0+$0x20] =	vst v2  }
0x3cd: {  	v2 =	vld [tilespmem:s26+$0x0];
	_ =	sdelay $0x4  }
0x3ce: {  	v2 =	vmax.f32 v2, $0.0e+00  }
0x3cf: {  	s30 =	simm.s32 $0x1;
	v3 =	vmul.f32 v2, v1  }
0x3d0: {  	s11 =	rddreg [dreg:$0x5];
	v2 =	vmov s30  }
0x3d1: {  	s5 =	simm.s32 $0x2A30;
	s4 =	simm.s32 $0x2;
	s20 =	rddreg [dreg:$0x6];
	[tilespmem:s0+$0x30] =	vst v3  }
.LBB2_16:
0x3d2: {  	[tilespmem:s10+$0x0] =	vst v1;
	s10 =	sadd.s32 $0x10, s10  }
0x3d3: {  	s0 =	sadd.s32 $0x80, s0;
	s3 =	smov.u32 s4;
	s1 =	sadd.s32 $0x1, s4  }
0x3d4: {  	p0 =	sne.s32 s4, $0x4F;
	v3 =	vld [tilespmem:s5+$0xFFFFFF90]  }
0x3d5: {  	v1 =	vld.idx.msk [tilespmem:v2+s13+$0x0], $0xffff;
	_ =	sdelay $0x4  }
0x3d6: {  	v2 =	vmax.f32 v3, $0.0e+00  }
0x3d7: {  	v2 =	vmul.f32 v2, v1;
	_ =	sdelay $0x1  }
0x3d8: {  	[tilespmem:s0+$0xFFFFFFC0] =	vst v2  }
0x3d9: {  	v2 =	vld [tilespmem:s5+$0xFFFFFFA0];
	_ =	sdelay $0x4  }
0x3da: {  	v2 =	vmax.f32 v2, $0.0e+00  }
0x3db: {  	v2 =	vmul.f32 v2, v1;
	_ =	sdelay $0x1  }
0x3dc: {  	[tilespmem:s0+$0xFFFFFFD0] =	vst v2  }
0x3dd: {  	v2 =	vld [tilespmem:s5+$0xFFFFFFB0];
	_ =	sdelay $0x4  }
0x3de: {  	v2 =	vmax.f32 v2, $0.0e+00  }
0x3df: {  	v2 =	vmul.f32 v2, v1;
	_ =	sdelay $0x1  }
0x3e0: {  	[tilespmem:s0+$0xFFFFFFE0] =	vst v2  }
0x3e1: {  	v2 =	vld [tilespmem:s5+$0xFFFFFFC0];
	_ =	sdelay $0x4  }
0x3e2: {  	v2 =	vmax.f32 v2, $0.0e+00  }
0x3e3: {  	v2 =	vmul.f32 v2, v1;
	_ =	sdelay $0x1  }
0x3e4: {  	[tilespmem:s0+$0xFFFFFFF0] =	vst v2  }
0x3e5: {  	v2 =	vld [tilespmem:s5+$0xFFFFFFD0];
	_ =	sdelay $0x4  }
0x3e6: {  	v2 =	vmax.f32 v2, $0.0e+00  }
0x3e7: {  	v2 =	vmul.f32 v2, v1;
	_ =	sdelay $0x1  }
0x3e8: {  	[tilespmem:s0+$0x0] =	vst v2  }
0x3e9: {  	v2 =	vld [tilespmem:s5+$0xFFFFFFE0];
	_ =	sdelay $0x4  }
0x3ea: {  	v2 =	vmax.f32 v2, $0.0e+00  }
0x3eb: {  	v2 =	vmul.f32 v2, v1;
	_ =	sdelay $0x1  }
0x3ec: {  	[tilespmem:s0+$0x10] =	vst v2  }
0x3ed: {  	v2 =	vld [tilespmem:s5+$0xFFFFFFF0];
	_ =	sdelay $0x4  }
0x3ee: {  	v2 =	vmax.f32 v2, $0.0e+00  }
0x3ef: {  	v2 =	vmul.f32 v2, v1;
	_ =	sdelay $0x1  }
0x3f0: {  	[tilespmem:s0+$0x20] =	vst v2  }
0x3f1: {  	v2 =	vld [tilespmem:s5+$0x0];
	_ =	sdelay $0x3  }
.Ltmp7:
0x3f2: {  	(pc) =	sbr.rel @p0 .LBB2_16-.Ltmp7, $3  }
0x3f3: {  	v3 =	vmax.f32 v2, $0.0e+00  }
0x3f4: {  	v2 =	vmov s3;
	v3 =	vmul.f32 v3, v1;
	_ =	sdelay $0x1  }
0x3f5: {  	s4 =	smov.u32 s1;
	s5 =	sadd.s32 $0x80, s5;
	[tilespmem:s0+$0x30] =	vst v3  }
0x3f6: {  	_ =	sdelay $0x1  }
0x3f7: {  	[tilespmem:s10+$0x0] =	vst v1  }
0x3f8: {  	v1 =	vld [tilespmem:s5+$0xFFFFFF90]  }
0x3f9: {  	v2 =	vld.idx.msk [tilespmem:v2+s13+$0x0], $0xffff;
	_ =	sdelay $0x3  }
0x3fa: {  	v1 =	vmax.f32 v1, $0.0e+00  }
0x3fb: {  	v1 =	vmul.f32 v1, v2  }
0x3fc: {  	s0 =	sadd.s32 $0x80, s0  }
0x3fd: {  	[tilespmem:s0+$0xFFFFFFC0] =	vst v1  }
0x3fe: {  	v1 =	vld [tilespmem:s5+$0xFFFFFFA0];
	_ =	sdelay $0x4  }
0x3ff: {  	v1 =	vmax.f32 v1, $0.0e+00  }
0x400: {  	v1 =	vmul.f32 v1, v2;
	_ =	sdelay $0x1  }
0x401: {  	[tilespmem:s0+$0xFFFFFFD0] =	vst v1  }
0x402: {  	v1 =	vld [tilespmem:s5+$0xFFFFFFB0];
	_ =	sdelay $0x4  }
0x403: {  	v1 =	vmax.f32 v1, $0.0e+00  }
0x404: {  	v1 =	vmul.f32 v1, v2;
	_ =	sdelay $0x1  }
0x405: {  	[tilespmem:s0+$0xFFFFFFE0] =	vst v1  }
0x406: {  	v1 =	vld [tilespmem:s5+$0xFFFFFFC0];
	_ =	sdelay $0x4  }
0x407: {  	v1 =	vmax.f32 v1, $0.0e+00  }
0x408: {  	v1 =	vmul.f32 v1, v2;
	_ =	sdelay $0x1  }
0x409: {  	[tilespmem:s0+$0xFFFFFFF0] =	vst v1  }
0x40a: {  	v1 =	vld [tilespmem:s5+$0xFFFFFFD0];
	_ =	sdelay $0x4  }
0x40b: {  	v1 =	vmax.f32 v1, $0.0e+00  }
0x40c: {  	v1 =	vmul.f32 v1, v2;
	_ =	sdelay $0x1  }
0x40d: {  	[tilespmem:s0+$0x0] =	vst v1  }
0x40e: {  	v1 =	vld [tilespmem:s5+$0xFFFFFFE0];
	_ =	sdelay $0x4  }
0x40f: {  	v1 =	vmax.f32 v1, $0.0e+00  }
0x410: {  	v1 =	vmul.f32 v1, v2;
	_ =	sdelay $0x1  }
0x411: {  	[tilespmem:s0+$0x10] =	vst v1  }
0x412: {  	v1 =	vld [tilespmem:s5+$0xFFFFFFF0];
	_ =	sdelay $0x4  }
0x413: {  	v1 =	vmax.f32 v1, $0.0e+00  }
0x414: {  	v1 =	vmul.f32 v1, v2;
	_ =	sdelay $0x1  }
0x415: {  	[tilespmem:s0+$0x20] =	vst v1  }
0x416: {  	v1 =	vld [tilespmem:s5+$0x0];
	_ =	sdelay $0x4  }
0x417: {  	v1 =	vmax.f32 v1, $0.0e+00  }
0x418: {  	v1 =	vmul.f32 v1, v2;
	_ =	sdelay $0x1  }
0x419: {  	s1 =	sadd.s32 $0x10, s10;
	[tilespmem:s0+$0x30] =	vst v1  }
0x41a: {  	s3 =	simm.s32 $0x7F30;
	[tilespmem:s1+$0x0] =	vst v2;
	s1 =	rddreg [dreg:$0x2]  }
0x41b: {  	[spmem:s1] =	stream.indirect.scatter.add.f32 [tilespmem:s25], [sflag:$0x7], $0x80, s3, s28, $0xb8;
	[tilespmem:$0x1DF10] =	vst v63  }
0x41c: {  	s10 =	simm.s32 $0x79E0;
	s4 =	rddreg [dreg:$0x3]  }
0x41d: {  	[spmem:s4] =	stream.indirect.scatter.add.f32 [tilespmem:s10], [sflag:$0x7], $0x10, s3, s28, $0xb8;
	[tilespmem:$0x1DF10] =	vst v63  }
0x41e: {  	_ =	swait.ge [sflag:s18], $0x2800  }
0x41f: {  	[sflag:s18] =	ssyncset.done $0x0  }
0x420: {  	[sflag:s18] =	ssyncadd.s32 $0xFFFFD800  }
0x421: {  	_ =	swait.ge [sflag:s18], $0x2800  }
0x422: {  	[sflag:s18] =	ssyncset.done $0x0  }
0x423: {  	[sflag:s18] =	ssyncadd.s32 $0xFFFFD800  }
0x424: {  	v1 =	vld [tilespmem:$0x0]  }
0x425: {  	v2 =	vld [tilespmem:$0x10]  }
0x426: {  	v3 =	vld [tilespmem:$0x20]  }
0x427: {  	v4 =	vld [tilespmem:$0x30]  }
0x428: {  	v5 =	vld [tilespmem:$0x40]  }
0x429: {  	[tilespmem:$0x7EE0] =	vst v1  }
0x42a: {  	[tilespmem:$0x7EF0] =	vst v2  }
0x42b: {  	[tilespmem:$0x7F00] =	vst v3  }
0x42c: {  	[tilespmem:$0x7F10] =	vst v4  }
0x42d: {  	[tilespmem:$0x7F20] =	vst v5  }
0x42e: {  	_ =	swait.ge [sflag:s23], $0x2800  }
0x42f: {  	s5 =	simm.s32 $0x0;
	[sflag:s23] =	ssyncset.done $0x0  }
0x430: {  	v1 =	vmov s5;
	[sflag:s23] =	ssyncadd.s32 $0xFFFFD800  }
0x431: {  	_ =	swait.ge [sflag:s23], $0x500  }
0x432: {  	[sflag:s23] =	ssyncset.done $0x0  }
0x433: {  	s26 =	simm.s32 $0x180;
	[sflag:s23] =	ssyncadd.s32 $0xFFFFFB00  }
0x434: {  	v2 =	vld [tilespmem:s26+$0xFFFFFFC0]  }
0x435: {  	v1 =	vld.idx.msk [tilespmem:v1+s2+$0x0], $0xffff;
	_ =	sdelay $0x3  }
0x436: {  	v2 =	vmax.f32 v2, $0.0e+00  }
0x437: {  	v2 =	vmul.f32 v2, v1  }
0x438: {  	s0 =	simm.s32 $0x5220  }
0x439: {  	[tilespmem:s0+$0xFFFFFFC0] =	vst v2  }
0x43a: {  	v2 =	vld [tilespmem:s26+$0xFFFFFFD0];
	_ =	sdelay $0x4  }
0x43b: {  	v2 =	vmax.f32 v2, $0.0e+00  }
0x43c: {  	v2 =	vmul.f32 v2, v1;
	_ =	sdelay $0x1  }
0x43d: {  	[tilespmem:s0+$0xFFFFFFD0] =	vst v2  }
0x43e: {  	v2 =	vld [tilespmem:s26+$0xFFFFFFE0];
	_ =	sdelay $0x4  }
0x43f: {  	v2 =	vmax.f32 v2, $0.0e+00  }
0x440: {  	v2 =	vmul.f32 v2, v1;
	_ =	sdelay $0x1  }
0x441: {  	[tilespmem:s0+$0xFFFFFFE0] =	vst v2  }
0x442: {  	v2 =	vld [tilespmem:s26+$0xFFFFFFF0];
	_ =	sdelay $0x4  }
0x443: {  	v2 =	vmax.f32 v2, $0.0e+00  }
0x444: {  	v2 =	vmul.f32 v2, v1;
	_ =	sdelay $0x1  }
0x445: {  	[tilespmem:s0+$0xFFFFFFF0] =	vst v2  }
0x446: {  	v2 =	vld [tilespmem:s26+$0x0];
	_ =	sdelay $0x4  }
0x447: {  	v2 =	vmax.f32 v2, $0.0e+00  }
0x448: {  	v2 =	vmul.f32 v2, v1;
	_ =	sdelay $0x1  }
0x449: {  	[tilespmem:s0+$0x0] =	vst v2  }
0x44a: {  	v2 =	vld [tilespmem:s26+$0x10];
	_ =	sdelay $0x4  }
0x44b: {  	v2 =	vmax.f32 v2, $0.0e+00  }
0x44c: {  	v2 =	vmul.f32 v2, v1;
	_ =	sdelay $0x1  }
0x44d: {  	[tilespmem:s0+$0x10] =	vst v2  }
0x44e: {  	v2 =	vld [tilespmem:s26+$0x20];
	_ =	sdelay $0x4  }
0x44f: {  	v2 =	vmax.f32 v2, $0.0e+00  }
0x450: {  	v2 =	vmul.f32 v2, v1;
	_ =	sdelay $0x1  }
0x451: {  	[tilespmem:s0+$0x20] =	vst v2  }
0x452: {  	v2 =	vld [tilespmem:s26+$0x30];
	_ =	sdelay $0x4  }
0x453: {  	v2 =	vmax.f32 v2, $0.0e+00  }
0x454: {  	s30 =	simm.s32 $0x1;
	v3 =	vmul.f32 v2, v1  }
0x455: {  	v2 =	vmov s30  }
0x456: {  	s4 =	simm.s32 $0x2;
	s5 =	simm.s32 $0x200;
	[tilespmem:s0+$0x30] =	vst v3  }
.LBB2_18:
0x457: {  	[tilespmem:s10+$0x0] =	vst v1;
	s10 =	sadd.s32 $0x10, s10  }
0x458: {  	s0 =	sadd.s32 $0x80, s0;
	s3 =	smov.u32 s4;
	s1 =	sadd.s32 $0x1, s4  }
0x459: {  	p0 =	sne.s32 s4, $0x4F;
	v3 =	vld [tilespmem:s5+$0xFFFFFFC0]  }
0x45a: {  	v1 =	vld.idx.msk [tilespmem:v2+s2+$0x0], $0xffff;
	_ =	sdelay $0x4  }
0x45b: {  	v2 =	vmax.f32 v3, $0.0e+00  }
0x45c: {  	v2 =	vmul.f32 v2, v1;
	_ =	sdelay $0x1  }
0x45d: {  	[tilespmem:s0+$0xFFFFFFC0] =	vst v2  }
0x45e: {  	v2 =	vld [tilespmem:s5+$0xFFFFFFD0];
	_ =	sdelay $0x4  }
0x45f: {  	v2 =	vmax.f32 v2, $0.0e+00  }
0x460: {  	v2 =	vmul.f32 v2, v1;
	_ =	sdelay $0x1  }
0x461: {  	[tilespmem:s0+$0xFFFFFFD0] =	vst v2  }
0x462: {  	v2 =	vld [tilespmem:s5+$0xFFFFFFE0];
	_ =	sdelay $0x4  }
0x463: {  	v2 =	vmax.f32 v2, $0.0e+00  }
0x464: {  	v2 =	vmul.f32 v2, v1;
	_ =	sdelay $0x1  }
0x465: {  	[tilespmem:s0+$0xFFFFFFE0] =	vst v2  }
0x466: {  	v2 =	vld [tilespmem:s5+$0xFFFFFFF0];
	_ =	sdelay $0x4  }
0x467: {  	v2 =	vmax.f32 v2, $0.0e+00  }
0x468: {  	v2 =	vmul.f32 v2, v1;
	_ =	sdelay $0x1  }
0x469: {  	[tilespmem:s0+$0xFFFFFFF0] =	vst v2  }
0x46a: {  	v2 =	vld [tilespmem:s5+$0x0];
	_ =	sdelay $0x4  }
0x46b: {  	v2 =	vmax.f32 v2, $0.0e+00  }
0x46c: {  	v2 =	vmul.f32 v2, v1;
	_ =	sdelay $0x1  }
0x46d: {  	[tilespmem:s0+$0x0] =	vst v2  }
0x46e: {  	v2 =	vld [tilespmem:s5+$0x10];
	_ =	sdelay $0x4  }
0x46f: {  	v2 =	vmax.f32 v2, $0.0e+00  }
0x470: {  	v2 =	vmul.f32 v2, v1;
	_ =	sdelay $0x1  }
0x471: {  	[tilespmem:s0+$0x10] =	vst v2  }
0x472: {  	v2 =	vld [tilespmem:s5+$0x20];
	_ =	sdelay $0x4  }
0x473: {  	v2 =	vmax.f32 v2, $0.0e+00  }
0x474: {  	v2 =	vmul.f32 v2, v1;
	_ =	sdelay $0x1  }
0x475: {  	[tilespmem:s0+$0x20] =	vst v2  }
0x476: {  	v2 =	vld [tilespmem:s5+$0x30];
	_ =	sdelay $0x3  }
.Ltmp8:
0x477: {  	(pc) =	sbr.rel @p0 .LBB2_18-.Ltmp8, $3  }
0x478: {  	v3 =	vmax.f32 v2, $0.0e+00  }
0x479: {  	v2 =	vmov s3;
	v3 =	vmul.f32 v3, v1;
	_ =	sdelay $0x1  }
0x47a: {  	s4 =	smov.u32 s1;
	s5 =	sadd.s32 $0x80, s5;
	[tilespmem:s0+$0x30] =	vst v3  }
0x47b: {  	_ =	sdelay $0x1  }
0x47c: {  	[tilespmem:s10+$0x0] =	vst v1  }
0x47d: {  	v1 =	vld [tilespmem:s5+$0xFFFFFFC0]  }
0x47e: {  	v2 =	vld.idx.msk [tilespmem:v2+s2+$0x0], $0xffff;
	_ =	sdelay $0x3  }
0x47f: {  	v1 =	vmax.f32 v1, $0.0e+00  }
0x480: {  	v1 =	vmul.f32 v1, v2  }
0x481: {  	s0 =	sadd.s32 $0x80, s0  }
0x482: {  	[tilespmem:s0+$0xFFFFFFC0] =	vst v1  }
0x483: {  	v1 =	vld [tilespmem:s5+$0xFFFFFFD0];
	_ =	sdelay $0x4  }
0x484: {  	v1 =	vmax.f32 v1, $0.0e+00  }
0x485: {  	v1 =	vmul.f32 v1, v2;
	_ =	sdelay $0x1  }
0x486: {  	[tilespmem:s0+$0xFFFFFFD0] =	vst v1  }
0x487: {  	v1 =	vld [tilespmem:s5+$0xFFFFFFE0];
	_ =	sdelay $0x4  }
0x488: {  	v1 =	vmax.f32 v1, $0.0e+00  }
0x489: {  	v1 =	vmul.f32 v1, v2;
	_ =	sdelay $0x1  }
0x48a: {  	[tilespmem:s0+$0xFFFFFFE0] =	vst v1  }
0x48b: {  	v1 =	vld [tilespmem:s5+$0xFFFFFFF0];
	_ =	sdelay $0x4  }
0x48c: {  	v1 =	vmax.f32 v1, $0.0e+00  }
0x48d: {  	v1 =	vmul.f32 v1, v2;
	_ =	sdelay $0x1  }
0x48e: {  	[tilespmem:s0+$0xFFFFFFF0] =	vst v1  }
0x48f: {  	v1 =	vld [tilespmem:s5+$0x0];
	_ =	sdelay $0x4  }
0x490: {  	v1 =	vmax.f32 v1, $0.0e+00  }
0x491: {  	v1 =	vmul.f32 v1, v2;
	_ =	sdelay $0x1  }
0x492: {  	[tilespmem:s0+$0x0] =	vst v1  }
0x493: {  	v1 =	vld [tilespmem:s5+$0x10];
	_ =	sdelay $0x4  }
0x494: {  	v1 =	vmax.f32 v1, $0.0e+00  }
0x495: {  	v1 =	vmul.f32 v1, v2;
	_ =	sdelay $0x1  }
0x496: {  	[tilespmem:s0+$0x10] =	vst v1  }
0x497: {  	v1 =	vld [tilespmem:s5+$0x20];
	_ =	sdelay $0x4  }
0x498: {  	v1 =	vmax.f32 v1, $0.0e+00  }
0x499: {  	v1 =	vmul.f32 v1, v2;
	_ =	sdelay $0x1  }
0x49a: {  	[tilespmem:s0+$0x20] =	vst v1  }
0x49b: {  	v1 =	vld [tilespmem:s5+$0x30];
	_ =	sdelay $0x4  }
0x49c: {  	v1 =	vmax.f32 v1, $0.0e+00  }
0x49d: {  	v1 =	vmul.f32 v1, v2;
	_ =	sdelay $0x1  }
0x49e: {  	s1 =	sadd.s32 $0x10, s10;
	[tilespmem:s0+$0x30] =	vst v1  }
0x49f: {  	s10 =	rddreg [dreg:$0x2];
	[tilespmem:s1+$0x0] =	vst v2  }
0x4a0: {  	[spmem:s10] =	stream.indirect.scatter.add.f32 [tilespmem:s25], [sflag:$0x7], $0x80, s21, s28, $0xb8;
	[tilespmem:$0x1DF10] =	vst v63  }
0x4a1: {  	s26 =	rddreg [dreg:$0x3];
	s30 =	simm.s32 $0x79E0  }
0x4a2: {  	[spmem:s26] =	stream.indirect.scatter.add.f32 [tilespmem:s30], [sflag:$0x7], $0x10, s21, s28, $0xb8;
	[tilespmem:$0x1DF10] =	vst v63  }
0x4a3: {  	_ =	swait.ge [sflag:s23], $0x2800  }
0x4a4: {  	[sflag:s23] =	ssyncset.done $0x0  }
0x4a5: {  	[sflag:s23] =	ssyncadd.s32 $0xFFFFD800  }
0x4a6: {  	_ =	swait.ge [sflag:s23], $0x500  }
0x4a7: {  	[sflag:s23] =	ssyncset.done $0x0  }
0x4a8: {  	[sflag:s23] =	ssyncadd.s32 $0xFFFFFB00  }
0x4a9: {  	s3 =	stileid.u32;
	[bflag:$0x0] =	sbarrier.arrive $0xFFFF  }
0x4aa: {  	s0 =	sshll.u32 s3, $0x6;
	s3 =	sld [smem:$0x7FB];
	_ =	sdelay $0x1  }
0x4ab: {  	s4 =	sshrl.u32 s11, $0x3;
	s0 =	sor.u32 $0x1C08, s0  }
0x4ac: {  	[hbm:s3], [sflag:s0] =	dma.local [spmem:s4], $0x2710  }
0x4ad: {  	s4 =	simm.s32 $0x8  }
0x4ae: {  	_ =	swait.ge [sflag:s4], $0x2710  }
0x4af: {  	s10 =	sld [smem:$0x7FC]  }
0x4b0: {  	[sflag:s4] =	ssyncset.done $0x0  }
0x4b1: {  	s5 =	sshrl.u32 s20, $0x3;
	[sflag:s4] =	ssyncadd.s32 $0xFFFFD8F0  }
0x4b2: {  	[hbm:s10], [sflag:s0] =	dma.local [spmem:s5], $0x4E2  }
0x4b3: {  	_ =	swait.ge [sflag:s4], $0x4E2  }
0x4b4: {  	s26 =	sld [smem:$0x7F4]  }
0x4b5: {  	s30 =	sld [smem:$0x7FD];
	_ =	sdelay $0x1  }
0x4b6: {  	s1 =	sadd.s32 $0x1, s26  }
0x4b7: {  	p0 =	sne.s32 s1, s30  }
.Ltmp9:
0x4b8: {  	_ = 	snop;
	(pc) =	sbr.rel @p0 .LBB2_1-.Ltmp9, $3  }
0x4b9: {  	_ =	sdelay $0x1  }
0x4ba: {  	[sflag:s4] =	ssyncset.done $0x0  }
0x4bb: {  	[sflag:s4] =	ssyncadd.s32 $0xFFFFFB1E  }
0x4bc: {  	_ =	sfence.sel $0x180000  }
0x4bd: {  	[bflag:$0x0] =	sbarrier.arrive $0xFFFF  }
0x4be: {  	_ =	strace $0x90000047  }
0x4bf: {  	s0 =	stileid.u32;
	[bflag:$0x2] =	sbarrier.arrive $0xFFFF  }
0x4c0: {  	p0 =	sne.s32 s0, $0x0;
	s0 =	rddreg [dreg:$0x4]  }
0x4c1: {  	s0 =	sadd.s32 @!p0 $0x100000, s0  }
0x4c2: {  	[sflag:s0] =	ssyncadd.tile.s32 @!p0 $0x1;
	_ =	shalt  }
.Lfunc_end2:
_tile_overlayer_lowered:
.L_overlay_start_2:
0x4c3: {  	(tag) =	ssettag $0x2  }
0x4c4: {  	s0 =	rddreg [dreg:$0x0];
	s2 =	stileid.u32  }
0x4c5: {  	s1 =	rddreg [dreg:$0x1];
	p0 =	sne.s32 s2, $0x0  }
0x4c6: {  	s3 =	rddreg [dreg:$0x2];
	[bflag:$0x3] =	sbarrier.arrive $0xFFFF;
	s2 =	simm.s32 @!p0 $0x1C08  }
0x4c7: {  	[timem:s3], [sflag:s2] =	dma.local @!p0 [hbm:s0], s1  }
0x4c8: {  	s0 =	simm.s32 @!p0 $0x8  }
0x4c9: {  	_ =	swait.ge @!p0 [sflag:s0], s1  }
0x4ca: {  	s1 =	ssub.s32 @!p0 $0x0, s1;
	[sflag:s0] =	ssyncset.done @!p0 $0x0  }
0x4cb: {  	[sflag:s0] =	ssyncadd.s32 @!p0 s1  }
0x4cc: {  	[bflag:$0x3] =	sbarrier.arrive $0xFFFF  }
0x4cd: {  	_ =	shalt  }

</sc_bundles>
